<compile_context>
chip_gen: v7x
topology: tpu7x:2x2x1
jax: 0.10.2.dev20260603
libtpu: 0.0.44.dev20260713+nightly
codegen_flags: <defaults>
</compile_context>

<pallas_src>
import functools

import jax
import jax.numpy as jnp
from jax import lax
from jax.experimental import pallas as pl
from jax.experimental.pallas import tpu as pltpu
from jax.experimental.pallas import tpu_sc as plsc

N = 16384
D = 64
L = 3
NNZ = 2621440
NC = 2
NS = 16
NW = NC * NS
E_TILE = NNZ // NW
CHUNK = 128
GRP = 8
N_CHUNKS = E_TILE // CHUNK
N_GRPS = N_CHUNKS // GRP
ROWS_TILE = N // NS

_sc_mesh = plsc.VectorSubcoreMesh(core_axis_name="c", subcore_axis_name="s")


@functools.partial(
    pl.kernel,
    out_type=jax.ShapeDtypeStruct((NC, N, D), jnp.float32),
    mesh=_sc_mesh,
    compiler_params=pltpu.CompilerParams(use_tc_tiling_on_sc=False),
    scratch_types=[
        pltpu.VMEM((GRP, CHUNK), jnp.int32),
        pltpu.VMEM((GRP, CHUNK), jnp.int32),
        pltpu.VMEM((GRP, CHUNK), jnp.float32),
        pltpu.VMEM((CHUNK, D), jnp.float32),
        pltpu.VMEM((CHUNK, D), jnp.float32),
        pltpu.VMEM_SHARED((N, D), jnp.float32),
        pltpu.SemaphoreType.DMA,
    ],
)
def _sc_spmm(ego_hbm, col_hbm, row_hbm, val_hbm, zeros_hbm, out_hbm,
             colbuf, rowbuf, valbuf, rows, scaled, acc, sem):
    c = lax.axis_index("c")
    s = lax.axis_index("s")
    tile_chunk_base = (c * NS + s) * N_CHUNKS

    pltpu.sync_copy(zeros_hbm, acc.at[pl.ds(s * ROWS_TILE, ROWS_TILE)])
    plsc.subcore_barrier()

    def do_group(g, _):
        gbase = tile_chunk_base + g * GRP
        pltpu.sync_copy(col_hbm.at[pl.ds(gbase, GRP)], colbuf)
        pltpu.sync_copy(row_hbm.at[pl.ds(gbase, GRP)], rowbuf)
        pltpu.sync_copy(val_hbm.at[pl.ds(gbase, GRP)], valbuf)

        def do_chunk(k, _):
            pltpu.async_copy(ego_hbm.at[colbuf.at[k]], rows, sem).wait()

            def scale16(j, _):
                vv = valbuf[k, pl.ds(j * 16, 16)]
                for i in range(16):
                    e = j * 16 + i
                    v = vv[i]
                    for q in range(D // 16):
                        scaled[e, pl.ds(q * 16, 16)] = (
                            rows[e, pl.ds(q * 16, 16)] * v)
                return 0

            lax.fori_loop(0, CHUNK // 16, scale16, 0)
            pltpu.sync_copy(scaled, acc.at[rowbuf.at[k]], add=True)
            return 0

        lax.fori_loop(0, GRP, do_chunk, 0)
        return 0

    lax.fori_loop(0, N_GRPS, do_group, 0)

    plsc.subcore_barrier()
    pltpu.sync_copy(acc.at[pl.ds(s * ROWS_TILE, ROWS_TILE)],
                    out_hbm.at[c, pl.ds(s * ROWS_TILE, ROWS_TILE)])


RBLK = 2048


def _tc_body(p0, p1, ego, all_in, w1, b1, w2, b2, ego_out, all_out):
    side = p0[...] + p1[...]
    e = ego[...]
    dn = (((1,), (1,)), ((), ()))
    sum_emb = lax.dot_general(side, w1[...], dn,
                              preferred_element_type=jnp.float32) + b1[...]
    bi = lax.dot_general(e * side, w2[...], dn,
                         preferred_element_type=jnp.float32) + b2[...]
    x = sum_emb + bi
    act = jnp.where(x >= 0, x, 0.01 * x)
    nrm = jnp.sqrt(jnp.sum(act * act, axis=1, keepdims=True))
    norm = act / jnp.maximum(nrm, 1e-12)
    ego_out[...] = act
    all_out[...] = all_in[...] + norm


def _tc_dense(p0, p1, ego, all_in, w1, b1, w2, b2):
    row_spec = pl.BlockSpec((RBLK, D), lambda i: (i, 0))
    mat_spec = pl.BlockSpec((D, D), lambda i: (0, 0))
    vec_spec = pl.BlockSpec((1, D), lambda i: (0, 0))
    return pl.pallas_call(
        _tc_body,
        grid=(N // RBLK,),
        in_specs=[row_spec, row_spec, row_spec, row_spec,
                  mat_spec, vec_spec, mat_spec, vec_spec],
        out_specs=[row_spec, row_spec],
        out_shape=[jax.ShapeDtypeStruct((N, D), jnp.float32),
                   jax.ShapeDtypeStruct((N, D), jnp.float32)],
    )(p0, p1, ego, all_in, w1, b1, w2, b2)


def kernel(A_hat_indices, A_hat_values, o_embedding, u_id, user_table, W1, b1, W2, b2):
    row = A_hat_indices[0]
    col = A_hat_indices[1]
    ego = jnp.concatenate([jnp.take(user_table, u_id, axis=0), o_embedding], axis=0)
    all_emb = ego
    col2d = col.reshape(NNZ // CHUNK, CHUNK)
    row2d = row.reshape(NNZ // CHUNK, CHUNK)
    val2d = A_hat_values.reshape(NNZ // CHUNK, CHUNK)
    zeros = jnp.zeros((ROWS_TILE, D), jnp.float32)
    for i in range(L):
        parts = _sc_spmm(ego, col2d, row2d, val2d, zeros)
        ego, all_emb = _tc_dense(parts[0], parts[1], ego, all_emb,
                                 W1[i], b1[i].reshape(1, D),
                                 W2[i], b2[i].reshape(1, D))
    return all_emb

# --- scband reference (transcript-rebuilt; emitter-appended) ---
"""Pipeline reference for scband-o2-u-8280696947088 (READ-ONLY COPY).

The authoritative reference and input builder live on the scoring server;
editing this copy changes nothing except your own understanding.
"""

import jax, jax.numpy as jnp
import numpy as np

N_USERS = 8192
N_OUTFITS = 8192
N = N_USERS + N_OUTFITS
D = 64
L = 3
NNZ = 2621440


def setup_inputs(seed: int = 0) -> dict:
    key = jax.random.key(seed)
    ks = jax.random.split(key, 8)
    A_hat_indices = jax.random.randint(ks[0], (2, NNZ), 0, N, dtype=jnp.int32)
    A_hat_values = jax.random.uniform(ks[1], (NNZ,), dtype=jnp.float32)
    o_embedding = jax.random.normal(ks[2], (N_OUTFITS, D), dtype=jnp.float32)
    u_id = jnp.arange(N_USERS, dtype=jnp.int32)
    user_table = jax.random.normal(ks[3], (N_USERS, D), dtype=jnp.float32)
    limit = float(np.sqrt(6.0 / (D + D)))
    W1 = jax.random.uniform(ks[4], (L, D, D), minval=-limit, maxval=limit, dtype=jnp.float32)
    b1 = jnp.zeros((L, D), dtype=jnp.float32)
    W2 = jax.random.uniform(ks[5], (L, D, D), minval=-limit, maxval=limit, dtype=jnp.float32)
    b2 = jnp.zeros((L, D), dtype=jnp.float32)
    return {"A_hat_indices": A_hat_indices, "A_hat_values": A_hat_values, "o_embedding": o_embedding, "u_id": u_id, "user_table": user_table, "W1": W1, "b1": b1, "W2": W2, "b2": b2}


def reference(A_hat_indices, A_hat_values, o_embedding, u_id, user_table, W1, b1, W2, b2):
    row = A_hat_indices[0]
    col = A_hat_indices[1]
    # u_embedding = self.user_embedding(u_id.long())
    u_embedding = jnp.take(user_table, u_id, axis=0)
    # ego_embeddings = torch.cat([u_embedding, o_embedding], 0)
    ego = jnp.concatenate([u_embedding, o_embedding], axis=0)
    all_embeddings = ego
    for i in range(L):
        # side_embeddings = torch.sparse.mm(A_hat, ego_embeddings)
        gathered = jnp.take(ego, col, axis=0) * A_hat_values[:, None]
        side = jax.ops.segment_sum(gathered, row, num_segments=N)
        # sum_embeddings = self.fc1[i](side_embeddings)
        sum_embeddings = side @ W1[i].T + b1[i]
        # bi_embeddings = self.fc2[i](ego * side)
        bi = (ego * side) @ W2[i].T + b2[i]
        # LeakyReLU (default negative_slope=0.01)
        ego = jax.nn.leaky_relu(sum_embeddings + bi, negative_slope=0.01)
        # Dropout(0.2) is identity in eval mode
        # F.normalize(ego, p=2, dim=1)
        norm = ego / jnp.maximum(jnp.linalg.norm(ego, axis=1, keepdims=True), 1e-12)
        all_embeddings = all_embeddings + norm
    return all_embeddings

if __name__ == "__main__":
    import jax
    _d = setup_inputs()
    print(jax.jit(kernel)(*tuple(_d.values())))

</pallas_src>

<mosaic_0001>
#map = affine_map<(d0, d1) -> (0, 0)>
#map1 = affine_map<(d0, d1) -> (0, 0, 0)>
module attributes {stable_mosaic.version = 14 : i64} {
  func.func @_sc_spmm(%arg0: i32, %arg1: i32, %arg2: memref<16384x64xf32, #tpu.memory_space<hbm>>, %arg3: memref<20480x128xi32, #tpu.memory_space<hbm>>, %arg4: memref<20480x128xi32, #tpu.memory_space<hbm>>, %arg5: memref<20480x128xf32, #tpu.memory_space<hbm>>, %arg6: memref<1024x64xf32, #tpu.memory_space<hbm>>, %arg7: memref<2x16384x64xf32, #tpu.memory_space<hbm>>, %arg8: memref<8x128xi32, #tpu.memory_space<vmem>>, %arg9: memref<8x128xi32, #tpu.memory_space<vmem>>, %arg10: memref<8x128xf32, #tpu.memory_space<vmem>>, %arg11: memref<128x64xf32, #tpu.memory_space<vmem>>, %arg12: memref<128x64xf32, #tpu.memory_space<vmem>>, %arg13: memref<16384x64xf32, #tpu.memory_space<vmem_shared>>, %arg14: memref<!tpu.dma_semaphore, #tpu.memory_space<semaphore_mem>>) attributes {dimension_semantics = [#tpu.dimension_semantics<core_parallel>, #tpu.dimension_semantics<subcore_parallel>], iteration_bounds = array<i64: 2, 16>, scalar_prefetch = 0 : i64, scratch_operands = 7 : i64, tpu.core_type = #tpu.core_type<sc_vector_subcore>, window_params = [{transform_indices = #map}, {transform_indices = #map}, {transform_indices = #map}, {transform_indices = #map}, {transform_indices = #map}, {transform_indices = #map1}]} {
    %mul3A = arith.constant 16 : i32
    %mul3A_0 = arith.muli %arg0, %mul3A : i32
    %add3A = arith.addi %mul3A_0, %arg1 : i32
    %mul3A_1 = arith.constant 640 : i32
    %mul3A_2 = arith.muli %add3A, %mul3A_1 : i32
    %mul3A_3 = arith.constant 1024 : i32
    %mul3A_4 = arith.muli %arg1, %mul3A_3 : i32
    "tpu.region"() ({
      %run_scoped3A = tpu.sem_alloc : memref<!tpu.dma_semaphore, #tpu.memory_space<semaphore_mem>>
      %dma_start3A = arith.constant 0 : i32
      %dma_start3A_16 = tpu.memref_slice %arg13[%mul3A_4, %dma_start3A] : memref<16384x64xf32, #tpu.memory_space<vmem_shared>> -> memref<1024x64xf32, #tpu.memory_space<vmem_shared>>
      tpu.enqueue_dma source(%arg6 : memref<1024x64xf32, #tpu.memory_space<hbm>>) target(%dma_start3A_16 : memref<1024x64xf32, #tpu.memory_space<vmem_shared>>) target_semaphore(%run_scoped3A : memref<!tpu.dma_semaphore, #tpu.memory_space<semaphore_mem>>)
      %dma_wait3A = arith.constant 0 : i32
      %dma_wait3A_17 = tpu.memref_slice %arg13[%mul3A_4, %dma_wait3A] : memref<16384x64xf32, #tpu.memory_space<vmem_shared>> -> memref<1024x64xf32, #tpu.memory_space<vmem_shared>>
      tpu.wait_dma2 semaphore(%run_scoped3A : memref<!tpu.dma_semaphore, #tpu.memory_space<semaphore_mem>>) src(%arg6 : memref<1024x64xf32, #tpu.memory_space<hbm>>) dst(%dma_wait3A_17 : memref<1024x64xf32, #tpu.memory_space<vmem_shared>>)
      tpu.yield
    }) : () -> ()
    %barrier3A = arith.constant 0 : index
    tpu.barrier barrier_id(%barrier3A)
    %scan3A = arith.constant 0 : i32
    %scan3A_5 = arith.constant 0 : i32
    %scan3A_6 = arith.constant 80 : i32
    %scan3A_7 = arith.addi %scan3A_5, %scan3A_6 : i32
    %scan3A_8 = arith.constant 1 : i32
    %scan3A_9 = scf.for %scan3A_16 = %scan3A_5 to %scan3A_7 step %scan3A_8 iter_args(%scan3A_17 = %scan3A) -> (i32)  : i32 {
      %mul3A_18 = arith.constant 8 : i32
      %mul3A_19 = arith.muli %scan3A_16, %mul3A_18 : i32
      %add3A_20 = arith.addi %mul3A_2, %mul3A_19 : i32
      "tpu.region"() ({
        %run_scoped3A = tpu.sem_alloc : memref<!tpu.dma_semaphore, #tpu.memory_space<semaphore_mem>>
        %dma_start3A = arith.constant 0 : i32
        %dma_start3A_29 = tpu.memref_slice %arg3[%add3A_20, %dma_start3A] : memref<20480x128xi32, #tpu.memory_space<hbm>> -> memref<8x128xi32, #tpu.memory_space<hbm>>
        %dma_start3A_30 = arith.constant 0 : i32
        %dma_start3A_31 = tpu.memref_slice %arg3[%add3A_20, %dma_start3A_30] : memref<20480x128xi32, #tpu.memory_space<hbm>> -> memref<8x128xi32, #tpu.memory_space<hbm>>
        tpu.enqueue_dma source(%dma_start3A_31 : memref<8x128xi32, #tpu.memory_space<hbm>>) target(%arg8 : memref<8x128xi32, #tpu.memory_space<vmem>>) target_semaphore(%run_scoped3A : memref<!tpu.dma_semaphore, #tpu.memory_space<semaphore_mem>>)
        %dma_wait3A = arith.constant 0 : i32
        %dma_wait3A_32 = tpu.memref_slice %arg3[%add3A_20, %dma_wait3A] : memref<20480x128xi32, #tpu.memory_space<hbm>> -> memref<8x128xi32, #tpu.memory_space<hbm>>
        %dma_wait3A_33 = arith.constant 0 : i32
        %dma_wait3A_34 = tpu.memref_slice %arg3[%add3A_20, %dma_wait3A_33] : memref<20480x128xi32, #tpu.memory_space<hbm>> -> memref<8x128xi32, #tpu.memory_space<hbm>>
        tpu.wait_dma2 semaphore(%run_scoped3A : memref<!tpu.dma_semaphore, #tpu.memory_space<semaphore_mem>>) src(%dma_wait3A_34 : memref<8x128xi32, #tpu.memory_space<hbm>>) dst(%arg8 : memref<8x128xi32, #tpu.memory_space<vmem>>)
        tpu.yield
      }) : () -> ()
      "tpu.region"() ({
        %run_scoped3A = tpu.sem_alloc : memref<!tpu.dma_semaphore, #tpu.memory_space<semaphore_mem>>
        %dma_start3A = arith.constant 0 : i32
        %dma_start3A_29 = tpu.memref_slice %arg4[%add3A_20, %dma_start3A] : memref<20480x128xi32, #tpu.memory_space<hbm>> -> memref<8x128xi32, #tpu.memory_space<hbm>>
        %dma_start3A_30 = arith.constant 0 : i32
        %dma_start3A_31 = tpu.memref_slice %arg4[%add3A_20, %dma_start3A_30] : memref<20480x128xi32, #tpu.memory_space<hbm>> -> memref<8x128xi32, #tpu.memory_space<hbm>>
        tpu.enqueue_dma source(%dma_start3A_31 : memref<8x128xi32, #tpu.memory_space<hbm>>) target(%arg9 : memref<8x128xi32, #tpu.memory_space<vmem>>) target_semaphore(%run_scoped3A : memref<!tpu.dma_semaphore, #tpu.memory_space<semaphore_mem>>)
        %dma_wait3A = arith.constant 0 : i32
        %dma_wait3A_32 = tpu.memref_slice %arg4[%add3A_20, %dma_wait3A] : memref<20480x128xi32, #tpu.memory_space<hbm>> -> memref<8x128xi32, #tpu.memory_space<hbm>>
        %dma_wait3A_33 = arith.constant 0 : i32
        %dma_wait3A_34 = tpu.memref_slice %arg4[%add3A_20, %dma_wait3A_33] : memref<20480x128xi32, #tpu.memory_space<hbm>> -> memref<8x128xi32, #tpu.memory_space<hbm>>
        tpu.wait_dma2 semaphore(%run_scoped3A : memref<!tpu.dma_semaphore, #tpu.memory_space<semaphore_mem>>) src(%dma_wait3A_34 : memref<8x128xi32, #tpu.memory_space<hbm>>) dst(%arg9 : memref<8x128xi32, #tpu.memory_space<vmem>>)
        tpu.yield
      }) : () -> ()
      "tpu.region"() ({
        %run_scoped3A = tpu.sem_alloc : memref<!tpu.dma_semaphore, #tpu.memory_space<semaphore_mem>>
        %dma_start3A = arith.constant 0 : i32
        %dma_start3A_29 = tpu.memref_slice %arg5[%add3A_20, %dma_start3A] : memref<20480x128xf32, #tpu.memory_space<hbm>> -> memref<8x128xf32, #tpu.memory_space<hbm>>
        %dma_start3A_30 = arith.constant 0 : i32
        %dma_start3A_31 = tpu.memref_slice %arg5[%add3A_20, %dma_start3A_30] : memref<20480x128xf32, #tpu.memory_space<hbm>> -> memref<8x128xf32, #tpu.memory_space<hbm>>
        tpu.enqueue_dma source(%dma_start3A_31 : memref<8x128xf32, #tpu.memory_space<hbm>>) target(%arg10 : memref<8x128xf32, #tpu.memory_space<vmem>>) target_semaphore(%run_scoped3A : memref<!tpu.dma_semaphore, #tpu.memory_space<semaphore_mem>>)
        %dma_wait3A = arith.constant 0 : i32
        %dma_wait3A_32 = tpu.memref_slice %arg5[%add3A_20, %dma_wait3A] : memref<20480x128xf32, #tpu.memory_space<hbm>> -> memref<8x128xf32, #tpu.memory_space<hbm>>
        %dma_wait3A_33 = arith.constant 0 : i32
        %dma_wait3A_34 = tpu.memref_slice %arg5[%add3A_20, %dma_wait3A_33] : memref<20480x128xf32, #tpu.memory_space<hbm>> -> memref<8x128xf32, #tpu.memory_space<hbm>>
        tpu.wait_dma2 semaphore(%run_scoped3A : memref<!tpu.dma_semaphore, #tpu.memory_space<semaphore_mem>>) src(%dma_wait3A_34 : memref<8x128xf32, #tpu.memory_space<hbm>>) dst(%arg10 : memref<8x128xf32, #tpu.memory_space<vmem>>)
        tpu.yield
      }) : () -> ()
      %scan3A_21 = arith.constant 0 : i32
      %scan3A_22 = arith.constant 0 : i32
      %scan3A_23 = arith.constant 8 : i32
      %scan3A_24 = arith.addi %scan3A_22, %scan3A_23 : i32
      %scan3A_25 = arith.constant 1 : i32
      %scan3A_26 = scf.for %scan3A_29 = %scan3A_22 to %scan3A_24 step %scan3A_25 iter_args(%scan3A_30 = %scan3A_21) -> (i32)  : i32 {
        %dma_start3A = arith.constant 0 : i32
        %dma_start3A_31 = tpu.memref_slice %arg8[%scan3A_29, %dma_start3A] : memref<8x128xi32, #tpu.memory_space<vmem>> -> memref<1x128xi32, #tpu.memory_space<vmem>>
        %dma_start3A_32 = tpu.memref_squeeze %dma_start3A_31 : memref<1x128xi32, #tpu.memory_space<vmem>> -> memref<128xi32, #tpu.memory_space<vmem>>
        %dma_start3A_33 = arith.constant 0 : i32
        %dma_start3A_34 = arith.constant 0 : i32
        %dma_start3A_35 = tpu.memref_slice %arg2[%dma_start3A_33, %dma_start3A_34] : memref<16384x64xf32, #tpu.memory_space<hbm>> -> memref<16384x64xf32, #tpu.memory_space<hbm>>
        tpu.enqueue_indirect_dma source(%dma_start3A_35 : memref<16384x64xf32, #tpu.memory_space<hbm>>) target(%arg11 : memref<128x64xf32, #tpu.memory_space<vmem>>) offsets(%dma_start3A_32 : memref<128xi32, #tpu.memory_space<vmem>>) semaphore(%arg14 : memref<!tpu.dma_semaphore, #tpu.memory_space<semaphore_mem>>)
        %dma_wait3A = arith.constant 0 : i32
        %dma_wait3A_36 = tpu.memref_slice %arg8[%scan3A_29, %dma_wait3A] : memref<8x128xi32, #tpu.memory_space<vmem>> -> memref<1x128xi32, #tpu.memory_space<vmem>>
        %dma_wait3A_37 = tpu.memref_squeeze %dma_wait3A_36 : memref<1x128xi32, #tpu.memory_space<vmem>> -> memref<128xi32, #tpu.memory_space<vmem>>
        %dma_wait3A_38 = arith.constant 0 : i32
        %dma_wait3A_39 = arith.constant 0 : i32
        %dma_wait3A_40 = tpu.memref_slice %arg2[%dma_wait3A_38, %dma_wait3A_39] : memref<16384x64xf32, #tpu.memory_space<hbm>> -> memref<16384x64xf32, #tpu.memory_space<hbm>>
        tpu.wait_indirect_dma semaphore(%arg14 : memref<!tpu.dma_semaphore, #tpu.memory_space<semaphore_mem>>) src(%dma_wait3A_40 : memref<16384x64xf32, #tpu.memory_space<hbm>>) dst(%arg11 : memref<128x64xf32, #tpu.memory_space<vmem>>)
        %scan3A_41 = arith.constant 0 : i32
        %scan3A_42 = arith.constant 0 : i32
        %scan3A_43 = arith.constant 8 : i32
        %scan3A_44 = arith.addi %scan3A_42, %scan3A_43 : i32
        %scan3A_45 = arith.constant 1 : i32
        %scan3A_46 = scf.for %scan3A_49 = %scan3A_42 to %scan3A_44 step %scan3A_45 iter_args(%scan3A_50 = %scan3A_41) -> (i32)  : i32 {
          %mul3A_51 = arith.constant 16 : i32
          %mul3A_52 = arith.muli %scan3A_49, %mul3A_51 : i32
          %get3A = arith.index_cast %scan3A_29 : i32 to index
          %get3A_53 = arith.index_cast %mul3A_52 : i32 to index
          %get3A_54 = tpu.vector_load %arg10[%get3A, %get3A_53] {strides = array<i32>} : memref<8x128xf32, #tpu.memory_space<vmem>>, vector<1x16xf32>,
          %get3A_55 = vector.shape_cast %get3A_54 : vector<1x16xf32> to vector<16xf32>
          %mul3A_56 = arith.constant 16 : i32
          %mul3A_57 = arith.muli %scan3A_49, %mul3A_56 : i32
          %add3A_58 = arith.constant 0 : i32
          %add3A_59 = arith.addi %mul3A_57, %add3A_58 : i32
          %slice3A = vector.extract_strided_slice %get3A_55 {offsets = [0], sizes = [1], strides = [1]} : vector<16xf32> to vector<1xf32>
          %squeeze3A = vector.extract %slice3A[0] : f32 from vector<1xf32>
          %get3A_60 = arith.index_cast %add3A_59 : i32 to index
          %get3A_61 = arith.constant 0 : index
          %get3A_62 = tpu.vector_load %arg11[%get3A_60, %get3A_61] {strides = array<i32>} : memref<128x64xf32, #tpu.memory_space<vmem>>, vector<1x16xf32>,
          %get3A_63 = vector.shape_cast %get3A_62 : vector<1x16xf32> to vector<16xf32>
          %mul3A_64 = vector.broadcast %squeeze3A : f32 to vector<16xf32>
          %mul3A_65 = arith.mulf %get3A_63, %mul3A_64 : vector<16xf32>
          %swap3A = arith.index_cast %add3A_59 : i32 to index
          %swap3A_66 = arith.constant 0 : index
          %swap3A_67 = tpu.vector_load %arg12[%swap3A, %swap3A_66] {strides = array<i32>} : memref<128x64xf32, #tpu.memory_space<vmem>>, vector<1x16xf32>,
          %swap3A_68 = vector.shape_cast %swap3A_67 : vector<1x16xf32> to vector<16xf32>
          %swap3A_69 = vector.shape_cast %mul3A_65 : vector<16xf32> to vector<1x16xf32>
          tpu.vector_store %arg12[%swap3A, %swap3A_66], %swap3A_69 {strides = array<i32>} : memref<128x64xf32, #tpu.memory_space<vmem>>, vector<1x16xf32>,
          %get3A_70 = arith.index_cast %add3A_59 : i32 to index
          %get3A_71 = arith.constant 16 : index
          %get3A_72 = tpu.vector_load %arg11[%get3A_70, %get3A_71] {strides = array<i32>} : memref<128x64xf32, #tpu.memory_space<vmem>>, vector<1x16xf32>,
          %get3A_73 = vector.shape_cast %get3A_72 : vector<1x16xf32> to vector<16xf32>
          %mul3A_74 = vector.broadcast %squeeze3A : f32 to vector<16xf32>
          %mul3A_75 = arith.mulf %get3A_73, %mul3A_74 : vector<16xf32>
          %swap3A_76 = arith.index_cast %add3A_59 : i32 to index
          %swap3A_77 = arith.constant 16 : index
          %swap3A_78 = tpu.vector_load %arg12[%swap3A_76, %swap3A_77] {strides = array<i32>} : memref<128x64xf32, #tpu.memory_space<vmem>>, vector<1x16xf32>,
          %swap3A_79 = vector.shape_cast %swap3A_78 : vector<1x16xf32> to vector<16xf32>
          %swap3A_80 = vector.shape_cast %mul3A_75 : vector<16xf32> to vector<1x16xf32>
          tpu.vector_store %arg12[%swap3A_76, %swap3A_77], %swap3A_80 {strides = array<i32>} : memref<128x64xf32, #tpu.memory_space<vmem>>, vector<1x16xf32>,
          %get3A_81 = arith.index_cast %add3A_59 : i32 to index
          %get3A_82 = arith.constant 32 : index
          %get3A_83 = tpu.vector_load %arg11[%get3A_81, %get3A_82] {strides = array<i32>} : memref<128x64xf32, #tpu.memory_space<vmem>>, vector<1x16xf32>,
          %get3A_84 = vector.shape_cast %get3A_83 : vector<1x16xf32> to vector<16xf32>
          %mul3A_85 = vector.broadcast %squeeze3A : f32 to vector<16xf32>
          %mul3A_86 = arith.mulf %get3A_84, %mul3A_85 : vector<16xf32>
          %swap3A_87 = arith.index_cast %add3A_59 : i32 to index
          %swap3A_88 = arith.constant 32 : index
          %swap3A_89 = tpu.vector_load %arg12[%swap3A_87, %swap3A_88] {strides = array<i32>} : memref<128x64xf32, #tpu.memory_space<vmem>>, vector<1x16xf32>,
          %swap3A_90 = vector.shape_cast %swap3A_89 : vector<1x16xf32> to vector<16xf32>
          %swap3A_91 = vector.shape_cast %mul3A_86 : vector<16xf32> to vector<1x16xf32>
          tpu.vector_store %arg12[%swap3A_87, %swap3A_88], %swap3A_91 {strides = array<i32>} : memref<128x64xf32, #tpu.memory_space<vmem>>, vector<1x16xf32>,
          %get3A_92 = arith.index_cast %add3A_59 : i32 to index
          %get3A_93 = arith.constant 48 : index
          %get3A_94 = tpu.vector_load %arg11[%get3A_92, %get3A_93] {strides = array<i32>} : memref<128x64xf32, #tpu.memory_space<vmem>>, vector<1x16xf32>,
          %get3A_95 = vector.shape_cast %get3A_94 : vector<1x16xf32> to vector<16xf32>
          %mul3A_96 = vector.broadcast %squeeze3A : f32 to vector<16xf32>
          %mul3A_97 = arith.mulf %get3A_95, %mul3A_96 : vector<16xf32>
          %swap3A_98 = arith.index_cast %add3A_59 : i32 to index
          %swap3A_99 = arith.constant 48 : index
          %swap3A_100 = tpu.vector_load %arg12[%swap3A_98, %swap3A_99] {strides = array<i32>} : memref<128x64xf32, #tpu.memory_space<vmem>>, vector<1x16xf32>,
          %swap3A_101 = vector.shape_cast %swap3A_100 : vector<1x16xf32> to vector<16xf32>
          %swap3A_102 = vector.shape_cast %mul3A_97 : vector<16xf32> to vector<1x16xf32>
          tpu.vector_store %arg12[%swap3A_98, %swap3A_99], %swap3A_102 {strides = array<i32>} : memref<128x64xf32, #tpu.memory_space<vmem>>, vector<1x16xf32>,
          %mul3A_103 = arith.constant 16 : i32
          %mul3A_104 = arith.muli %scan3A_49, %mul3A_103 : i32
          %add3A_105 = arith.constant 1 : i32
          %add3A_106 = arith.addi %mul3A_104, %add3A_105 : i32
          %slice3A_107 = vector.extract_strided_slice %get3A_55 {offsets = [1], sizes = [1], strides = [1]} : vector<16xf32> to vector<1xf32>
          %squeeze3A_108 = vector.extract %slice3A_107[0] : f32 from vector<1xf32>
          %get3A_109 = arith.index_cast %add3A_106 : i32 to index
          %get3A_110 = arith.constant 0 : index
          %get3A_111 = tpu.vector_load %arg11[%get3A_109, %get3A_110] {strides = array<i32>} : memref<128x64xf32, #tpu.memory_space<vmem>>, vector<1x16xf32>,
          %get3A_112 = vector.shape_cast %get3A_111 : vector<1x16xf32> to vector<16xf32>
          %mul3A_113 = vector.broadcast %squeeze3A_108 : f32 to vector<16xf32>
          %mul3A_114 = arith.mulf %get3A_112, %mul3A_113 : vector<16xf32>
          %swap3A_115 = arith.index_cast %add3A_106 : i32 to index
          %swap3A_116 = arith.constant 0 : index
          %swap3A_117 = tpu.vector_load %arg12[%swap3A_115, %swap3A_116] {strides = array<i32>} : memref<128x64xf32, #tpu.memory_space<vmem>>, vector<1x16xf32>,
          %swap3A_118 = vector.shape_cast %swap3A_117 : vector<1x16xf32> to vector<16xf32>
          %swap3A_119 = vector.shape_cast %mul3A_114 : vector<16xf32> to vector<1x16xf32>
          tpu.vector_store %arg12[%swap3A_115, %swap3A_116], %swap3A_119 {strides = array<i32>} : memref<128x64xf32, #tpu.memory_space<vmem>>, vector<1x16xf32>,
          %get3A_120 = arith.index_cast %add3A_106 : i32 to index
          %get3A_121 = arith.constant 16 : index
          %get3A_122 = tpu.vector_load %arg11[%get3A_120, %get3A_121] {strides = array<i32>} : memref<128x64xf32, #tpu.memory_space<vmem>>, vector<1x16xf32>,
          %get3A_123 = vector.shape_cast %get3A_122 : vector<1x16xf32> to vector<16xf32>
          %mul3A_124 = vector.broadcast %squeeze3A_108 : f32 to vector<16xf32>
          %mul3A_125 = arith.mulf %get3A_123, %mul3A_124 : vector<16xf32>
          %swap3A_126 = arith.index_cast %add3A_106 : i32 to index
          %swap3A_127 = arith.constant 16 : index
          %swap3A_128 = tpu.vector_load %arg12[%swap3A_126, %swap3A_127] {strides = array<i32>} : memref<128x64xf32, #tpu.memory_space<vmem>>, vector<1x16xf32>,
          %swap3A_129 = vector.shape_cast %swap3A_128 : vector<1x16xf32> to vector<16xf32>
          %swap3A_130 = vector.shape_cast %mul3A_125 : vector<16xf32> to vector<1x16xf32>
          tpu.vector_store %arg12[%swap3A_126, %swap3A_127], %swap3A_130 {strides = array<i32>} : memref<128x64xf32, #tpu.memory_space<vmem>>, vector<1x16xf32>,
          %get3A_131 = arith.index_cast %add3A_106 : i32 to index
          %get3A_132 = arith.constant 32 : index
          %get3A_133 = tpu.vector_load %arg11[%get3A_131, %get3A_132] {strides = array<i32>} : memref<128x64xf32, #tpu.memory_space<vmem>>, vector<1x16xf32>,
          %get3A_134 = vector.shape_cast %get3A_133 : vector<1x16xf32> to vector<16xf32>
          %mul3A_135 = vector.broadcast %squeeze3A_108 : f32 to vector<16xf32>
          %mul3A_136 = arith.mulf %get3A_134, %mul3A_135 : vector<16xf32>
          %swap3A_137 = arith.index_cast %add3A_106 : i32 to index
          %swap3A_138 = arith.constant 32 : index
          %swap3A_139 = tpu.vector_load %arg12[%swap3A_137, %swap3A_138] {strides = array<i32>} : memref<128x64xf32, #tpu.memory_space<vmem>>, vector<1x16xf32>,
          %swap3A_140 = vector.shape_cast %swap3A_139 : vector<1x16xf32> to vector<16xf32>
          %swap3A_141 = vector.shape_cast %mul3A_136 : vector<16xf32> to vector<1x16xf32>
          tpu.vector_store %arg12[%swap3A_137, %swap3A_138], %swap3A_141 {strides = array<i32>} : memref<128x64xf32, #tpu.memory_space<vmem>>, vector<1x16xf32>,
          %get3A_142 = arith.index_cast %add3A_106 : i32 to index
          %get3A_143 = arith.constant 48 : index
          %get3A_144 = tpu.vector_load %arg11[%get3A_142, %get3A_143] {strides = array<i32>} : memref<128x64xf32, #tpu.memory_space<vmem>>, vector<1x16xf32>,
          %get3A_145 = vector.shape_cast %get3A_144 : vector<1x16xf32> to vector<16xf32>
          %mul3A_146 = vector.broadcast %squeeze3A_108 : f32 to vector<16xf32>
          %mul3A_147 = arith.mulf %get3A_145, %mul3A_146 : vector<16xf32>
          %swap3A_148 = arith.index_cast %add3A_106 : i32 to index
          %swap3A_149 = arith.constant 48 : index
          %swap3A_150 = tpu.vector_load %arg12[%swap3A_148, %swap3A_149] {strides = array<i32>} : memref<128x64xf32, #tpu.memory_space<vmem>>, vector<1x16xf32>,
          %swap3A_151 = vector.shape_cast %swap3A_150 : vector<1x16xf32> to vector<16xf32>
          %swap3A_152 = vector.shape_cast %mul3A_147 : vector<16xf32> to vector<1x16xf32>
          tpu.vector_store %arg12[%swap3A_148, %swap3A_149], %swap3A_152 {strides = array<i32>} : memref<128x64xf32, #tpu.memory_space<vmem>>, vector<1x16xf32>,
          %mul3A_153 = arith.constant 16 : i32
          %mul3A_154 = arith.muli %scan3A_49, %mul3A_153 : i32
          %add3A_155 = arith.constant 2 : i32
          %add3A_156 = arith.addi %mul3A_154, %add3A_155 : i32
          %slice3A_157 = vector.extract_strided_slice %get3A_55 {offsets = [2], sizes = [1], strides = [1]} : vector<16xf32> to vector<1xf32>
          %squeeze3A_158 = vector.extract %slice3A_157[0] : f32 from vector<1xf32>
          %get3A_159 = arith.index_cast %add3A_156 : i32 to index
          %get3A_160 = arith.constant 0 : index
          %get3A_161 = tpu.vector_load %arg11[%get3A_159, %get3A_160] {strides = array<i32>} : memref<128x64xf32, #tpu.memory_space<vmem>>, vector<1x16xf32>,
          %get3A_162 = vector.shape_cast %get3A_161 : vector<1x16xf32> to vector<16xf32>
          %mul3A_163 = vector.broadcast %squeeze3A_158 : f32 to vector<16xf32>
          %mul3A_164 = arith.mulf %get3A_162, %mul3A_163 : vector<16xf32>
          %swap3A_165 = arith.index_cast %add3A_156 : i32 to index
          %swap3A_166 = arith.constant 0 : index
          %swap3A_167 = tpu.vector_load %arg12[%swap3A_165, %swap3A_166] {strides = array<i32>} : memref<128x64xf32, #tpu.memory_space<vmem>>, vector<1x16xf32>,
          %swap3A_168 = vector.shape_cast %swap3A_167 : vector<1x16xf32> to vector<16xf32>
          %swap3A_169 = vector.shape_cast %mul3A_164 : vector<16xf32> to vector<1x16xf32>
          tpu.vector_store %arg12[%swap3A_165, %swap3A_166], %swap3A_169 {strides = array<i32>} : memref<128x64xf32, #tpu.memory_space<vmem>>, vector<1x16xf32>,
          %get3A_170 = arith.index_cast %add3A_156 : i32 to index
          %get3A_171 = arith.constant 16 : index
          %get3A_172 = tpu.vector_load %arg11[%get3A_170, %get3A_171] {strides = array<i32>} : memref<128x64xf32, #tpu.memory_space<vmem>>, vector<1x16xf32>,
          %get3A_173 = vector.shape_cast %get3A_172 : vector<1x16xf32> to vector<16xf32>
          %mul3A_174 = vector.broadcast %squeeze3A_158 : f32 to vector<16xf32>
          %mul3A_175 = arith.mulf %get3A_173, %mul3A_174 : vector<16xf32>
          %swap3A_176 = arith.index_cast %add3A_156 : i32 to index
          %swap3A_177 = arith.constant 16 : index
          %swap3A_178 = tpu.vector_load %arg12[%swap3A_176, %swap3A_177] {strides = array<i32>} : memref<128x64xf32, #tpu.memory_space<vmem>>, vector<1x16xf32>,
          %swap3A_179 = vector.shape_cast %swap3A_178 : vector<1x16xf32> to vector<16xf32>
          %swap3A_180 = vector.shape_cast %mul3A_175 : vector<16xf32> to vector<1x16xf32>
          tpu.vector_store %arg12[%swap3A_176, %swap3A_177], %swap3A_180 {strides = array<i32>} : memref<128x64xf32, #tpu.memory_space<vmem>>, vector<1x16xf32>,
          %get3A_181 = arith.index_cast %add3A_156 : i32 to index
          %get3A_182 = arith.constant 32 : index
          %get3A_183 = tpu.vector_load %arg11[%get3A_181, %get3A_182] {strides = array<i32>} : memref<128x64xf32, #tpu.memory_space<vmem>>, vector<1x16xf32>,
          %get3A_184 = vector.shape_cast %get3A_183 : vector<1x16xf32> to vector<16xf32>
          %mul3A_185 = vector.broadcast %squeeze3A_158 : f32 to vector<16xf32>
          %mul3A_186 = arith.mulf %get3A_184, %mul3A_185 : vector<16xf32>
          %swap3A_187 = arith.index_cast %add3A_156 : i32 to index
          %swap3A_188 = arith.constant 32 : index
          %swap3A_189 = tpu.vector_load %arg12[%swap3A_187, %swap3A_188] {strides = array<i32>} : memref<128x64xf32, #tpu.memory_space<vmem>>, vector<1x16xf32>,
          %swap3A_190 = vector.shape_cast %swap3A_189 : vector<1x16xf32> to vector<16xf32>
          %swap3A_191 = vector.shape_cast %mul3A_186 : vector<16xf32> to vector<1x16xf32>
          tpu.vector_store %arg12[%swap3A_187, %swap3A_188], %swap3A_191 {strides = array<i32>} : memref<128x64xf32, #tpu.memory_space<vmem>>, vector<1x16xf32>,
          %get3A_192 = arith.index_cast %add3A_156 : i32 to index
          %get3A_193 = arith.constant 48 : index
          %get3A_194 = tpu.vector_load %arg11[%get3A_192, %get3A_193] {strides = array<i32>} : memref<128x64xf32, #tpu.memory_space<vmem>>, vector<1x16xf32>,
          %get3A_195 = vector.shape_cast %get3A_194 : vector<1x16xf32> to vector<16xf32>
          %mul3A_196 = vector.broadcast %squeeze3A_158 : f32 to vector<16xf32>
          %mul3A_197 = arith.mulf %get3A_195, %mul3A_196 : vector<16xf32>
          %swap3A_198 = arith.index_cast %add3A_156 : i32 to index
          %swap3A_199 = arith.constant 48 : index
          %swap3A_200 = tpu.vector_load %arg12[%swap3A_198, %swap3A_199] {strides = array<i32>} : memref<128x64xf32, #tpu.memory_space<vmem>>, vector<1x16xf32>,
          %swap3A_201 = vector.shape_cast %swap3A_200 : vector<1x16xf32> to vector<16xf32>
          %swap3A_202 = vector.shape_cast %mul3A_197 : vector<16xf32> to vector<1x16xf32>
          tpu.vector_store %arg12[%swap3A_198, %swap3A_199], %swap3A_202 {strides = array<i32>} : memref<128x64xf32, #tpu.memory_space<vmem>>, vector<1x16xf32>,
          %mul3A_203 = arith.constant 16 : i32
          %mul3A_204 = arith.muli %scan3A_49, %mul3A_203 : i32
          %add3A_205 = arith.constant 3 : i32
          %add3A_206 = arith.addi %mul3A_204, %add3A_205 : i32
          %slice3A_207 = vector.extract_strided_slice %get3A_55 {offsets = [3], sizes = [1], strides = [1]} : vector<16xf32> to vector<1xf32>
          %squeeze3A_208 = vector.extract %slice3A_207[0] : f32 from vector<1xf32>
          %get3A_209 = arith.index_cast %add3A_206 : i32 to index
          %get3A_210 = arith.constant 0 : index
          %get3A_211 = tpu.vector_load %arg11[%get3A_209, %get3A_210] {strides = array<i32>} : memref<128x64xf32, #tpu.memory_space<vmem>>, vector<1x16xf32>,
          %get3A_212 = vector.shape_cast %get3A_211 : vector<1x16xf32> to vector<16xf32>
          %mul3A_213 = vector.broadcast %squeeze3A_208 : f32 to vector<16xf32>
          %mul3A_214 = arith.mulf %get3A_212, %mul3A_213 : vector<16xf32>
          %swap3A_215 = arith.index_cast %add3A_206 : i32 to index
          %swap3A_216 = arith.constant 0 : index
          %swap3A_217 = tpu.vector_load %arg12[%swap3A_215, %swap3A_216] {strides = array<i32>} : memref<128x64xf32, #tpu.memory_space<vmem>>, vector<1x16xf32>,
          %swap3A_218 = vector.shape_cast %swap3A_217 : vector<1x16xf32> to vector<16xf32>
          %swap3A_219 = vector.shape_cast %mul3A_214 : vector<16xf32> to vector<1x16xf32>
          tpu.vector_store %arg12[%swap3A_215, %swap3A_216], %swap3A_219 {strides = array<i32>} : memref<128x64xf32, #tpu.memory_space<vmem>>, vector<1x16xf32>,
          %get3A_220 = arith.index_cast %add3A_206 : i32 to index
          %get3A_221 = arith.constant 16 : index
          %get3A_222 = tpu.vector_load %arg11[%get3A_220, %get3A_221] {strides = array<i32>} : memref<128x64xf32, #tpu.memory_space<vmem>>, vector<1x16xf32>,
          %get3A_223 = vector.shape_cast %get3A_222 : vector<1x16xf32> to vector<16xf32>
          %mul3A_224 = vector.broadcast %squeeze3A_208 : f32 to vector<16xf32>
          %mul3A_225 = arith.mulf %get3A_223, %mul3A_224 : vector<16xf32>
          %swap3A_226 = arith.index_cast %add3A_206 : i32 to index
          %swap3A_227 = arith.constant 16 : index
          %swap3A_228 = tpu.vector_load %arg12[%swap3A_226, %swap3A_227] {strides = array<i32>} : memref<128x64xf32, #tpu.memory_space<vmem>>, vector<1x16xf32>,
          %swap3A_229 = vector.shape_cast %swap3A_228 : vector<1x16xf32> to vector<16xf32>
          %swap3A_230 = vector.shape_cast %mul3A_225 : vector<16xf32> to vector<1x16xf32>
          tpu.vector_store %arg12[%swap3A_226, %swap3A_227], %swap3A_230 {strides = array<i32>} : memref<128x64xf32, #tpu.memory_space<vmem>>, vector<1x16xf32>,
          %get3A_231 = arith.index_cast %add3A_206 : i32 to index
          %get3A_232 = arith.constant 32 : index
          %get3A_233 = tpu.vector_load %arg11[%get3A_231, %get3A_232] {strides = array<i32>} : memref<128x64xf32, #tpu.memory_space<vmem>>, vector<1x16xf32>,
          %get3A_234 = vector.shape_cast %get3A_233 : vector<1x16xf32> to vector<16xf32>
          %mul3A_235 = vector.broadcast %squeeze3A_208 : f32 to vector<16xf32>
          %mul3A_236 = arith.mulf %get3A_234, %mul3A_235 : vector<16xf32>
          %swap3A_237 = arith.index_cast %add3A_206 : i32 to index
          %swap3A_238 = arith.constant 32 : index
          %swap3A_239 = tpu.vector_load %arg12[%swap3A_237, %swap3A_238] {strides = array<i32>} : memref<128x64xf32, #tpu.memory_space<vmem>>, vector<1x16xf32>,
          %swap3A_240 = vector.shape_cast %swap3A_239 : vector<1x16xf32> to vector<16xf32>
          %swap3A_241 = vector.shape_cast %mul3A_236 : vector<16xf32> to vector<1x16xf32>
          tpu.vector_store %arg12[%swap3A_237, %swap3A_238], %swap3A_241 {strides = array<i32>} : memref<128x64xf32, #tpu.memory_space<vmem>>, vector<1x16xf32>,
          %get3A_242 = arith.index_cast %add3A_206 : i32 to index
          %get3A_243 = arith.constant 48 : index
          %get3A_244 = tpu.vector_load %arg11[%get3A_242, %get3A_243] {strides = array<i32>} : memref<128x64xf32, #tpu.memory_space<vmem>>, vector<1x16xf32>,
          %get3A_245 = vector.shape_cast %get3A_244 : vector<1x16xf32> to vector<16xf32>
          %mul3A_246 = vector.broadcast %squeeze3A_208 : f32 to vector<16xf32>
          %mul3A_247 = arith.mulf %get3A_245, %mul3A_246 : vector<16xf32>
          %swap3A_248 = arith.index_cast %add3A_206 : i32 to index
          %swap3A_249 = arith.constant 48 : index
          %swap3A_250 = tpu.vector_load %arg12[%swap3A_248, %swap3A_249] {strides = array<i32>} : memref<128x64xf32, #tpu.memory_space<vmem>>, vector<1x16xf32>,
          %swap3A_251 = vector.shape_cast %swap3A_250 : vector<1x16xf32> to vector<16xf32>
          %swap3A_252 = vector.shape_cast %mul3A_247 : vector<16xf32> to vector<1x16xf32>
          tpu.vector_store %arg12[%swap3A_248, %swap3A_249], %swap3A_252 {strides = array<i32>} : memref<128x64xf32, #tpu.memory_space<vmem>>, vector<1x16xf32>,
          %mul3A_253 = arith.constant 16 : i32
          %mul3A_254 = arith.muli %scan3A_49, %mul3A_253 : i32
          %add3A_255 = arith.constant 4 : i32
          %add3A_256 = arith.addi %mul3A_254, %add3A_255 : i32
          %slice3A_257 = vector.extract_strided_slice %get3A_55 {offsets = [4], sizes = [1], strides = [1]} : vector<16xf32> to vector<1xf32>
          %squeeze3A_258 = vector.extract %slice3A_257[0] : f32 from vector<1xf32>
          %get3A_259 = arith.index_cast %add3A_256 : i32 to index
          %get3A_260 = arith.constant 0 : index
          %get3A_261 = tpu.vector_load %arg11[%get3A_259, %get3A_260] {strides = array<i32>} : memref<128x64xf32, #tpu.memory_space<vmem>>, vector<1x16xf32>,
          %get3A_262 = vector.shape_cast %get3A_261 : vector<1x16xf32> to vector<16xf32>
          %mul3A_263 = vector.broadcast %squeeze3A_258 : f32 to vector<16xf32>
          %mul3A_264 = arith.mulf %get3A_262, %mul3A_263 : vector<16xf32>
          %swap3A_265 = arith.index_cast %add3A_256 : i32 to index
          %swap3A_266 = arith.constant 0 : index
          %swap3A_267 = tpu.vector_load %arg12[%swap3A_265, %swap3A_266] {strides = array<i32>} : memref<128x64xf32, #tpu.memory_space<vmem>>, vector<1x16xf32>,
          %swap3A_268 = vector.shape_cast %swap3A_267 : vector<1x16xf32> to vector<16xf32>
          %swap3A_269 = vector.shape_cast %mul3A_264 : vector<16xf32> to vector<1x16xf32>
          tpu.vector_store %arg12[%swap3A_265, %swap3A_266], %swap3A_269 {strides = array<i32>} : memref<128x64xf32, #tpu.memory_space<vmem>>, vector<1x16xf32>,
          %get3A_270 = arith.index_cast %add3A_256 : i32 to index
          %get3A_271 = arith.constant 16 : index
          %get3A_272 = tpu.vector_load %arg11[%get3A_270, %get3A_271] {strides = array<i32>} : memref<128x64xf32, #tpu.memory_space<vmem>>, vector<1x16xf32>,
          %get3A_273 = vector.shape_cast %get3A_272 : vector<1x16xf32> to vector<16xf32>
          %mul3A_274 = vector.broadcast %squeeze3A_258 : f32 to vector<16xf32>
          %mul3A_275 = arith.mulf %get3A_273, %mul3A_274 : vector<16xf32>
          %swap3A_276 = arith.index_cast %add3A_256 : i32 to index
          %swap3A_277 = arith.constant 16 : index
          %swap3A_278 = tpu.vector_load %arg12[%swap3A_276, %swap3A_277] {strides = array<i32>} : memref<128x64xf32, #tpu.memory_space<vmem>>, vector<1x16xf32>,
          %swap3A_279 = vector.shape_cast %swap3A_278 : vector<1x16xf32> to vector<16xf32>
          %swap3A_280 = vector.shape_cast %mul3A_275 : vector<16xf32> to vector<1x16xf32>
          tpu.vector_store %arg12[%swap3A_276, %swap3A_277], %swap3A_280 {strides = array<i32>} : memref<128x64xf32, #tpu.memory_space<vmem>>, vector<1x16xf32>,
          %get3A_281 = arith.index_cast %add3A_256 : i32 to index
          %get3A_282 = arith.constant 32 : index
          %get3A_283 = tpu.vector_load %arg11[%get3A_281, %get3A_282] {strides = array<i32>} : memref<128x64xf32, #tpu.memory_space<vmem>>, vector<1x16xf32>,
          %get3A_284 = vector.shape_cast %get3A_283 : vector<1x16xf32> to vector<16xf32>
          %mul3A_285 = vector.broadcast %squeeze3A_258 : f32 to vector<16xf32>
          %mul3A_286 = arith.mulf %get3A_284, %mul3A_285 : vector<16xf32>
          %swap3A_287 = arith.index_cast %add3A_256 : i32 to index
          %swap3A_288 = arith.constant 32 : index
          %swap3A_289 = tpu.vector_load %arg12[%swap3A_287, %swap3A_288] {strides = array<i32>} : memref<128x64xf32, #tpu.memory_space<vmem>>, vector<1x16xf32>,
          %swap3A_290 = vector.shape_cast %swap3A_289 : vector<1x16xf32> to vector<16xf32>
          %swap3A_291 = vector.shape_cast %mul3A_286 : vector<16xf32> to vector<1x16xf32>
          tpu.vector_store %arg12[%swap3A_287, %swap3A_288], %swap3A_291 {strides = array<i32>} : memref<128x64xf32, #tpu.memory_space<vmem>>, vector<1x16xf32>,
          %get3A_292 = arith.index_cast %add3A_256 : i32 to index
          %get3A_293 = arith.constant 48 : index
          %get3A_294 = tpu.vector_load %arg11[%get3A_292, %get3A_293] {strides = array<i32>} : memref<128x64xf32, #tpu.memory_space<vmem>>, vector<1x16xf32>,
          %get3A_295 = vector.shape_cast %get3A_294 : vector<1x16xf32> to vector<16xf32>
          %mul3A_296 = vector.broadcast %squeeze3A_258 : f32 to vector<16xf32>
          %mul3A_297 = arith.mulf %get3A_295, %mul3A_296 : vector<16xf32>
          %swap3A_298 = arith.index_cast %add3A_256 : i32 to index
          %swap3A_299 = arith.constant 48 : index
          %swap3A_300 = tpu.vector_load %arg12[%swap3A_298, %swap3A_299] {strides = array<i32>} : memref<128x64xf32, #tpu.memory_space<vmem>>, vector<1x16xf32>,
          %swap3A_301 = vector.shape_cast %swap3A_300 : vector<1x16xf32> to vector<16xf32>
          %swap3A_302 = vector.shape_cast %mul3A_297 : vector<16xf32> to vector<1x16xf32>
          tpu.vector_store %arg12[%swap3A_298, %swap3A_299], %swap3A_302 {strides = array<i32>} : memref<128x64xf32, #tpu.memory_space<vmem>>, vector<1x16xf32>,
          %mul3A_303 = arith.constant 16 : i32
          %mul3A_304 = arith.muli %scan3A_49, %mul3A_303 : i32
          %add3A_305 = arith.constant 5 : i32
          %add3A_306 = arith.addi %mul3A_304, %add3A_305 : i32
          %slice3A_307 = vector.extract_strided_slice %get3A_55 {offsets = [5], sizes = [1], strides = [1]} : vector<16xf32> to vector<1xf32>
          %squeeze3A_308 = vector.extract %slice3A_307[0] : f32 from vector<1xf32>
          %get3A_309 = arith.index_cast %add3A_306 : i32 to index
          %get3A_310 = arith.constant 0 : index
          %get3A_311 = tpu.vector_load %arg11[%get3A_309, %get3A_310] {strides = array<i32>} : memref<128x64xf32, #tpu.memory_space<vmem>>, vector<1x16xf32>,
          %get3A_312 = vector.shape_cast %get3A_311 : vector<1x16xf32> to vector<16xf32>
          %mul3A_313 = vector.broadcast %squeeze3A_308 : f32 to vector<16xf32>
          %mul3A_314 = arith.mulf %get3A_312, %mul3A_313 : vector<16xf32>
          %swap3A_315 = arith.index_cast %add3A_306 : i32 to index
          %swap3A_316 = arith.constant 0 : index
          %swap3A_317 = tpu.vector_load %arg12[%swap3A_315, %swap3A_316] {strides = array<i32>} : memref<128x64xf32, #tpu.memory_space<vmem>>, vector<1x16xf32>,
          %swap3A_318 = vector.shape_cast %swap3A_317 : vector<1x16xf32> to vector<16xf32>
          %swap3A_319 = vector.shape_cast %mul3A_314 : vector<16xf32> to vector<1x16xf32>
          tpu.vector_store %arg12[%swap3A_315, %swap3A_316], %swap3A_319 {strides = array<i32>} : memref<128x64xf32, #tpu.memory_space<vmem>>, vector<1x16xf32>,
          %get3A_320 = arith.index_cast %add3A_306 : i32 to index
          %get3A_321 = arith.constant 16 : index
          %get3A_322 = tpu.vector_load %arg11[%get3A_320, %get3A_321] {strides = array<i32>} : memref<128x64xf32, #tpu.memory_space<vmem>>, vector<1x16xf32>,
          %get3A_323 = vector.shape_cast %get3A_322 : vector<1x16xf32> to vector<16xf32>
          %mul3A_324 = vector.broadcast %squeeze3A_308 : f32 to vector<16xf32>
          %mul3A_325 = arith.mulf %get3A_323, %mul3A_324 : vector<16xf32>
          %swap3A_326 = arith.index_cast %add3A_306 : i32 to index
          %swap3A_327 = arith.constant 16 : index
          %swap3A_328 = tpu.vector_load %arg12[%swap3A_326, %swap3A_327] {strides = array<i32>} : memref<128x64xf32, #tpu.memory_space<vmem>>, vector<1x16xf32>,
          %swap3A_329 = vector.shape_cast %swap3A_328 : vector<1x16xf32> to vector<16xf32>
          %swap3A_330 = vector.shape_cast %mul3A_325 : vector<16xf32> to vector<1x16xf32>
          tpu.vector_store %arg12[%swap3A_326, %swap3A_327], %swap3A_330 {strides = array<i32>} : memref<128x64xf32, #tpu.memory_space<vmem>>, vector<1x16xf32>,
          %get3A_331 = arith.index_cast %add3A_306 : i32 to index
          %get3A_332 = arith.constant 32 : index
          %get3A_333 = tpu.vector_load %arg11[%get3A_331, %get3A_332] {strides = array<i32>} : memref<128x64xf32, #tpu.memory_space<vmem>>, vector<1x16xf32>,
          %get3A_334 = vector.shape_cast %get3A_333 : vector<1x16xf32> to vector<16xf32>
          %mul3A_335 = vector.broadcast %squeeze3A_308 : f32 to vector<16xf32>
          %mul3A_336 = arith.mulf %get3A_334, %mul3A_335 : vector<16xf32>
          %swap3A_337 = arith.index_cast %add3A_306 : i32 to index
          %swap3A_338 = arith.constant 32 : index
          %swap3A_339 = tpu.vector_load %arg12[%swap3A_337, %swap3A_338] {strides = array<i32>} : memref<128x64xf32, #tpu.memory_space<vmem>>, vector<1x16xf32>,
          %swap3A_340 = vector.shape_cast %swap3A_339 : vector<1x16xf32> to vector<16xf32>
          %swap3A_341 = vector.shape_cast %mul3A_336 : vector<16xf32> to vector<1x16xf32>
          tpu.vector_store %arg12[%swap3A_337, %swap3A_338], %swap3A_341 {strides = array<i32>} : memref<128x64xf32, #tpu.memory_space<vmem>>, vector<1x16xf32>,
          %get3A_342 = arith.index_cast %add3A_306 : i32 to index
          %get3A_343 = arith.constant 48 : index
          %get3A_344 = tpu.vector_load %arg11[%get3A_342, %get3A_343] {strides = array<i32>} : memref<128x64xf32, #tpu.memory_space<vmem>>, vector<1x16xf32>,
          %get3A_345 = vector.shape_cast %get3A_344 : vector<1x16xf32> to vector<16xf32>
          %mul3A_346 = vector.broadcast %squeeze3A_308 : f32 to vector<16xf32>
          %mul3A_347 = arith.mulf %get3A_345, %mul3A_346 : vector<16xf32>
          %swap3A_348 = arith.index_cast %add3A_306 : i32 to index
          %swap3A_349 = arith.constant 48 : index
          %swap3A_350 = tpu.vector_load %arg12[%swap3A_348, %swap3A_349] {strides = array<i32>} : memref<128x64xf32, #tpu.memory_space<vmem>>, vector<1x16xf32>,
          %swap3A_351 = vector.shape_cast %swap3A_350 : vector<1x16xf32> to vector<16xf32>
          %swap3A_352 = vector.shape_cast %mul3A_347 : vector<16xf32> to vector<1x16xf32>
          tpu.vector_store %arg12[%swap3A_348, %swap3A_349], %swap3A_352 {strides = array<i32>} : memref<128x64xf32, #tpu.memory_space<vmem>>, vector<1x16xf32>,
          %mul3A_353 = arith.constant 16 : i32
          %mul3A_354 = arith.muli %scan3A_49, %mul3A_353 : i32
          %add3A_355 = arith.constant 6 : i32
          %add3A_356 = arith.addi %mul3A_354, %add3A_355 : i32
          %slice3A_357 = vector.extract_strided_slice %get3A_55 {offsets = [6], sizes = [1], strides = [1]} : vector<16xf32> to vector<1xf32>
          %squeeze3A_358 = vector.extract %slice3A_357[0] : f32 from vector<1xf32>
          %get3A_359 = arith.index_cast %add3A_356 : i32 to index
          %get3A_360 = arith.constant 0 : index
          %get3A_361 = tpu.vector_load %arg11[%get3A_359, %get3A_360] {strides = array<i32>} : memref<128x64xf32, #tpu.memory_space<vmem>>, vector<1x16xf32>,
          %get3A_362 = vector.shape_cast %get3A_361 : vector<1x16xf32> to vector<16xf32>
          %mul3A_363 = vector.broadcast %squeeze3A_358 : f32 to vector<16xf32>
          %mul3A_364 = arith.mulf %get3A_362, %mul3A_363 : vector<16xf32>
          %swap3A_365 = arith.index_cast %add3A_356 : i32 to index
          %swap3A_366 = arith.constant 0 : index
          %swap3A_367 = tpu.vector_load %arg12[%swap3A_365, %swap3A_366] {strides = array<i32>} : memref<128x64xf32, #tpu.memory_space<vmem>>, vector<1x16xf32>,
          %swap3A_368 = vector.shape_cast %swap3A_367 : vector<1x16xf32> to vector<16xf32>
          %swap3A_369 = vector.shape_cast %mul3A_364 : vector<16xf32> to vector<1x16xf32>
          tpu.vector_store %arg12[%swap3A_365, %swap3A_366], %swap3A_369 {strides = array<i32>} : memref<128x64xf32, #tpu.memory_space<vmem>>, vector<1x16xf32>,
          %get3A_370 = arith.index_cast %add3A_356 : i32 to index
          %get3A_371 = arith.constant 16 : index
          %get3A_372 = tpu.vector_load %arg11[%get3A_370, %get3A_371] {strides = array<i32>} : memref<128x64xf32, #tpu.memory_space<vmem>>, vector<1x16xf32>,
          %get3A_373 = vector.shape_cast %get3A_372 : vector<1x16xf32> to vector<16xf32>
          %mul3A_374 = vector.broadcast %squeeze3A_358 : f32 to vector<16xf32>
          %mul3A_375 = arith.mulf %get3A_373, %mul3A_374 : vector<16xf32>
          %swap3A_376 = arith.index_cast %add3A_356 : i32 to index
          %swap3A_377 = arith.constant 16 : index
          %swap3A_378 = tpu.vector_load %arg12[%swap3A_376, %swap3A_377] {strides = array<i32>} : memref<128x64xf32, #tpu.memory_space<vmem>>, vector<1x16xf32>,
          %swap3A_379 = vector.shape_cast %swap3A_378 : vector<1x16xf32> to vector<16xf32>
          %swap3A_380 = vector.shape_cast %mul3A_375 : vector<16xf32> to vector<1x16xf32>
          tpu.vector_store %arg12[%swap3A_376, %swap3A_377], %swap3A_380 {strides = array<i32>} : memref<128x64xf32, #tpu.memory_space<vmem>>, vector<1x16xf32>,
          %get3A_381 = arith.index_cast %add3A_356 : i32 to index
          %get3A_382 = arith.constant 32 : index
          %get3A_383 = tpu.vector_load %arg11[%get3A_381, %get3A_382] {strides = array<i32>} : memref<128x64xf32, #tpu.memory_space<vmem>>, vector<1x16xf32>,
          %get3A_384 = vector.shape_cast %get3A_383 : vector<1x16xf32> to vector<16xf32>
          %mul3A_385 = vector.broadcast %squeeze3A_358 : f32 to vector<16xf32>
          %mul3A_386 = arith.mulf %get3A_384, %mul3A_385 : vector<16xf32>
          %swap3A_387 = arith.index_cast %add3A_356 : i32 to index
          %swap3A_388 = arith.constant 32 : index
          %swap3A_389 = tpu.vector_load %arg12[%swap3A_387, %swap3A_388] {strides = array<i32>} : memref<128x64xf32, #tpu.memory_space<vmem>>, vector<1x16xf32>,
          %swap3A_390 = vector.shape_cast %swap3A_389 : vector<1x16xf32> to vector<16xf32>
          %swap3A_391 = vector.shape_cast %mul3A_386 : vector<16xf32> to vector<1x16xf32>
          tpu.vector_store %arg12[%swap3A_387, %swap3A_388], %swap3A_391 {strides = array<i32>} : memref<128x64xf32, #tpu.memory_space<vmem>>, vector<1x16xf32>,
          %get3A_392 = arith.index_cast %add3A_356 : i32 to index
          %get3A_393 = arith.constant 48 : index
          %get3A_394 = tpu.vector_load %arg11[%get3A_392, %get3A_393] {strides = array<i32>} : memref<128x64xf32, #tpu.memory_space<vmem>>, vector<1x16xf32>,
          %get3A_395 = vector.shape_cast %get3A_394 : vector<1x16xf32> to vector<16xf32>
          %mul3A_396 = vector.broadcast %squeeze3A_358 : f32 to vector<16xf32>
          %mul3A_397 = arith.mulf %get3A_395, %mul3A_396 : vector<16xf32>
          %swap3A_398 = arith.index_cast %add3A_356 : i32 to index
          %swap3A_399 = arith.constant 48 : index
          %swap3A_400 = tpu.vector_load %arg12[%swap3A_398, %swap3A_399] {strides = array<i32>} : memref<128x64xf32, #tpu.memory_space<vmem>>, vector<1x16xf32>,
          %swap3A_401 = vector.shape_cast %swap3A_400 : vector<1x16xf32> to vector<16xf32>
          %swap3A_402 = vector.shape_cast %mul3A_397 : vector<16xf32> to vector<1x16xf32>
          tpu.vector_store %arg12[%swap3A_398, %swap3A_399], %swap3A_402 {strides = array<i32>} : memref<128x64xf32, #tpu.memory_space<vmem>>, vector<1x16xf32>,
          %mul3A_403 = arith.constant 16 : i32
          %mul3A_404 = arith.muli %scan3A_49, %mul3A_403 : i32
          %add3A_405 = arith.constant 7 : i32
          %add3A_406 = arith.addi %mul3A_404, %add3A_405 : i32
          %slice3A_407 = vector.extract_strided_slice %get3A_55 {offsets = [7], sizes = [1], strides = [1]} : vector<16xf32> to vector<1xf32>
          %squeeze3A_408 = vector.extract %slice3A_407[0] : f32 from vector<1xf32>
          %get3A_409 = arith.index_cast %add3A_406 : i32 to index
          %get3A_410 = arith.constant 0 : index
          %get3A_411 = tpu.vector_load %arg11[%get3A_409, %get3A_410] {strides = array<i32>} : memref<128x64xf32, #tpu.memory_space<vmem>>, vector<1x16xf32>,
          %get3A_412 = vector.shape_cast %get3A_411 : vector<1x16xf32> to vector<16xf32>
          %mul3A_413 = vector.broadcast %squeeze3A_408 : f32 to vector<16xf32>
          %mul3A_414 = arith.mulf %get3A_412, %mul3A_413 : vector<16xf32>
          %swap3A_415 = arith.index_cast %add3A_406 : i32 to index
          %swap3A_416 = arith.constant 0 : index
          %swap3A_417 = tpu.vector_load %arg12[%swap3A_415, %swap3A_416] {strides = array<i32>} : memref<128x64xf32, #tpu.memory_space<vmem>>, vector<1x16xf32>,
          %swap3A_418 = vector.shape_cast %swap3A_417 : vector<1x16xf32> to vector<16xf32>
          %swap3A_419 = vector.shape_cast %mul3A_414 : vector<16xf32> to vector<1x16xf32>
          tpu.vector_store %arg12[%swap3A_415, %swap3A_416], %swap3A_419 {strides = array<i32>} : memref<128x64xf32, #tpu.memory_space<vmem>>, vector<1x16xf32>,
          %get3A_420 = arith.index_cast %add3A_406 : i32 to index
          %get3A_421 = arith.constant 16 : index
          %get3A_422 = tpu.vector_load %arg11[%get3A_420, %get3A_421] {strides = array<i32>} : memref<128x64xf32, #tpu.memory_space<vmem>>, vector<1x16xf32>,
          %get3A_423 = vector.shape_cast %get3A_422 : vector<1x16xf32> to vector<16xf32>
          %mul3A_424 = vector.broadcast %squeeze3A_408 : f32 to vector<16xf32>
          %mul3A_425 = arith.mulf %get3A_423, %mul3A_424 : vector<16xf32>
          %swap3A_426 = arith.index_cast %add3A_406 : i32 to index
          %swap3A_427 = arith.constant 16 : index
          %swap3A_428 = tpu.vector_load %arg12[%swap3A_426, %swap3A_427] {strides = array<i32>} : memref<128x64xf32, #tpu.memory_space<vmem>>, vector<1x16xf32>,
          %swap3A_429 = vector.shape_cast %swap3A_428 : vector<1x16xf32> to vector<16xf32>
          %swap3A_430 = vector.shape_cast %mul3A_425 : vector<16xf32> to vector<1x16xf32>
          tpu.vector_store %arg12[%swap3A_426, %swap3A_427], %swap3A_430 {strides = array<i32>} : memref<128x64xf32, #tpu.memory_space<vmem>>, vector<1x16xf32>,
          %get3A_431 = arith.index_cast %add3A_406 : i32 to index
          %get3A_432 = arith.constant 32 : index
          %get3A_433 = tpu.vector_load %arg11[%get3A_431, %get3A_432] {strides = array<i32>} : memref<128x64xf32, #tpu.memory_space<vmem>>, vector<1x16xf32>,
          %get3A_434 = vector.shape_cast %get3A_433 : vector<1x16xf32> to vector<16xf32>
          %mul3A_435 = vector.broadcast %squeeze3A_408 : f32 to vector<16xf32>
          %mul3A_436 = arith.mulf %get3A_434, %mul3A_435 : vector<16xf32>
          %swap3A_437 = arith.index_cast %add3A_406 : i32 to index
          %swap3A_438 = arith.constant 32 : index
          %swap3A_439 = tpu.vector_load %arg12[%swap3A_437, %swap3A_438] {strides = array<i32>} : memref<128x64xf32, #tpu.memory_space<vmem>>, vector<1x16xf32>,
          %swap3A_440 = vector.shape_cast %swap3A_439 : vector<1x16xf32> to vector<16xf32>
          %swap3A_441 = vector.shape_cast %mul3A_436 : vector<16xf32> to vector<1x16xf32>
          tpu.vector_store %arg12[%swap3A_437, %swap3A_438], %swap3A_441 {strides = array<i32>} : memref<128x64xf32, #tpu.memory_space<vmem>>, vector<1x16xf32>,
          %get3A_442 = arith.index_cast %add3A_406 : i32 to index
          %get3A_443 = arith.constant 48 : index
          %get3A_444 = tpu.vector_load %arg11[%get3A_442, %get3A_443] {strides = array<i32>} : memref<128x64xf32, #tpu.memory_space<vmem>>, vector<1x16xf32>,
          %get3A_445 = vector.shape_cast %get3A_444 : vector<1x16xf32> to vector<16xf32>
          %mul3A_446 = vector.broadcast %squeeze3A_408 : f32 to vector<16xf32>
          %mul3A_447 = arith.mulf %get3A_445, %mul3A_446 : vector<16xf32>
          %swap3A_448 = arith.index_cast %add3A_406 : i32 to index
          %swap3A_449 = arith.constant 48 : index
          %swap3A_450 = tpu.vector_load %arg12[%swap3A_448, %swap3A_449] {strides = array<i32>} : memref<128x64xf32, #tpu.memory_space<vmem>>, vector<1x16xf32>,
          %swap3A_451 = vector.shape_cast %swap3A_450 : vector<1x16xf32> to vector<16xf32>
          %swap3A_452 = vector.shape_cast %mul3A_447 : vector<16xf32> to vector<1x16xf32>
          tpu.vector_store %arg12[%swap3A_448, %swap3A_449], %swap3A_452 {strides = array<i32>} : memref<128x64xf32, #tpu.memory_space<vmem>>, vector<1x16xf32>,
          %mul3A_453 = arith.constant 16 : i32
          %mul3A_454 = arith.muli %scan3A_49, %mul3A_453 : i32
          %add3A_455 = arith.constant 8 : i32
          %add3A_456 = arith.addi %mul3A_454, %add3A_455 : i32
          %slice3A_457 = vector.extract_strided_slice %get3A_55 {offsets = [8], sizes = [1], strides = [1]} : vector<16xf32> to vector<1xf32>
          %squeeze3A_458 = vector.extract %slice3A_457[0] : f32 from vector<1xf32>
          %get3A_459 = arith.index_cast %add3A_456 : i32 to index
          %get3A_460 = arith.constant 0 : index
          %get3A_461 = tpu.vector_load %arg11[%get3A_459, %get3A_460] {strides = array<i32>} : memref<128x64xf32, #tpu.memory_space<vmem>>, vector<1x16xf32>,
          %get3A_462 = vector.shape_cast %get3A_461 : vector<1x16xf32> to vector<16xf32>
          %mul3A_463 = vector.broadcast %squeeze3A_458 : f32 to vector<16xf32>
          %mul3A_464 = arith.mulf %get3A_462, %mul3A_463 : vector<16xf32>
          %swap3A_465 = arith.index_cast %add3A_456 : i32 to index
          %swap3A_466 = arith.constant 0 : index
          %swap3A_467 = tpu.vector_load %arg12[%swap3A_465, %swap3A_466] {strides = array<i32>} : memref<128x64xf32, #tpu.memory_space<vmem>>, vector<1x16xf32>,
          %swap3A_468 = vector.shape_cast %swap3A_467 : vector<1x16xf32> to vector<16xf32>
          %swap3A_469 = vector.shape_cast %mul3A_464 : vector<16xf32> to vector<1x16xf32>
          tpu.vector_store %arg12[%swap3A_465, %swap3A_466], %swap3A_469 {strides = array<i32>} : memref<128x64xf32, #tpu.memory_space<vmem>>, vector<1x16xf32>,
          %get3A_470 = arith.index_cast %add3A_456 : i32 to index
          %get3A_471 = arith.constant 16 : index
          %get3A_472 = tpu.vector_load %arg11[%get3A_470, %get3A_471] {strides = array<i32>} : memref<128x64xf32, #tpu.memory_space<vmem>>, vector<1x16xf32>,
          %get3A_473 = vector.shape_cast %get3A_472 : vector<1x16xf32> to vector<16xf32>
          %mul3A_474 = vector.broadcast %squeeze3A_458 : f32 to vector<16xf32>
          %mul3A_475 = arith.mulf %get3A_473, %mul3A_474 : vector<16xf32>
          %swap3A_476 = arith.index_cast %add3A_456 : i32 to index
          %swap3A_477 = arith.constant 16 : index
          %swap3A_478 = tpu.vector_load %arg12[%swap3A_476, %swap3A_477] {strides = array<i32>} : memref<128x64xf32, #tpu.memory_space<vmem>>, vector<1x16xf32>,
          %swap3A_479 = vector.shape_cast %swap3A_478 : vector<1x16xf32> to vector<16xf32>
          %swap3A_480 = vector.shape_cast %mul3A_475 : vector<16xf32> to vector<1x16xf32>
          tpu.vector_store %arg12[%swap3A_476, %swap3A_477], %swap3A_480 {strides = array<i32>} : memref<128x64xf32, #tpu.memory_space<vmem>>, vector<1x16xf32>,
          %get3A_481 = arith.index_cast %add3A_456 : i32 to index
          %get3A_482 = arith.constant 32 : index
          %get3A_483 = tpu.vector_load %arg11[%get3A_481, %get3A_482] {strides = array<i32>} : memref<128x64xf32, #tpu.memory_space<vmem>>, vector<1x16xf32>,
          %get3A_484 = vector.shape_cast %get3A_483 : vector<1x16xf32> to vector<16xf32>
          %mul3A_485 = vector.broadcast %squeeze3A_458 : f32 to vector<16xf32>
          %mul3A_486 = arith.mulf %get3A_484, %mul3A_485 : vector<16xf32>
          %swap3A_487 = arith.index_cast %add3A_456 : i32 to index
          %swap3A_488 = arith.constant 32 : index
          %swap3A_489 = tpu.vector_load %arg12[%swap3A_487, %swap3A_488] {strides = array<i32>} : memref<128x64xf32, #tpu.memory_space<vmem>>, vector<1x16xf32>,
          %swap3A_490 = vector.shape_cast %swap3A_489 : vector<1x16xf32> to vector<16xf32>
          %swap3A_491 = vector.shape_cast %mul3A_486 : vector<16xf32> to vector<1x16xf32>
          tpu.vector_store %arg12[%swap3A_487, %swap3A_488], %swap3A_491 {strides = array<i32>} : memref<128x64xf32, #tpu.memory_space<vmem>>, vector<1x16xf32>,
          %get3A_492 = arith.index_cast %add3A_456 : i32 to index
          %get3A_493 = arith.constant 48 : index
          %get3A_494 = tpu.vector_load %arg11[%get3A_492, %get3A_493] {strides = array<i32>} : memref<128x64xf32, #tpu.memory_space<vmem>>, vector<1x16xf32>,
          %get3A_495 = vector.shape_cast %get3A_494 : vector<1x16xf32> to vector<16xf32>
          %mul3A_496 = vector.broadcast %squeeze3A_458 : f32 to vector<16xf32>
          %mul3A_497 = arith.mulf %get3A_495, %mul3A_496 : vector<16xf32>
          %swap3A_498 = arith.index_cast %add3A_456 : i32 to index
          %swap3A_499 = arith.constant 48 : index
          %swap3A_500 = tpu.vector_load %arg12[%swap3A_498, %swap3A_499] {strides = array<i32>} : memref<128x64xf32, #tpu.memory_space<vmem>>, vector<1x16xf32>,
          %swap3A_501 = vector.shape_cast %swap3A_500 : vector<1x16xf32> to vector<16xf32>
          %swap3A_502 = vector.shape_cast %mul3A_497 : vector<16xf32> to vector<1x16xf32>
          tpu.vector_store %arg12[%swap3A_498, %swap3A_499], %swap3A_502 {strides = array<i32>} : memref<128x64xf32, #tpu.memory_space<vmem>>, vector<1x16xf32>,
          %mul3A_503 = arith.constant 16 : i32
          %mul3A_504 = arith.muli %scan3A_49, %mul3A_503 : i32
          %add3A_505 = arith.constant 9 : i32
          %add3A_506 = arith.addi %mul3A_504, %add3A_505 : i32
          %slice3A_507 = vector.extract_strided_slice %get3A_55 {offsets = [9], sizes = [1], strides = [1]} : vector<16xf32> to vector<1xf32>
          %squeeze3A_508 = vector.extract %slice3A_507[0] : f32 from vector<1xf32>
          %get3A_509 = arith.index_cast %add3A_506 : i32 to index
          %get3A_510 = arith.constant 0 : index
          %get3A_511 = tpu.vector_load %arg11[%get3A_509, %get3A_510] {strides = array<i32>} : memref<128x64xf32, #tpu.memory_space<vmem>>, vector<1x16xf32>,
          %get3A_512 = vector.shape_cast %get3A_511 : vector<1x16xf32> to vector<16xf32>
          %mul3A_513 = vector.broadcast %squeeze3A_508 : f32 to vector<16xf32>
          %mul3A_514 = arith.mulf %get3A_512, %mul3A_513 : vector<16xf32>
          %swap3A_515 = arith.index_cast %add3A_506 : i32 to index
          %swap3A_516 = arith.constant 0 : index
          %swap3A_517 = tpu.vector_load %arg12[%swap3A_515, %swap3A_516] {strides = array<i32>} : memref<128x64xf32, #tpu.memory_space<vmem>>, vector<1x16xf32>,
          %swap3A_518 = vector.shape_cast %swap3A_517 : vector<1x16xf32> to vector<16xf32>
          %swap3A_519 = vector.shape_cast %mul3A_514 : vector<16xf32> to vector<1x16xf32>
          tpu.vector_store %arg12[%swap3A_515, %swap3A_516], %swap3A_519 {strides = array<i32>} : memref<128x64xf32, #tpu.memory_space<vmem>>, vector<1x16xf32>,
          %get3A_520 = arith.index_cast %add3A_506 : i32 to index
          %get3A_521 = arith.constant 16 : index
          %get3A_522 = tpu.vector_load %arg11[%get3A_520, %get3A_521] {strides = array<i32>} : memref<128x64xf32, #tpu.memory_space<vmem>>, vector<1x16xf32>,
          %get3A_523 = vector.shape_cast %get3A_522 : vector<1x16xf32> to vector<16xf32>
          %mul3A_524 = vector.broadcast %squeeze3A_508 : f32 to vector<16xf32>
          %mul3A_525 = arith.mulf %get3A_523, %mul3A_524 : vector<16xf32>
          %swap3A_526 = arith.index_cast %add3A_506 : i32 to index
          %swap3A_527 = arith.constant 16 : index
          %swap3A_528 = tpu.vector_load %arg12[%swap3A_526, %swap3A_527] {strides = array<i32>} : memref<128x64xf32, #tpu.memory_space<vmem>>, vector<1x16xf32>,
          %swap3A_529 = vector.shape_cast %swap3A_528 : vector<1x16xf32> to vector<16xf32>
          %swap3A_530 = vector.shape_cast %mul3A_525 : vector<16xf32> to vector<1x16xf32>
          tpu.vector_store %arg12[%swap3A_526, %swap3A_527], %swap3A_530 {strides = array<i32>} : memref<128x64xf32, #tpu.memory_space<vmem>>, vector<1x16xf32>,
          %get3A_531 = arith.index_cast %add3A_506 : i32 to index
          %get3A_532 = arith.constant 32 : index
          %get3A_533 = tpu.vector_load %arg11[%get3A_531, %get3A_532] {strides = array<i32>} : memref<128x64xf32, #tpu.memory_space<vmem>>, vector<1x16xf32>,
          %get3A_534 = vector.shape_cast %get3A_533 : vector<1x16xf32> to vector<16xf32>
          %mul3A_535 = vector.broadcast %squeeze3A_508 : f32 to vector<16xf32>
          %mul3A_536 = arith.mulf %get3A_534, %mul3A_535 : vector<16xf32>
          %swap3A_537 = arith.index_cast %add3A_506 : i32 to index
          %swap3A_538 = arith.constant 32 : index
          %swap3A_539 = tpu.vector_load %arg12[%swap3A_537, %swap3A_538] {strides = array<i32>} : memref<128x64xf32, #tpu.memory_space<vmem>>, vector<1x16xf32>,
          %swap3A_540 = vector.shape_cast %swap3A_539 : vector<1x16xf32> to vector<16xf32>
          %swap3A_541 = vector.shape_cast %mul3A_536 : vector<16xf32> to vector<1x16xf32>
          tpu.vector_store %arg12[%swap3A_537, %swap3A_538], %swap3A_541 {strides = array<i32>} : memref<128x64xf32, #tpu.memory_space<vmem>>, vector<1x16xf32>,
          %get3A_542 = arith.index_cast %add3A_506 : i32 to index
          %get3A_543 = arith.constant 48 : index
          %get3A_544 = tpu.vector_load %arg11[%get3A_542, %get3A_543] {strides = array<i32>} : memref<128x64xf32, #tpu.memory_space<vmem>>, vector<1x16xf32>,
          %get3A_545 = vector.shape_cast %get3A_544 : vector<1x16xf32> to vector<16xf32>
          %mul3A_546 = vector.broadcast %squeeze3A_508 : f32 to vector<16xf32>
          %mul3A_547 = arith.mulf %get3A_545, %mul3A_546 : vector<16xf32>
          %swap3A_548 = arith.index_cast %add3A_506 : i32 to index
          %swap3A_549 = arith.constant 48 : index
          %swap3A_550 = tpu.vector_load %arg12[%swap3A_548, %swap3A_549] {strides = array<i32>} : memref<128x64xf32, #tpu.memory_space<vmem>>, vector<1x16xf32>,
          %swap3A_551 = vector.shape_cast %swap3A_550 : vector<1x16xf32> to vector<16xf32>
          %swap3A_552 = vector.shape_cast %mul3A_547 : vector<16xf32> to vector<1x16xf32>
          tpu.vector_store %arg12[%swap3A_548, %swap3A_549], %swap3A_552 {strides = array<i32>} : memref<128x64xf32, #tpu.memory_space<vmem>>, vector<1x16xf32>,
          %mul3A_553 = arith.constant 16 : i32
          %mul3A_554 = arith.muli %scan3A_49, %mul3A_553 : i32
          %add3A_555 = arith.constant 10 : i32
          %add3A_556 = arith.addi %mul3A_554, %add3A_555 : i32
          %slice3A_557 = vector.extract_strided_slice %get3A_55 {offsets = [10], sizes = [1], strides = [1]} : vector<16xf32> to vector<1xf32>
          %squeeze3A_558 = vector.extract %slice3A_557[0] : f32 from vector<1xf32>
          %get3A_559 = arith.index_cast %add3A_556 : i32 to index
          %get3A_560 = arith.constant 0 : index
          %get3A_561 = tpu.vector_load %arg11[%get3A_559, %get3A_560] {strides = array<i32>} : memref<128x64xf32, #tpu.memory_space<vmem>>, vector<1x16xf32>,
          %get3A_562 = vector.shape_cast %get3A_561 : vector<1x16xf32> to vector<16xf32>
          %mul3A_563 = vector.broadcast %squeeze3A_558 : f32 to vector<16xf32>
          %mul3A_564 = arith.mulf %get3A_562, %mul3A_563 : vector<16xf32>
          %swap3A_565 = arith.index_cast %add3A_556 : i32 to index
          %swap3A_566 = arith.constant 0 : index
          %swap3A_567 = tpu.vector_load %arg12[%swap3A_565, %swap3A_566] {strides = array<i32>} : memref<128x64xf32, #tpu.memory_space<vmem>>, vector<1x16xf32>,
          %swap3A_568 = vector.shape_cast %swap3A_567 : vector<1x16xf32> to vector<16xf32>
          %swap3A_569 = vector.shape_cast %mul3A_564 : vector<16xf32> to vector<1x16xf32>
          tpu.vector_store %arg12[%swap3A_565, %swap3A_566], %swap3A_569 {strides = array<i32>} : memref<128x64xf32, #tpu.memory_space<vmem>>, vector<1x16xf32>,
          %get3A_570 = arith.index_cast %add3A_556 : i32 to index
          %get3A_571 = arith.constant 16 : index
          %get3A_572 = tpu.vector_load %arg11[%get3A_570, %get3A_571] {strides = array<i32>} : memref<128x64xf32, #tpu.memory_space<vmem>>, vector<1x16xf32>,
          %get3A_573 = vector.shape_cast %get3A_572 : vector<1x16xf32> to vector<16xf32>
          %mul3A_574 = vector.broadcast %squeeze3A_558 : f32 to vector<16xf32>
          %mul3A_575 = arith.mulf %get3A_573, %mul3A_574 : vector<16xf32>
          %swap3A_576 = arith.index_cast %add3A_556 : i32 to index
          %swap3A_577 = arith.constant 16 : index
          %swap3A_578 = tpu.vector_load %arg12[%swap3A_576, %swap3A_577] {strides = array<i32>} : memref<128x64xf32, #tpu.memory_space<vmem>>, vector<1x16xf32>,
          %swap3A_579 = vector.shape_cast %swap3A_578 : vector<1x16xf32> to vector<16xf32>
          %swap3A_580 = vector.shape_cast %mul3A_575 : vector<16xf32> to vector<1x16xf32>
          tpu.vector_store %arg12[%swap3A_576, %swap3A_577], %swap3A_580 {strides = array<i32>} : memref<128x64xf32, #tpu.memory_space<vmem>>, vector<1x16xf32>,
          %get3A_581 = arith.index_cast %add3A_556 : i32 to index
          %get3A_582 = arith.constant 32 : index
          %get3A_583 = tpu.vector_load %arg11[%get3A_581, %get3A_582] {strides = array<i32>} : memref<128x64xf32, #tpu.memory_space<vmem>>, vector<1x16xf32>,
          %get3A_584 = vector.shape_cast %get3A_583 : vector<1x16xf32> to vector<16xf32>
          %mul3A_585 = vector.broadcast %squeeze3A_558 : f32 to vector<16xf32>
          %mul3A_586 = arith.mulf %get3A_584, %mul3A_585 : vector<16xf32>
          %swap3A_587 = arith.index_cast %add3A_556 : i32 to index
          %swap3A_588 = arith.constant 32 : index
          %swap3A_589 = tpu.vector_load %arg12[%swap3A_587, %swap3A_588] {strides = array<i32>} : memref<128x64xf32, #tpu.memory_space<vmem>>, vector<1x16xf32>,
          %swap3A_590 = vector.shape_cast %swap3A_589 : vector<1x16xf32> to vector<16xf32>
          %swap3A_591 = vector.shape_cast %mul3A_586 : vector<16xf32> to vector<1x16xf32>
          tpu.vector_store %arg12[%swap3A_587, %swap3A_588], %swap3A_591 {strides = array<i32>} : memref<128x64xf32, #tpu.memory_space<vmem>>, vector<1x16xf32>,
          %get3A_592 = arith.index_cast %add3A_556 : i32 to index
          %get3A_593 = arith.constant 48 : index
          %get3A_594 = tpu.vector_load %arg11[%get3A_592, %get3A_593] {strides = array<i32>} : memref<128x64xf32, #tpu.memory_space<vmem>>, vector<1x16xf32>,
          %get3A_595 = vector.shape_cast %get3A_594 : vector<1x16xf32> to vector<16xf32>
          %mul3A_596 = vector.broadcast %squeeze3A_558 : f32 to vector<16xf32>
          %mul3A_597 = arith.mulf %get3A_595, %mul3A_596 : vector<16xf32>
          %swap3A_598 = arith.index_cast %add3A_556 : i32 to index
          %swap3A_599 = arith.constant 48 : index
          %swap3A_600 = tpu.vector_load %arg12[%swap3A_598, %swap3A_599] {strides = array<i32>} : memref<128x64xf32, #tpu.memory_space<vmem>>, vector<1x16xf32>,
          %swap3A_601 = vector.shape_cast %swap3A_600 : vector<1x16xf32> to vector<16xf32>
          %swap3A_602 = vector.shape_cast %mul3A_597 : vector<16xf32> to vector<1x16xf32>
          tpu.vector_store %arg12[%swap3A_598, %swap3A_599], %swap3A_602 {strides = array<i32>} : memref<128x64xf32, #tpu.memory_space<vmem>>, vector<1x16xf32>,
          %mul3A_603 = arith.constant 16 : i32
          %mul3A_604 = arith.muli %scan3A_49, %mul3A_603 : i32
          %add3A_605 = arith.constant 11 : i32
          %add3A_606 = arith.addi %mul3A_604, %add3A_605 : i32
          %slice3A_607 = vector.extract_strided_slice %get3A_55 {offsets = [11], sizes = [1], strides = [1]} : vector<16xf32> to vector<1xf32>
          %squeeze3A_608 = vector.extract %slice3A_607[0] : f32 from vector<1xf32>
          %get3A_609 = arith.index_cast %add3A_606 : i32 to index
          %get3A_610 = arith.constant 0 : index
          %get3A_611 = tpu.vector_load %arg11[%get3A_609, %get3A_610] {strides = array<i32>} : memref<128x64xf32, #tpu.memory_space<vmem>>, vector<1x16xf32>,
          %get3A_612 = vector.shape_cast %get3A_611 : vector<1x16xf32> to vector<16xf32>
          %mul3A_613 = vector.broadcast %squeeze3A_608 : f32 to vector<16xf32>
          %mul3A_614 = arith.mulf %get3A_612, %mul3A_613 : vector<16xf32>
          %swap3A_615 = arith.index_cast %add3A_606 : i32 to index
          %swap3A_616 = arith.constant 0 : index
          %swap3A_617 = tpu.vector_load %arg12[%swap3A_615, %swap3A_616] {strides = array<i32>} : memref<128x64xf32, #tpu.memory_space<vmem>>, vector<1x16xf32>,
          %swap3A_618 = vector.shape_cast %swap3A_617 : vector<1x16xf32> to vector<16xf32>
          %swap3A_619 = vector.shape_cast %mul3A_614 : vector<16xf32> to vector<1x16xf32>
          tpu.vector_store %arg12[%swap3A_615, %swap3A_616], %swap3A_619 {strides = array<i32>} : memref<128x64xf32, #tpu.memory_space<vmem>>, vector<1x16xf32>,
          %get3A_620 = arith.index_cast %add3A_606 : i32 to index
          %get3A_621 = arith.constant 16 : index
          %get3A_622 = tpu.vector_load %arg11[%get3A_620, %get3A_621] {strides = array<i32>} : memref<128x64xf32, #tpu.memory_space<vmem>>, vector<1x16xf32>,
          %get3A_623 = vector.shape_cast %get3A_622 : vector<1x16xf32> to vector<16xf32>
          %mul3A_624 = vector.broadcast %squeeze3A_608 : f32 to vector<16xf32>
          %mul3A_625 = arith.mulf %get3A_623, %mul3A_624 : vector<16xf32>
          %swap3A_626 = arith.index_cast %add3A_606 : i32 to index
          %swap3A_627 = arith.constant 16 : index
          %swap3A_628 = tpu.vector_load %arg12[%swap3A_626, %swap3A_627] {strides = array<i32>} : memref<128x64xf32, #tpu.memory_space<vmem>>, vector<1x16xf32>,
          %swap3A_629 = vector.shape_cast %swap3A_628 : vector<1x16xf32> to vector<16xf32>
          %swap3A_630 = vector.shape_cast %mul3A_625 : vector<16xf32> to vector<1x16xf32>
          tpu.vector_store %arg12[%swap3A_626, %swap3A_627], %swap3A_630 {strides = array<i32>} : memref<128x64xf32, #tpu.memory_space<vmem>>, vector<1x16xf32>,
          %get3A_631 = arith.index_cast %add3A_606 : i32 to index
          %get3A_632 = arith.constant 32 : index
          %get3A_633 = tpu.vector_load %arg11[%get3A_631, %get3A_632] {strides = array<i32>} : memref<128x64xf32, #tpu.memory_space<vmem>>, vector<1x16xf32>,
          %get3A_634 = vector.shape_cast %get3A_633 : vector<1x16xf32> to vector<16xf32>
          %mul3A_635 = vector.broadcast %squeeze3A_608 : f32 to vector<16xf32>
          %mul3A_636 = arith.mulf %get3A_634, %mul3A_635 : vector<16xf32>
          %swap3A_637 = arith.index_cast %add3A_606 : i32 to index
          %swap3A_638 = arith.constant 32 : index
          %swap3A_639 = tpu.vector_load %arg12[%swap3A_637, %swap3A_638] {strides = array<i32>} : memref<128x64xf32, #tpu.memory_space<vmem>>, vector<1x16xf32>,
          %swap3A_640 = vector.shape_cast %swap3A_639 : vector<1x16xf32> to vector<16xf32>
          %swap3A_641 = vector.shape_cast %mul3A_636 : vector<16xf32> to vector<1x16xf32>
          tpu.vector_store %arg12[%swap3A_637, %swap3A_638], %swap3A_641 {strides = array<i32>} : memref<128x64xf32, #tpu.memory_space<vmem>>, vector<1x16xf32>,
          %get3A_642 = arith.index_cast %add3A_606 : i32 to index
          %get3A_643 = arith.constant 48 : index
          %get3A_644 = tpu.vector_load %arg11[%get3A_642, %get3A_643] {strides = array<i32>} : memref<128x64xf32, #tpu.memory_space<vmem>>, vector<1x16xf32>,
          %get3A_645 = vector.shape_cast %get3A_644 : vector<1x16xf32> to vector<16xf32>
          %mul3A_646 = vector.broadcast %squeeze3A_608 : f32 to vector<16xf32>
          %mul3A_647 = arith.mulf %get3A_645, %mul3A_646 : vector<16xf32>
          %swap3A_648 = arith.index_cast %add3A_606 : i32 to index
          %swap3A_649 = arith.constant 48 : index
          %swap3A_650 = tpu.vector_load %arg12[%swap3A_648, %swap3A_649] {strides = array<i32>} : memref<128x64xf32, #tpu.memory_space<vmem>>, vector<1x16xf32>,
          %swap3A_651 = vector.shape_cast %swap3A_650 : vector<1x16xf32> to vector<16xf32>
          %swap3A_652 = vector.shape_cast %mul3A_647 : vector<16xf32> to vector<1x16xf32>
          tpu.vector_store %arg12[%swap3A_648, %swap3A_649], %swap3A_652 {strides = array<i32>} : memref<128x64xf32, #tpu.memory_space<vmem>>, vector<1x16xf32>,
          %mul3A_653 = arith.constant 16 : i32
          %mul3A_654 = arith.muli %scan3A_49, %mul3A_653 : i32
          %add3A_655 = arith.constant 12 : i32
          %add3A_656 = arith.addi %mul3A_654, %add3A_655 : i32
          %slice3A_657 = vector.extract_strided_slice %get3A_55 {offsets = [12], sizes = [1], strides = [1]} : vector<16xf32> to vector<1xf32>
          %squeeze3A_658 = vector.extract %slice3A_657[0] : f32 from vector<1xf32>
          %get3A_659 = arith.index_cast %add3A_656 : i32 to index
          %get3A_660 = arith.constant 0 : index
          %get3A_661 = tpu.vector_load %arg11[%get3A_659, %get3A_660] {strides = array<i32>} : memref<128x64xf32, #tpu.memory_space<vmem>>, vector<1x16xf32>,
          %get3A_662 = vector.shape_cast %get3A_661 : vector<1x16xf32> to vector<16xf32>
          %mul3A_663 = vector.broadcast %squeeze3A_658 : f32 to vector<16xf32>
          %mul3A_664 = arith.mulf %get3A_662, %mul3A_663 : vector<16xf32>
          %swap3A_665 = arith.index_cast %add3A_656 : i32 to index
          %swap3A_666 = arith.constant 0 : index
          %swap3A_667 = tpu.vector_load %arg12[%swap3A_665, %swap3A_666] {strides = array<i32>} : memref<128x64xf32, #tpu.memory_space<vmem>>, vector<1x16xf32>,
          %swap3A_668 = vector.shape_cast %swap3A_667 : vector<1x16xf32> to vector<16xf32>
          %swap3A_669 = vector.shape_cast %mul3A_664 : vector<16xf32> to vector<1x16xf32>
          tpu.vector_store %arg12[%swap3A_665, %swap3A_666], %swap3A_669 {strides = array<i32>} : memref<128x64xf32, #tpu.memory_space<vmem>>, vector<1x16xf32>,
          %get3A_670 = arith.index_cast %add3A_656 : i32 to index
          %get3A_671 = arith.constant 16 : index
          %get3A_672 = tpu.vector_load %arg11[%get3A_670, %get3A_671] {strides = array<i32>} : memref<128x64xf32, #tpu.memory_space<vmem>>, vector<1x16xf32>,
          %get3A_673 = vector.shape_cast %get3A_672 : vector<1x16xf32> to vector<16xf32>
          %mul3A_674 = vector.broadcast %squeeze3A_658 : f32 to vector<16xf32>
          %mul3A_675 = arith.mulf %get3A_673, %mul3A_674 : vector<16xf32>
          %swap3A_676 = arith.index_cast %add3A_656 : i32 to index
          %swap3A_677 = arith.constant 16 : index
          %swap3A_678 = tpu.vector_load %arg12[%swap3A_676, %swap3A_677] {strides = array<i32>} : memref<128x64xf32, #tpu.memory_space<vmem>>, vector<1x16xf32>,
          %swap3A_679 = vector.shape_cast %swap3A_678 : vector<1x16xf32> to vector<16xf32>
          %swap3A_680 = vector.shape_cast %mul3A_675 : vector<16xf32> to vector<1x16xf32>
          tpu.vector_store %arg12[%swap3A_676, %swap3A_677], %swap3A_680 {strides = array<i32>} : memref<128x64xf32, #tpu.memory_space<vmem>>, vector<1x16xf32>,
          %get3A_681 = arith.index_cast %add3A_656 : i32 to index
          %get3A_682 = arith.constant 32 : index
          %get3A_683 = tpu.vector_load %arg11[%get3A_681, %get3A_682] {strides = array<i32>} : memref<128x64xf32, #tpu.memory_space<vmem>>, vector<1x16xf32>,
          %get3A_684 = vector.shape_cast %get3A_683 : vector<1x16xf32> to vector<16xf32>
          %mul3A_685 = vector.broadcast %squeeze3A_658 : f32 to vector<16xf32>
          %mul3A_686 = arith.mulf %get3A_684, %mul3A_685 : vector<16xf32>
          %swap3A_687 = arith.index_cast %add3A_656 : i32 to index
          %swap3A_688 = arith.constant 32 : index
          %swap3A_689 = tpu.vector_load %arg12[%swap3A_687, %swap3A_688] {strides = array<i32>} : memref<128x64xf32, #tpu.memory_space<vmem>>, vector<1x16xf32>,
          %swap3A_690 = vector.shape_cast %swap3A_689 : vector<1x16xf32> to vector<16xf32>
          %swap3A_691 = vector.shape_cast %mul3A_686 : vector<16xf32> to vector<1x16xf32>
          tpu.vector_store %arg12[%swap3A_687, %swap3A_688], %swap3A_691 {strides = array<i32>} : memref<128x64xf32, #tpu.memory_space<vmem>>, vector<1x16xf32>,
          %get3A_692 = arith.index_cast %add3A_656 : i32 to index
          %get3A_693 = arith.constant 48 : index
          %get3A_694 = tpu.vector_load %arg11[%get3A_692, %get3A_693] {strides = array<i32>} : memref<128x64xf32, #tpu.memory_space<vmem>>, vector<1x16xf32>,
          %get3A_695 = vector.shape_cast %get3A_694 : vector<1x16xf32> to vector<16xf32>
          %mul3A_696 = vector.broadcast %squeeze3A_658 : f32 to vector<16xf32>
          %mul3A_697 = arith.mulf %get3A_695, %mul3A_696 : vector<16xf32>
          %swap3A_698 = arith.index_cast %add3A_656 : i32 to index
          %swap3A_699 = arith.constant 48 : index
          %swap3A_700 = tpu.vector_load %arg12[%swap3A_698, %swap3A_699] {strides = array<i32>} : memref<128x64xf32, #tpu.memory_space<vmem>>, vector<1x16xf32>,
          %swap3A_701 = vector.shape_cast %swap3A_700 : vector<1x16xf32> to vector<16xf32>
          %swap3A_702 = vector.shape_cast %mul3A_697 : vector<16xf32> to vector<1x16xf32>
          tpu.vector_store %arg12[%swap3A_698, %swap3A_699], %swap3A_702 {strides = array<i32>} : memref<128x64xf32, #tpu.memory_space<vmem>>, vector<1x16xf32>,
          %mul3A_703 = arith.constant 16 : i32
          %mul3A_704 = arith.muli %scan3A_49, %mul3A_703 : i32
          %add3A_705 = arith.constant 13 : i32
          %add3A_706 = arith.addi %mul3A_704, %add3A_705 : i32
          %slice3A_707 = vector.extract_strided_slice %get3A_55 {offsets = [13], sizes = [1], strides = [1]} : vector<16xf32> to vector<1xf32>
          %squeeze3A_708 = vector.extract %slice3A_707[0] : f32 from vector<1xf32>
          %get3A_709 = arith.index_cast %add3A_706 : i32 to index
          %get3A_710 = arith.constant 0 : index
          %get3A_711 = tpu.vector_load %arg11[%get3A_709, %get3A_710] {strides = array<i32>} : memref<128x64xf32, #tpu.memory_space<vmem>>, vector<1x16xf32>,
          %get3A_712 = vector.shape_cast %get3A_711 : vector<1x16xf32> to vector<16xf32>
          %mul3A_713 = vector.broadcast %squeeze3A_708 : f32 to vector<16xf32>
          %mul3A_714 = arith.mulf %get3A_712, %mul3A_713 : vector<16xf32>
          %swap3A_715 = arith.index_cast %add3A_706 : i32 to index
          %swap3A_716 = arith.constant 0 : index
          %swap3A_717 = tpu.vector_load %arg12[%swap3A_715, %swap3A_716] {strides = array<i32>} : memref<128x64xf32, #tpu.memory_space<vmem>>, vector<1x16xf32>,
          %swap3A_718 = vector.shape_cast %swap3A_717 : vector<1x16xf32> to vector<16xf32>
          %swap3A_719 = vector.shape_cast %mul3A_714 : vector<16xf32> to vector<1x16xf32>
          tpu.vector_store %arg12[%swap3A_715, %swap3A_716], %swap3A_719 {strides = array<i32>} : memref<128x64xf32, #tpu.memory_space<vmem>>, vector<1x16xf32>,
          %get3A_720 = arith.index_cast %add3A_706 : i32 to index
          %get3A_721 = arith.constant 16 : index
          %get3A_722 = tpu.vector_load %arg11[%get3A_720, %get3A_721] {strides = array<i32>} : memref<128x64xf32, #tpu.memory_space<vmem>>, vector<1x16xf32>,
          %get3A_723 = vector.shape_cast %get3A_722 : vector<1x16xf32> to vector<16xf32>
          %mul3A_724 = vector.broadcast %squeeze3A_708 : f32 to vector<16xf32>
          %mul3A_725 = arith.mulf %get3A_723, %mul3A_724 : vector<16xf32>
          %swap3A_726 = arith.index_cast %add3A_706 : i32 to index
          %swap3A_727 = arith.constant 16 : index
          %swap3A_728 = tpu.vector_load %arg12[%swap3A_726, %swap3A_727] {strides = array<i32>} : memref<128x64xf32, #tpu.memory_space<vmem>>, vector<1x16xf32>,
          %swap3A_729 = vector.shape_cast %swap3A_728 : vector<1x16xf32> to vector<16xf32>
          %swap3A_730 = vector.shape_cast %mul3A_725 : vector<16xf32> to vector<1x16xf32>
          tpu.vector_store %arg12[%swap3A_726, %swap3A_727], %swap3A_730 {strides = array<i32>} : memref<128x64xf32, #tpu.memory_space<vmem>>, vector<1x16xf32>,
          %get3A_731 = arith.index_cast %add3A_706 : i32 to index
          %get3A_732 = arith.constant 32 : index
          %get3A_733 = tpu.vector_load %arg11[%get3A_731, %get3A_732] {strides = array<i32>} : memref<128x64xf32, #tpu.memory_space<vmem>>, vector<1x16xf32>,
          %get3A_734 = vector.shape_cast %get3A_733 : vector<1x16xf32> to vector<16xf32>
          %mul3A_735 = vector.broadcast %squeeze3A_708 : f32 to vector<16xf32>
          %mul3A_736 = arith.mulf %get3A_734, %mul3A_735 : vector<16xf32>
          %swap3A_737 = arith.index_cast %add3A_706 : i32 to index
          %swap3A_738 = arith.constant 32 : index
          %swap3A_739 = tpu.vector_load %arg12[%swap3A_737, %swap3A_738] {strides = array<i32>} : memref<128x64xf32, #tpu.memory_space<vmem>>, vector<1x16xf32>,
          %swap3A_740 = vector.shape_cast %swap3A_739 : vector<1x16xf32> to vector<16xf32>
          %swap3A_741 = vector.shape_cast %mul3A_736 : vector<16xf32> to vector<1x16xf32>
          tpu.vector_store %arg12[%swap3A_737, %swap3A_738], %swap3A_741 {strides = array<i32>} : memref<128x64xf32, #tpu.memory_space<vmem>>, vector<1x16xf32>,
          %get3A_742 = arith.index_cast %add3A_706 : i32 to index
          %get3A_743 = arith.constant 48 : index
          %get3A_744 = tpu.vector_load %arg11[%get3A_742, %get3A_743] {strides = array<i32>} : memref<128x64xf32, #tpu.memory_space<vmem>>, vector<1x16xf32>,
          %get3A_745 = vector.shape_cast %get3A_744 : vector<1x16xf32> to vector<16xf32>
          %mul3A_746 = vector.broadcast %squeeze3A_708 : f32 to vector<16xf32>
          %mul3A_747 = arith.mulf %get3A_745, %mul3A_746 : vector<16xf32>
          %swap3A_748 = arith.index_cast %add3A_706 : i32 to index
          %swap3A_749 = arith.constant 48 : index
          %swap3A_750 = tpu.vector_load %arg12[%swap3A_748, %swap3A_749] {strides = array<i32>} : memref<128x64xf32, #tpu.memory_space<vmem>>, vector<1x16xf32>,
          %swap3A_751 = vector.shape_cast %swap3A_750 : vector<1x16xf32> to vector<16xf32>
          %swap3A_752 = vector.shape_cast %mul3A_747 : vector<16xf32> to vector<1x16xf32>
          tpu.vector_store %arg12[%swap3A_748, %swap3A_749], %swap3A_752 {strides = array<i32>} : memref<128x64xf32, #tpu.memory_space<vmem>>, vector<1x16xf32>,
          %mul3A_753 = arith.constant 16 : i32
          %mul3A_754 = arith.muli %scan3A_49, %mul3A_753 : i32
          %add3A_755 = arith.constant 14 : i32
          %add3A_756 = arith.addi %mul3A_754, %add3A_755 : i32
          %slice3A_757 = vector.extract_strided_slice %get3A_55 {offsets = [14], sizes = [1], strides = [1]} : vector<16xf32> to vector<1xf32>
          %squeeze3A_758 = vector.extract %slice3A_757[0] : f32 from vector<1xf32>
          %get3A_759 = arith.index_cast %add3A_756 : i32 to index
          %get3A_760 = arith.constant 0 : index
          %get3A_761 = tpu.vector_load %arg11[%get3A_759, %get3A_760] {strides = array<i32>} : memref<128x64xf32, #tpu.memory_space<vmem>>, vector<1x16xf32>,
          %get3A_762 = vector.shape_cast %get3A_761 : vector<1x16xf32> to vector<16xf32>
          %mul3A_763 = vector.broadcast %squeeze3A_758 : f32 to vector<16xf32>
          %mul3A_764 = arith.mulf %get3A_762, %mul3A_763 : vector<16xf32>
          %swap3A_765 = arith.index_cast %add3A_756 : i32 to index
          %swap3A_766 = arith.constant 0 : index
          %swap3A_767 = tpu.vector_load %arg12[%swap3A_765, %swap3A_766] {strides = array<i32>} : memref<128x64xf32, #tpu.memory_space<vmem>>, vector<1x16xf32>,
          %swap3A_768 = vector.shape_cast %swap3A_767 : vector<1x16xf32> to vector<16xf32>
          %swap3A_769 = vector.shape_cast %mul3A_764 : vector<16xf32> to vector<1x16xf32>
          tpu.vector_store %arg12[%swap3A_765, %swap3A_766], %swap3A_769 {strides = array<i32>} : memref<128x64xf32, #tpu.memory_space<vmem>>, vector<1x16xf32>,
          %get3A_770 = arith.index_cast %add3A_756 : i32 to index
          %get3A_771 = arith.constant 16 : index
          %get3A_772 = tpu.vector_load %arg11[%get3A_770, %get3A_771] {strides = array<i32>} : memref<128x64xf32, #tpu.memory_space<vmem>>, vector<1x16xf32>,
          %get3A_773 = vector.shape_cast %get3A_772 : vector<1x16xf32> to vector<16xf32>
          %mul3A_774 = vector.broadcast %squeeze3A_758 : f32 to vector<16xf32>
          %mul3A_775 = arith.mulf %get3A_773, %mul3A_774 : vector<16xf32>
          %swap3A_776 = arith.index_cast %add3A_756 : i32 to index
          %swap3A_777 = arith.constant 16 : index
          %swap3A_778 = tpu.vector_load %arg12[%swap3A_776, %swap3A_777] {strides = array<i32>} : memref<128x64xf32, #tpu.memory_space<vmem>>, vector<1x16xf32>,
          %swap3A_779 = vector.shape_cast %swap3A_778 : vector<1x16xf32> to vector<16xf32>
          %swap3A_780 = vector.shape_cast %mul3A_775 : vector<16xf32> to vector<1x16xf32>
          tpu.vector_store %arg12[%swap3A_776, %swap3A_777], %swap3A_780 {strides = array<i32>} : memref<128x64xf32, #tpu.memory_space<vmem>>, vector<1x16xf32>,
          %get3A_781 = arith.index_cast %add3A_756 : i32 to index
          %get3A_782 = arith.constant 32 : index
          %get3A_783 = tpu.vector_load %arg11[%get3A_781, %get3A_782] {strides = array<i32>} : memref<128x64xf32, #tpu.memory_space<vmem>>, vector<1x16xf32>,
          %get3A_784 = vector.shape_cast %get3A_783 : vector<1x16xf32> to vector<16xf32>
          %mul3A_785 = vector.broadcast %squeeze3A_758 : f32 to vector<16xf32>
          %mul3A_786 = arith.mulf %get3A_784, %mul3A_785 : vector<16xf32>
          %swap3A_787 = arith.index_cast %add3A_756 : i32 to index
          %swap3A_788 = arith.constant 32 : index
          %swap3A_789 = tpu.vector_load %arg12[%swap3A_787, %swap3A_788] {strides = array<i32>} : memref<128x64xf32, #tpu.memory_space<vmem>>, vector<1x16xf32>,
          %swap3A_790 = vector.shape_cast %swap3A_789 : vector<1x16xf32> to vector<16xf32>
          %swap3A_791 = vector.shape_cast %mul3A_786 : vector<16xf32> to vector<1x16xf32>
          tpu.vector_store %arg12[%swap3A_787, %swap3A_788], %swap3A_791 {strides = array<i32>} : memref<128x64xf32, #tpu.memory_space<vmem>>, vector<1x16xf32>,
          %get3A_792 = arith.index_cast %add3A_756 : i32 to index
          %get3A_793 = arith.constant 48 : index
          %get3A_794 = tpu.vector_load %arg11[%get3A_792, %get3A_793] {strides = array<i32>} : memref<128x64xf32, #tpu.memory_space<vmem>>, vector<1x16xf32>,
          %get3A_795 = vector.shape_cast %get3A_794 : vector<1x16xf32> to vector<16xf32>
          %mul3A_796 = vector.broadcast %squeeze3A_758 : f32 to vector<16xf32>
          %mul3A_797 = arith.mulf %get3A_795, %mul3A_796 : vector<16xf32>
          %swap3A_798 = arith.index_cast %add3A_756 : i32 to index
          %swap3A_799 = arith.constant 48 : index
          %swap3A_800 = tpu.vector_load %arg12[%swap3A_798, %swap3A_799] {strides = array<i32>} : memref<128x64xf32, #tpu.memory_space<vmem>>, vector<1x16xf32>,
          %swap3A_801 = vector.shape_cast %swap3A_800 : vector<1x16xf32> to vector<16xf32>
          %swap3A_802 = vector.shape_cast %mul3A_797 : vector<16xf32> to vector<1x16xf32>
          tpu.vector_store %arg12[%swap3A_798, %swap3A_799], %swap3A_802 {strides = array<i32>} : memref<128x64xf32, #tpu.memory_space<vmem>>, vector<1x16xf32>,
          %mul3A_803 = arith.constant 16 : i32
          %mul3A_804 = arith.muli %scan3A_49, %mul3A_803 : i32
          %add3A_805 = arith.constant 15 : i32
          %add3A_806 = arith.addi %mul3A_804, %add3A_805 : i32
          %slice3A_807 = vector.extract_strided_slice %get3A_55 {offsets = [15], sizes = [1], strides = [1]} : vector<16xf32> to vector<1xf32>
          %squeeze3A_808 = vector.extract %slice3A_807[0] : f32 from vector<1xf32>
          %get3A_809 = arith.index_cast %add3A_806 : i32 to index
          %get3A_810 = arith.constant 0 : index
          %get3A_811 = tpu.vector_load %arg11[%get3A_809, %get3A_810] {strides = array<i32>} : memref<128x64xf32, #tpu.memory_space<vmem>>, vector<1x16xf32>,
          %get3A_812 = vector.shape_cast %get3A_811 : vector<1x16xf32> to vector<16xf32>
          %mul3A_813 = vector.broadcast %squeeze3A_808 : f32 to vector<16xf32>
          %mul3A_814 = arith.mulf %get3A_812, %mul3A_813 : vector<16xf32>
          %swap3A_815 = arith.index_cast %add3A_806 : i32 to index
          %swap3A_816 = arith.constant 0 : index
          %swap3A_817 = tpu.vector_load %arg12[%swap3A_815, %swap3A_816] {strides = array<i32>} : memref<128x64xf32, #tpu.memory_space<vmem>>, vector<1x16xf32>,
          %swap3A_818 = vector.shape_cast %swap3A_817 : vector<1x16xf32> to vector<16xf32>
          %swap3A_819 = vector.shape_cast %mul3A_814 : vector<16xf32> to vector<1x16xf32>
          tpu.vector_store %arg12[%swap3A_815, %swap3A_816], %swap3A_819 {strides = array<i32>} : memref<128x64xf32, #tpu.memory_space<vmem>>, vector<1x16xf32>,
          %get3A_820 = arith.index_cast %add3A_806 : i32 to index
          %get3A_821 = arith.constant 16 : index
          %get3A_822 = tpu.vector_load %arg11[%get3A_820, %get3A_821] {strides = array<i32>} : memref<128x64xf32, #tpu.memory_space<vmem>>, vector<1x16xf32>,
          %get3A_823 = vector.shape_cast %get3A_822 : vector<1x16xf32> to vector<16xf32>
          %mul3A_824 = vector.broadcast %squeeze3A_808 : f32 to vector<16xf32>
          %mul3A_825 = arith.mulf %get3A_823, %mul3A_824 : vector<16xf32>
          %swap3A_826 = arith.index_cast %add3A_806 : i32 to index
          %swap3A_827 = arith.constant 16 : index
          %swap3A_828 = tpu.vector_load %arg12[%swap3A_826, %swap3A_827] {strides = array<i32>} : memref<128x64xf32, #tpu.memory_space<vmem>>, vector<1x16xf32>,
          %swap3A_829 = vector.shape_cast %swap3A_828 : vector<1x16xf32> to vector<16xf32>
          %swap3A_830 = vector.shape_cast %mul3A_825 : vector<16xf32> to vector<1x16xf32>
          tpu.vector_store %arg12[%swap3A_826, %swap3A_827], %swap3A_830 {strides = array<i32>} : memref<128x64xf32, #tpu.memory_space<vmem>>, vector<1x16xf32>,
          %get3A_831 = arith.index_cast %add3A_806 : i32 to index
          %get3A_832 = arith.constant 32 : index
          %get3A_833 = tpu.vector_load %arg11[%get3A_831, %get3A_832] {strides = array<i32>} : memref<128x64xf32, #tpu.memory_space<vmem>>, vector<1x16xf32>,
          %get3A_834 = vector.shape_cast %get3A_833 : vector<1x16xf32> to vector<16xf32>
          %mul3A_835 = vector.broadcast %squeeze3A_808 : f32 to vector<16xf32>
          %mul3A_836 = arith.mulf %get3A_834, %mul3A_835 : vector<16xf32>
          %swap3A_837 = arith.index_cast %add3A_806 : i32 to index
          %swap3A_838 = arith.constant 32 : index
          %swap3A_839 = tpu.vector_load %arg12[%swap3A_837, %swap3A_838] {strides = array<i32>} : memref<128x64xf32, #tpu.memory_space<vmem>>, vector<1x16xf32>,
          %swap3A_840 = vector.shape_cast %swap3A_839 : vector<1x16xf32> to vector<16xf32>
          %swap3A_841 = vector.shape_cast %mul3A_836 : vector<16xf32> to vector<1x16xf32>
          tpu.vector_store %arg12[%swap3A_837, %swap3A_838], %swap3A_841 {strides = array<i32>} : memref<128x64xf32, #tpu.memory_space<vmem>>, vector<1x16xf32>,
          %get3A_842 = arith.index_cast %add3A_806 : i32 to index
          %get3A_843 = arith.constant 48 : index
          %get3A_844 = tpu.vector_load %arg11[%get3A_842, %get3A_843] {strides = array<i32>} : memref<128x64xf32, #tpu.memory_space<vmem>>, vector<1x16xf32>,
          %get3A_845 = vector.shape_cast %get3A_844 : vector<1x16xf32> to vector<16xf32>
          %mul3A_846 = vector.broadcast %squeeze3A_808 : f32 to vector<16xf32>
          %mul3A_847 = arith.mulf %get3A_845, %mul3A_846 : vector<16xf32>
          %swap3A_848 = arith.index_cast %add3A_806 : i32 to index
          %swap3A_849 = arith.constant 48 : index
          %swap3A_850 = tpu.vector_load %arg12[%swap3A_848, %swap3A_849] {strides = array<i32>} : memref<128x64xf32, #tpu.memory_space<vmem>>, vector<1x16xf32>,
          %swap3A_851 = vector.shape_cast %swap3A_850 : vector<1x16xf32> to vector<16xf32>
          %swap3A_852 = vector.shape_cast %mul3A_847 : vector<16xf32> to vector<1x16xf32>
          tpu.vector_store %arg12[%swap3A_848, %swap3A_849], %swap3A_852 {strides = array<i32>} : memref<128x64xf32, #tpu.memory_space<vmem>>, vector<1x16xf32>,
          %scan3A_853 = arith.constant 0 : i32
          scf.yield %scan3A_853 : i32
        }
        %scan3A_47 = arith.constant 8 : i32
        "tpu.region"() ({
          %run_scoped3A = tpu.sem_alloc : memref<!tpu.dma_semaphore, #tpu.memory_space<semaphore_mem>>
          %dma_start3A_49 = arith.constant 0 : i32
          %dma_start3A_50 = tpu.memref_slice %arg9[%scan3A_29, %dma_start3A_49] : memref<8x128xi32, #tpu.memory_space<vmem>> -> memref<1x128xi32, #tpu.memory_space<vmem>>
          %dma_start3A_51 = tpu.memref_squeeze %dma_start3A_50 : memref<1x128xi32, #tpu.memory_space<vmem>> -> memref<128xi32, #tpu.memory_space<vmem>>
          %dma_start3A_52 = arith.constant 0 : i32
          %dma_start3A_53 = arith.constant 0 : i32
          %dma_start3A_54 = tpu.memref_slice %arg13[%dma_start3A_52, %dma_start3A_53] : memref<16384x64xf32, #tpu.memory_space<vmem_shared>> -> memref<16384x64xf32, #tpu.memory_space<vmem_shared>>
          tpu.enqueue_indirect_dma source(%arg12 : memref<128x64xf32, #tpu.memory_space<vmem>>) target(%dma_start3A_54 : memref<16384x64xf32, #tpu.memory_space<vmem_shared>>) offsets(%dma_start3A_51 : memref<128xi32, #tpu.memory_space<vmem>>) semaphore(%run_scoped3A : memref<!tpu.dma_semaphore, #tpu.memory_space<semaphore_mem>>) {add = true}
          %dma_wait3A_55 = arith.constant 0 : i32
          %dma_wait3A_56 = tpu.memref_slice %arg9[%scan3A_29, %dma_wait3A_55] : memref<8x128xi32, #tpu.memory_space<vmem>> -> memref<1x128xi32, #tpu.memory_space<vmem>>
          %dma_wait3A_57 = tpu.memref_squeeze %dma_wait3A_56 : memref<1x128xi32, #tpu.memory_space<vmem>> -> memref<128xi32, #tpu.memory_space<vmem>>
          %dma_wait3A_58 = arith.constant 0 : i32
          %dma_wait3A_59 = arith.constant 0 : i32
          %dma_wait3A_60 = tpu.memref_slice %arg13[%dma_wait3A_58, %dma_wait3A_59] : memref<16384x64xf32, #tpu.memory_space<vmem_shared>> -> memref<16384x64xf32, #tpu.memory_space<vmem_shared>>
          tpu.wait_indirect_dma semaphore(%run_scoped3A : memref<!tpu.dma_semaphore, #tpu.memory_space<semaphore_mem>>) src(%arg12 : memref<128x64xf32, #tpu.memory_space<vmem>>) dst(%dma_wait3A_60 : memref<16384x64xf32, #tpu.memory_space<vmem_shared>>)
          tpu.yield
        }) : () -> ()
        %scan3A_48 = arith.constant 0 : i32
        scf.yield %scan3A_48 : i32
      }
      %scan3A_27 = arith.constant 8 : i32
      %scan3A_28 = arith.constant 0 : i32
      scf.yield %scan3A_28 : i32
    }
    %scan3A_10 = arith.constant 80 : i32
    %barrier3A_11 = arith.constant 0 : index
    tpu.barrier barrier_id(%barrier3A_11)
    %mul3A_12 = arith.constant 1024 : i32
    %mul3A_13 = arith.muli %arg1, %mul3A_12 : i32
    %mul3A_14 = arith.constant 1024 : i32
    %mul3A_15 = arith.muli %arg1, %mul3A_14 : i32
    "tpu.region"() ({
      %run_scoped3A = tpu.sem_alloc : memref<!tpu.dma_semaphore, #tpu.memory_space<semaphore_mem>>
      %dma_start3A = arith.constant 0 : i32
      %dma_start3A_16 = tpu.memref_slice %arg7[%arg0, %mul3A_15, %dma_start3A] : memref<2x16384x64xf32, #tpu.memory_space<hbm>> -> memref<1x1024x64xf32, #tpu.memory_space<hbm>>
      %dma_start3A_17 = tpu.memref_squeeze %dma_start3A_16 : memref<1x1024x64xf32, #tpu.memory_space<hbm>> -> memref<1024x64xf32, #tpu.memory_space<hbm>>
      %dma_start3A_18 = arith.constant 0 : i32
      %dma_start3A_19 = tpu.memref_slice %arg13[%mul3A_13, %dma_start3A_18] : memref<16384x64xf32, #tpu.memory_space<vmem_shared>> -> memref<1024x64xf32, #tpu.memory_space<vmem_shared>>
      tpu.enqueue_dma source(%dma_start3A_19 : memref<1024x64xf32, #tpu.memory_space<vmem_shared>>) target(%dma_start3A_17 : memref<1024x64xf32, #tpu.memory_space<hbm>>) target_semaphore(%run_scoped3A : memref<!tpu.dma_semaphore, #tpu.memory_space<semaphore_mem>>)
      %dma_wait3A = arith.constant 0 : i32
      %dma_wait3A_20 = tpu.memref_slice %arg7[%arg0, %mul3A_15, %dma_wait3A] : memref<2x16384x64xf32, #tpu.memory_space<hbm>> -> memref<1x1024x64xf32, #tpu.memory_space<hbm>>
      %dma_wait3A_21 = tpu.memref_squeeze %dma_wait3A_20 : memref<1x1024x64xf32, #tpu.memory_space<hbm>> -> memref<1024x64xf32, #tpu.memory_space<hbm>>
      %dma_wait3A_22 = arith.constant 0 : i32
      %dma_wait3A_23 = tpu.memref_slice %arg13[%mul3A_13, %dma_wait3A_22] : memref<16384x64xf32, #tpu.memory_space<vmem_shared>> -> memref<1024x64xf32, #tpu.memory_space<vmem_shared>>
      tpu.wait_dma2 semaphore(%run_scoped3A : memref<!tpu.dma_semaphore, #tpu.memory_space<semaphore_mem>>) src(%dma_wait3A_23 : memref<1024x64xf32, #tpu.memory_space<vmem_shared>>) dst(%dma_wait3A_21 : memref<1024x64xf32, #tpu.memory_space<hbm>>)
      tpu.yield
    }) : () -> ()
    return
  }
}

#map = affine_map<(d0, d1) -> (0, 0)>
#map1 = affine_map<(d0, d1) -> (0, 0, 0)>
module attributes {stable_mosaic.version = 14 : i64} {
  func.func @_sc_spmm(%arg0: i32, %arg1: i32, %arg2: memref<16384x64xf32, #tpu.memory_space<hbm>>, %arg3: memref<20480x128xi32, #tpu.memory_space<hbm>>, %arg4: memref<20480x128xi32, #tpu.memory_space<hbm>>, %arg5: memref<20480x128xf32, #tpu.memory_space<hbm>>, %arg6: memref<1024x64xf32, #tpu.memory_space<hbm>>, %arg7: memref<2x16384x64xf32, #tpu.memory_space<hbm>>, %arg8: memref<8x128xi32, #tpu.memory_space<vmem>>, %arg9: memref<8x128xi32, #tpu.memory_space<vmem>>, %arg10: memref<8x128xf32, #tpu.memory_space<vmem>>, %arg11: memref<128x64xf32, #tpu.memory_space<vmem>>, %arg12: memref<128x64xf32, #tpu.memory_space<vmem>>, %arg13: memref<16384x64xf32, #tpu.memory_space<vmem_shared>>, %arg14: memref<!tpu.dma_semaphore, #tpu.memory_space<semaphore_mem>>) attributes {dimension_semantics = [#tpu.dimension_semantics<core_parallel>, #tpu.dimension_semantics<subcore_parallel>], iteration_bounds = array<i64: 2, 16>, scalar_prefetch = 0 : i64, scratch_operands = 7 : i64, tpu.core_type = #tpu.core_type<sc_vector_subcore>, window_params = [{transform_indices = #map}, {transform_indices = #map}, {transform_indices = #map}, {transform_indices = #map}, {transform_indices = #map}, {transform_indices = #map1}]} {
    %mul3A = arith.constant 16 : i32
    %mul3A_0 = arith.muli %arg0, %mul3A : i32
    %add3A = arith.addi %mul3A_0, %arg1 : i32
    %mul3A_1 = arith.constant 640 : i32
    %mul3A_2 = arith.muli %add3A, %mul3A_1 : i32
    %mul3A_3 = arith.constant 1024 : i32
    %mul3A_4 = arith.muli %arg1, %mul3A_3 : i32
    "tpu.region"() ({
      %run_scoped3A = tpu.sem_alloc : memref<!tpu.dma_semaphore, #tpu.memory_space<semaphore_mem>>
      %dma_start3A = arith.constant 0 : i32
      %dma_start3A_16 = tpu.memref_slice %arg13[%mul3A_4, %dma_start3A] : memref<16384x64xf32, #tpu.memory_space<vmem_shared>> -> memref<1024x64xf32, #tpu.memory_space<vmem_shared>>
      tpu.enqueue_dma source(%arg6 : memref<1024x64xf32, #tpu.memory_space<hbm>>) target(%dma_start3A_16 : memref<1024x64xf32, #tpu.memory_space<vmem_shared>>) target_semaphore(%run_scoped3A : memref<!tpu.dma_semaphore, #tpu.memory_space<semaphore_mem>>)
      %dma_wait3A = arith.constant 0 : i32
      %dma_wait3A_17 = tpu.memref_slice %arg13[%mul3A_4, %dma_wait3A] : memref<16384x64xf32, #tpu.memory_space<vmem_shared>> -> memref<1024x64xf32, #tpu.memory_space<vmem_shared>>
      tpu.wait_dma2 semaphore(%run_scoped3A : memref<!tpu.dma_semaphore, #tpu.memory_space<semaphore_mem>>) src(%arg6 : memref<1024x64xf32, #tpu.memory_space<hbm>>) dst(%dma_wait3A_17 : memref<1024x64xf32, #tpu.memory_space<vmem_shared>>)
      tpu.yield
    }) : () -> ()
    %barrier3A = arith.constant 0 : index
    tpu.barrier barrier_id(%barrier3A)
    %scan3A = arith.constant 0 : i32
    %scan3A_5 = arith.constant 0 : i32
    %scan3A_6 = arith.constant 80 : i32
    %scan3A_7 = arith.addi %scan3A_5, %scan3A_6 : i32
    %scan3A_8 = arith.constant 1 : i32
    %scan3A_9 = scf.for %scan3A_16 = %scan3A_5 to %scan3A_7 step %scan3A_8 iter_args(%scan3A_17 = %scan3A) -> (i32)  : i32 {
      %mul3A_18 = arith.constant 8 : i32
      %mul3A_19 = arith.muli %scan3A_16, %mul3A_18 : i32
      %add3A_20 = arith.addi %mul3A_2, %mul3A_19 : i32
      "tpu.region"() ({
        %run_scoped3A = tpu.sem_alloc : memref<!tpu.dma_semaphore, #tpu.memory_space<semaphore_mem>>
        %dma_start3A = arith.constant 0 : i32
        %dma_start3A_29 = tpu.memref_slice %arg3[%add3A_20, %dma_start3A] : memref<20480x128xi32, #tpu.memory_space<hbm>> -> memref<8x128xi32, #tpu.memory_space<hbm>>
        %dma_start3A_30 = arith.constant 0 : i32
        %dma_start3A_31 = tpu.memref_slice %arg3[%add3A_20, %dma_start3A_30] : memref<20480x128xi32, #tpu.memory_space<hbm>> -> memref<8x128xi32, #tpu.memory_space<hbm>>
        tpu.enqueue_dma source(%dma_start3A_31 : memref<8x128xi32, #tpu.memory_space<hbm>>) target(%arg8 : memref<8x128xi32, #tpu.memory_space<vmem>>) target_semaphore(%run_scoped3A : memref<!tpu.dma_semaphore, #tpu.memory_space<semaphore_mem>>)
        %dma_wait3A = arith.constant 0 : i32
        %dma_wait3A_32 = tpu.memref_slice %arg3[%add3A_20, %dma_wait3A] : memref<20480x128xi32, #tpu.memory_space<hbm>> -> memref<8x128xi32, #tpu.memory_space<hbm>>
        %dma_wait3A_33 = arith.constant 0 : i32
        %dma_wait3A_34 = tpu.memref_slice %arg3[%add3A_20, %dma_wait3A_33] : memref<20480x128xi32, #tpu.memory_space<hbm>> -> memref<8x128xi32, #tpu.memory_space<hbm>>
        tpu.wait_dma2 semaphore(%run_scoped3A : memref<!tpu.dma_semaphore, #tpu.memory_space<semaphore_mem>>) src(%dma_wait3A_34 : memref<8x128xi32, #tpu.memory_space<hbm>>) dst(%arg8 : memref<8x128xi32, #tpu.memory_space<vmem>>)
        tpu.yield
      }) : () -> ()
      "tpu.region"() ({
        %run_scoped3A = tpu.sem_alloc : memref<!tpu.dma_semaphore, #tpu.memory_space<semaphore_mem>>
        %dma_start3A = arith.constant 0 : i32
        %dma_start3A_29 = tpu.memref_slice %arg4[%add3A_20, %dma_start3A] : memref<20480x128xi32, #tpu.memory_space<hbm>> -> memref<8x128xi32, #tpu.memory_space<hbm>>
        %dma_start3A_30 = arith.constant 0 : i32
        %dma_start3A_31 = tpu.memref_slice %arg4[%add3A_20, %dma_start3A_30] : memref<20480x128xi32, #tpu.memory_space<hbm>> -> memref<8x128xi32, #tpu.memory_space<hbm>>
        tpu.enqueue_dma source(%dma_start3A_31 : memref<8x128xi32, #tpu.memory_space<hbm>>) target(%arg9 : memref<8x128xi32, #tpu.memory_space<vmem>>) target_semaphore(%run_scoped3A : memref<!tpu.dma_semaphore, #tpu.memory_space<semaphore_mem>>)
        %dma_wait3A = arith.constant 0 : i32
        %dma_wait3A_32 = tpu.memref_slice %arg4[%add3A_20, %dma_wait3A] : memref<20480x128xi32, #tpu.memory_space<hbm>> -> memref<8x128xi32, #tpu.memory_space<hbm>>
        %dma_wait3A_33 = arith.constant 0 : i32
        %dma_wait3A_34 = tpu.memref_slice %arg4[%add3A_20, %dma_wait3A_33] : memref<20480x128xi32, #tpu.memory_space<hbm>> -> memref<8x128xi32, #tpu.memory_space<hbm>>
        tpu.wait_dma2 semaphore(%run_scoped3A : memref<!tpu.dma_semaphore, #tpu.memory_space<semaphore_mem>>) src(%dma_wait3A_34 : memref<8x128xi32, #tpu.memory_space<hbm>>) dst(%arg9 : memref<8x128xi32, #tpu.memory_space<vmem>>)
        tpu.yield
      }) : () -> ()
      "tpu.region"() ({
        %run_scoped3A = tpu.sem_alloc : memref<!tpu.dma_semaphore, #tpu.memory_space<semaphore_mem>>
        %dma_start3A = arith.constant 0 : i32
        %dma_start3A_29 = tpu.memref_slice %arg5[%add3A_20, %dma_start3A] : memref<20480x128xf32, #tpu.memory_space<hbm>> -> memref<8x128xf32, #tpu.memory_space<hbm>>
        %dma_start3A_30 = arith.constant 0 : i32
        %dma_start3A_31 = tpu.memref_slice %arg5[%add3A_20, %dma_start3A_30] : memref<20480x128xf32, #tpu.memory_space<hbm>> -> memref<8x128xf32, #tpu.memory_space<hbm>>
        tpu.enqueue_dma source(%dma_start3A_31 : memref<8x128xf32, #tpu.memory_space<hbm>>) target(%arg10 : memref<8x128xf32, #tpu.memory_space<vmem>>) target_semaphore(%run_scoped3A : memref<!tpu.dma_semaphore, #tpu.memory_space<semaphore_mem>>)
        %dma_wait3A = arith.constant 0 : i32
        %dma_wait3A_32 = tpu.memref_slice %arg5[%add3A_20, %dma_wait3A] : memref<20480x128xf32, #tpu.memory_space<hbm>> -> memref<8x128xf32, #tpu.memory_space<hbm>>
        %dma_wait3A_33 = arith.constant 0 : i32
        %dma_wait3A_34 = tpu.memref_slice %arg5[%add3A_20, %dma_wait3A_33] : memref<20480x128xf32, #tpu.memory_space<hbm>> -> memref<8x128xf32, #tpu.memory_space<hbm>>
        tpu.wait_dma2 semaphore(%run_scoped3A : memref<!tpu.dma_semaphore, #tpu.memory_space<semaphore_mem>>) src(%dma_wait3A_34 : memref<8x128xf32, #tpu.memory_space<hbm>>) dst(%arg10 : memref<8x128xf32, #tpu.memory_space<vmem>>)
        tpu.yield
      }) : () -> ()
      %scan3A_21 = arith.constant 0 : i32
      %scan3A_22 = arith.constant 0 : i32
      %scan3A_23 = arith.constant 8 : i32
      %scan3A_24 = arith.addi %scan3A_22, %scan3A_23 : i32
      %scan3A_25 = arith.constant 1 : i32
      %scan3A_26 = scf.for %scan3A_29 = %scan3A_22 to %scan3A_24 step %scan3A_25 iter_args(%scan3A_30 = %scan3A_21) -> (i32)  : i32 {
        %dma_start3A = arith.constant 0 : i32
        %dma_start3A_31 = tpu.memref_slice %arg8[%scan3A_29, %dma_start3A] : memref<8x128xi32, #tpu.memory_space<vmem>> -> memref<1x128xi32, #tpu.memory_space<vmem>>
        %dma_start3A_32 = tpu.memref_squeeze %dma_start3A_31 : memref<1x128xi32, #tpu.memory_space<vmem>> -> memref<128xi32, #tpu.memory_space<vmem>>
        %dma_start3A_33 = arith.constant 0 : i32
        %dma_start3A_34 = arith.constant 0 : i32
        %dma_start3A_35 = tpu.memref_slice %arg2[%dma_start3A_33, %dma_start3A_34] : memref<16384x64xf32, #tpu.memory_space<hbm>> -> memref<16384x64xf32, #tpu.memory_space<hbm>>
        tpu.enqueue_indirect_dma source(%dma_start3A_35 : memref<16384x64xf32, #tpu.memory_space<hbm>>) target(%arg11 : memref<128x64xf32, #tpu.memory_space<vmem>>) offsets(%dma_start3A_32 : memref<128xi32, #tpu.memory_space<vmem>>) semaphore(%arg14 : memref<!tpu.dma_semaphore, #tpu.memory_space<semaphore_mem>>)
        %dma_wait3A = arith.constant 0 : i32
        %dma_wait3A_36 = tpu.memref_slice %arg8[%scan3A_29, %dma_wait3A] : memref<8x128xi32, #tpu.memory_space<vmem>> -> memref<1x128xi32, #tpu.memory_space<vmem>>
        %dma_wait3A_37 = tpu.memref_squeeze %dma_wait3A_36 : memref<1x128xi32, #tpu.memory_space<vmem>> -> memref<128xi32, #tpu.memory_space<vmem>>
        %dma_wait3A_38 = arith.constant 0 : i32
        %dma_wait3A_39 = arith.constant 0 : i32
        %dma_wait3A_40 = tpu.memref_slice %arg2[%dma_wait3A_38, %dma_wait3A_39] : memref<16384x64xf32, #tpu.memory_space<hbm>> -> memref<16384x64xf32, #tpu.memory_space<hbm>>
        tpu.wait_indirect_dma semaphore(%arg14 : memref<!tpu.dma_semaphore, #tpu.memory_space<semaphore_mem>>) src(%dma_wait3A_40 : memref<16384x64xf32, #tpu.memory_space<hbm>>) dst(%arg11 : memref<128x64xf32, #tpu.memory_space<vmem>>)
        %scan3A_41 = arith.constant 0 : i32
        %scan3A_42 = arith.constant 0 : i32
        %scan3A_43 = arith.constant 8 : i32
        %scan3A_44 = arith.addi %scan3A_42, %scan3A_43 : i32
        %scan3A_45 = arith.constant 1 : i32
        %scan3A_46 = scf.for %scan3A_49 = %scan3A_42 to %scan3A_44 step %scan3A_45 iter_args(%scan3A_50 = %scan3A_41) -> (i32)  : i32 {
          %mul3A_51 = arith.constant 16 : i32
          %mul3A_52 = arith.muli %scan3A_49, %mul3A_51 : i32
          %get3A = arith.index_cast %scan3A_29 : i32 to index
          %get3A_53 = arith.index_cast %mul3A_52 : i32 to index
          %get3A_54 = tpu.vector_load %arg10[%get3A, %get3A_53] {strides = array<i32>} : memref<8x128xf32, #tpu.memory_space<vmem>>, vector<1x16xf32>,
          %get3A_55 = vector.shape_cast %get3A_54 : vector<1x16xf32> to vector<16xf32>
          %mul3A_56 = arith.constant 16 : i32
          %mul3A_57 = arith.muli %scan3A_49, %mul3A_56 : i32
          %add3A_58 = arith.constant 0 : i32
          %add3A_59 = arith.addi %mul3A_57, %add3A_58 : i32
          %slice3A = vector.extract_strided_slice %get3A_55 {offsets = [0], sizes = [1], strides = [1]} : vector<16xf32> to vector<1xf32>
          %squeeze3A = vector.extract %slice3A[0] : f32 from vector<1xf32>
          %get3A_60 = arith.index_cast %add3A_59 : i32 to index
          %get3A_61 = arith.constant 0 : index
          %get3A_62 = tpu.vector_load %arg11[%get3A_60, %get3A_61] {strides = array<i32>} : memref<128x64xf32, #tpu.memory_space<vmem>>, vector<1x16xf32>,
          %get3A_63 = vector.shape_cast %get3A_62 : vector<1x16xf32> to vector<16xf32>
          %mul3A_64 = vector.broadcast %squeeze3A : f32 to vector<16xf32>
          %mul3A_65 = arith.mulf %get3A_63, %mul3A_64 : vector<16xf32>
          %swap3A = arith.index_cast %add3A_59 : i32 to index
          %swap3A_66 = arith.constant 0 : index
          %swap3A_67 = tpu.vector_load %arg12[%swap3A, %swap3A_66] {strides = array<i32>} : memref<128x64xf32, #tpu.memory_space<vmem>>, vector<1x16xf32>,
          %swap3A_68 = vector.shape_cast %swap3A_67 : vector<1x16xf32> to vector<16xf32>
          %swap3A_69 = vector.shape_cast %mul3A_65 : vector<16xf32> to vector<1x16xf32>
          tpu.vector_store %arg12[%swap3A, %swap3A_66], %swap3A_69 {strides = array<i32>} : memref<128x64xf32, #tpu.memory_space<vmem>>, vector<1x16xf32>,
          %get3A_70 = arith.index_cast %add3A_59 : i32 to index
          %get3A_71 = arith.constant 16 : index
          %get3A_72 = tpu.vector_load %arg11[%get3A_70, %get3A_71] {strides = array<i32>} : memref<128x64xf32, #tpu.memory_space<vmem>>, vector<1x16xf32>,
          %get3A_73 = vector.shape_cast %get3A_72 : vector<1x16xf32> to vector<16xf32>
          %mul3A_74 = vector.broadcast %squeeze3A : f32 to vector<16xf32>
          %mul3A_75 = arith.mulf %get3A_73, %mul3A_74 : vector<16xf32>
          %swap3A_76 = arith.index_cast %add3A_59 : i32 to index
          %swap3A_77 = arith.constant 16 : index
          %swap3A_78 = tpu.vector_load %arg12[%swap3A_76, %swap3A_77] {strides = array<i32>} : memref<128x64xf32, #tpu.memory_space<vmem>>, vector<1x16xf32>,
          %swap3A_79 = vector.shape_cast %swap3A_78 : vector<1x16xf32> to vector<16xf32>
          %swap3A_80 = vector.shape_cast %mul3A_75 : vector<16xf32> to vector<1x16xf32>
          tpu.vector_store %arg12[%swap3A_76, %swap3A_77], %swap3A_80 {strides = array<i32>} : memref<128x64xf32, #tpu.memory_space<vmem>>, vector<1x16xf32>,
          %get3A_81 = arith.index_cast %add3A_59 : i32 to index
          %get3A_82 = arith.constant 32 : index
          %get3A_83 = tpu.vector_load %arg11[%get3A_81, %get3A_82] {strides = array<i32>} : memref<128x64xf32, #tpu.memory_space<vmem>>, vector<1x16xf32>,
          %get3A_84 = vector.shape_cast %get3A_83 : vector<1x16xf32> to vector<16xf32>
          %mul3A_85 = vector.broadcast %squeeze3A : f32 to vector<16xf32>
          %mul3A_86 = arith.mulf %get3A_84, %mul3A_85 : vector<16xf32>
          %swap3A_87 = arith.index_cast %add3A_59 : i32 to index
          %swap3A_88 = arith.constant 32 : index
          %swap3A_89 = tpu.vector_load %arg12[%swap3A_87, %swap3A_88] {strides = array<i32>} : memref<128x64xf32, #tpu.memory_space<vmem>>, vector<1x16xf32>,
          %swap3A_90 = vector.shape_cast %swap3A_89 : vector<1x16xf32> to vector<16xf32>
          %swap3A_91 = vector.shape_cast %mul3A_86 : vector<16xf32> to vector<1x16xf32>
          tpu.vector_store %arg12[%swap3A_87, %swap3A_88], %swap3A_91 {strides = array<i32>} : memref<128x64xf32, #tpu.memory_space<vmem>>, vector<1x16xf32>,
          %get3A_92 = arith.index_cast %add3A_59 : i32 to index
          %get3A_93 = arith.constant 48 : index
          %get3A_94 = tpu.vector_load %arg11[%get3A_92, %get3A_93] {strides = array<i32>} : memref<128x64xf32, #tpu.memory_space<vmem>>, vector<1x16xf32>,
          %get3A_95 = vector.shape_cast %get3A_94 : vector<1x16xf32> to vector<16xf32>
          %mul3A_96 = vector.broadcast %squeeze3A : f32 to vector<16xf32>
          %mul3A_97 = arith.mulf %get3A_95, %mul3A_96 : vector<16xf32>
          %swap3A_98 = arith.index_cast %add3A_59 : i32 to index
          %swap3A_99 = arith.constant 48 : index
          %swap3A_100 = tpu.vector_load %arg12[%swap3A_98, %swap3A_99] {strides = array<i32>} : memref<128x64xf32, #tpu.memory_space<vmem>>, vector<1x16xf32>,
          %swap3A_101 = vector.shape_cast %swap3A_100 : vector<1x16xf32> to vector<16xf32>
          %swap3A_102 = vector.shape_cast %mul3A_97 : vector<16xf32> to vector<1x16xf32>
          tpu.vector_store %arg12[%swap3A_98, %swap3A_99], %swap3A_102 {strides = array<i32>} : memref<128x64xf32, #tpu.memory_space<vmem>>, vector<1x16xf32>,
          %mul3A_103 = arith.constant 16 : i32
          %mul3A_104 = arith.muli %scan3A_49, %mul3A_103 : i32
          %add3A_105 = arith.constant 1 : i32
          %add3A_106 = arith.addi %mul3A_104, %add3A_105 : i32
          %slice3A_107 = vector.extract_strided_slice %get3A_55 {offsets = [1], sizes = [1], strides = [1]} : vector<16xf32> to vector<1xf32>
          %squeeze3A_108 = vector.extract %slice3A_107[0] : f32 from vector<1xf32>
          %get3A_109 = arith.index_cast %add3A_106 : i32 to index
          %get3A_110 = arith.constant 0 : index
          %get3A_111 = tpu.vector_load %arg11[%get3A_109, %get3A_110] {strides = array<i32>} : memref<128x64xf32, #tpu.memory_space<vmem>>, vector<1x16xf32>,
          %get3A_112 = vector.shape_cast %get3A_111 : vector<1x16xf32> to vector<16xf32>
          %mul3A_113 = vector.broadcast %squeeze3A_108 : f32 to vector<16xf32>
          %mul3A_114 = arith.mulf %get3A_112, %mul3A_113 : vector<16xf32>
          %swap3A_115 = arith.index_cast %add3A_106 : i32 to index
          %swap3A_116 = arith.constant 0 : index
          %swap3A_117 = tpu.vector_load %arg12[%swap3A_115, %swap3A_116] {strides = array<i32>} : memref<128x64xf32, #tpu.memory_space<vmem>>, vector<1x16xf32>,
          %swap3A_118 = vector.shape_cast %swap3A_117 : vector<1x16xf32> to vector<16xf32>
          %swap3A_119 = vector.shape_cast %mul3A_114 : vector<16xf32> to vector<1x16xf32>
          tpu.vector_store %arg12[%swap3A_115, %swap3A_116], %swap3A_119 {strides = array<i32>} : memref<128x64xf32, #tpu.memory_space<vmem>>, vector<1x16xf32>,
          %get3A_120 = arith.index_cast %add3A_106 : i32 to index
          %get3A_121 = arith.constant 16 : index
          %get3A_122 = tpu.vector_load %arg11[%get3A_120, %get3A_121] {strides = array<i32>} : memref<128x64xf32, #tpu.memory_space<vmem>>, vector<1x16xf32>,
          %get3A_123 = vector.shape_cast %get3A_122 : vector<1x16xf32> to vector<16xf32>
          %mul3A_124 = vector.broadcast %squeeze3A_108 : f32 to vector<16xf32>
          %mul3A_125 = arith.mulf %get3A_123, %mul3A_124 : vector<16xf32>
          %swap3A_126 = arith.index_cast %add3A_106 : i32 to index
          %swap3A_127 = arith.constant 16 : index
          %swap3A_128 = tpu.vector_load %arg12[%swap3A_126, %swap3A_127] {strides = array<i32>} : memref<128x64xf32, #tpu.memory_space<vmem>>, vector<1x16xf32>,
          %swap3A_129 = vector.shape_cast %swap3A_128 : vector<1x16xf32> to vector<16xf32>
          %swap3A_130 = vector.shape_cast %mul3A_125 : vector<16xf32> to vector<1x16xf32>
          tpu.vector_store %arg12[%swap3A_126, %swap3A_127], %swap3A_130 {strides = array<i32>} : memref<128x64xf32, #tpu.memory_space<vmem>>, vector<1x16xf32>,
          %get3A_131 = arith.index_cast %add3A_106 : i32 to index
          %get3A_132 = arith.constant 32 : index
          %get3A_133 = tpu.vector_load %arg11[%get3A_131, %get3A_132] {strides = array<i32>} : memref<128x64xf32, #tpu.memory_space<vmem>>, vector<1x16xf32>,
          %get3A_134 = vector.shape_cast %get3A_133 : vector<1x16xf32> to vector<16xf32>
          %mul3A_135 = vector.broadcast %squeeze3A_108 : f32 to vector<16xf32>
          %mul3A_136 = arith.mulf %get3A_134, %mul3A_135 : vector<16xf32>
          %swap3A_137 = arith.index_cast %add3A_106 : i32 to index
          %swap3A_138 = arith.constant 32 : index
          %swap3A_139 = tpu.vector_load %arg12[%swap3A_137, %swap3A_138] {strides = array<i32>} : memref<128x64xf32, #tpu.memory_space<vmem>>, vector<1x16xf32>,
          %swap3A_140 = vector.shape_cast %swap3A_139 : vector<1x16xf32> to vector<16xf32>
          %swap3A_141 = vector.shape_cast %mul3A_136 : vector<16xf32> to vector<1x16xf32>
          tpu.vector_store %arg12[%swap3A_137, %swap3A_138], %swap3A_141 {strides = array<i32>} : memref<128x64xf32, #tpu.memory_space<vmem>>, vector<1x16xf32>,
          %get3A_142 = arith.index_cast %add3A_106 : i32 to index
          %get3A_143 = arith.constant 48 : index
          %get3A_144 = tpu.vector_load %arg11[%get3A_142, %get3A_143] {strides = array<i32>} : memref<128x64xf32, #tpu.memory_space<vmem>>, vector<1x16xf32>,
          %get3A_145 = vector.shape_cast %get3A_144 : vector<1x16xf32> to vector<16xf32>
          %mul3A_146 = vector.broadcast %squeeze3A_108 : f32 to vector<16xf32>
          %mul3A_147 = arith.mulf %get3A_145, %mul3A_146 : vector<16xf32>
          %swap3A_148 = arith.index_cast %add3A_106 : i32 to index
          %swap3A_149 = arith.constant 48 : index
          %swap3A_150 = tpu.vector_load %arg12[%swap3A_148, %swap3A_149] {strides = array<i32>} : memref<128x64xf32, #tpu.memory_space<vmem>>, vector<1x16xf32>,
          %swap3A_151 = vector.shape_cast %swap3A_150 : vector<1x16xf32> to vector<16xf32>
          %swap3A_152 = vector.shape_cast %mul3A_147 : vector<16xf32> to vector<1x16xf32>
          tpu.vector_store %arg12[%swap3A_148, %swap3A_149], %swap3A_152 {strides = array<i32>} : memref<128x64xf32, #tpu.memory_space<vmem>>, vector<1x16xf32>,
          %mul3A_153 = arith.constant 16 : i32
          %mul3A_154 = arith.muli %scan3A_49, %mul3A_153 : i32
          %add3A_155 = arith.constant 2 : i32
          %add3A_156 = arith.addi %mul3A_154, %add3A_155 : i32
          %slice3A_157 = vector.extract_strided_slice %get3A_55 {offsets = [2], sizes = [1], strides = [1]} : vector<16xf32> to vector<1xf32>
          %squeeze3A_158 = vector.extract %slice3A_157[0] : f32 from vector<1xf32>
          %get3A_159 = arith.index_cast %add3A_156 : i32 to index
          %get3A_160 = arith.constant 0 : index
          %get3A_161 = tpu.vector_load %arg11[%get3A_159, %get3A_160] {strides = array<i32>} : memref<128x64xf32, #tpu.memory_space<vmem>>, vector<1x16xf32>,
          %get3A_162 = vector.shape_cast %get3A_161 : vector<1x16xf32> to vector<16xf32>
          %mul3A_163 = vector.broadcast %squeeze3A_158 : f32 to vector<16xf32>
          %mul3A_164 = arith.mulf %get3A_162, %mul3A_163 : vector<16xf32>
          %swap3A_165 = arith.index_cast %add3A_156 : i32 to index
          %swap3A_166 = arith.constant 0 : index
          %swap3A_167 = tpu.vector_load %arg12[%swap3A_165, %swap3A_166] {strides = array<i32>} : memref<128x64xf32, #tpu.memory_space<vmem>>, vector<1x16xf32>,
          %swap3A_168 = vector.shape_cast %swap3A_167 : vector<1x16xf32> to vector<16xf32>
          %swap3A_169 = vector.shape_cast %mul3A_164 : vector<16xf32> to vector<1x16xf32>
          tpu.vector_store %arg12[%swap3A_165, %swap3A_166], %swap3A_169 {strides = array<i32>} : memref<128x64xf32, #tpu.memory_space<vmem>>, vector<1x16xf32>,
          %get3A_170 = arith.index_cast %add3A_156 : i32 to index
          %get3A_171 = arith.constant 16 : index
          %get3A_172 = tpu.vector_load %arg11[%get3A_170, %get3A_171] {strides = array<i32>} : memref<128x64xf32, #tpu.memory_space<vmem>>, vector<1x16xf32>,
          %get3A_173 = vector.shape_cast %get3A_172 : vector<1x16xf32> to vector<16xf32>
          %mul3A_174 = vector.broadcast %squeeze3A_158 : f32 to vector<16xf32>
          %mul3A_175 = arith.mulf %get3A_173, %mul3A_174 : vector<16xf32>
          %swap3A_176 = arith.index_cast %add3A_156 : i32 to index
          %swap3A_177 = arith.constant 16 : index
          %swap3A_178 = tpu.vector_load %arg12[%swap3A_176, %swap3A_177] {strides = array<i32>} : memref<128x64xf32, #tpu.memory_space<vmem>>, vector<1x16xf32>,
          %swap3A_179 = vector.shape_cast %swap3A_178 : vector<1x16xf32> to vector<16xf32>
          %swap3A_180 = vector.shape_cast %mul3A_175 : vector<16xf32> to vector<1x16xf32>
          tpu.vector_store %arg12[%swap3A_176, %swap3A_177], %swap3A_180 {strides = array<i32>} : memref<128x64xf32, #tpu.memory_space<vmem>>, vector<1x16xf32>,
          %get3A_181 = arith.index_cast %add3A_156 : i32 to index
          %get3A_182 = arith.constant 32 : index
          %get3A_183 = tpu.vector_load %arg11[%get3A_181, %get3A_182] {strides = array<i32>} : memref<128x64xf32, #tpu.memory_space<vmem>>, vector<1x16xf32>,
          %get3A_184 = vector.shape_cast %get3A_183 : vector<1x16xf32> to vector<16xf32>
          %mul3A_185 = vector.broadcast %squeeze3A_158 : f32 to vector<16xf32>
          %mul3A_186 = arith.mulf %get3A_184, %mul3A_185 : vector<16xf32>
          %swap3A_187 = arith.index_cast %add3A_156 : i32 to index
          %swap3A_188 = arith.constant 32 : index
          %swap3A_189 = tpu.vector_load %arg12[%swap3A_187, %swap3A_188] {strides = array<i32>} : memref<128x64xf32, #tpu.memory_space<vmem>>, vector<1x16xf32>,
          %swap3A_190 = vector.shape_cast %swap3A_189 : vector<1x16xf32> to vector<16xf32>
          %swap3A_191 = vector.shape_cast %mul3A_186 : vector<16xf32> to vector<1x16xf32>
          tpu.vector_store %arg12[%swap3A_187, %swap3A_188], %swap3A_191 {strides = array<i32>} : memref<128x64xf32, #tpu.memory_space<vmem>>, vector<1x16xf32>,
          %get3A_192 = arith.index_cast %add3A_156 : i32 to index
          %get3A_193 = arith.constant 48 : index
          %get3A_194 = tpu.vector_load %arg11[%get3A_192, %get3A_193] {strides = array<i32>} : memref<128x64xf32, #tpu.memory_space<vmem>>, vector<1x16xf32>,
          %get3A_195 = vector.shape_cast %get3A_194 : vector<1x16xf32> to vector<16xf32>
          %mul3A_196 = vector.broadcast %squeeze3A_158 : f32 to vector<16xf32>
          %mul3A_197 = arith.mulf %get3A_195, %mul3A_196 : vector<16xf32>
          %swap3A_198 = arith.index_cast %add3A_156 : i32 to index
          %swap3A_199 = arith.constant 48 : index
          %swap3A_200 = tpu.vector_load %arg12[%swap3A_198, %swap3A_199] {strides = array<i32>} : memref<128x64xf32, #tpu.memory_space<vmem>>, vector<1x16xf32>,
          %swap3A_201 = vector.shape_cast %swap3A_200 : vector<1x16xf32> to vector<16xf32>
          %swap3A_202 = vector.shape_cast %mul3A_197 : vector<16xf32> to vector<1x16xf32>
          tpu.vector_store %arg12[%swap3A_198, %swap3A_199], %swap3A_202 {strides = array<i32>} : memref<128x64xf32, #tpu.memory_space<vmem>>, vector<1x16xf32>,
          %mul3A_203 = arith.constant 16 : i32
          %mul3A_204 = arith.muli %scan3A_49, %mul3A_203 : i32
          %add3A_205 = arith.constant 3 : i32
          %add3A_206 = arith.addi %mul3A_204, %add3A_205 : i32
          %slice3A_207 = vector.extract_strided_slice %get3A_55 {offsets = [3], sizes = [1], strides = [1]} : vector<16xf32> to vector<1xf32>
          %squeeze3A_208 = vector.extract %slice3A_207[0] : f32 from vector<1xf32>
          %get3A_209 = arith.index_cast %add3A_206 : i32 to index
          %get3A_210 = arith.constant 0 : index
          %get3A_211 = tpu.vector_load %arg11[%get3A_209, %get3A_210] {strides = array<i32>} : memref<128x64xf32, #tpu.memory_space<vmem>>, vector<1x16xf32>,
          %get3A_212 = vector.shape_cast %get3A_211 : vector<1x16xf32> to vector<16xf32>
          %mul3A_213 = vector.broadcast %squeeze3A_208 : f32 to vector<16xf32>
          %mul3A_214 = arith.mulf %get3A_212, %mul3A_213 : vector<16xf32>
          %swap3A_215 = arith.index_cast %add3A_206 : i32 to index
          %swap3A_216 = arith.constant 0 : index
          %swap3A_217 = tpu.vector_load %arg12[%swap3A_215, %swap3A_216] {strides = array<i32>} : memref<128x64xf32, #tpu.memory_space<vmem>>, vector<1x16xf32>,
          %swap3A_218 = vector.shape_cast %swap3A_217 : vector<1x16xf32> to vector<16xf32>
          %swap3A_219 = vector.shape_cast %mul3A_214 : vector<16xf32> to vector<1x16xf32>
          tpu.vector_store %arg12[%swap3A_215, %swap3A_216], %swap3A_219 {strides = array<i32>} : memref<128x64xf32, #tpu.memory_space<vmem>>, vector<1x16xf32>,
          %get3A_220 = arith.index_cast %add3A_206 : i32 to index
          %get3A_221 = arith.constant 16 : index
          %get3A_222 = tpu.vector_load %arg11[%get3A_220, %get3A_221] {strides = array<i32>} : memref<128x64xf32, #tpu.memory_space<vmem>>, vector<1x16xf32>,
          %get3A_223 = vector.shape_cast %get3A_222 : vector<1x16xf32> to vector<16xf32>
          %mul3A_224 = vector.broadcast %squeeze3A_208 : f32 to vector<16xf32>
          %mul3A_225 = arith.mulf %get3A_223, %mul3A_224 : vector<16xf32>
          %swap3A_226 = arith.index_cast %add3A_206 : i32 to index
          %swap3A_227 = arith.constant 16 : index
          %swap3A_228 = tpu.vector_load %arg12[%swap3A_226, %swap3A_227] {strides = array<i32>} : memref<128x64xf32, #tpu.memory_space<vmem>>, vector<1x16xf32>,
          %swap3A_229 = vector.shape_cast %swap3A_228 : vector<1x16xf32> to vector<16xf32>
          %swap3A_230 = vector.shape_cast %mul3A_225 : vector<16xf32> to vector<1x16xf32>
          tpu.vector_store %arg12[%swap3A_226, %swap3A_227], %swap3A_230 {strides = array<i32>} : memref<128x64xf32, #tpu.memory_space<vmem>>, vector<1x16xf32>,
          %get3A_231 = arith.index_cast %add3A_206 : i32 to index
          %get3A_232 = arith.constant 32 : index
          %get3A_233 = tpu.vector_load %arg11[%get3A_231, %get3A_232] {strides = array<i32>} : memref<128x64xf32, #tpu.memory_space<vmem>>, vector<1x16xf32>,
          %get3A_234 = vector.shape_cast %get3A_233 : vector<1x16xf32> to vector<16xf32>
          %mul3A_235 = vector.broadcast %squeeze3A_208 : f32 to vector<16xf32>
          %mul3A_236 = arith.mulf %get3A_234, %mul3A_235 : vector<16xf32>
          %swap3A_237 = arith.index_cast %add3A_206 : i32 to index
          %swap3A_238 = arith.constant 32 : index
          %swap3A_239 = tpu.vector_load %arg12[%swap3A_237, %swap3A_238] {strides = array<i32>} : memref<128x64xf32, #tpu.memory_space<vmem>>, vector<1x16xf32>,
          %swap3A_240 = vector.shape_cast %swap3A_239 : vector<1x16xf32> to vector<16xf32>
          %swap3A_241 = vector.shape_cast %mul3A_236 : vector<16xf32> to vector<1x16xf32>
          tpu.vector_store %arg12[%swap3A_237, %swap3A_238], %swap3A_241 {strides = array<i32>} : memref<128x64xf32, #tpu.memory_space<vmem>>, vector<1x16xf32>,
          %get3A_242 = arith.index_cast %add3A_206 : i32 to index
          %get3A_243 = arith.constant 48 : index
          %get3A_244 = tpu.vector_load %arg11[%get3A_242, %get3A_243] {strides = array<i32>} : memref<128x64xf32, #tpu.memory_space<vmem>>, vector<1x16xf32>,
          %get3A_245 = vector.shape_cast %get3A_244 : vector<1x16xf32> to vector<16xf32>
          %mul3A_246 = vector.broadcast %squeeze3A_208 : f32 to vector<16xf32>
          %mul3A_247 = arith.mulf %get3A_245, %mul3A_246 : vector<16xf32>
          %swap3A_248 = arith.index_cast %add3A_206 : i32 to index
          %swap3A_249 = arith.constant 48 : index
          %swap3A_250 = tpu.vector_load %arg12[%swap3A_248, %swap3A_249] {strides = array<i32>} : memref<128x64xf32, #tpu.memory_space<vmem>>, vector<1x16xf32>,
          %swap3A_251 = vector.shape_cast %swap3A_250 : vector<1x16xf32> to vector<16xf32>
          %swap3A_252 = vector.shape_cast %mul3A_247 : vector<16xf32> to vector<1x16xf32>
          tpu.vector_store %arg12[%swap3A_248, %swap3A_249], %swap3A_252 {strides = array<i32>} : memref<128x64xf32, #tpu.memory_space<vmem>>, vector<1x16xf32>,
          %mul3A_253 = arith.constant 16 : i32
          %mul3A_254 = arith.muli %scan3A_49, %mul3A_253 : i32
          %add3A_255 = arith.constant 4 : i32
          %add3A_256 = arith.addi %mul3A_254, %add3A_255 : i32
          %slice3A_257 = vector.extract_strided_slice %get3A_55 {offsets = [4], sizes = [1], strides = [1]} : vector<16xf32> to vector<1xf32>
          %squeeze3A_258 = vector.extract %slice3A_257[0] : f32 from vector<1xf32>
          %get3A_259 = arith.index_cast %add3A_256 : i32 to index
          %get3A_260 = arith.constant 0 : index
          %get3A_261 = tpu.vector_load %arg11[%get3A_259, %get3A_260] {strides = array<i32>} : memref<128x64xf32, #tpu.memory_space<vmem>>, vector<1x16xf32>,
          %get3A_262 = vector.shape_cast %get3A_261 : vector<1x16xf32> to vector<16xf32>
          %mul3A_263 = vector.broadcast %squeeze3A_258 : f32 to vector<16xf32>
          %mul3A_264 = arith.mulf %get3A_262, %mul3A_263 : vector<16xf32>
          %swap3A_265 = arith.index_cast %add3A_256 : i32 to index
          %swap3A_266 = arith.constant 0 : index
          %swap3A_267 = tpu.vector_load %arg12[%swap3A_265, %swap3A_266] {strides = array<i32>} : memref<128x64xf32, #tpu.memory_space<vmem>>, vector<1x16xf32>,
          %swap3A_268 = vector.shape_cast %swap3A_267 : vector<1x16xf32> to vector<16xf32>
          %swap3A_269 = vector.shape_cast %mul3A_264 : vector<16xf32> to vector<1x16xf32>
          tpu.vector_store %arg12[%swap3A_265, %swap3A_266], %swap3A_269 {strides = array<i32>} : memref<128x64xf32, #tpu.memory_space<vmem>>, vector<1x16xf32>,
          %get3A_270 = arith.index_cast %add3A_256 : i32 to index
          %get3A_271 = arith.constant 16 : index
          %get3A_272 = tpu.vector_load %arg11[%get3A_270, %get3A_271] {strides = array<i32>} : memref<128x64xf32, #tpu.memory_space<vmem>>, vector<1x16xf32>,
          %get3A_273 = vector.shape_cast %get3A_272 : vector<1x16xf32> to vector<16xf32>
          %mul3A_274 = vector.broadcast %squeeze3A_258 : f32 to vector<16xf32>
          %mul3A_275 = arith.mulf %get3A_273, %mul3A_274 : vector<16xf32>
          %swap3A_276 = arith.index_cast %add3A_256 : i32 to index
          %swap3A_277 = arith.constant 16 : index
          %swap3A_278 = tpu.vector_load %arg12[%swap3A_276, %swap3A_277] {strides = array<i32>} : memref<128x64xf32, #tpu.memory_space<vmem>>, vector<1x16xf32>,
          %swap3A_279 = vector.shape_cast %swap3A_278 : vector<1x16xf32> to vector<16xf32>
          %swap3A_280 = vector.shape_cast %mul3A_275 : vector<16xf32> to vector<1x16xf32>
          tpu.vector_store %arg12[%swap3A_276, %swap3A_277], %swap3A_280 {strides = array<i32>} : memref<128x64xf32, #tpu.memory_space<vmem>>, vector<1x16xf32>,
          %get3A_281 = arith.index_cast %add3A_256 : i32 to index
          %get3A_282 = arith.constant 32 : index
          %get3A_283 = tpu.vector_load %arg11[%get3A_281, %get3A_282] {strides = array<i32>} : memref<128x64xf32, #tpu.memory_space<vmem>>, vector<1x16xf32>,
          %get3A_284 = vector.shape_cast %get3A_283 : vector<1x16xf32> to vector<16xf32>
          %mul3A_285 = vector.broadcast %squeeze3A_258 : f32 to vector<16xf32>
          %mul3A_286 = arith.mulf %get3A_284, %mul3A_285 : vector<16xf32>
          %swap3A_287 = arith.index_cast %add3A_256 : i32 to index
          %swap3A_288 = arith.constant 32 : index
          %swap3A_289 = tpu.vector_load %arg12[%swap3A_287, %swap3A_288] {strides = array<i32>} : memref<128x64xf32, #tpu.memory_space<vmem>>, vector<1x16xf32>,
          %swap3A_290 = vector.shape_cast %swap3A_289 : vector<1x16xf32> to vector<16xf32>
          %swap3A_291 = vector.shape_cast %mul3A_286 : vector<16xf32> to vector<1x16xf32>
          tpu.vector_store %arg12[%swap3A_287, %swap3A_288], %swap3A_291 {strides = array<i32>} : memref<128x64xf32, #tpu.memory_space<vmem>>, vector<1x16xf32>,
          %get3A_292 = arith.index_cast %add3A_256 : i32 to index
          %get3A_293 = arith.constant 48 : index
          %get3A_294 = tpu.vector_load %arg11[%get3A_292, %get3A_293] {strides = array<i32>} : memref<128x64xf32, #tpu.memory_space<vmem>>, vector<1x16xf32>,
          %get3A_295 = vector.shape_cast %get3A_294 : vector<1x16xf32> to vector<16xf32>
          %mul3A_296 = vector.broadcast %squeeze3A_258 : f32 to vector<16xf32>
          %mul3A_297 = arith.mulf %get3A_295, %mul3A_296 : vector<16xf32>
          %swap3A_298 = arith.index_cast %add3A_256 : i32 to index
          %swap3A_299 = arith.constant 48 : index
          %swap3A_300 = tpu.vector_load %arg12[%swap3A_298, %swap3A_299] {strides = array<i32>} : memref<128x64xf32, #tpu.memory_space<vmem>>, vector<1x16xf32>,
          %swap3A_301 = vector.shape_cast %swap3A_300 : vector<1x16xf32> to vector<16xf32>
          %swap3A_302 = vector.shape_cast %mul3A_297 : vector<16xf32> to vector<1x16xf32>
          tpu.vector_store %arg12[%swap3A_298, %swap3A_299], %swap3A_302 {strides = array<i32>} : memref<128x64xf32, #tpu.memory_space<vmem>>, vector<1x16xf32>,
          %mul3A_303 = arith.constant 16 : i32
          %mul3A_304 = arith.muli %scan3A_49, %mul3A_303 : i32
          %add3A_305 = arith.constant 5 : i32
          %add3A_306 = arith.addi %mul3A_304, %add3A_305 : i32
          %slice3A_307 = vector.extract_strided_slice %get3A_55 {offsets = [5], sizes = [1], strides = [1]} : vector<16xf32> to vector<1xf32>
          %squeeze3A_308 = vector.extract %slice3A_307[0] : f32 from vector<1xf32>
          %get3A_309 = arith.index_cast %add3A_306 : i32 to index
          %get3A_310 = arith.constant 0 : index
          %get3A_311 = tpu.vector_load %arg11[%get3A_309, %get3A_310] {strides = array<i32>} : memref<128x64xf32, #tpu.memory_space<vmem>>, vector<1x16xf32>,
          %get3A_312 = vector.shape_cast %get3A_311 : vector<1x16xf32> to vector<16xf32>
          %mul3A_313 = vector.broadcast %squeeze3A_308 : f32 to vector<16xf32>
          %mul3A_314 = arith.mulf %get3A_312, %mul3A_313 : vector<16xf32>
          %swap3A_315 = arith.index_cast %add3A_306 : i32 to index
          %swap3A_316 = arith.constant 0 : index
          %swap3A_317 = tpu.vector_load %arg12[%swap3A_315, %swap3A_316] {strides = array<i32>} : memref<128x64xf32, #tpu.memory_space<vmem>>, vector<1x16xf32>,
          %swap3A_318 = vector.shape_cast %swap3A_317 : vector<1x16xf32> to vector<16xf32>
          %swap3A_319 = vector.shape_cast %mul3A_314 : vector<16xf32> to vector<1x16xf32>
          tpu.vector_store %arg12[%swap3A_315, %swap3A_316], %swap3A_319 {strides = array<i32>} : memref<128x64xf32, #tpu.memory_space<vmem>>, vector<1x16xf32>,
          %get3A_320 = arith.index_cast %add3A_306 : i32 to index
          %get3A_321 = arith.constant 16 : index
          %get3A_322 = tpu.vector_load %arg11[%get3A_320, %get3A_321] {strides = array<i32>} : memref<128x64xf32, #tpu.memory_space<vmem>>, vector<1x16xf32>,
          %get3A_323 = vector.shape_cast %get3A_322 : vector<1x16xf32> to vector<16xf32>
          %mul3A_324 = vector.broadcast %squeeze3A_308 : f32 to vector<16xf32>
          %mul3A_325 = arith.mulf %get3A_323, %mul3A_324 : vector<16xf32>
          %swap3A_326 = arith.index_cast %add3A_306 : i32 to index
          %swap3A_327 = arith.constant 16 : index
          %swap3A_328 = tpu.vector_load %arg12[%swap3A_326, %swap3A_327] {strides = array<i32>} : memref<128x64xf32, #tpu.memory_space<vmem>>, vector<1x16xf32>,
          %swap3A_329 = vector.shape_cast %swap3A_328 : vector<1x16xf32> to vector<16xf32>
          %swap3A_330 = vector.shape_cast %mul3A_325 : vector<16xf32> to vector<1x16xf32>
          tpu.vector_store %arg12[%swap3A_326, %swap3A_327], %swap3A_330 {strides = array<i32>} : memref<128x64xf32, #tpu.memory_space<vmem>>, vector<1x16xf32>,
          %get3A_331 = arith.index_cast %add3A_306 : i32 to index
          %get3A_332 = arith.constant 32 : index
          %get3A_333 = tpu.vector_load %arg11[%get3A_331, %get3A_332] {strides = array<i32>} : memref<128x64xf32, #tpu.memory_space<vmem>>, vector<1x16xf32>,
          %get3A_334 = vector.shape_cast %get3A_333 : vector<1x16xf32> to vector<16xf32>
          %mul3A_335 = vector.broadcast %squeeze3A_308 : f32 to vector<16xf32>
          %mul3A_336 = arith.mulf %get3A_334, %mul3A_335 : vector<16xf32>
          %swap3A_337 = arith.index_cast %add3A_306 : i32 to index
          %swap3A_338 = arith.constant 32 : index
          %swap3A_339 = tpu.vector_load %arg12[%swap3A_337, %swap3A_338] {strides = array<i32>} : memref<128x64xf32, #tpu.memory_space<vmem>>, vector<1x16xf32>,
          %swap3A_340 = vector.shape_cast %swap3A_339 : vector<1x16xf32> to vector<16xf32>
          %swap3A_341 = vector.shape_cast %mul3A_336 : vector<16xf32> to vector<1x16xf32>
          tpu.vector_store %arg12[%swap3A_337, %swap3A_338], %swap3A_341 {strides = array<i32>} : memref<128x64xf32, #tpu.memory_space<vmem>>, vector<1x16xf32>,
          %get3A_342 = arith.index_cast %add3A_306 : i32 to index
          %get3A_343 = arith.constant 48 : index
          %get3A_344 = tpu.vector_load %arg11[%get3A_342, %get3A_343] {strides = array<i32>} : memref<128x64xf32, #tpu.memory_space<vmem>>, vector<1x16xf32>,
          %get3A_345 = vector.shape_cast %get3A_344 : vector<1x16xf32> to vector<16xf32>
          %mul3A_346 = vector.broadcast %squeeze3A_308 : f32 to vector<16xf32>
          %mul3A_347 = arith.mulf %get3A_345, %mul3A_346 : vector<16xf32>
          %swap3A_348 = arith.index_cast %add3A_306 : i32 to index
          %swap3A_349 = arith.constant 48 : index
          %swap3A_350 = tpu.vector_load %arg12[%swap3A_348, %swap3A_349] {strides = array<i32>} : memref<128x64xf32, #tpu.memory_space<vmem>>, vector<1x16xf32>,
          %swap3A_351 = vector.shape_cast %swap3A_350 : vector<1x16xf32> to vector<16xf32>
          %swap3A_352 = vector.shape_cast %mul3A_347 : vector<16xf32> to vector<1x16xf32>
          tpu.vector_store %arg12[%swap3A_348, %swap3A_349], %swap3A_352 {strides = array<i32>} : memref<128x64xf32, #tpu.memory_space<vmem>>, vector<1x16xf32>,
          %mul3A_353 = arith.constant 16 : i32
          %mul3A_354 = arith.muli %scan3A_49, %mul3A_353 : i32
          %add3A_355 = arith.constant 6 : i32
          %add3A_356 = arith.addi %mul3A_354, %add3A_355 : i32
          %slice3A_357 = vector.extract_strided_slice %get3A_55 {offsets = [6], sizes = [1], strides = [1]} : vector<16xf32> to vector<1xf32>
          %squeeze3A_358 = vector.extract %slice3A_357[0] : f32 from vector<1xf32>
          %get3A_359 = arith.index_cast %add3A_356 : i32 to index
          %get3A_360 = arith.constant 0 : index
          %get3A_361 = tpu.vector_load %arg11[%get3A_359, %get3A_360] {strides = array<i32>} : memref<128x64xf32, #tpu.memory_space<vmem>>, vector<1x16xf32>,
          %get3A_362 = vector.shape_cast %get3A_361 : vector<1x16xf32> to vector<16xf32>
          %mul3A_363 = vector.broadcast %squeeze3A_358 : f32 to vector<16xf32>
          %mul3A_364 = arith.mulf %get3A_362, %mul3A_363 : vector<16xf32>
          %swap3A_365 = arith.index_cast %add3A_356 : i32 to index
          %swap3A_366 = arith.constant 0 : index
          %swap3A_367 = tpu.vector_load %arg12[%swap3A_365, %swap3A_366] {strides = array<i32>} : memref<128x64xf32, #tpu.memory_space<vmem>>, vector<1x16xf32>,
          %swap3A_368 = vector.shape_cast %swap3A_367 : vector<1x16xf32> to vector<16xf32>
          %swap3A_369 = vector.shape_cast %mul3A_364 : vector<16xf32> to vector<1x16xf32>
          tpu.vector_store %arg12[%swap3A_365, %swap3A_366], %swap3A_369 {strides = array<i32>} : memref<128x64xf32, #tpu.memory_space<vmem>>, vector<1x16xf32>,
          %get3A_370 = arith.index_cast %add3A_356 : i32 to index
          %get3A_371 = arith.constant 16 : index
          %get3A_372 = tpu.vector_load %arg11[%get3A_370, %get3A_371] {strides = array<i32>} : memref<128x64xf32, #tpu.memory_space<vmem>>, vector<1x16xf32>,
          %get3A_373 = vector.shape_cast %get3A_372 : vector<1x16xf32> to vector<16xf32>
          %mul3A_374 = vector.broadcast %squeeze3A_358 : f32 to vector<16xf32>
          %mul3A_375 = arith.mulf %get3A_373, %mul3A_374 : vector<16xf32>
          %swap3A_376 = arith.index_cast %add3A_356 : i32 to index
          %swap3A_377 = arith.constant 16 : index
          %swap3A_378 = tpu.vector_load %arg12[%swap3A_376, %swap3A_377] {strides = array<i32>} : memref<128x64xf32, #tpu.memory_space<vmem>>, vector<1x16xf32>,
          %swap3A_379 = vector.shape_cast %swap3A_378 : vector<1x16xf32> to vector<16xf32>
          %swap3A_380 = vector.shape_cast %mul3A_375 : vector<16xf32> to vector<1x16xf32>
          tpu.vector_store %arg12[%swap3A_376, %swap3A_377], %swap3A_380 {strides = array<i32>} : memref<128x64xf32, #tpu.memory_space<vmem>>, vector<1x16xf32>,
          %get3A_381 = arith.index_cast %add3A_356 : i32 to index
          %get3A_382 = arith.constant 32 : index
          %get3A_383 = tpu.vector_load %arg11[%get3A_381, %get3A_382] {strides = array<i32>} : memref<128x64xf32, #tpu.memory_space<vmem>>, vector<1x16xf32>,
          %get3A_384 = vector.shape_cast %get3A_383 : vector<1x16xf32> to vector<16xf32>
          %mul3A_385 = vector.broadcast %squeeze3A_358 : f32 to vector<16xf32>
          %mul3A_386 = arith.mulf %get3A_384, %mul3A_385 : vector<16xf32>
          %swap3A_387 = arith.index_cast %add3A_356 : i32 to index
          %swap3A_388 = arith.constant 32 : index
          %swap3A_389 = tpu.vector_load %arg12[%swap3A_387, %swap3A_388] {strides = array<i32>} : memref<128x64xf32, #tpu.memory_space<vmem>>, vector<1x16xf32>,
          %swap3A_390 = vector.shape_cast %swap3A_389 : vector<1x16xf32> to vector<16xf32>
          %swap3A_391 = vector.shape_cast %mul3A_386 : vector<16xf32> to vector<1x16xf32>
          tpu.vector_store %arg12[%swap3A_387, %swap3A_388], %swap3A_391 {strides = array<i32>} : memref<128x64xf32, #tpu.memory_space<vmem>>, vector<1x16xf32>,
          %get3A_392 = arith.index_cast %add3A_356 : i32 to index
          %get3A_393 = arith.constant 48 : index
          %get3A_394 = tpu.vector_load %arg11[%get3A_392, %get3A_393] {strides = array<i32>} : memref<128x64xf32, #tpu.memory_space<vmem>>, vector<1x16xf32>,
          %get3A_395 = vector.shape_cast %get3A_394 : vector<1x16xf32> to vector<16xf32>
          %mul3A_396 = vector.broadcast %squeeze3A_358 : f32 to vector<16xf32>
          %mul3A_397 = arith.mulf %get3A_395, %mul3A_396 : vector<16xf32>
          %swap3A_398 = arith.index_cast %add3A_356 : i32 to index
          %swap3A_399 = arith.constant 48 : index
          %swap3A_400 = tpu.vector_load %arg12[%swap3A_398, %swap3A_399] {strides = array<i32>} : memref<128x64xf32, #tpu.memory_space<vmem>>, vector<1x16xf32>,
          %swap3A_401 = vector.shape_cast %swap3A_400 : vector<1x16xf32> to vector<16xf32>
          %swap3A_402 = vector.shape_cast %mul3A_397 : vector<16xf32> to vector<1x16xf32>
          tpu.vector_store %arg12[%swap3A_398, %swap3A_399], %swap3A_402 {strides = array<i32>} : memref<128x64xf32, #tpu.memory_space<vmem>>, vector<1x16xf32>,
          %mul3A_403 = arith.constant 16 : i32
          %mul3A_404 = arith.muli %scan3A_49, %mul3A_403 : i32
          %add3A_405 = arith.constant 7 : i32
          %add3A_406 = arith.addi %mul3A_404, %add3A_405 : i32
          %slice3A_407 = vector.extract_strided_slice %get3A_55 {offsets = [7], sizes = [1], strides = [1]} : vector<16xf32> to vector<1xf32>
          %squeeze3A_408 = vector.extract %slice3A_407[0] : f32 from vector<1xf32>
          %get3A_409 = arith.index_cast %add3A_406 : i32 to index
          %get3A_410 = arith.constant 0 : index
          %get3A_411 = tpu.vector_load %arg11[%get3A_409, %get3A_410] {strides = array<i32>} : memref<128x64xf32, #tpu.memory_space<vmem>>, vector<1x16xf32>,
          %get3A_412 = vector.shape_cast %get3A_411 : vector<1x16xf32> to vector<16xf32>
          %mul3A_413 = vector.broadcast %squeeze3A_408 : f32 to vector<16xf32>
          %mul3A_414 = arith.mulf %get3A_412, %mul3A_413 : vector<16xf32>
          %swap3A_415 = arith.index_cast %add3A_406 : i32 to index
          %swap3A_416 = arith.constant 0 : index
          %swap3A_417 = tpu.vector_load %arg12[%swap3A_415, %swap3A_416] {strides = array<i32>} : memref<128x64xf32, #tpu.memory_space<vmem>>, vector<1x16xf32>,
          %swap3A_418 = vector.shape_cast %swap3A_417 : vector<1x16xf32> to vector<16xf32>
          %swap3A_419 = vector.shape_cast %mul3A_414 : vector<16xf32> to vector<1x16xf32>
          tpu.vector_store %arg12[%swap3A_415, %swap3A_416], %swap3A_419 {strides = array<i32>} : memref<128x64xf32, #tpu.memory_space<vmem>>, vector<1x16xf32>,
          %get3A_420 = arith.index_cast %add3A_406 : i32 to index
          %get3A_421 = arith.constant 16 : index
          %get3A_422 = tpu.vector_load %arg11[%get3A_420, %get3A_421] {strides = array<i32>} : memref<128x64xf32, #tpu.memory_space<vmem>>, vector<1x16xf32>,
          %get3A_423 = vector.shape_cast %get3A_422 : vector<1x16xf32> to vector<16xf32>
          %mul3A_424 = vector.broadcast %squeeze3A_408 : f32 to vector<16xf32>
          %mul3A_425 = arith.mulf %get3A_423, %mul3A_424 : vector<16xf32>
          %swap3A_426 = arith.index_cast %add3A_406 : i32 to index
          %swap3A_427 = arith.constant 16 : index
          %swap3A_428 = tpu.vector_load %arg12[%swap3A_426, %swap3A_427] {strides = array<i32>} : memref<128x64xf32, #tpu.memory_space<vmem>>, vector<1x16xf32>,
          %swap3A_429 = vector.shape_cast %swap3A_428 : vector<1x16xf32> to vector<16xf32>
          %swap3A_430 = vector.shape_cast %mul3A_425 : vector<16xf32> to vector<1x16xf32>
          tpu.vector_store %arg12[%swap3A_426, %swap3A_427], %swap3A_430 {strides = array<i32>} : memref<128x64xf32, #tpu.memory_space<vmem>>, vector<1x16xf32>,
          %get3A_431 = arith.index_cast %add3A_406 : i32 to index
          %get3A_432 = arith.constant 32 : index
          %get3A_433 = tpu.vector_load %arg11[%get3A_431, %get3A_432] {strides = array<i32>} : memref<128x64xf32, #tpu.memory_space<vmem>>, vector<1x16xf32>,
          %get3A_434 = vector.shape_cast %get3A_433 : vector<1x16xf32> to vector<16xf32>
          %mul3A_435 = vector.broadcast %squeeze3A_408 : f32 to vector<16xf32>
          %mul3A_436 = arith.mulf %get3A_434, %mul3A_435 : vector<16xf32>
          %swap3A_437 = arith.index_cast %add3A_406 : i32 to index
          %swap3A_438 = arith.constant 32 : index
          %swap3A_439 = tpu.vector_load %arg12[%swap3A_437, %swap3A_438] {strides = array<i32>} : memref<128x64xf32, #tpu.memory_space<vmem>>, vector<1x16xf32>,
          %swap3A_440 = vector.shape_cast %swap3A_439 : vector<1x16xf32> to vector<16xf32>
          %swap3A_441 = vector.shape_cast %mul3A_436 : vector<16xf32> to vector<1x16xf32>
          tpu.vector_store %arg12[%swap3A_437, %swap3A_438], %swap3A_441 {strides = array<i32>} : memref<128x64xf32, #tpu.memory_space<vmem>>, vector<1x16xf32>,
          %get3A_442 = arith.index_cast %add3A_406 : i32 to index
          %get3A_443 = arith.constant 48 : index
          %get3A_444 = tpu.vector_load %arg11[%get3A_442, %get3A_443] {strides = array<i32>} : memref<128x64xf32, #tpu.memory_space<vmem>>, vector<1x16xf32>,
          %get3A_445 = vector.shape_cast %get3A_444 : vector<1x16xf32> to vector<16xf32>
          %mul3A_446 = vector.broadcast %squeeze3A_408 : f32 to vector<16xf32>
          %mul3A_447 = arith.mulf %get3A_445, %mul3A_446 : vector<16xf32>
          %swap3A_448 = arith.index_cast %add3A_406 : i32 to index
          %swap3A_449 = arith.constant 48 : index
          %swap3A_450 = tpu.vector_load %arg12[%swap3A_448, %swap3A_449] {strides = array<i32>} : memref<128x64xf32, #tpu.memory_space<vmem>>, vector<1x16xf32>,
          %swap3A_451 = vector.shape_cast %swap3A_450 : vector<1x16xf32> to vector<16xf32>
          %swap3A_452 = vector.shape_cast %mul3A_447 : vector<16xf32> to vector<1x16xf32>
          tpu.vector_store %arg12[%swap3A_448, %swap3A_449], %swap3A_452 {strides = array<i32>} : memref<128x64xf32, #tpu.memory_space<vmem>>, vector<1x16xf32>,
          %mul3A_453 = arith.constant 16 : i32
          %mul3A_454 = arith.muli %scan3A_49, %mul3A_453 : i32
          %add3A_455 = arith.constant 8 : i32
          %add3A_456 = arith.addi %mul3A_454, %add3A_455 : i32
          %slice3A_457 = vector.extract_strided_slice %get3A_55 {offsets = [8], sizes = [1], strides = [1]} : vector<16xf32> to vector<1xf32>
          %squeeze3A_458 = vector.extract %slice3A_457[0] : f32 from vector<1xf32>
          %get3A_459 = arith.index_cast %add3A_456 : i32 to index
          %get3A_460 = arith.constant 0 : index
          %get3A_461 = tpu.vector_load %arg11[%get3A_459, %get3A_460] {strides = array<i32>} : memref<128x64xf32, #tpu.memory_space<vmem>>, vector<1x16xf32>,
          %get3A_462 = vector.shape_cast %get3A_461 : vector<1x16xf32> to vector<16xf32>
          %mul3A_463 = vector.broadcast %squeeze3A_458 : f32 to vector<16xf32>
          %mul3A_464 = arith.mulf %get3A_462, %mul3A_463 : vector<16xf32>
          %swap3A_465 = arith.index_cast %add3A_456 : i32 to index
          %swap3A_466 = arith.constant 0 : index
          %swap3A_467 = tpu.vector_load %arg12[%swap3A_465, %swap3A_466] {strides = array<i32>} : memref<128x64xf32, #tpu.memory_space<vmem>>, vector<1x16xf32>,
          %swap3A_468 = vector.shape_cast %swap3A_467 : vector<1x16xf32> to vector<16xf32>
          %swap3A_469 = vector.shape_cast %mul3A_464 : vector<16xf32> to vector<1x16xf32>
          tpu.vector_store %arg12[%swap3A_465, %swap3A_466], %swap3A_469 {strides = array<i32>} : memref<128x64xf32, #tpu.memory_space<vmem>>, vector<1x16xf32>,
          %get3A_470 = arith.index_cast %add3A_456 : i32 to index
          %get3A_471 = arith.constant 16 : index
          %get3A_472 = tpu.vector_load %arg11[%get3A_470, %get3A_471] {strides = array<i32>} : memref<128x64xf32, #tpu.memory_space<vmem>>, vector<1x16xf32>,
          %get3A_473 = vector.shape_cast %get3A_472 : vector<1x16xf32> to vector<16xf32>
          %mul3A_474 = vector.broadcast %squeeze3A_458 : f32 to vector<16xf32>
          %mul3A_475 = arith.mulf %get3A_473, %mul3A_474 : vector<16xf32>
          %swap3A_476 = arith.index_cast %add3A_456 : i32 to index
          %swap3A_477 = arith.constant 16 : index
          %swap3A_478 = tpu.vector_load %arg12[%swap3A_476, %swap3A_477] {strides = array<i32>} : memref<128x64xf32, #tpu.memory_space<vmem>>, vector<1x16xf32>,
          %swap3A_479 = vector.shape_cast %swap3A_478 : vector<1x16xf32> to vector<16xf32>
          %swap3A_480 = vector.shape_cast %mul3A_475 : vector<16xf32> to vector<1x16xf32>
          tpu.vector_store %arg12[%swap3A_476, %swap3A_477], %swap3A_480 {strides = array<i32>} : memref<128x64xf32, #tpu.memory_space<vmem>>, vector<1x16xf32>,
          %get3A_481 = arith.index_cast %add3A_456 : i32 to index
          %get3A_482 = arith.constant 32 : index
          %get3A_483 = tpu.vector_load %arg11[%get3A_481, %get3A_482] {strides = array<i32>} : memref<128x64xf32, #tpu.memory_space<vmem>>, vector<1x16xf32>,
          %get3A_484 = vector.shape_cast %get3A_483 : vector<1x16xf32> to vector<16xf32>
          %mul3A_485 = vector.broadcast %squeeze3A_458 : f32 to vector<16xf32>
          %mul3A_486 = arith.mulf %get3A_484, %mul3A_485 : vector<16xf32>
          %swap3A_487 = arith.index_cast %add3A_456 : i32 to index
          %swap3A_488 = arith.constant 32 : index
          %swap3A_489 = tpu.vector_load %arg12[%swap3A_487, %swap3A_488] {strides = array<i32>} : memref<128x64xf32, #tpu.memory_space<vmem>>, vector<1x16xf32>,
          %swap3A_490 = vector.shape_cast %swap3A_489 : vector<1x16xf32> to vector<16xf32>
          %swap3A_491 = vector.shape_cast %mul3A_486 : vector<16xf32> to vector<1x16xf32>
          tpu.vector_store %arg12[%swap3A_487, %swap3A_488], %swap3A_491 {strides = array<i32>} : memref<128x64xf32, #tpu.memory_space<vmem>>, vector<1x16xf32>,
          %get3A_492 = arith.index_cast %add3A_456 : i32 to index
          %get3A_493 = arith.constant 48 : index
          %get3A_494 = tpu.vector_load %arg11[%get3A_492, %get3A_493] {strides = array<i32>} : memref<128x64xf32, #tpu.memory_space<vmem>>, vector<1x16xf32>,
          %get3A_495 = vector.shape_cast %get3A_494 : vector<1x16xf32> to vector<16xf32>
          %mul3A_496 = vector.broadcast %squeeze3A_458 : f32 to vector<16xf32>
          %mul3A_497 = arith.mulf %get3A_495, %mul3A_496 : vector<16xf32>
          %swap3A_498 = arith.index_cast %add3A_456 : i32 to index
          %swap3A_499 = arith.constant 48 : index
          %swap3A_500 = tpu.vector_load %arg12[%swap3A_498, %swap3A_499] {strides = array<i32>} : memref<128x64xf32, #tpu.memory_space<vmem>>, vector<1x16xf32>,
          %swap3A_501 = vector.shape_cast %swap3A_500 : vector<1x16xf32> to vector<16xf32>
          %swap3A_502 = vector.shape_cast %mul3A_497 : vector<16xf32> to vector<1x16xf32>
          tpu.vector_store %arg12[%swap3A_498, %swap3A_499], %swap3A_502 {strides = array<i32>} : memref<128x64xf32, #tpu.memory_space<vmem>>, vector<1x16xf32>,
          %mul3A_503 = arith.constant 16 : i32
          %mul3A_504 = arith.muli %scan3A_49, %mul3A_503 : i32
          %add3A_505 = arith.constant 9 : i32
          %add3A_506 = arith.addi %mul3A_504, %add3A_505 : i32
          %slice3A_507 = vector.extract_strided_slice %get3A_55 {offsets = [9], sizes = [1], strides = [1]} : vector<16xf32> to vector<1xf32>
          %squeeze3A_508 = vector.extract %slice3A_507[0] : f32 from vector<1xf32>
          %get3A_509 = arith.index_cast %add3A_506 : i32 to index
          %get3A_510 = arith.constant 0 : index
          %get3A_511 = tpu.vector_load %arg11[%get3A_509, %get3A_510] {strides = array<i32>} : memref<128x64xf32, #tpu.memory_space<vmem>>, vector<1x16xf32>,
          %get3A_512 = vector.shape_cast %get3A_511 : vector<1x16xf32> to vector<16xf32>
          %mul3A_513 = vector.broadcast %squeeze3A_508 : f32 to vector<16xf32>
          %mul3A_514 = arith.mulf %get3A_512, %mul3A_513 : vector<16xf32>
          %swap3A_515 = arith.index_cast %add3A_506 : i32 to index
          %swap3A_516 = arith.constant 0 : index
          %swap3A_517 = tpu.vector_load %arg12[%swap3A_515, %swap3A_516] {strides = array<i32>} : memref<128x64xf32, #tpu.memory_space<vmem>>, vector<1x16xf32>,
          %swap3A_518 = vector.shape_cast %swap3A_517 : vector<1x16xf32> to vector<16xf32>
          %swap3A_519 = vector.shape_cast %mul3A_514 : vector<16xf32> to vector<1x16xf32>
          tpu.vector_store %arg12[%swap3A_515, %swap3A_516], %swap3A_519 {strides = array<i32>} : memref<128x64xf32, #tpu.memory_space<vmem>>, vector<1x16xf32>,
          %get3A_520 = arith.index_cast %add3A_506 : i32 to index
          %get3A_521 = arith.constant 16 : index
          %get3A_522 = tpu.vector_load %arg11[%get3A_520, %get3A_521] {strides = array<i32>} : memref<128x64xf32, #tpu.memory_space<vmem>>, vector<1x16xf32>,
          %get3A_523 = vector.shape_cast %get3A_522 : vector<1x16xf32> to vector<16xf32>
          %mul3A_524 = vector.broadcast %squeeze3A_508 : f32 to vector<16xf32>
          %mul3A_525 = arith.mulf %get3A_523, %mul3A_524 : vector<16xf32>
          %swap3A_526 = arith.index_cast %add3A_506 : i32 to index
          %swap3A_527 = arith.constant 16 : index
          %swap3A_528 = tpu.vector_load %arg12[%swap3A_526, %swap3A_527] {strides = array<i32>} : memref<128x64xf32, #tpu.memory_space<vmem>>, vector<1x16xf32>,
          %swap3A_529 = vector.shape_cast %swap3A_528 : vector<1x16xf32> to vector<16xf32>
          %swap3A_530 = vector.shape_cast %mul3A_525 : vector<16xf32> to vector<1x16xf32>
          tpu.vector_store %arg12[%swap3A_526, %swap3A_527], %swap3A_530 {strides = array<i32>} : memref<128x64xf32, #tpu.memory_space<vmem>>, vector<1x16xf32>,
          %get3A_531 = arith.index_cast %add3A_506 : i32 to index
          %get3A_532 = arith.constant 32 : index
          %get3A_533 = tpu.vector_load %arg11[%get3A_531, %get3A_532] {strides = array<i32>} : memref<128x64xf32, #tpu.memory_space<vmem>>, vector<1x16xf32>,
          %get3A_534 = vector.shape_cast %get3A_533 : vector<1x16xf32> to vector<16xf32>
          %mul3A_535 = vector.broadcast %squeeze3A_508 : f32 to vector<16xf32>
          %mul3A_536 = arith.mulf %get3A_534, %mul3A_535 : vector<16xf32>
          %swap3A_537 = arith.index_cast %add3A_506 : i32 to index
          %swap3A_538 = arith.constant 32 : index
          %swap3A_539 = tpu.vector_load %arg12[%swap3A_537, %swap3A_538] {strides = array<i32>} : memref<128x64xf32, #tpu.memory_space<vmem>>, vector<1x16xf32>,
          %swap3A_540 = vector.shape_cast %swap3A_539 : vector<1x16xf32> to vector<16xf32>
          %swap3A_541 = vector.shape_cast %mul3A_536 : vector<16xf32> to vector<1x16xf32>
          tpu.vector_store %arg12[%swap3A_537, %swap3A_538], %swap3A_541 {strides = array<i32>} : memref<128x64xf32, #tpu.memory_space<vmem>>, vector<1x16xf32>,
          %get3A_542 = arith.index_cast %add3A_506 : i32 to index
          %get3A_543 = arith.constant 48 : index
          %get3A_544 = tpu.vector_load %arg11[%get3A_542, %get3A_543] {strides = array<i32>} : memref<128x64xf32, #tpu.memory_space<vmem>>, vector<1x16xf32>,
          %get3A_545 = vector.shape_cast %get3A_544 : vector<1x16xf32> to vector<16xf32>
          %mul3A_546 = vector.broadcast %squeeze3A_508 : f32 to vector<16xf32>
          %mul3A_547 = arith.mulf %get3A_545, %mul3A_546 : vector<16xf32>
          %swap3A_548 = arith.index_cast %add3A_506 : i32 to index
          %swap3A_549 = arith.constant 48 : index
          %swap3A_550 = tpu.vector_load %arg12[%swap3A_548, %swap3A_549] {strides = array<i32>} : memref<128x64xf32, #tpu.memory_space<vmem>>, vector<1x16xf32>,
          %swap3A_551 = vector.shape_cast %swap3A_550 : vector<1x16xf32> to vector<16xf32>
          %swap3A_552 = vector.shape_cast %mul3A_547 : vector<16xf32> to vector<1x16xf32>
          tpu.vector_store %arg12[%swap3A_548, %swap3A_549], %swap3A_552 {strides = array<i32>} : memref<128x64xf32, #tpu.memory_space<vmem>>, vector<1x16xf32>,
          %mul3A_553 = arith.constant 16 : i32
          %mul3A_554 = arith.muli %scan3A_49, %mul3A_553 : i32
          %add3A_555 = arith.constant 10 : i32
          %add3A_556 = arith.addi %mul3A_554, %add3A_555 : i32
          %slice3A_557 = vector.extract_strided_slice %get3A_55 {offsets = [10], sizes = [1], strides = [1]} : vector<16xf32> to vector<1xf32>
          %squeeze3A_558 = vector.extract %slice3A_557[0] : f32 from vector<1xf32>
          %get3A_559 = arith.index_cast %add3A_556 : i32 to index
          %get3A_560 = arith.constant 0 : index
          %get3A_561 = tpu.vector_load %arg11[%get3A_559, %get3A_560] {strides = array<i32>} : memref<128x64xf32, #tpu.memory_space<vmem>>, vector<1x16xf32>,
          %get3A_562 = vector.shape_cast %get3A_561 : vector<1x16xf32> to vector<16xf32>
          %mul3A_563 = vector.broadcast %squeeze3A_558 : f32 to vector<16xf32>
          %mul3A_564 = arith.mulf %get3A_562, %mul3A_563 : vector<16xf32>
          %swap3A_565 = arith.index_cast %add3A_556 : i32 to index
          %swap3A_566 = arith.constant 0 : index
          %swap3A_567 = tpu.vector_load %arg12[%swap3A_565, %swap3A_566] {strides = array<i32>} : memref<128x64xf32, #tpu.memory_space<vmem>>, vector<1x16xf32>,
          %swap3A_568 = vector.shape_cast %swap3A_567 : vector<1x16xf32> to vector<16xf32>
          %swap3A_569 = vector.shape_cast %mul3A_564 : vector<16xf32> to vector<1x16xf32>
          tpu.vector_store %arg12[%swap3A_565, %swap3A_566], %swap3A_569 {strides = array<i32>} : memref<128x64xf32, #tpu.memory_space<vmem>>, vector<1x16xf32>,
          %get3A_570 = arith.index_cast %add3A_556 : i32 to index
          %get3A_571 = arith.constant 16 : index
          %get3A_572 = tpu.vector_load %arg11[%get3A_570, %get3A_571] {strides = array<i32>} : memref<128x64xf32, #tpu.memory_space<vmem>>, vector<1x16xf32>,
          %get3A_573 = vector.shape_cast %get3A_572 : vector<1x16xf32> to vector<16xf32>
          %mul3A_574 = vector.broadcast %squeeze3A_558 : f32 to vector<16xf32>
          %mul3A_575 = arith.mulf %get3A_573, %mul3A_574 : vector<16xf32>
          %swap3A_576 = arith.index_cast %add3A_556 : i32 to index
          %swap3A_577 = arith.constant 16 : index
          %swap3A_578 = tpu.vector_load %arg12[%swap3A_576, %swap3A_577] {strides = array<i32>} : memref<128x64xf32, #tpu.memory_space<vmem>>, vector<1x16xf32>,
          %swap3A_579 = vector.shape_cast %swap3A_578 : vector<1x16xf32> to vector<16xf32>
          %swap3A_580 = vector.shape_cast %mul3A_575 : vector<16xf32> to vector<1x16xf32>
          tpu.vector_store %arg12[%swap3A_576, %swap3A_577], %swap3A_580 {strides = array<i32>} : memref<128x64xf32, #tpu.memory_space<vmem>>, vector<1x16xf32>,
          %get3A_581 = arith.index_cast %add3A_556 : i32 to index
          %get3A_582 = arith.constant 32 : index
          %get3A_583 = tpu.vector_load %arg11[%get3A_581, %get3A_582] {strides = array<i32>} : memref<128x64xf32, #tpu.memory_space<vmem>>, vector<1x16xf32>,
          %get3A_584 = vector.shape_cast %get3A_583 : vector<1x16xf32> to vector<16xf32>
          %mul3A_585 = vector.broadcast %squeeze3A_558 : f32 to vector<16xf32>
          %mul3A_586 = arith.mulf %get3A_584, %mul3A_585 : vector<16xf32>
          %swap3A_587 = arith.index_cast %add3A_556 : i32 to index
          %swap3A_588 = arith.constant 32 : index
          %swap3A_589 = tpu.vector_load %arg12[%swap3A_587, %swap3A_588] {strides = array<i32>} : memref<128x64xf32, #tpu.memory_space<vmem>>, vector<1x16xf32>,
          %swap3A_590 = vector.shape_cast %swap3A_589 : vector<1x16xf32> to vector<16xf32>
          %swap3A_591 = vector.shape_cast %mul3A_586 : vector<16xf32> to vector<1x16xf32>
          tpu.vector_store %arg12[%swap3A_587, %swap3A_588], %swap3A_591 {strides = array<i32>} : memref<128x64xf32, #tpu.memory_space<vmem>>, vector<1x16xf32>,
          %get3A_592 = arith.index_cast %add3A_556 : i32 to index
          %get3A_593 = arith.constant 48 : index
          %get3A_594 = tpu.vector_load %arg11[%get3A_592, %get3A_593] {strides = array<i32>} : memref<128x64xf32, #tpu.memory_space<vmem>>, vector<1x16xf32>,
          %get3A_595 = vector.shape_cast %get3A_594 : vector<1x16xf32> to vector<16xf32>
          %mul3A_596 = vector.broadcast %squeeze3A_558 : f32 to vector<16xf32>
          %mul3A_597 = arith.mulf %get3A_595, %mul3A_596 : vector<16xf32>
          %swap3A_598 = arith.index_cast %add3A_556 : i32 to index
          %swap3A_599 = arith.constant 48 : index
          %swap3A_600 = tpu.vector_load %arg12[%swap3A_598, %swap3A_599] {strides = array<i32>} : memref<128x64xf32, #tpu.memory_space<vmem>>, vector<1x16xf32>,
          %swap3A_601 = vector.shape_cast %swap3A_600 : vector<1x16xf32> to vector<16xf32>
          %swap3A_602 = vector.shape_cast %mul3A_597 : vector<16xf32> to vector<1x16xf32>
          tpu.vector_store %arg12[%swap3A_598, %swap3A_599], %swap3A_602 {strides = array<i32>} : memref<128x64xf32, #tpu.memory_space<vmem>>, vector<1x16xf32>,
          %mul3A_603 = arith.constant 16 : i32
          %mul3A_604 = arith.muli %scan3A_49, %mul3A_603 : i32
          %add3A_605 = arith.constant 11 : i32
          %add3A_606 = arith.addi %mul3A_604, %add3A_605 : i32
          %slice3A_607 = vector.extract_strided_slice %get3A_55 {offsets = [11], sizes = [1], strides = [1]} : vector<16xf32> to vector<1xf32>
          %squeeze3A_608 = vector.extract %slice3A_607[0] : f32 from vector<1xf32>
          %get3A_609 = arith.index_cast %add3A_606 : i32 to index
          %get3A_610 = arith.constant 0 : index
          %get3A_611 = tpu.vector_load %arg11[%get3A_609, %get3A_610] {strides = array<i32>} : memref<128x64xf32, #tpu.memory_space<vmem>>, vector<1x16xf32>,
          %get3A_612 = vector.shape_cast %get3A_611 : vector<1x16xf32> to vector<16xf32>
          %mul3A_613 = vector.broadcast %squeeze3A_608 : f32 to vector<16xf32>
          %mul3A_614 = arith.mulf %get3A_612, %mul3A_613 : vector<16xf32>
          %swap3A_615 = arith.index_cast %add3A_606 : i32 to index
          %swap3A_616 = arith.constant 0 : index
          %swap3A_617 = tpu.vector_load %arg12[%swap3A_615, %swap3A_616] {strides = array<i32>} : memref<128x64xf32, #tpu.memory_space<vmem>>, vector<1x16xf32>,
          %swap3A_618 = vector.shape_cast %swap3A_617 : vector<1x16xf32> to vector<16xf32>
          %swap3A_619 = vector.shape_cast %mul3A_614 : vector<16xf32> to vector<1x16xf32>
          tpu.vector_store %arg12[%swap3A_615, %swap3A_616], %swap3A_619 {strides = array<i32>} : memref<128x64xf32, #tpu.memory_space<vmem>>, vector<1x16xf32>,
          %get3A_620 = arith.index_cast %add3A_606 : i32 to index
          %get3A_621 = arith.constant 16 : index
          %get3A_622 = tpu.vector_load %arg11[%get3A_620, %get3A_621] {strides = array<i32>} : memref<128x64xf32, #tpu.memory_space<vmem>>, vector<1x16xf32>,
          %get3A_623 = vector.shape_cast %get3A_622 : vector<1x16xf32> to vector<16xf32>
          %mul3A_624 = vector.broadcast %squeeze3A_608 : f32 to vector<16xf32>
          %mul3A_625 = arith.mulf %get3A_623, %mul3A_624 : vector<16xf32>
          %swap3A_626 = arith.index_cast %add3A_606 : i32 to index
          %swap3A_627 = arith.constant 16 : index
          %swap3A_628 = tpu.vector_load %arg12[%swap3A_626, %swap3A_627] {strides = array<i32>} : memref<128x64xf32, #tpu.memory_space<vmem>>, vector<1x16xf32>,
          %swap3A_629 = vector.shape_cast %swap3A_628 : vector<1x16xf32> to vector<16xf32>
          %swap3A_630 = vector.shape_cast %mul3A_625 : vector<16xf32> to vector<1x16xf32>
          tpu.vector_store %arg12[%swap3A_626, %swap3A_627], %swap3A_630 {strides = array<i32>} : memref<128x64xf32, #tpu.memory_space<vmem>>, vector<1x16xf32>,
          %get3A_631 = arith.index_cast %add3A_606 : i32 to index
          %get3A_632 = arith.constant 32 : index
          %get3A_633 = tpu.vector_load %arg11[%get3A_631, %get3A_632] {strides = array<i32>} : memref<128x64xf32, #tpu.memory_space<vmem>>, vector<1x16xf32>,
          %get3A_634 = vector.shape_cast %get3A_633 : vector<1x16xf32> to vector<16xf32>
          %mul3A_635 = vector.broadcast %squeeze3A_608 : f32 to vector<16xf32>
          %mul3A_636 = arith.mulf %get3A_634, %mul3A_635 : vector<16xf32>
          %swap3A_637 = arith.index_cast %add3A_606 : i32 to index
          %swap3A_638 = arith.constant 32 : index
          %swap3A_639 = tpu.vector_load %arg12[%swap3A_637, %swap3A_638] {strides = array<i32>} : memref<128x64xf32, #tpu.memory_space<vmem>>, vector<1x16xf32>,
          %swap3A_640 = vector.shape_cast %swap3A_639 : vector<1x16xf32> to vector<16xf32>
          %swap3A_641 = vector.shape_cast %mul3A_636 : vector<16xf32> to vector<1x16xf32>
          tpu.vector_store %arg12[%swap3A_637, %swap3A_638], %swap3A_641 {strides = array<i32>} : memref<128x64xf32, #tpu.memory_space<vmem>>, vector<1x16xf32>,
          %get3A_642 = arith.index_cast %add3A_606 : i32 to index
          %get3A_643 = arith.constant 48 : index
          %get3A_644 = tpu.vector_load %arg11[%get3A_642, %get3A_643] {strides = array<i32>} : memref<128x64xf32, #tpu.memory_space<vmem>>, vector<1x16xf32>,
          %get3A_645 = vector.shape_cast %get3A_644 : vector<1x16xf32> to vector<16xf32>
          %mul3A_646 = vector.broadcast %squeeze3A_608 : f32 to vector<16xf32>
          %mul3A_647 = arith.mulf %get3A_645, %mul3A_646 : vector<16xf32>
          %swap3A_648 = arith.index_cast %add3A_606 : i32 to index
          %swap3A_649 = arith.constant 48 : index
          %swap3A_650 = tpu.vector_load %arg12[%swap3A_648, %swap3A_649] {strides = array<i32>} : memref<128x64xf32, #tpu.memory_space<vmem>>, vector<1x16xf32>,
          %swap3A_651 = vector.shape_cast %swap3A_650 : vector<1x16xf32> to vector<16xf32>
          %swap3A_652 = vector.shape_cast %mul3A_647 : vector<16xf32> to vector<1x16xf32>
          tpu.vector_store %arg12[%swap3A_648, %swap3A_649], %swap3A_652 {strides = array<i32>} : memref<128x64xf32, #tpu.memory_space<vmem>>, vector<1x16xf32>,
          %mul3A_653 = arith.constant 16 : i32
          %mul3A_654 = arith.muli %scan3A_49, %mul3A_653 : i32
          %add3A_655 = arith.constant 12 : i32
          %add3A_656 = arith.addi %mul3A_654, %add3A_655 : i32
          %slice3A_657 = vector.extract_strided_slice %get3A_55 {offsets = [12], sizes = [1], strides = [1]} : vector<16xf32> to vector<1xf32>
          %squeeze3A_658 = vector.extract %slice3A_657[0] : f32 from vector<1xf32>
          %get3A_659 = arith.index_cast %add3A_656 : i32 to index
          %get3A_660 = arith.constant 0 : index
          %get3A_661 = tpu.vector_load %arg11[%get3A_659, %get3A_660] {strides = array<i32>} : memref<128x64xf32, #tpu.memory_space<vmem>>, vector<1x16xf32>,
          %get3A_662 = vector.shape_cast %get3A_661 : vector<1x16xf32> to vector<16xf32>
          %mul3A_663 = vector.broadcast %squeeze3A_658 : f32 to vector<16xf32>
          %mul3A_664 = arith.mulf %get3A_662, %mul3A_663 : vector<16xf32>
          %swap3A_665 = arith.index_cast %add3A_656 : i32 to index
          %swap3A_666 = arith.constant 0 : index
          %swap3A_667 = tpu.vector_load %arg12[%swap3A_665, %swap3A_666] {strides = array<i32>} : memref<128x64xf32, #tpu.memory_space<vmem>>, vector<1x16xf32>,
          %swap3A_668 = vector.shape_cast %swap3A_667 : vector<1x16xf32> to vector<16xf32>
          %swap3A_669 = vector.shape_cast %mul3A_664 : vector<16xf32> to vector<1x16xf32>
          tpu.vector_store %arg12[%swap3A_665, %swap3A_666], %swap3A_669 {strides = array<i32>} : memref<128x64xf32, #tpu.memory_space<vmem>>, vector<1x16xf32>,
          %get3A_670 = arith.index_cast %add3A_656 : i32 to index
          %get3A_671 = arith.constant 16 : index
          %get3A_672 = tpu.vector_load %arg11[%get3A_670, %get3A_671] {strides = array<i32>} : memref<128x64xf32, #tpu.memory_space<vmem>>, vector<1x16xf32>,
          %get3A_673 = vector.shape_cast %get3A_672 : vector<1x16xf32> to vector<16xf32>
          %mul3A_674 = vector.broadcast %squeeze3A_658 : f32 to vector<16xf32>
          %mul3A_675 = arith.mulf %get3A_673, %mul3A_674 : vector<16xf32>
          %swap3A_676 = arith.index_cast %add3A_656 : i32 to index
          %swap3A_677 = arith.constant 16 : index
          %swap3A_678 = tpu.vector_load %arg12[%swap3A_676, %swap3A_677] {strides = array<i32>} : memref<128x64xf32, #tpu.memory_space<vmem>>, vector<1x16xf32>,
          %swap3A_679 = vector.shape_cast %swap3A_678 : vector<1x16xf32> to vector<16xf32>
          %swap3A_680 = vector.shape_cast %mul3A_675 : vector<16xf32> to vector<1x16xf32>
          tpu.vector_store %arg12[%swap3A_676, %swap3A_677], %swap3A_680 {strides = array<i32>} : memref<128x64xf32, #tpu.memory_space<vmem>>, vector<1x16xf32>,
          %get3A_681 = arith.index_cast %add3A_656 : i32 to index
          %get3A_682 = arith.constant 32 : index
          %get3A_683 = tpu.vector_load %arg11[%get3A_681, %get3A_682] {strides = array<i32>} : memref<128x64xf32, #tpu.memory_space<vmem>>, vector<1x16xf32>,
          %get3A_684 = vector.shape_cast %get3A_683 : vector<1x16xf32> to vector<16xf32>
          %mul3A_685 = vector.broadcast %squeeze3A_658 : f32 to vector<16xf32>
          %mul3A_686 = arith.mulf %get3A_684, %mul3A_685 : vector<16xf32>
          %swap3A_687 = arith.index_cast %add3A_656 : i32 to index
          %swap3A_688 = arith.constant 32 : index
          %swap3A_689 = tpu.vector_load %arg12[%swap3A_687, %swap3A_688] {strides = array<i32>} : memref<128x64xf32, #tpu.memory_space<vmem>>, vector<1x16xf32>,
          %swap3A_690 = vector.shape_cast %swap3A_689 : vector<1x16xf32> to vector<16xf32>
          %swap3A_691 = vector.shape_cast %mul3A_686 : vector<16xf32> to vector<1x16xf32>
          tpu.vector_store %arg12[%swap3A_687, %swap3A_688], %swap3A_691 {strides = array<i32>} : memref<128x64xf32, #tpu.memory_space<vmem>>, vector<1x16xf32>,
          %get3A_692 = arith.index_cast %add3A_656 : i32 to index
          %get3A_693 = arith.constant 48 : index
          %get3A_694 = tpu.vector_load %arg11[%get3A_692, %get3A_693] {strides = array<i32>} : memref<128x64xf32, #tpu.memory_space<vmem>>, vector<1x16xf32>,
          %get3A_695 = vector.shape_cast %get3A_694 : vector<1x16xf32> to vector<16xf32>
          %mul3A_696 = vector.broadcast %squeeze3A_658 : f32 to vector<16xf32>
          %mul3A_697 = arith.mulf %get3A_695, %mul3A_696 : vector<16xf32>
          %swap3A_698 = arith.index_cast %add3A_656 : i32 to index
          %swap3A_699 = arith.constant 48 : index
          %swap3A_700 = tpu.vector_load %arg12[%swap3A_698, %swap3A_699] {strides = array<i32>} : memref<128x64xf32, #tpu.memory_space<vmem>>, vector<1x16xf32>,
          %swap3A_701 = vector.shape_cast %swap3A_700 : vector<1x16xf32> to vector<16xf32>
          %swap3A_702 = vector.shape_cast %mul3A_697 : vector<16xf32> to vector<1x16xf32>
          tpu.vector_store %arg12[%swap3A_698, %swap3A_699], %swap3A_702 {strides = array<i32>} : memref<128x64xf32, #tpu.memory_space<vmem>>, vector<1x16xf32>,
          %mul3A_703 = arith.constant 16 : i32
          %mul3A_704 = arith.muli %scan3A_49, %mul3A_703 : i32
          %add3A_705 = arith.constant 13 : i32
          %add3A_706 = arith.addi %mul3A_704, %add3A_705 : i32
          %slice3A_707 = vector.extract_strided_slice %get3A_55 {offsets = [13], sizes = [1], strides = [1]} : vector<16xf32> to vector<1xf32>
          %squeeze3A_708 = vector.extract %slice3A_707[0] : f32 from vector<1xf32>
          %get3A_709 = arith.index_cast %add3A_706 : i32 to index
          %get3A_710 = arith.constant 0 : index
          %get3A_711 = tpu.vector_load %arg11[%get3A_709, %get3A_710] {strides = array<i32>} : memref<128x64xf32, #tpu.memory_space<vmem>>, vector<1x16xf32>,
          %get3A_712 = vector.shape_cast %get3A_711 : vector<1x16xf32> to vector<16xf32>
          %mul3A_713 = vector.broadcast %squeeze3A_708 : f32 to vector<16xf32>
          %mul3A_714 = arith.mulf %get3A_712, %mul3A_713 : vector<16xf32>
          %swap3A_715 = arith.index_cast %add3A_706 : i32 to index
          %swap3A_716 = arith.constant 0 : index
          %swap3A_717 = tpu.vector_load %arg12[%swap3A_715, %swap3A_716] {strides = array<i32>} : memref<128x64xf32, #tpu.memory_space<vmem>>, vector<1x16xf32>,
          %swap3A_718 = vector.shape_cast %swap3A_717 : vector<1x16xf32> to vector<16xf32>
          %swap3A_719 = vector.shape_cast %mul3A_714 : vector<16xf32> to vector<1x16xf32>
          tpu.vector_store %arg12[%swap3A_715, %swap3A_716], %swap3A_719 {strides = array<i32>} : memref<128x64xf32, #tpu.memory_space<vmem>>, vector<1x16xf32>,
          %get3A_720 = arith.index_cast %add3A_706 : i32 to index
          %get3A_721 = arith.constant 16 : index
          %get3A_722 = tpu.vector_load %arg11[%get3A_720, %get3A_721] {strides = array<i32>} : memref<128x64xf32, #tpu.memory_space<vmem>>, vector<1x16xf32>,
          %get3A_723 = vector.shape_cast %get3A_722 : vector<1x16xf32> to vector<16xf32>
          %mul3A_724 = vector.broadcast %squeeze3A_708 : f32 to vector<16xf32>
          %mul3A_725 = arith.mulf %get3A_723, %mul3A_724 : vector<16xf32>
          %swap3A_726 = arith.index_cast %add3A_706 : i32 to index
          %swap3A_727 = arith.constant 16 : index
          %swap3A_728 = tpu.vector_load %arg12[%swap3A_726, %swap3A_727] {strides = array<i32>} : memref<128x64xf32, #tpu.memory_space<vmem>>, vector<1x16xf32>,
          %swap3A_729 = vector.shape_cast %swap3A_728 : vector<1x16xf32> to vector<16xf32>
          %swap3A_730 = vector.shape_cast %mul3A_725 : vector<16xf32> to vector<1x16xf32>
          tpu.vector_store %arg12[%swap3A_726, %swap3A_727], %swap3A_730 {strides = array<i32>} : memref<128x64xf32, #tpu.memory_space<vmem>>, vector<1x16xf32>,
          %get3A_731 = arith.index_cast %add3A_706 : i32 to index
          %get3A_732 = arith.constant 32 : index
          %get3A_733 = tpu.vector_load %arg11[%get3A_731, %get3A_732] {strides = array<i32>} : memref<128x64xf32, #tpu.memory_space<vmem>>, vector<1x16xf32>,
          %get3A_734 = vector.shape_cast %get3A_733 : vector<1x16xf32> to vector<16xf32>
          %mul3A_735 = vector.broadcast %squeeze3A_708 : f32 to vector<16xf32>
          %mul3A_736 = arith.mulf %get3A_734, %mul3A_735 : vector<16xf32>
          %swap3A_737 = arith.index_cast %add3A_706 : i32 to index
          %swap3A_738 = arith.constant 32 : index
          %swap3A_739 = tpu.vector_load %arg12[%swap3A_737, %swap3A_738] {strides = array<i32>} : memref<128x64xf32, #tpu.memory_space<vmem>>, vector<1x16xf32>,
          %swap3A_740 = vector.shape_cast %swap3A_739 : vector<1x16xf32> to vector<16xf32>
          %swap3A_741 = vector.shape_cast %mul3A_736 : vector<16xf32> to vector<1x16xf32>
          tpu.vector_store %arg12[%swap3A_737, %swap3A_738], %swap3A_741 {strides = array<i32>} : memref<128x64xf32, #tpu.memory_space<vmem>>, vector<1x16xf32>,
          %get3A_742 = arith.index_cast %add3A_706 : i32 to index
          %get3A_743 = arith.constant 48 : index
          %get3A_744 = tpu.vector_load %arg11[%get3A_742, %get3A_743] {strides = array<i32>} : memref<128x64xf32, #tpu.memory_space<vmem>>, vector<1x16xf32>,
          %get3A_745 = vector.shape_cast %get3A_744 : vector<1x16xf32> to vector<16xf32>
          %mul3A_746 = vector.broadcast %squeeze3A_708 : f32 to vector<16xf32>
          %mul3A_747 = arith.mulf %get3A_745, %mul3A_746 : vector<16xf32>
          %swap3A_748 = arith.index_cast %add3A_706 : i32 to index
          %swap3A_749 = arith.constant 48 : index
          %swap3A_750 = tpu.vector_load %arg12[%swap3A_748, %swap3A_749] {strides = array<i32>} : memref<128x64xf32, #tpu.memory_space<vmem>>, vector<1x16xf32>,
          %swap3A_751 = vector.shape_cast %swap3A_750 : vector<1x16xf32> to vector<16xf32>
          %swap3A_752 = vector.shape_cast %mul3A_747 : vector<16xf32> to vector<1x16xf32>
          tpu.vector_store %arg12[%swap3A_748, %swap3A_749], %swap3A_752 {strides = array<i32>} : memref<128x64xf32, #tpu.memory_space<vmem>>, vector<1x16xf32>,
          %mul3A_753 = arith.constant 16 : i32
          %mul3A_754 = arith.muli %scan3A_49, %mul3A_753 : i32
          %add3A_755 = arith.constant 14 : i32
          %add3A_756 = arith.addi %mul3A_754, %add3A_755 : i32
          %slice3A_757 = vector.extract_strided_slice %get3A_55 {offsets = [14], sizes = [1], strides = [1]} : vector<16xf32> to vector<1xf32>
          %squeeze3A_758 = vector.extract %slice3A_757[0] : f32 from vector<1xf32>
          %get3A_759 = arith.index_cast %add3A_756 : i32 to index
          %get3A_760 = arith.constant 0 : index
          %get3A_761 = tpu.vector_load %arg11[%get3A_759, %get3A_760] {strides = array<i32>} : memref<128x64xf32, #tpu.memory_space<vmem>>, vector<1x16xf32>,
          %get3A_762 = vector.shape_cast %get3A_761 : vector<1x16xf32> to vector<16xf32>
          %mul3A_763 = vector.broadcast %squeeze3A_758 : f32 to vector<16xf32>
          %mul3A_764 = arith.mulf %get3A_762, %mul3A_763 : vector<16xf32>
          %swap3A_765 = arith.index_cast %add3A_756 : i32 to index
          %swap3A_766 = arith.constant 0 : index
          %swap3A_767 = tpu.vector_load %arg12[%swap3A_765, %swap3A_766] {strides = array<i32>} : memref<128x64xf32, #tpu.memory_space<vmem>>, vector<1x16xf32>,
          %swap3A_768 = vector.shape_cast %swap3A_767 : vector<1x16xf32> to vector<16xf32>
          %swap3A_769 = vector.shape_cast %mul3A_764 : vector<16xf32> to vector<1x16xf32>
          tpu.vector_store %arg12[%swap3A_765, %swap3A_766], %swap3A_769 {strides = array<i32>} : memref<128x64xf32, #tpu.memory_space<vmem>>, vector<1x16xf32>,
          %get3A_770 = arith.index_cast %add3A_756 : i32 to index
          %get3A_771 = arith.constant 16 : index
          %get3A_772 = tpu.vector_load %arg11[%get3A_770, %get3A_771] {strides = array<i32>} : memref<128x64xf32, #tpu.memory_space<vmem>>, vector<1x16xf32>,
          %get3A_773 = vector.shape_cast %get3A_772 : vector<1x16xf32> to vector<16xf32>
          %mul3A_774 = vector.broadcast %squeeze3A_758 : f32 to vector<16xf32>
          %mul3A_775 = arith.mulf %get3A_773, %mul3A_774 : vector<16xf32>
          %swap3A_776 = arith.index_cast %add3A_756 : i32 to index
          %swap3A_777 = arith.constant 16 : index
          %swap3A_778 = tpu.vector_load %arg12[%swap3A_776, %swap3A_777] {strides = array<i32>} : memref<128x64xf32, #tpu.memory_space<vmem>>, vector<1x16xf32>,
          %swap3A_779 = vector.shape_cast %swap3A_778 : vector<1x16xf32> to vector<16xf32>
          %swap3A_780 = vector.shape_cast %mul3A_775 : vector<16xf32> to vector<1x16xf32>
          tpu.vector_store %arg12[%swap3A_776, %swap3A_777], %swap3A_780 {strides = array<i32>} : memref<128x64xf32, #tpu.memory_space<vmem>>, vector<1x16xf32>,
          %get3A_781 = arith.index_cast %add3A_756 : i32 to index
          %get3A_782 = arith.constant 32 : index
          %get3A_783 = tpu.vector_load %arg11[%get3A_781, %get3A_782] {strides = array<i32>} : memref<128x64xf32, #tpu.memory_space<vmem>>, vector<1x16xf32>,
          %get3A_784 = vector.shape_cast %get3A_783 : vector<1x16xf32> to vector<16xf32>
          %mul3A_785 = vector.broadcast %squeeze3A_758 : f32 to vector<16xf32>
          %mul3A_786 = arith.mulf %get3A_784, %mul3A_785 : vector<16xf32>
          %swap3A_787 = arith.index_cast %add3A_756 : i32 to index
          %swap3A_788 = arith.constant 32 : index
          %swap3A_789 = tpu.vector_load %arg12[%swap3A_787, %swap3A_788] {strides = array<i32>} : memref<128x64xf32, #tpu.memory_space<vmem>>, vector<1x16xf32>,
          %swap3A_790 = vector.shape_cast %swap3A_789 : vector<1x16xf32> to vector<16xf32>
          %swap3A_791 = vector.shape_cast %mul3A_786 : vector<16xf32> to vector<1x16xf32>
          tpu.vector_store %arg12[%swap3A_787, %swap3A_788], %swap3A_791 {strides = array<i32>} : memref<128x64xf32, #tpu.memory_space<vmem>>, vector<1x16xf32>,
          %get3A_792 = arith.index_cast %add3A_756 : i32 to index
          %get3A_793 = arith.constant 48 : index
          %get3A_794 = tpu.vector_load %arg11[%get3A_792, %get3A_793] {strides = array<i32>} : memref<128x64xf32, #tpu.memory_space<vmem>>, vector<1x16xf32>,
          %get3A_795 = vector.shape_cast %get3A_794 : vector<1x16xf32> to vector<16xf32>
          %mul3A_796 = vector.broadcast %squeeze3A_758 : f32 to vector<16xf32>
          %mul3A_797 = arith.mulf %get3A_795, %mul3A_796 : vector<16xf32>
          %swap3A_798 = arith.index_cast %add3A_756 : i32 to index
          %swap3A_799 = arith.constant 48 : index
          %swap3A_800 = tpu.vector_load %arg12[%swap3A_798, %swap3A_799] {strides = array<i32>} : memref<128x64xf32, #tpu.memory_space<vmem>>, vector<1x16xf32>,
          %swap3A_801 = vector.shape_cast %swap3A_800 : vector<1x16xf32> to vector<16xf32>
          %swap3A_802 = vector.shape_cast %mul3A_797 : vector<16xf32> to vector<1x16xf32>
          tpu.vector_store %arg12[%swap3A_798, %swap3A_799], %swap3A_802 {strides = array<i32>} : memref<128x64xf32, #tpu.memory_space<vmem>>, vector<1x16xf32>,
          %mul3A_803 = arith.constant 16 : i32
          %mul3A_804 = arith.muli %scan3A_49, %mul3A_803 : i32
          %add3A_805 = arith.constant 15 : i32
          %add3A_806 = arith.addi %mul3A_804, %add3A_805 : i32
          %slice3A_807 = vector.extract_strided_slice %get3A_55 {offsets = [15], sizes = [1], strides = [1]} : vector<16xf32> to vector<1xf32>
          %squeeze3A_808 = vector.extract %slice3A_807[0] : f32 from vector<1xf32>
          %get3A_809 = arith.index_cast %add3A_806 : i32 to index
          %get3A_810 = arith.constant 0 : index
          %get3A_811 = tpu.vector_load %arg11[%get3A_809, %get3A_810] {strides = array<i32>} : memref<128x64xf32, #tpu.memory_space<vmem>>, vector<1x16xf32>,
          %get3A_812 = vector.shape_cast %get3A_811 : vector<1x16xf32> to vector<16xf32>
          %mul3A_813 = vector.broadcast %squeeze3A_808 : f32 to vector<16xf32>
          %mul3A_814 = arith.mulf %get3A_812, %mul3A_813 : vector<16xf32>
          %swap3A_815 = arith.index_cast %add3A_806 : i32 to index
          %swap3A_816 = arith.constant 0 : index
          %swap3A_817 = tpu.vector_load %arg12[%swap3A_815, %swap3A_816] {strides = array<i32>} : memref<128x64xf32, #tpu.memory_space<vmem>>, vector<1x16xf32>,
          %swap3A_818 = vector.shape_cast %swap3A_817 : vector<1x16xf32> to vector<16xf32>
          %swap3A_819 = vector.shape_cast %mul3A_814 : vector<16xf32> to vector<1x16xf32>
          tpu.vector_store %arg12[%swap3A_815, %swap3A_816], %swap3A_819 {strides = array<i32>} : memref<128x64xf32, #tpu.memory_space<vmem>>, vector<1x16xf32>,
          %get3A_820 = arith.index_cast %add3A_806 : i32 to index
          %get3A_821 = arith.constant 16 : index
          %get3A_822 = tpu.vector_load %arg11[%get3A_820, %get3A_821] {strides = array<i32>} : memref<128x64xf32, #tpu.memory_space<vmem>>, vector<1x16xf32>,
          %get3A_823 = vector.shape_cast %get3A_822 : vector<1x16xf32> to vector<16xf32>
          %mul3A_824 = vector.broadcast %squeeze3A_808 : f32 to vector<16xf32>
          %mul3A_825 = arith.mulf %get3A_823, %mul3A_824 : vector<16xf32>
          %swap3A_826 = arith.index_cast %add3A_806 : i32 to index
          %swap3A_827 = arith.constant 16 : index
          %swap3A_828 = tpu.vector_load %arg12[%swap3A_826, %swap3A_827] {strides = array<i32>} : memref<128x64xf32, #tpu.memory_space<vmem>>, vector<1x16xf32>,
          %swap3A_829 = vector.shape_cast %swap3A_828 : vector<1x16xf32> to vector<16xf32>
          %swap3A_830 = vector.shape_cast %mul3A_825 : vector<16xf32> to vector<1x16xf32>
          tpu.vector_store %arg12[%swap3A_826, %swap3A_827], %swap3A_830 {strides = array<i32>} : memref<128x64xf32, #tpu.memory_space<vmem>>, vector<1x16xf32>,
          %get3A_831 = arith.index_cast %add3A_806 : i32 to index
          %get3A_832 = arith.constant 32 : index
          %get3A_833 = tpu.vector_load %arg11[%get3A_831, %get3A_832] {strides = array<i32>} : memref<128x64xf32, #tpu.memory_space<vmem>>, vector<1x16xf32>,
          %get3A_834 = vector.shape_cast %get3A_833 : vector<1x16xf32> to vector<16xf32>
          %mul3A_835 = vector.broadcast %squeeze3A_808 : f32 to vector<16xf32>
          %mul3A_836 = arith.mulf %get3A_834, %mul3A_835 : vector<16xf32>
          %swap3A_837 = arith.index_cast %add3A_806 : i32 to index
          %swap3A_838 = arith.constant 32 : index
          %swap3A_839 = tpu.vector_load %arg12[%swap3A_837, %swap3A_838] {strides = array<i32>} : memref<128x64xf32, #tpu.memory_space<vmem>>, vector<1x16xf32>,
          %swap3A_840 = vector.shape_cast %swap3A_839 : vector<1x16xf32> to vector<16xf32>
          %swap3A_841 = vector.shape_cast %mul3A_836 : vector<16xf32> to vector<1x16xf32>
          tpu.vector_store %arg12[%swap3A_837, %swap3A_838], %swap3A_841 {strides = array<i32>} : memref<128x64xf32, #tpu.memory_space<vmem>>, vector<1x16xf32>,
          %get3A_842 = arith.index_cast %add3A_806 : i32 to index
          %get3A_843 = arith.constant 48 : index
          %get3A_844 = tpu.vector_load %arg11[%get3A_842, %get3A_843] {strides = array<i32>} : memref<128x64xf32, #tpu.memory_space<vmem>>, vector<1x16xf32>,
          %get3A_845 = vector.shape_cast %get3A_844 : vector<1x16xf32> to vector<16xf32>
          %mul3A_846 = vector.broadcast %squeeze3A_808 : f32 to vector<16xf32>
          %mul3A_847 = arith.mulf %get3A_845, %mul3A_846 : vector<16xf32>
          %swap3A_848 = arith.index_cast %add3A_806 : i32 to index
          %swap3A_849 = arith.constant 48 : index
          %swap3A_850 = tpu.vector_load %arg12[%swap3A_848, %swap3A_849] {strides = array<i32>} : memref<128x64xf32, #tpu.memory_space<vmem>>, vector<1x16xf32>,
          %swap3A_851 = vector.shape_cast %swap3A_850 : vector<1x16xf32> to vector<16xf32>
          %swap3A_852 = vector.shape_cast %mul3A_847 : vector<16xf32> to vector<1x16xf32>
          tpu.vector_store %arg12[%swap3A_848, %swap3A_849], %swap3A_852 {strides = array<i32>} : memref<128x64xf32, #tpu.memory_space<vmem>>, vector<1x16xf32>,
          %scan3A_853 = arith.constant 0 : i32
          scf.yield %scan3A_853 : i32
        }
        %scan3A_47 = arith.constant 8 : i32
        "tpu.region"() ({
          %run_scoped3A = tpu.sem_alloc : memref<!tpu.dma_semaphore, #tpu.memory_space<semaphore_mem>>
          %dma_start3A_49 = arith.constant 0 : i32
          %dma_start3A_50 = tpu.memref_slice %arg9[%scan3A_29, %dma_start3A_49] : memref<8x128xi32, #tpu.memory_space<vmem>> -> memref<1x128xi32, #tpu.memory_space<vmem>>
          %dma_start3A_51 = tpu.memref_squeeze %dma_start3A_50 : memref<1x128xi32, #tpu.memory_space<vmem>> -> memref<128xi32, #tpu.memory_space<vmem>>
          %dma_start3A_52 = arith.constant 0 : i32
          %dma_start3A_53 = arith.constant 0 : i32
          %dma_start3A_54 = tpu.memref_slice %arg13[%dma_start3A_52, %dma_start3A_53] : memref<16384x64xf32, #tpu.memory_space<vmem_shared>> -> memref<16384x64xf32, #tpu.memory_space<vmem_shared>>
          tpu.enqueue_indirect_dma source(%arg12 : memref<128x64xf32, #tpu.memory_space<vmem>>) target(%dma_start3A_54 : memref<16384x64xf32, #tpu.memory_space<vmem_shared>>) offsets(%dma_start3A_51 : memref<128xi32, #tpu.memory_space<vmem>>) semaphore(%run_scoped3A : memref<!tpu.dma_semaphore, #tpu.memory_space<semaphore_mem>>) {add = true}
          %dma_wait3A_55 = arith.constant 0 : i32
          %dma_wait3A_56 = tpu.memref_slice %arg9[%scan3A_29, %dma_wait3A_55] : memref<8x128xi32, #tpu.memory_space<vmem>> -> memref<1x128xi32, #tpu.memory_space<vmem>>
          %dma_wait3A_57 = tpu.memref_squeeze %dma_wait3A_56 : memref<1x128xi32, #tpu.memory_space<vmem>> -> memref<128xi32, #tpu.memory_space<vmem>>
          %dma_wait3A_58 = arith.constant 0 : i32
          %dma_wait3A_59 = arith.constant 0 : i32
          %dma_wait3A_60 = tpu.memref_slice %arg13[%dma_wait3A_58, %dma_wait3A_59] : memref<16384x64xf32, #tpu.memory_space<vmem_shared>> -> memref<16384x64xf32, #tpu.memory_space<vmem_shared>>
          tpu.wait_indirect_dma semaphore(%run_scoped3A : memref<!tpu.dma_semaphore, #tpu.memory_space<semaphore_mem>>) src(%arg12 : memref<128x64xf32, #tpu.memory_space<vmem>>) dst(%dma_wait3A_60 : memref<16384x64xf32, #tpu.memory_space<vmem_shared>>)
          tpu.yield
        }) : () -> ()
        %scan3A_48 = arith.constant 0 : i32
        scf.yield %scan3A_48 : i32
      }
      %scan3A_27 = arith.constant 8 : i32
      %scan3A_28 = arith.constant 0 : i32
      scf.yield %scan3A_28 : i32
    }
    %scan3A_10 = arith.constant 80 : i32
    %barrier3A_11 = arith.constant 0 : index
    tpu.barrier barrier_id(%barrier3A_11)
    %mul3A_12 = arith.constant 1024 : i32
    %mul3A_13 = arith.muli %arg1, %mul3A_12 : i32
    %mul3A_14 = arith.constant 1024 : i32
    %mul3A_15 = arith.muli %arg1, %mul3A_14 : i32
    "tpu.region"() ({
      %run_scoped3A = tpu.sem_alloc : memref<!tpu.dma_semaphore, #tpu.memory_space<semaphore_mem>>
      %dma_start3A = arith.constant 0 : i32
      %dma_start3A_16 = tpu.memref_slice %arg7[%arg0, %mul3A_15, %dma_start3A] : memref<2x16384x64xf32, #tpu.memory_space<hbm>> -> memref<1x1024x64xf32, #tpu.memory_space<hbm>>
      %dma_start3A_17 = tpu.memref_squeeze %dma_start3A_16 : memref<1x1024x64xf32, #tpu.memory_space<hbm>> -> memref<1024x64xf32, #tpu.memory_space<hbm>>
      %dma_start3A_18 = arith.constant 0 : i32
      %dma_start3A_19 = tpu.memref_slice %arg13[%mul3A_13, %dma_start3A_18] : memref<16384x64xf32, #tpu.memory_space<vmem_shared>> -> memref<1024x64xf32, #tpu.memory_space<vmem_shared>>
      tpu.enqueue_dma source(%dma_start3A_19 : memref<1024x64xf32, #tpu.memory_space<vmem_shared>>) target(%dma_start3A_17 : memref<1024x64xf32, #tpu.memory_space<hbm>>) target_semaphore(%run_scoped3A : memref<!tpu.dma_semaphore, #tpu.memory_space<semaphore_mem>>)
      %dma_wait3A = arith.constant 0 : i32
      %dma_wait3A_20 = tpu.memref_slice %arg7[%arg0, %mul3A_15, %dma_wait3A] : memref<2x16384x64xf32, #tpu.memory_space<hbm>> -> memref<1x1024x64xf32, #tpu.memory_space<hbm>>
      %dma_wait3A_21 = tpu.memref_squeeze %dma_wait3A_20 : memref<1x1024x64xf32, #tpu.memory_space<hbm>> -> memref<1024x64xf32, #tpu.memory_space<hbm>>
      %dma_wait3A_22 = arith.constant 0 : i32
      %dma_wait3A_23 = tpu.memref_slice %arg13[%mul3A_13, %dma_wait3A_22] : memref<16384x64xf32, #tpu.memory_space<vmem_shared>> -> memref<1024x64xf32, #tpu.memory_space<vmem_shared>>
      tpu.wait_dma2 semaphore(%run_scoped3A : memref<!tpu.dma_semaphore, #tpu.memory_space<semaphore_mem>>) src(%dma_wait3A_23 : memref<1024x64xf32, #tpu.memory_space<vmem_shared>>) dst(%dma_wait3A_21 : memref<1024x64xf32, #tpu.memory_space<hbm>>)
      tpu.yield
    }) : () -> ()
    return
  }
}

#map = affine_map<(d0, d1) -> (0, 0)>
#map1 = affine_map<(d0, d1) -> (0, 0, 0)>
module attributes {stable_mosaic.version = 14 : i64} {
  func.func @_sc_spmm(%arg0: i32, %arg1: i32, %arg2: memref<16384x64xf32, #tpu.memory_space<hbm>>, %arg3: memref<20480x128xi32, #tpu.memory_space<hbm>>, %arg4: memref<20480x128xi32, #tpu.memory_space<hbm>>, %arg5: memref<20480x128xf32, #tpu.memory_space<hbm>>, %arg6: memref<1024x64xf32, #tpu.memory_space<hbm>>, %arg7: memref<2x16384x64xf32, #tpu.memory_space<hbm>>, %arg8: memref<8x128xi32, #tpu.memory_space<vmem>>, %arg9: memref<8x128xi32, #tpu.memory_space<vmem>>, %arg10: memref<8x128xf32, #tpu.memory_space<vmem>>, %arg11: memref<128x64xf32, #tpu.memory_space<vmem>>, %arg12: memref<128x64xf32, #tpu.memory_space<vmem>>, %arg13: memref<16384x64xf32, #tpu.memory_space<vmem_shared>>, %arg14: memref<!tpu.dma_semaphore, #tpu.memory_space<semaphore_mem>>) attributes {dimension_semantics = [#tpu.dimension_semantics<core_parallel>, #tpu.dimension_semantics<subcore_parallel>], iteration_bounds = array<i64: 2, 16>, scalar_prefetch = 0 : i64, scratch_operands = 7 : i64, tpu.core_type = #tpu.core_type<sc_vector_subcore>, window_params = [{transform_indices = #map}, {transform_indices = #map}, {transform_indices = #map}, {transform_indices = #map}, {transform_indices = #map}, {transform_indices = #map1}]} {
    %mul3A = arith.constant 16 : i32
    %mul3A_0 = arith.muli %arg0, %mul3A : i32
    %add3A = arith.addi %mul3A_0, %arg1 : i32
    %mul3A_1 = arith.constant 640 : i32
    %mul3A_2 = arith.muli %add3A, %mul3A_1 : i32
    %mul3A_3 = arith.constant 1024 : i32
    %mul3A_4 = arith.muli %arg1, %mul3A_3 : i32
    "tpu.region"() ({
      %run_scoped3A = tpu.sem_alloc : memref<!tpu.dma_semaphore, #tpu.memory_space<semaphore_mem>>
      %dma_start3A = arith.constant 0 : i32
      %dma_start3A_16 = tpu.memref_slice %arg13[%mul3A_4, %dma_start3A] : memref<16384x64xf32, #tpu.memory_space<vmem_shared>> -> memref<1024x64xf32, #tpu.memory_space<vmem_shared>>
      tpu.enqueue_dma source(%arg6 : memref<1024x64xf32, #tpu.memory_space<hbm>>) target(%dma_start3A_16 : memref<1024x64xf32, #tpu.memory_space<vmem_shared>>) target_semaphore(%run_scoped3A : memref<!tpu.dma_semaphore, #tpu.memory_space<semaphore_mem>>)
      %dma_wait3A = arith.constant 0 : i32
      %dma_wait3A_17 = tpu.memref_slice %arg13[%mul3A_4, %dma_wait3A] : memref<16384x64xf32, #tpu.memory_space<vmem_shared>> -> memref<1024x64xf32, #tpu.memory_space<vmem_shared>>
      tpu.wait_dma2 semaphore(%run_scoped3A : memref<!tpu.dma_semaphore, #tpu.memory_space<semaphore_mem>>) src(%arg6 : memref<1024x64xf32, #tpu.memory_space<hbm>>) dst(%dma_wait3A_17 : memref<1024x64xf32, #tpu.memory_space<vmem_shared>>)
      tpu.yield
    }) : () -> ()
    %barrier3A = arith.constant 0 : index
    tpu.barrier barrier_id(%barrier3A)
    %scan3A = arith.constant 0 : i32
    %scan3A_5 = arith.constant 0 : i32
    %scan3A_6 = arith.constant 80 : i32
    %scan3A_7 = arith.addi %scan3A_5, %scan3A_6 : i32
    %scan3A_8 = arith.constant 1 : i32
    %scan3A_9 = scf.for %scan3A_16 = %scan3A_5 to %scan3A_7 step %scan3A_8 iter_args(%scan3A_17 = %scan3A) -> (i32)  : i32 {
      %mul3A_18 = arith.constant 8 : i32
      %mul3A_19 = arith.muli %scan3A_16, %mul3A_18 : i32
      %add3A_20 = arith.addi %mul3A_2, %mul3A_19 : i32
      "tpu.region"() ({
        %run_scoped3A = tpu.sem_alloc : memref<!tpu.dma_semaphore, #tpu.memory_space<semaphore_mem>>
        %dma_start3A = arith.constant 0 : i32
        %dma_start3A_29 = tpu.memref_slice %arg3[%add3A_20, %dma_start3A] : memref<20480x128xi32, #tpu.memory_space<hbm>> -> memref<8x128xi32, #tpu.memory_space<hbm>>
        %dma_start3A_30 = arith.constant 0 : i32
        %dma_start3A_31 = tpu.memref_slice %arg3[%add3A_20, %dma_start3A_30] : memref<20480x128xi32, #tpu.memory_space<hbm>> -> memref<8x128xi32, #tpu.memory_space<hbm>>
        tpu.enqueue_dma source(%dma_start3A_31 : memref<8x128xi32, #tpu.memory_space<hbm>>) target(%arg8 : memref<8x128xi32, #tpu.memory_space<vmem>>) target_semaphore(%run_scoped3A : memref<!tpu.dma_semaphore, #tpu.memory_space<semaphore_mem>>)
        %dma_wait3A = arith.constant 0 : i32
        %dma_wait3A_32 = tpu.memref_slice %arg3[%add3A_20, %dma_wait3A] : memref<20480x128xi32, #tpu.memory_space<hbm>> -> memref<8x128xi32, #tpu.memory_space<hbm>>
        %dma_wait3A_33 = arith.constant 0 : i32
        %dma_wait3A_34 = tpu.memref_slice %arg3[%add3A_20, %dma_wait3A_33] : memref<20480x128xi32, #tpu.memory_space<hbm>> -> memref<8x128xi32, #tpu.memory_space<hbm>>
        tpu.wait_dma2 semaphore(%run_scoped3A : memref<!tpu.dma_semaphore, #tpu.memory_space<semaphore_mem>>) src(%dma_wait3A_34 : memref<8x128xi32, #tpu.memory_space<hbm>>) dst(%arg8 : memref<8x128xi32, #tpu.memory_space<vmem>>)
        tpu.yield
      }) : () -> ()
      "tpu.region"() ({
        %run_scoped3A = tpu.sem_alloc : memref<!tpu.dma_semaphore, #tpu.memory_space<semaphore_mem>>
        %dma_start3A = arith.constant 0 : i32
        %dma_start3A_29 = tpu.memref_slice %arg4[%add3A_20, %dma_start3A] : memref<20480x128xi32, #tpu.memory_space<hbm>> -> memref<8x128xi32, #tpu.memory_space<hbm>>
        %dma_start3A_30 = arith.constant 0 : i32
        %dma_start3A_31 = tpu.memref_slice %arg4[%add3A_20, %dma_start3A_30] : memref<20480x128xi32, #tpu.memory_space<hbm>> -> memref<8x128xi32, #tpu.memory_space<hbm>>
        tpu.enqueue_dma source(%dma_start3A_31 : memref<8x128xi32, #tpu.memory_space<hbm>>) target(%arg9 : memref<8x128xi32, #tpu.memory_space<vmem>>) target_semaphore(%run_scoped3A : memref<!tpu.dma_semaphore, #tpu.memory_space<semaphore_mem>>)
        %dma_wait3A = arith.constant 0 : i32
        %dma_wait3A_32 = tpu.memref_slice %arg4[%add3A_20, %dma_wait3A] : memref<20480x128xi32, #tpu.memory_space<hbm>> -> memref<8x128xi32, #tpu.memory_space<hbm>>
        %dma_wait3A_33 = arith.constant 0 : i32
        %dma_wait3A_34 = tpu.memref_slice %arg4[%add3A_20, %dma_wait3A_33] : memref<20480x128xi32, #tpu.memory_space<hbm>> -> memref<8x128xi32, #tpu.memory_space<hbm>>
        tpu.wait_dma2 semaphore(%run_scoped3A : memref<!tpu.dma_semaphore, #tpu.memory_space<semaphore_mem>>) src(%dma_wait3A_34 : memref<8x128xi32, #tpu.memory_space<hbm>>) dst(%arg9 : memref<8x128xi32, #tpu.memory_space<vmem>>)
        tpu.yield
      }) : () -> ()
      "tpu.region"() ({
        %run_scoped3A = tpu.sem_alloc : memref<!tpu.dma_semaphore, #tpu.memory_space<semaphore_mem>>
        %dma_start3A = arith.constant 0 : i32
        %dma_start3A_29 = tpu.memref_slice %arg5[%add3A_20, %dma_start3A] : memref<20480x128xf32, #tpu.memory_space<hbm>> -> memref<8x128xf32, #tpu.memory_space<hbm>>
        %dma_start3A_30 = arith.constant 0 : i32
        %dma_start3A_31 = tpu.memref_slice %arg5[%add3A_20, %dma_start3A_30] : memref<20480x128xf32, #tpu.memory_space<hbm>> -> memref<8x128xf32, #tpu.memory_space<hbm>>
        tpu.enqueue_dma source(%dma_start3A_31 : memref<8x128xf32, #tpu.memory_space<hbm>>) target(%arg10 : memref<8x128xf32, #tpu.memory_space<vmem>>) target_semaphore(%run_scoped3A : memref<!tpu.dma_semaphore, #tpu.memory_space<semaphore_mem>>)
        %dma_wait3A = arith.constant 0 : i32
        %dma_wait3A_32 = tpu.memref_slice %arg5[%add3A_20, %dma_wait3A] : memref<20480x128xf32, #tpu.memory_space<hbm>> -> memref<8x128xf32, #tpu.memory_space<hbm>>
        %dma_wait3A_33 = arith.constant 0 : i32
        %dma_wait3A_34 = tpu.memref_slice %arg5[%add3A_20, %dma_wait3A_33] : memref<20480x128xf32, #tpu.memory_space<hbm>> -> memref<8x128xf32, #tpu.memory_space<hbm>>
        tpu.wait_dma2 semaphore(%run_scoped3A : memref<!tpu.dma_semaphore, #tpu.memory_space<semaphore_mem>>) src(%dma_wait3A_34 : memref<8x128xf32, #tpu.memory_space<hbm>>) dst(%arg10 : memref<8x128xf32, #tpu.memory_space<vmem>>)
        tpu.yield
      }) : () -> ()
      %scan3A_21 = arith.constant 0 : i32
      %scan3A_22 = arith.constant 0 : i32
      %scan3A_23 = arith.constant 8 : i32
      %scan3A_24 = arith.addi %scan3A_22, %scan3A_23 : i32
      %scan3A_25 = arith.constant 1 : i32
      %scan3A_26 = scf.for %scan3A_29 = %scan3A_22 to %scan3A_24 step %scan3A_25 iter_args(%scan3A_30 = %scan3A_21) -> (i32)  : i32 {
        %dma_start3A = arith.constant 0 : i32
        %dma_start3A_31 = tpu.memref_slice %arg8[%scan3A_29, %dma_start3A] : memref<8x128xi32, #tpu.memory_space<vmem>> -> memref<1x128xi32, #tpu.memory_space<vmem>>
        %dma_start3A_32 = tpu.memref_squeeze %dma_start3A_31 : memref<1x128xi32, #tpu.memory_space<vmem>> -> memref<128xi32, #tpu.memory_space<vmem>>
        %dma_start3A_33 = arith.constant 0 : i32
        %dma_start3A_34 = arith.constant 0 : i32
        %dma_start3A_35 = tpu.memref_slice %arg2[%dma_start3A_33, %dma_start3A_34] : memref<16384x64xf32, #tpu.memory_space<hbm>> -> memref<16384x64xf32, #tpu.memory_space<hbm>>
        tpu.enqueue_indirect_dma source(%dma_start3A_35 : memref<16384x64xf32, #tpu.memory_space<hbm>>) target(%arg11 : memref<128x64xf32, #tpu.memory_space<vmem>>) offsets(%dma_start3A_32 : memref<128xi32, #tpu.memory_space<vmem>>) semaphore(%arg14 : memref<!tpu.dma_semaphore, #tpu.memory_space<semaphore_mem>>)
        %dma_wait3A = arith.constant 0 : i32
        %dma_wait3A_36 = tpu.memref_slice %arg8[%scan3A_29, %dma_wait3A] : memref<8x128xi32, #tpu.memory_space<vmem>> -> memref<1x128xi32, #tpu.memory_space<vmem>>
        %dma_wait3A_37 = tpu.memref_squeeze %dma_wait3A_36 : memref<1x128xi32, #tpu.memory_space<vmem>> -> memref<128xi32, #tpu.memory_space<vmem>>
        %dma_wait3A_38 = arith.constant 0 : i32
        %dma_wait3A_39 = arith.constant 0 : i32
        %dma_wait3A_40 = tpu.memref_slice %arg2[%dma_wait3A_38, %dma_wait3A_39] : memref<16384x64xf32, #tpu.memory_space<hbm>> -> memref<16384x64xf32, #tpu.memory_space<hbm>>
        tpu.wait_indirect_dma semaphore(%arg14 : memref<!tpu.dma_semaphore, #tpu.memory_space<semaphore_mem>>) src(%dma_wait3A_40 : memref<16384x64xf32, #tpu.memory_space<hbm>>) dst(%arg11 : memref<128x64xf32, #tpu.memory_space<vmem>>)
        %scan3A_41 = arith.constant 0 : i32
        %scan3A_42 = arith.constant 0 : i32
        %scan3A_43 = arith.constant 8 : i32
        %scan3A_44 = arith.addi %scan3A_42, %scan3A_43 : i32
        %scan3A_45 = arith.constant 1 : i32
        %scan3A_46 = scf.for %scan3A_49 = %scan3A_42 to %scan3A_44 step %scan3A_45 iter_args(%scan3A_50 = %scan3A_41) -> (i32)  : i32 {
          %mul3A_51 = arith.constant 16 : i32
          %mul3A_52 = arith.muli %scan3A_49, %mul3A_51 : i32
          %get3A = arith.index_cast %scan3A_29 : i32 to index
          %get3A_53 = arith.index_cast %mul3A_52 : i32 to index
          %get3A_54 = tpu.vector_load %arg10[%get3A, %get3A_53] {strides = array<i32>} : memref<8x128xf32, #tpu.memory_space<vmem>>, vector<1x16xf32>,
          %get3A_55 = vector.shape_cast %get3A_54 : vector<1x16xf32> to vector<16xf32>
          %mul3A_56 = arith.constant 16 : i32
          %mul3A_57 = arith.muli %scan3A_49, %mul3A_56 : i32
          %add3A_58 = arith.constant 0 : i32
          %add3A_59 = arith.addi %mul3A_57, %add3A_58 : i32
          %slice3A = vector.extract_strided_slice %get3A_55 {offsets = [0], sizes = [1], strides = [1]} : vector<16xf32> to vector<1xf32>
          %squeeze3A = vector.extract %slice3A[0] : f32 from vector<1xf32>
          %get3A_60 = arith.index_cast %add3A_59 : i32 to index
          %get3A_61 = arith.constant 0 : index
          %get3A_62 = tpu.vector_load %arg11[%get3A_60, %get3A_61] {strides = array<i32>} : memref<128x64xf32, #tpu.memory_space<vmem>>, vector<1x16xf32>,
          %get3A_63 = vector.shape_cast %get3A_62 : vector<1x16xf32> to vector<16xf32>
          %mul3A_64 = vector.broadcast %squeeze3A : f32 to vector<16xf32>
          %mul3A_65 = arith.mulf %get3A_63, %mul3A_64 : vector<16xf32>
          %swap3A = arith.index_cast %add3A_59 : i32 to index
          %swap3A_66 = arith.constant 0 : index
          %swap3A_67 = tpu.vector_load %arg12[%swap3A, %swap3A_66] {strides = array<i32>} : memref<128x64xf32, #tpu.memory_space<vmem>>, vector<1x16xf32>,
          %swap3A_68 = vector.shape_cast %swap3A_67 : vector<1x16xf32> to vector<16xf32>
          %swap3A_69 = vector.shape_cast %mul3A_65 : vector<16xf32> to vector<1x16xf32>
          tpu.vector_store %arg12[%swap3A, %swap3A_66], %swap3A_69 {strides = array<i32>} : memref<128x64xf32, #tpu.memory_space<vmem>>, vector<1x16xf32>,
          %get3A_70 = arith.index_cast %add3A_59 : i32 to index
          %get3A_71 = arith.constant 16 : index
          %get3A_72 = tpu.vector_load %arg11[%get3A_70, %get3A_71] {strides = array<i32>} : memref<128x64xf32, #tpu.memory_space<vmem>>, vector<1x16xf32>,
          %get3A_73 = vector.shape_cast %get3A_72 : vector<1x16xf32> to vector<16xf32>
          %mul3A_74 = vector.broadcast %squeeze3A : f32 to vector<16xf32>
          %mul3A_75 = arith.mulf %get3A_73, %mul3A_74 : vector<16xf32>
          %swap3A_76 = arith.index_cast %add3A_59 : i32 to index
          %swap3A_77 = arith.constant 16 : index
          %swap3A_78 = tpu.vector_load %arg12[%swap3A_76, %swap3A_77] {strides = array<i32>} : memref<128x64xf32, #tpu.memory_space<vmem>>, vector<1x16xf32>,
          %swap3A_79 = vector.shape_cast %swap3A_78 : vector<1x16xf32> to vector<16xf32>
          %swap3A_80 = vector.shape_cast %mul3A_75 : vector<16xf32> to vector<1x16xf32>
          tpu.vector_store %arg12[%swap3A_76, %swap3A_77], %swap3A_80 {strides = array<i32>} : memref<128x64xf32, #tpu.memory_space<vmem>>, vector<1x16xf32>,
          %get3A_81 = arith.index_cast %add3A_59 : i32 to index
          %get3A_82 = arith.constant 32 : index
          %get3A_83 = tpu.vector_load %arg11[%get3A_81, %get3A_82] {strides = array<i32>} : memref<128x64xf32, #tpu.memory_space<vmem>>, vector<1x16xf32>,
          %get3A_84 = vector.shape_cast %get3A_83 : vector<1x16xf32> to vector<16xf32>
          %mul3A_85 = vector.broadcast %squeeze3A : f32 to vector<16xf32>
          %mul3A_86 = arith.mulf %get3A_84, %mul3A_85 : vector<16xf32>
          %swap3A_87 = arith.index_cast %add3A_59 : i32 to index
          %swap3A_88 = arith.constant 32 : index
          %swap3A_89 = tpu.vector_load %arg12[%swap3A_87, %swap3A_88] {strides = array<i32>} : memref<128x64xf32, #tpu.memory_space<vmem>>, vector<1x16xf32>,
          %swap3A_90 = vector.shape_cast %swap3A_89 : vector<1x16xf32> to vector<16xf32>
          %swap3A_91 = vector.shape_cast %mul3A_86 : vector<16xf32> to vector<1x16xf32>
          tpu.vector_store %arg12[%swap3A_87, %swap3A_88], %swap3A_91 {strides = array<i32>} : memref<128x64xf32, #tpu.memory_space<vmem>>, vector<1x16xf32>,
          %get3A_92 = arith.index_cast %add3A_59 : i32 to index
          %get3A_93 = arith.constant 48 : index
          %get3A_94 = tpu.vector_load %arg11[%get3A_92, %get3A_93] {strides = array<i32>} : memref<128x64xf32, #tpu.memory_space<vmem>>, vector<1x16xf32>,
          %get3A_95 = vector.shape_cast %get3A_94 : vector<1x16xf32> to vector<16xf32>
          %mul3A_96 = vector.broadcast %squeeze3A : f32 to vector<16xf32>
          %mul3A_97 = arith.mulf %get3A_95, %mul3A_96 : vector<16xf32>
          %swap3A_98 = arith.index_cast %add3A_59 : i32 to index
          %swap3A_99 = arith.constant 48 : index
          %swap3A_100 = tpu.vector_load %arg12[%swap3A_98, %swap3A_99] {strides = array<i32>} : memref<128x64xf32, #tpu.memory_space<vmem>>, vector<1x16xf32>,
          %swap3A_101 = vector.shape_cast %swap3A_100 : vector<1x16xf32> to vector<16xf32>
          %swap3A_102 = vector.shape_cast %mul3A_97 : vector<16xf32> to vector<1x16xf32>
          tpu.vector_store %arg12[%swap3A_98, %swap3A_99], %swap3A_102 {strides = array<i32>} : memref<128x64xf32, #tpu.memory_space<vmem>>, vector<1x16xf32>,
          %mul3A_103 = arith.constant 16 : i32
          %mul3A_104 = arith.muli %scan3A_49, %mul3A_103 : i32
          %add3A_105 = arith.constant 1 : i32
          %add3A_106 = arith.addi %mul3A_104, %add3A_105 : i32
          %slice3A_107 = vector.extract_strided_slice %get3A_55 {offsets = [1], sizes = [1], strides = [1]} : vector<16xf32> to vector<1xf32>
          %squeeze3A_108 = vector.extract %slice3A_107[0] : f32 from vector<1xf32>
          %get3A_109 = arith.index_cast %add3A_106 : i32 to index
          %get3A_110 = arith.constant 0 : index
          %get3A_111 = tpu.vector_load %arg11[%get3A_109, %get3A_110] {strides = array<i32>} : memref<128x64xf32, #tpu.memory_space<vmem>>, vector<1x16xf32>,
          %get3A_112 = vector.shape_cast %get3A_111 : vector<1x16xf32> to vector<16xf32>
          %mul3A_113 = vector.broadcast %squeeze3A_108 : f32 to vector<16xf32>
          %mul3A_114 = arith.mulf %get3A_112, %mul3A_113 : vector<16xf32>
          %swap3A_115 = arith.index_cast %add3A_106 : i32 to index
          %swap3A_116 = arith.constant 0 : index
          %swap3A_117 = tpu.vector_load %arg12[%swap3A_115, %swap3A_116] {strides = array<i32>} : memref<128x64xf32, #tpu.memory_space<vmem>>, vector<1x16xf32>,
          %swap3A_118 = vector.shape_cast %swap3A_117 : vector<1x16xf32> to vector<16xf32>
          %swap3A_119 = vector.shape_cast %mul3A_114 : vector<16xf32> to vector<1x16xf32>
          tpu.vector_store %arg12[%swap3A_115, %swap3A_116], %swap3A_119 {strides = array<i32>} : memref<128x64xf32, #tpu.memory_space<vmem>>, vector<1x16xf32>,
          %get3A_120 = arith.index_cast %add3A_106 : i32 to index
          %get3A_121 = arith.constant 16 : index
          %get3A_122 = tpu.vector_load %arg11[%get3A_120, %get3A_121] {strides = array<i32>} : memref<128x64xf32, #tpu.memory_space<vmem>>, vector<1x16xf32>,
          %get3A_123 = vector.shape_cast %get3A_122 : vector<1x16xf32> to vector<16xf32>
          %mul3A_124 = vector.broadcast %squeeze3A_108 : f32 to vector<16xf32>
          %mul3A_125 = arith.mulf %get3A_123, %mul3A_124 : vector<16xf32>
          %swap3A_126 = arith.index_cast %add3A_106 : i32 to index
          %swap3A_127 = arith.constant 16 : index
          %swap3A_128 = tpu.vector_load %arg12[%swap3A_126, %swap3A_127] {strides = array<i32>} : memref<128x64xf32, #tpu.memory_space<vmem>>, vector<1x16xf32>,
          %swap3A_129 = vector.shape_cast %swap3A_128 : vector<1x16xf32> to vector<16xf32>
          %swap3A_130 = vector.shape_cast %mul3A_125 : vector<16xf32> to vector<1x16xf32>
          tpu.vector_store %arg12[%swap3A_126, %swap3A_127], %swap3A_130 {strides = array<i32>} : memref<128x64xf32, #tpu.memory_space<vmem>>, vector<1x16xf32>,
          %get3A_131 = arith.index_cast %add3A_106 : i32 to index
          %get3A_132 = arith.constant 32 : index
          %get3A_133 = tpu.vector_load %arg11[%get3A_131, %get3A_132] {strides = array<i32>} : memref<128x64xf32, #tpu.memory_space<vmem>>, vector<1x16xf32>,
          %get3A_134 = vector.shape_cast %get3A_133 : vector<1x16xf32> to vector<16xf32>
          %mul3A_135 = vector.broadcast %squeeze3A_108 : f32 to vector<16xf32>
          %mul3A_136 = arith.mulf %get3A_134, %mul3A_135 : vector<16xf32>
          %swap3A_137 = arith.index_cast %add3A_106 : i32 to index
          %swap3A_138 = arith.constant 32 : index
          %swap3A_139 = tpu.vector_load %arg12[%swap3A_137, %swap3A_138] {strides = array<i32>} : memref<128x64xf32, #tpu.memory_space<vmem>>, vector<1x16xf32>,
          %swap3A_140 = vector.shape_cast %swap3A_139 : vector<1x16xf32> to vector<16xf32>
          %swap3A_141 = vector.shape_cast %mul3A_136 : vector<16xf32> to vector<1x16xf32>
          tpu.vector_store %arg12[%swap3A_137, %swap3A_138], %swap3A_141 {strides = array<i32>} : memref<128x64xf32, #tpu.memory_space<vmem>>, vector<1x16xf32>,
          %get3A_142 = arith.index_cast %add3A_106 : i32 to index
          %get3A_143 = arith.constant 48 : index
          %get3A_144 = tpu.vector_load %arg11[%get3A_142, %get3A_143] {strides = array<i32>} : memref<128x64xf32, #tpu.memory_space<vmem>>, vector<1x16xf32>,
          %get3A_145 = vector.shape_cast %get3A_144 : vector<1x16xf32> to vector<16xf32>
          %mul3A_146 = vector.broadcast %squeeze3A_108 : f32 to vector<16xf32>
          %mul3A_147 = arith.mulf %get3A_145, %mul3A_146 : vector<16xf32>
          %swap3A_148 = arith.index_cast %add3A_106 : i32 to index
          %swap3A_149 = arith.constant 48 : index
          %swap3A_150 = tpu.vector_load %arg12[%swap3A_148, %swap3A_149] {strides = array<i32>} : memref<128x64xf32, #tpu.memory_space<vmem>>, vector<1x16xf32>,
          %swap3A_151 = vector.shape_cast %swap3A_150 : vector<1x16xf32> to vector<16xf32>
          %swap3A_152 = vector.shape_cast %mul3A_147 : vector<16xf32> to vector<1x16xf32>
          tpu.vector_store %arg12[%swap3A_148, %swap3A_149], %swap3A_152 {strides = array<i32>} : memref<128x64xf32, #tpu.memory_space<vmem>>, vector<1x16xf32>,
          %mul3A_153 = arith.constant 16 : i32
          %mul3A_154 = arith.muli %scan3A_49, %mul3A_153 : i32
          %add3A_155 = arith.constant 2 : i32
          %add3A_156 = arith.addi %mul3A_154, %add3A_155 : i32
          %slice3A_157 = vector.extract_strided_slice %get3A_55 {offsets = [2], sizes = [1], strides = [1]} : vector<16xf32> to vector<1xf32>
          %squeeze3A_158 = vector.extract %slice3A_157[0] : f32 from vector<1xf32>
          %get3A_159 = arith.index_cast %add3A_156 : i32 to index
          %get3A_160 = arith.constant 0 : index
          %get3A_161 = tpu.vector_load %arg11[%get3A_159, %get3A_160] {strides = array<i32>} : memref<128x64xf32, #tpu.memory_space<vmem>>, vector<1x16xf32>,
          %get3A_162 = vector.shape_cast %get3A_161 : vector<1x16xf32> to vector<16xf32>
          %mul3A_163 = vector.broadcast %squeeze3A_158 : f32 to vector<16xf32>
          %mul3A_164 = arith.mulf %get3A_162, %mul3A_163 : vector<16xf32>
          %swap3A_165 = arith.index_cast %add3A_156 : i32 to index
          %swap3A_166 = arith.constant 0 : index
          %swap3A_167 = tpu.vector_load %arg12[%swap3A_165, %swap3A_166] {strides = array<i32>} : memref<128x64xf32, #tpu.memory_space<vmem>>, vector<1x16xf32>,
          %swap3A_168 = vector.shape_cast %swap3A_167 : vector<1x16xf32> to vector<16xf32>
          %swap3A_169 = vector.shape_cast %mul3A_164 : vector<16xf32> to vector<1x16xf32>
          tpu.vector_store %arg12[%swap3A_165, %swap3A_166], %swap3A_169 {strides = array<i32>} : memref<128x64xf32, #tpu.memory_space<vmem>>, vector<1x16xf32>,
          %get3A_170 = arith.index_cast %add3A_156 : i32 to index
          %get3A_171 = arith.constant 16 : index
          %get3A_172 = tpu.vector_load %arg11[%get3A_170, %get3A_171] {strides = array<i32>} : memref<128x64xf32, #tpu.memory_space<vmem>>, vector<1x16xf32>,
          %get3A_173 = vector.shape_cast %get3A_172 : vector<1x16xf32> to vector<16xf32>
          %mul3A_174 = vector.broadcast %squeeze3A_158 : f32 to vector<16xf32>
          %mul3A_175 = arith.mulf %get3A_173, %mul3A_174 : vector<16xf32>
          %swap3A_176 = arith.index_cast %add3A_156 : i32 to index
          %swap3A_177 = arith.constant 16 : index
          %swap3A_178 = tpu.vector_load %arg12[%swap3A_176, %swap3A_177] {strides = array<i32>} : memref<128x64xf32, #tpu.memory_space<vmem>>, vector<1x16xf32>,
          %swap3A_179 = vector.shape_cast %swap3A_178 : vector<1x16xf32> to vector<16xf32>
          %swap3A_180 = vector.shape_cast %mul3A_175 : vector<16xf32> to vector<1x16xf32>
          tpu.vector_store %arg12[%swap3A_176, %swap3A_177], %swap3A_180 {strides = array<i32>} : memref<128x64xf32, #tpu.memory_space<vmem>>, vector<1x16xf32>,
          %get3A_181 = arith.index_cast %add3A_156 : i32 to index
          %get3A_182 = arith.constant 32 : index
          %get3A_183 = tpu.vector_load %arg11[%get3A_181, %get3A_182] {strides = array<i32>} : memref<128x64xf32, #tpu.memory_space<vmem>>, vector<1x16xf32>,
          %get3A_184 = vector.shape_cast %get3A_183 : vector<1x16xf32> to vector<16xf32>
          %mul3A_185 = vector.broadcast %squeeze3A_158 : f32 to vector<16xf32>
          %mul3A_186 = arith.mulf %get3A_184, %mul3A_185 : vector<16xf32>
          %swap3A_187 = arith.index_cast %add3A_156 : i32 to index
          %swap3A_188 = arith.constant 32 : index
          %swap3A_189 = tpu.vector_load %arg12[%swap3A_187, %swap3A_188] {strides = array<i32>} : memref<128x64xf32, #tpu.memory_space<vmem>>, vector<1x16xf32>,
          %swap3A_190 = vector.shape_cast %swap3A_189 : vector<1x16xf32> to vector<16xf32>
          %swap3A_191 = vector.shape_cast %mul3A_186 : vector<16xf32> to vector<1x16xf32>
          tpu.vector_store %arg12[%swap3A_187, %swap3A_188], %swap3A_191 {strides = array<i32>} : memref<128x64xf32, #tpu.memory_space<vmem>>, vector<1x16xf32>,
          %get3A_192 = arith.index_cast %add3A_156 : i32 to index
          %get3A_193 = arith.constant 48 : index
          %get3A_194 = tpu.vector_load %arg11[%get3A_192, %get3A_193] {strides = array<i32>} : memref<128x64xf32, #tpu.memory_space<vmem>>, vector<1x16xf32>,
          %get3A_195 = vector.shape_cast %get3A_194 : vector<1x16xf32> to vector<16xf32>
          %mul3A_196 = vector.broadcast %squeeze3A_158 : f32 to vector<16xf32>
          %mul3A_197 = arith.mulf %get3A_195, %mul3A_196 : vector<16xf32>
          %swap3A_198 = arith.index_cast %add3A_156 : i32 to index
          %swap3A_199 = arith.constant 48 : index
          %swap3A_200 = tpu.vector_load %arg12[%swap3A_198, %swap3A_199] {strides = array<i32>} : memref<128x64xf32, #tpu.memory_space<vmem>>, vector<1x16xf32>,
          %swap3A_201 = vector.shape_cast %swap3A_200 : vector<1x16xf32> to vector<16xf32>
          %swap3A_202 = vector.shape_cast %mul3A_197 : vector<16xf32> to vector<1x16xf32>
          tpu.vector_store %arg12[%swap3A_198, %swap3A_199], %swap3A_202 {strides = array<i32>} : memref<128x64xf32, #tpu.memory_space<vmem>>, vector<1x16xf32>,
          %mul3A_203 = arith.constant 16 : i32
          %mul3A_204 = arith.muli %scan3A_49, %mul3A_203 : i32
          %add3A_205 = arith.constant 3 : i32
          %add3A_206 = arith.addi %mul3A_204, %add3A_205 : i32
          %slice3A_207 = vector.extract_strided_slice %get3A_55 {offsets = [3], sizes = [1], strides = [1]} : vector<16xf32> to vector<1xf32>
          %squeeze3A_208 = vector.extract %slice3A_207[0] : f32 from vector<1xf32>
          %get3A_209 = arith.index_cast %add3A_206 : i32 to index
          %get3A_210 = arith.constant 0 : index
          %get3A_211 = tpu.vector_load %arg11[%get3A_209, %get3A_210] {strides = array<i32>} : memref<128x64xf32, #tpu.memory_space<vmem>>, vector<1x16xf32>,
          %get3A_212 = vector.shape_cast %get3A_211 : vector<1x16xf32> to vector<16xf32>
          %mul3A_213 = vector.broadcast %squeeze3A_208 : f32 to vector<16xf32>
          %mul3A_214 = arith.mulf %get3A_212, %mul3A_213 : vector<16xf32>
          %swap3A_215 = arith.index_cast %add3A_206 : i32 to index
          %swap3A_216 = arith.constant 0 : index
          %swap3A_217 = tpu.vector_load %arg12[%swap3A_215, %swap3A_216] {strides = array<i32>} : memref<128x64xf32, #tpu.memory_space<vmem>>, vector<1x16xf32>,
          %swap3A_218 = vector.shape_cast %swap3A_217 : vector<1x16xf32> to vector<16xf32>
          %swap3A_219 = vector.shape_cast %mul3A_214 : vector<16xf32> to vector<1x16xf32>
          tpu.vector_store %arg12[%swap3A_215, %swap3A_216], %swap3A_219 {strides = array<i32>} : memref<128x64xf32, #tpu.memory_space<vmem>>, vector<1x16xf32>,
          %get3A_220 = arith.index_cast %add3A_206 : i32 to index
          %get3A_221 = arith.constant 16 : index
          %get3A_222 = tpu.vector_load %arg11[%get3A_220, %get3A_221] {strides = array<i32>} : memref<128x64xf32, #tpu.memory_space<vmem>>, vector<1x16xf32>,
          %get3A_223 = vector.shape_cast %get3A_222 : vector<1x16xf32> to vector<16xf32>
          %mul3A_224 = vector.broadcast %squeeze3A_208 : f32 to vector<16xf32>
          %mul3A_225 = arith.mulf %get3A_223, %mul3A_224 : vector<16xf32>
          %swap3A_226 = arith.index_cast %add3A_206 : i32 to index
          %swap3A_227 = arith.constant 16 : index
          %swap3A_228 = tpu.vector_load %arg12[%swap3A_226, %swap3A_227] {strides = array<i32>} : memref<128x64xf32, #tpu.memory_space<vmem>>, vector<1x16xf32>,
          %swap3A_229 = vector.shape_cast %swap3A_228 : vector<1x16xf32> to vector<16xf32>
          %swap3A_230 = vector.shape_cast %mul3A_225 : vector<16xf32> to vector<1x16xf32>
          tpu.vector_store %arg12[%swap3A_226, %swap3A_227], %swap3A_230 {strides = array<i32>} : memref<128x64xf32, #tpu.memory_space<vmem>>, vector<1x16xf32>,
          %get3A_231 = arith.index_cast %add3A_206 : i32 to index
          %get3A_232 = arith.constant 32 : index
          %get3A_233 = tpu.vector_load %arg11[%get3A_231, %get3A_232] {strides = array<i32>} : memref<128x64xf32, #tpu.memory_space<vmem>>, vector<1x16xf32>,
          %get3A_234 = vector.shape_cast %get3A_233 : vector<1x16xf32> to vector<16xf32>
          %mul3A_235 = vector.broadcast %squeeze3A_208 : f32 to vector<16xf32>
          %mul3A_236 = arith.mulf %get3A_234, %mul3A_235 : vector<16xf32>
          %swap3A_237 = arith.index_cast %add3A_206 : i32 to index
          %swap3A_238 = arith.constant 32 : index
          %swap3A_239 = tpu.vector_load %arg12[%swap3A_237, %swap3A_238] {strides = array<i32>} : memref<128x64xf32, #tpu.memory_space<vmem>>, vector<1x16xf32>,
          %swap3A_240 = vector.shape_cast %swap3A_239 : vector<1x16xf32> to vector<16xf32>
          %swap3A_241 = vector.shape_cast %mul3A_236 : vector<16xf32> to vector<1x16xf32>
          tpu.vector_store %arg12[%swap3A_237, %swap3A_238], %swap3A_241 {strides = array<i32>} : memref<128x64xf32, #tpu.memory_space<vmem>>, vector<1x16xf32>,
          %get3A_242 = arith.index_cast %add3A_206 : i32 to index
          %get3A_243 = arith.constant 48 : index
          %get3A_244 = tpu.vector_load %arg11[%get3A_242, %get3A_243] {strides = array<i32>} : memref<128x64xf32, #tpu.memory_space<vmem>>, vector<1x16xf32>,
          %get3A_245 = vector.shape_cast %get3A_244 : vector<1x16xf32> to vector<16xf32>
          %mul3A_246 = vector.broadcast %squeeze3A_208 : f32 to vector<16xf32>
          %mul3A_247 = arith.mulf %get3A_245, %mul3A_246 : vector<16xf32>
          %swap3A_248 = arith.index_cast %add3A_206 : i32 to index
          %swap3A_249 = arith.constant 48 : index
          %swap3A_250 = tpu.vector_load %arg12[%swap3A_248, %swap3A_249] {strides = array<i32>} : memref<128x64xf32, #tpu.memory_space<vmem>>, vector<1x16xf32>,
          %swap3A_251 = vector.shape_cast %swap3A_250 : vector<1x16xf32> to vector<16xf32>
          %swap3A_252 = vector.shape_cast %mul3A_247 : vector<16xf32> to vector<1x16xf32>
          tpu.vector_store %arg12[%swap3A_248, %swap3A_249], %swap3A_252 {strides = array<i32>} : memref<128x64xf32, #tpu.memory_space<vmem>>, vector<1x16xf32>,
          %mul3A_253 = arith.constant 16 : i32
          %mul3A_254 = arith.muli %scan3A_49, %mul3A_253 : i32
          %add3A_255 = arith.constant 4 : i32
          %add3A_256 = arith.addi %mul3A_254, %add3A_255 : i32
          %slice3A_257 = vector.extract_strided_slice %get3A_55 {offsets = [4], sizes = [1], strides = [1]} : vector<16xf32> to vector<1xf32>
          %squeeze3A_258 = vector.extract %slice3A_257[0] : f32 from vector<1xf32>
          %get3A_259 = arith.index_cast %add3A_256 : i32 to index
          %get3A_260 = arith.constant 0 : index
          %get3A_261 = tpu.vector_load %arg11[%get3A_259, %get3A_260] {strides = array<i32>} : memref<128x64xf32, #tpu.memory_space<vmem>>, vector<1x16xf32>,
          %get3A_262 = vector.shape_cast %get3A_261 : vector<1x16xf32> to vector<16xf32>
          %mul3A_263 = vector.broadcast %squeeze3A_258 : f32 to vector<16xf32>
          %mul3A_264 = arith.mulf %get3A_262, %mul3A_263 : vector<16xf32>
          %swap3A_265 = arith.index_cast %add3A_256 : i32 to index
          %swap3A_266 = arith.constant 0 : index
          %swap3A_267 = tpu.vector_load %arg12[%swap3A_265, %swap3A_266] {strides = array<i32>} : memref<128x64xf32, #tpu.memory_space<vmem>>, vector<1x16xf32>,
          %swap3A_268 = vector.shape_cast %swap3A_267 : vector<1x16xf32> to vector<16xf32>
          %swap3A_269 = vector.shape_cast %mul3A_264 : vector<16xf32> to vector<1x16xf32>
          tpu.vector_store %arg12[%swap3A_265, %swap3A_266], %swap3A_269 {strides = array<i32>} : memref<128x64xf32, #tpu.memory_space<vmem>>, vector<1x16xf32>,
          %get3A_270 = arith.index_cast %add3A_256 : i32 to index
          %get3A_271 = arith.constant 16 : index
          %get3A_272 = tpu.vector_load %arg11[%get3A_270, %get3A_271] {strides = array<i32>} : memref<128x64xf32, #tpu.memory_space<vmem>>, vector<1x16xf32>,
          %get3A_273 = vector.shape_cast %get3A_272 : vector<1x16xf32> to vector<16xf32>
          %mul3A_274 = vector.broadcast %squeeze3A_258 : f32 to vector<16xf32>
          %mul3A_275 = arith.mulf %get3A_273, %mul3A_274 : vector<16xf32>
          %swap3A_276 = arith.index_cast %add3A_256 : i32 to index
          %swap3A_277 = arith.constant 16 : index
          %swap3A_278 = tpu.vector_load %arg12[%swap3A_276, %swap3A_277] {strides = array<i32>} : memref<128x64xf32, #tpu.memory_space<vmem>>, vector<1x16xf32>,
          %swap3A_279 = vector.shape_cast %swap3A_278 : vector<1x16xf32> to vector<16xf32>
          %swap3A_280 = vector.shape_cast %mul3A_275 : vector<16xf32> to vector<1x16xf32>
          tpu.vector_store %arg12[%swap3A_276, %swap3A_277], %swap3A_280 {strides = array<i32>} : memref<128x64xf32, #tpu.memory_space<vmem>>, vector<1x16xf32>,
          %get3A_281 = arith.index_cast %add3A_256 : i32 to index
          %get3A_282 = arith.constant 32 : index
          %get3A_283 = tpu.vector_load %arg11[%get3A_281, %get3A_282] {strides = array<i32>} : memref<128x64xf32, #tpu.memory_space<vmem>>, vector<1x16xf32>,
          %get3A_284 = vector.shape_cast %get3A_283 : vector<1x16xf32> to vector<16xf32>
          %mul3A_285 = vector.broadcast %squeeze3A_258 : f32 to vector<16xf32>
          %mul3A_286 = arith.mulf %get3A_284, %mul3A_285 : vector<16xf32>
          %swap3A_287 = arith.index_cast %add3A_256 : i32 to index
          %swap3A_288 = arith.constant 32 : index
          %swap3A_289 = tpu.vector_load %arg12[%swap3A_287, %swap3A_288] {strides = array<i32>} : memref<128x64xf32, #tpu.memory_space<vmem>>, vector<1x16xf32>,
          %swap3A_290 = vector.shape_cast %swap3A_289 : vector<1x16xf32> to vector<16xf32>
          %swap3A_291 = vector.shape_cast %mul3A_286 : vector<16xf32> to vector<1x16xf32>
          tpu.vector_store %arg12[%swap3A_287, %swap3A_288], %swap3A_291 {strides = array<i32>} : memref<128x64xf32, #tpu.memory_space<vmem>>, vector<1x16xf32>,
          %get3A_292 = arith.index_cast %add3A_256 : i32 to index
          %get3A_293 = arith.constant 48 : index
          %get3A_294 = tpu.vector_load %arg11[%get3A_292, %get3A_293] {strides = array<i32>} : memref<128x64xf32, #tpu.memory_space<vmem>>, vector<1x16xf32>,
          %get3A_295 = vector.shape_cast %get3A_294 : vector<1x16xf32> to vector<16xf32>
          %mul3A_296 = vector.broadcast %squeeze3A_258 : f32 to vector<16xf32>
          %mul3A_297 = arith.mulf %get3A_295, %mul3A_296 : vector<16xf32>
          %swap3A_298 = arith.index_cast %add3A_256 : i32 to index
          %swap3A_299 = arith.constant 48 : index
          %swap3A_300 = tpu.vector_load %arg12[%swap3A_298, %swap3A_299] {strides = array<i32>} : memref<128x64xf32, #tpu.memory_space<vmem>>, vector<1x16xf32>,
          %swap3A_301 = vector.shape_cast %swap3A_300 : vector<1x16xf32> to vector<16xf32>
          %swap3A_302 = vector.shape_cast %mul3A_297 : vector<16xf32> to vector<1x16xf32>
          tpu.vector_store %arg12[%swap3A_298, %swap3A_299], %swap3A_302 {strides = array<i32>} : memref<128x64xf32, #tpu.memory_space<vmem>>, vector<1x16xf32>,
          %mul3A_303 = arith.constant 16 : i32
          %mul3A_304 = arith.muli %scan3A_49, %mul3A_303 : i32
          %add3A_305 = arith.constant 5 : i32
          %add3A_306 = arith.addi %mul3A_304, %add3A_305 : i32
          %slice3A_307 = vector.extract_strided_slice %get3A_55 {offsets = [5], sizes = [1], strides = [1]} : vector<16xf32> to vector<1xf32>
          %squeeze3A_308 = vector.extract %slice3A_307[0] : f32 from vector<1xf32>
          %get3A_309 = arith.index_cast %add3A_306 : i32 to index
          %get3A_310 = arith.constant 0 : index
          %get3A_311 = tpu.vector_load %arg11[%get3A_309, %get3A_310] {strides = array<i32>} : memref<128x64xf32, #tpu.memory_space<vmem>>, vector<1x16xf32>,
          %get3A_312 = vector.shape_cast %get3A_311 : vector<1x16xf32> to vector<16xf32>
          %mul3A_313 = vector.broadcast %squeeze3A_308 : f32 to vector<16xf32>
          %mul3A_314 = arith.mulf %get3A_312, %mul3A_313 : vector<16xf32>
          %swap3A_315 = arith.index_cast %add3A_306 : i32 to index
          %swap3A_316 = arith.constant 0 : index
          %swap3A_317 = tpu.vector_load %arg12[%swap3A_315, %swap3A_316] {strides = array<i32>} : memref<128x64xf32, #tpu.memory_space<vmem>>, vector<1x16xf32>,
          %swap3A_318 = vector.shape_cast %swap3A_317 : vector<1x16xf32> to vector<16xf32>
          %swap3A_319 = vector.shape_cast %mul3A_314 : vector<16xf32> to vector<1x16xf32>
          tpu.vector_store %arg12[%swap3A_315, %swap3A_316], %swap3A_319 {strides = array<i32>} : memref<128x64xf32, #tpu.memory_space<vmem>>, vector<1x16xf32>,
          %get3A_320 = arith.index_cast %add3A_306 : i32 to index
          %get3A_321 = arith.constant 16 : index
          %get3A_322 = tpu.vector_load %arg11[%get3A_320, %get3A_321] {strides = array<i32>} : memref<128x64xf32, #tpu.memory_space<vmem>>, vector<1x16xf32>,
          %get3A_323 = vector.shape_cast %get3A_322 : vector<1x16xf32> to vector<16xf32>
          %mul3A_324 = vector.broadcast %squeeze3A_308 : f32 to vector<16xf32>
          %mul3A_325 = arith.mulf %get3A_323, %mul3A_324 : vector<16xf32>
          %swap3A_326 = arith.index_cast %add3A_306 : i32 to index
          %swap3A_327 = arith.constant 16 : index
          %swap3A_328 = tpu.vector_load %arg12[%swap3A_326, %swap3A_327] {strides = array<i32>} : memref<128x64xf32, #tpu.memory_space<vmem>>, vector<1x16xf32>,
          %swap3A_329 = vector.shape_cast %swap3A_328 : vector<1x16xf32> to vector<16xf32>
          %swap3A_330 = vector.shape_cast %mul3A_325 : vector<16xf32> to vector<1x16xf32>
          tpu.vector_store %arg12[%swap3A_326, %swap3A_327], %swap3A_330 {strides = array<i32>} : memref<128x64xf32, #tpu.memory_space<vmem>>, vector<1x16xf32>,
          %get3A_331 = arith.index_cast %add3A_306 : i32 to index
          %get3A_332 = arith.constant 32 : index
          %get3A_333 = tpu.vector_load %arg11[%get3A_331, %get3A_332] {strides = array<i32>} : memref<128x64xf32, #tpu.memory_space<vmem>>, vector<1x16xf32>,
          %get3A_334 = vector.shape_cast %get3A_333 : vector<1x16xf32> to vector<16xf32>
          %mul3A_335 = vector.broadcast %squeeze3A_308 : f32 to vector<16xf32>
          %mul3A_336 = arith.mulf %get3A_334, %mul3A_335 : vector<16xf32>
          %swap3A_337 = arith.index_cast %add3A_306 : i32 to index
          %swap3A_338 = arith.constant 32 : index
          %swap3A_339 = tpu.vector_load %arg12[%swap3A_337, %swap3A_338] {strides = array<i32>} : memref<128x64xf32, #tpu.memory_space<vmem>>, vector<1x16xf32>,
          %swap3A_340 = vector.shape_cast %swap3A_339 : vector<1x16xf32> to vector<16xf32>
          %swap3A_341 = vector.shape_cast %mul3A_336 : vector<16xf32> to vector<1x16xf32>
          tpu.vector_store %arg12[%swap3A_337, %swap3A_338], %swap3A_341 {strides = array<i32>} : memref<128x64xf32, #tpu.memory_space<vmem>>, vector<1x16xf32>,
          %get3A_342 = arith.index_cast %add3A_306 : i32 to index
          %get3A_343 = arith.constant 48 : index
          %get3A_344 = tpu.vector_load %arg11[%get3A_342, %get3A_343] {strides = array<i32>} : memref<128x64xf32, #tpu.memory_space<vmem>>, vector<1x16xf32>,
          %get3A_345 = vector.shape_cast %get3A_344 : vector<1x16xf32> to vector<16xf32>
          %mul3A_346 = vector.broadcast %squeeze3A_308 : f32 to vector<16xf32>
          %mul3A_347 = arith.mulf %get3A_345, %mul3A_346 : vector<16xf32>
          %swap3A_348 = arith.index_cast %add3A_306 : i32 to index
          %swap3A_349 = arith.constant 48 : index
          %swap3A_350 = tpu.vector_load %arg12[%swap3A_348, %swap3A_349] {strides = array<i32>} : memref<128x64xf32, #tpu.memory_space<vmem>>, vector<1x16xf32>,
          %swap3A_351 = vector.shape_cast %swap3A_350 : vector<1x16xf32> to vector<16xf32>
          %swap3A_352 = vector.shape_cast %mul3A_347 : vector<16xf32> to vector<1x16xf32>
          tpu.vector_store %arg12[%swap3A_348, %swap3A_349], %swap3A_352 {strides = array<i32>} : memref<128x64xf32, #tpu.memory_space<vmem>>, vector<1x16xf32>,
          %mul3A_353 = arith.constant 16 : i32
          %mul3A_354 = arith.muli %scan3A_49, %mul3A_353 : i32
          %add3A_355 = arith.constant 6 : i32
          %add3A_356 = arith.addi %mul3A_354, %add3A_355 : i32
          %slice3A_357 = vector.extract_strided_slice %get3A_55 {offsets = [6], sizes = [1], strides = [1]} : vector<16xf32> to vector<1xf32>
          %squeeze3A_358 = vector.extract %slice3A_357[0] : f32 from vector<1xf32>
          %get3A_359 = arith.index_cast %add3A_356 : i32 to index
          %get3A_360 = arith.constant 0 : index
          %get3A_361 = tpu.vector_load %arg11[%get3A_359, %get3A_360] {strides = array<i32>} : memref<128x64xf32, #tpu.memory_space<vmem>>, vector<1x16xf32>,
          %get3A_362 = vector.shape_cast %get3A_361 : vector<1x16xf32> to vector<16xf32>
          %mul3A_363 = vector.broadcast %squeeze3A_358 : f32 to vector<16xf32>
          %mul3A_364 = arith.mulf %get3A_362, %mul3A_363 : vector<16xf32>
          %swap3A_365 = arith.index_cast %add3A_356 : i32 to index
          %swap3A_366 = arith.constant 0 : index
          %swap3A_367 = tpu.vector_load %arg12[%swap3A_365, %swap3A_366] {strides = array<i32>} : memref<128x64xf32, #tpu.memory_space<vmem>>, vector<1x16xf32>,
          %swap3A_368 = vector.shape_cast %swap3A_367 : vector<1x16xf32> to vector<16xf32>
          %swap3A_369 = vector.shape_cast %mul3A_364 : vector<16xf32> to vector<1x16xf32>
          tpu.vector_store %arg12[%swap3A_365, %swap3A_366], %swap3A_369 {strides = array<i32>} : memref<128x64xf32, #tpu.memory_space<vmem>>, vector<1x16xf32>,
          %get3A_370 = arith.index_cast %add3A_356 : i32 to index
          %get3A_371 = arith.constant 16 : index
          %get3A_372 = tpu.vector_load %arg11[%get3A_370, %get3A_371] {strides = array<i32>} : memref<128x64xf32, #tpu.memory_space<vmem>>, vector<1x16xf32>,
          %get3A_373 = vector.shape_cast %get3A_372 : vector<1x16xf32> to vector<16xf32>
          %mul3A_374 = vector.broadcast %squeeze3A_358 : f32 to vector<16xf32>
          %mul3A_375 = arith.mulf %get3A_373, %mul3A_374 : vector<16xf32>
          %swap3A_376 = arith.index_cast %add3A_356 : i32 to index
          %swap3A_377 = arith.constant 16 : index
          %swap3A_378 = tpu.vector_load %arg12[%swap3A_376, %swap3A_377] {strides = array<i32>} : memref<128x64xf32, #tpu.memory_space<vmem>>, vector<1x16xf32>,
          %swap3A_379 = vector.shape_cast %swap3A_378 : vector<1x16xf32> to vector<16xf32>
          %swap3A_380 = vector.shape_cast %mul3A_375 : vector<16xf32> to vector<1x16xf32>
          tpu.vector_store %arg12[%swap3A_376, %swap3A_377], %swap3A_380 {strides = array<i32>} : memref<128x64xf32, #tpu.memory_space<vmem>>, vector<1x16xf32>,
          %get3A_381 = arith.index_cast %add3A_356 : i32 to index
          %get3A_382 = arith.constant 32 : index
          %get3A_383 = tpu.vector_load %arg11[%get3A_381, %get3A_382] {strides = array<i32>} : memref<128x64xf32, #tpu.memory_space<vmem>>, vector<1x16xf32>,
          %get3A_384 = vector.shape_cast %get3A_383 : vector<1x16xf32> to vector<16xf32>
          %mul3A_385 = vector.broadcast %squeeze3A_358 : f32 to vector<16xf32>
          %mul3A_386 = arith.mulf %get3A_384, %mul3A_385 : vector<16xf32>
          %swap3A_387 = arith.index_cast %add3A_356 : i32 to index
          %swap3A_388 = arith.constant 32 : index
          %swap3A_389 = tpu.vector_load %arg12[%swap3A_387, %swap3A_388] {strides = array<i32>} : memref<128x64xf32, #tpu.memory_space<vmem>>, vector<1x16xf32>,
          %swap3A_390 = vector.shape_cast %swap3A_389 : vector<1x16xf32> to vector<16xf32>
          %swap3A_391 = vector.shape_cast %mul3A_386 : vector<16xf32> to vector<1x16xf32>
          tpu.vector_store %arg12[%swap3A_387, %swap3A_388], %swap3A_391 {strides = array<i32>} : memref<128x64xf32, #tpu.memory_space<vmem>>, vector<1x16xf32>,
          %get3A_392 = arith.index_cast %add3A_356 : i32 to index
          %get3A_393 = arith.constant 48 : index
          %get3A_394 = tpu.vector_load %arg11[%get3A_392, %get3A_393] {strides = array<i32>} : memref<128x64xf32, #tpu.memory_space<vmem>>, vector<1x16xf32>,
          %get3A_395 = vector.shape_cast %get3A_394 : vector<1x16xf32> to vector<16xf32>
          %mul3A_396 = vector.broadcast %squeeze3A_358 : f32 to vector<16xf32>
          %mul3A_397 = arith.mulf %get3A_395, %mul3A_396 : vector<16xf32>
          %swap3A_398 = arith.index_cast %add3A_356 : i32 to index
          %swap3A_399 = arith.constant 48 : index
          %swap3A_400 = tpu.vector_load %arg12[%swap3A_398, %swap3A_399] {strides = array<i32>} : memref<128x64xf32, #tpu.memory_space<vmem>>, vector<1x16xf32>,
          %swap3A_401 = vector.shape_cast %swap3A_400 : vector<1x16xf32> to vector<16xf32>
          %swap3A_402 = vector.shape_cast %mul3A_397 : vector<16xf32> to vector<1x16xf32>
          tpu.vector_store %arg12[%swap3A_398, %swap3A_399], %swap3A_402 {strides = array<i32>} : memref<128x64xf32, #tpu.memory_space<vmem>>, vector<1x16xf32>,
          %mul3A_403 = arith.constant 16 : i32
          %mul3A_404 = arith.muli %scan3A_49, %mul3A_403 : i32
          %add3A_405 = arith.constant 7 : i32
          %add3A_406 = arith.addi %mul3A_404, %add3A_405 : i32
          %slice3A_407 = vector.extract_strided_slice %get3A_55 {offsets = [7], sizes = [1], strides = [1]} : vector<16xf32> to vector<1xf32>
          %squeeze3A_408 = vector.extract %slice3A_407[0] : f32 from vector<1xf32>
          %get3A_409 = arith.index_cast %add3A_406 : i32 to index
          %get3A_410 = arith.constant 0 : index
          %get3A_411 = tpu.vector_load %arg11[%get3A_409, %get3A_410] {strides = array<i32>} : memref<128x64xf32, #tpu.memory_space<vmem>>, vector<1x16xf32>,
          %get3A_412 = vector.shape_cast %get3A_411 : vector<1x16xf32> to vector<16xf32>
          %mul3A_413 = vector.broadcast %squeeze3A_408 : f32 to vector<16xf32>
          %mul3A_414 = arith.mulf %get3A_412, %mul3A_413 : vector<16xf32>
          %swap3A_415 = arith.index_cast %add3A_406 : i32 to index
          %swap3A_416 = arith.constant 0 : index
          %swap3A_417 = tpu.vector_load %arg12[%swap3A_415, %swap3A_416] {strides = array<i32>} : memref<128x64xf32, #tpu.memory_space<vmem>>, vector<1x16xf32>,
          %swap3A_418 = vector.shape_cast %swap3A_417 : vector<1x16xf32> to vector<16xf32>
          %swap3A_419 = vector.shape_cast %mul3A_414 : vector<16xf32> to vector<1x16xf32>
          tpu.vector_store %arg12[%swap3A_415, %swap3A_416], %swap3A_419 {strides = array<i32>} : memref<128x64xf32, #tpu.memory_space<vmem>>, vector<1x16xf32>,
          %get3A_420 = arith.index_cast %add3A_406 : i32 to index
          %get3A_421 = arith.constant 16 : index
          %get3A_422 = tpu.vector_load %arg11[%get3A_420, %get3A_421] {strides = array<i32>} : memref<128x64xf32, #tpu.memory_space<vmem>>, vector<1x16xf32>,
          %get3A_423 = vector.shape_cast %get3A_422 : vector<1x16xf32> to vector<16xf32>
          %mul3A_424 = vector.broadcast %squeeze3A_408 : f32 to vector<16xf32>
          %mul3A_425 = arith.mulf %get3A_423, %mul3A_424 : vector<16xf32>
          %swap3A_426 = arith.index_cast %add3A_406 : i32 to index
          %swap3A_427 = arith.constant 16 : index
          %swap3A_428 = tpu.vector_load %arg12[%swap3A_426, %swap3A_427] {strides = array<i32>} : memref<128x64xf32, #tpu.memory_space<vmem>>, vector<1x16xf32>,
          %swap3A_429 = vector.shape_cast %swap3A_428 : vector<1x16xf32> to vector<16xf32>
          %swap3A_430 = vector.shape_cast %mul3A_425 : vector<16xf32> to vector<1x16xf32>
          tpu.vector_store %arg12[%swap3A_426, %swap3A_427], %swap3A_430 {strides = array<i32>} : memref<128x64xf32, #tpu.memory_space<vmem>>, vector<1x16xf32>,
          %get3A_431 = arith.index_cast %add3A_406 : i32 to index
          %get3A_432 = arith.constant 32 : index
          %get3A_433 = tpu.vector_load %arg11[%get3A_431, %get3A_432] {strides = array<i32>} : memref<128x64xf32, #tpu.memory_space<vmem>>, vector<1x16xf32>,
          %get3A_434 = vector.shape_cast %get3A_433 : vector<1x16xf32> to vector<16xf32>
          %mul3A_435 = vector.broadcast %squeeze3A_408 : f32 to vector<16xf32>
          %mul3A_436 = arith.mulf %get3A_434, %mul3A_435 : vector<16xf32>
          %swap3A_437 = arith.index_cast %add3A_406 : i32 to index
          %swap3A_438 = arith.constant 32 : index
          %swap3A_439 = tpu.vector_load %arg12[%swap3A_437, %swap3A_438] {strides = array<i32>} : memref<128x64xf32, #tpu.memory_space<vmem>>, vector<1x16xf32>,
          %swap3A_440 = vector.shape_cast %swap3A_439 : vector<1x16xf32> to vector<16xf32>
          %swap3A_441 = vector.shape_cast %mul3A_436 : vector<16xf32> to vector<1x16xf32>
          tpu.vector_store %arg12[%swap3A_437, %swap3A_438], %swap3A_441 {strides = array<i32>} : memref<128x64xf32, #tpu.memory_space<vmem>>, vector<1x16xf32>,
          %get3A_442 = arith.index_cast %add3A_406 : i32 to index
          %get3A_443 = arith.constant 48 : index
          %get3A_444 = tpu.vector_load %arg11[%get3A_442, %get3A_443] {strides = array<i32>} : memref<128x64xf32, #tpu.memory_space<vmem>>, vector<1x16xf32>,
          %get3A_445 = vector.shape_cast %get3A_444 : vector<1x16xf32> to vector<16xf32>
          %mul3A_446 = vector.broadcast %squeeze3A_408 : f32 to vector<16xf32>
          %mul3A_447 = arith.mulf %get3A_445, %mul3A_446 : vector<16xf32>
          %swap3A_448 = arith.index_cast %add3A_406 : i32 to index
          %swap3A_449 = arith.constant 48 : index
          %swap3A_450 = tpu.vector_load %arg12[%swap3A_448, %swap3A_449] {strides = array<i32>} : memref<128x64xf32, #tpu.memory_space<vmem>>, vector<1x16xf32>,
          %swap3A_451 = vector.shape_cast %swap3A_450 : vector<1x16xf32> to vector<16xf32>
          %swap3A_452 = vector.shape_cast %mul3A_447 : vector<16xf32> to vector<1x16xf32>
          tpu.vector_store %arg12[%swap3A_448, %swap3A_449], %swap3A_452 {strides = array<i32>} : memref<128x64xf32, #tpu.memory_space<vmem>>, vector<1x16xf32>,
          %mul3A_453 = arith.constant 16 : i32
          %mul3A_454 = arith.muli %scan3A_49, %mul3A_453 : i32
          %add3A_455 = arith.constant 8 : i32
          %add3A_456 = arith.addi %mul3A_454, %add3A_455 : i32
          %slice3A_457 = vector.extract_strided_slice %get3A_55 {offsets = [8], sizes = [1], strides = [1]} : vector<16xf32> to vector<1xf32>
          %squeeze3A_458 = vector.extract %slice3A_457[0] : f32 from vector<1xf32>
          %get3A_459 = arith.index_cast %add3A_456 : i32 to index
          %get3A_460 = arith.constant 0 : index
          %get3A_461 = tpu.vector_load %arg11[%get3A_459, %get3A_460] {strides = array<i32>} : memref<128x64xf32, #tpu.memory_space<vmem>>, vector<1x16xf32>,
          %get3A_462 = vector.shape_cast %get3A_461 : vector<1x16xf32> to vector<16xf32>
          %mul3A_463 = vector.broadcast %squeeze3A_458 : f32 to vector<16xf32>
          %mul3A_464 = arith.mulf %get3A_462, %mul3A_463 : vector<16xf32>
          %swap3A_465 = arith.index_cast %add3A_456 : i32 to index
          %swap3A_466 = arith.constant 0 : index
          %swap3A_467 = tpu.vector_load %arg12[%swap3A_465, %swap3A_466] {strides = array<i32>} : memref<128x64xf32, #tpu.memory_space<vmem>>, vector<1x16xf32>,
          %swap3A_468 = vector.shape_cast %swap3A_467 : vector<1x16xf32> to vector<16xf32>
          %swap3A_469 = vector.shape_cast %mul3A_464 : vector<16xf32> to vector<1x16xf32>
          tpu.vector_store %arg12[%swap3A_465, %swap3A_466], %swap3A_469 {strides = array<i32>} : memref<128x64xf32, #tpu.memory_space<vmem>>, vector<1x16xf32>,
          %get3A_470 = arith.index_cast %add3A_456 : i32 to index
          %get3A_471 = arith.constant 16 : index
          %get3A_472 = tpu.vector_load %arg11[%get3A_470, %get3A_471] {strides = array<i32>} : memref<128x64xf32, #tpu.memory_space<vmem>>, vector<1x16xf32>,
          %get3A_473 = vector.shape_cast %get3A_472 : vector<1x16xf32> to vector<16xf32>
          %mul3A_474 = vector.broadcast %squeeze3A_458 : f32 to vector<16xf32>
          %mul3A_475 = arith.mulf %get3A_473, %mul3A_474 : vector<16xf32>
          %swap3A_476 = arith.index_cast %add3A_456 : i32 to index
          %swap3A_477 = arith.constant 16 : index
          %swap3A_478 = tpu.vector_load %arg12[%swap3A_476, %swap3A_477] {strides = array<i32>} : memref<128x64xf32, #tpu.memory_space<vmem>>, vector<1x16xf32>,
          %swap3A_479 = vector.shape_cast %swap3A_478 : vector<1x16xf32> to vector<16xf32>
          %swap3A_480 = vector.shape_cast %mul3A_475 : vector<16xf32> to vector<1x16xf32>
          tpu.vector_store %arg12[%swap3A_476, %swap3A_477], %swap3A_480 {strides = array<i32>} : memref<128x64xf32, #tpu.memory_space<vmem>>, vector<1x16xf32>,
          %get3A_481 = arith.index_cast %add3A_456 : i32 to index
          %get3A_482 = arith.constant 32 : index
          %get3A_483 = tpu.vector_load %arg11[%get3A_481, %get3A_482] {strides = array<i32>} : memref<128x64xf32, #tpu.memory_space<vmem>>, vector<1x16xf32>,
          %get3A_484 = vector.shape_cast %get3A_483 : vector<1x16xf32> to vector<16xf32>
          %mul3A_485 = vector.broadcast %squeeze3A_458 : f32 to vector<16xf32>
          %mul3A_486 = arith.mulf %get3A_484, %mul3A_485 : vector<16xf32>
          %swap3A_487 = arith.index_cast %add3A_456 : i32 to index
          %swap3A_488 = arith.constant 32 : index
          %swap3A_489 = tpu.vector_load %arg12[%swap3A_487, %swap3A_488] {strides = array<i32>} : memref<128x64xf32, #tpu.memory_space<vmem>>, vector<1x16xf32>,
          %swap3A_490 = vector.shape_cast %swap3A_489 : vector<1x16xf32> to vector<16xf32>
          %swap3A_491 = vector.shape_cast %mul3A_486 : vector<16xf32> to vector<1x16xf32>
          tpu.vector_store %arg12[%swap3A_487, %swap3A_488], %swap3A_491 {strides = array<i32>} : memref<128x64xf32, #tpu.memory_space<vmem>>, vector<1x16xf32>,
          %get3A_492 = arith.index_cast %add3A_456 : i32 to index
          %get3A_493 = arith.constant 48 : index
          %get3A_494 = tpu.vector_load %arg11[%get3A_492, %get3A_493] {strides = array<i32>} : memref<128x64xf32, #tpu.memory_space<vmem>>, vector<1x16xf32>,
          %get3A_495 = vector.shape_cast %get3A_494 : vector<1x16xf32> to vector<16xf32>
          %mul3A_496 = vector.broadcast %squeeze3A_458 : f32 to vector<16xf32>
          %mul3A_497 = arith.mulf %get3A_495, %mul3A_496 : vector<16xf32>
          %swap3A_498 = arith.index_cast %add3A_456 : i32 to index
          %swap3A_499 = arith.constant 48 : index
          %swap3A_500 = tpu.vector_load %arg12[%swap3A_498, %swap3A_499] {strides = array<i32>} : memref<128x64xf32, #tpu.memory_space<vmem>>, vector<1x16xf32>,
          %swap3A_501 = vector.shape_cast %swap3A_500 : vector<1x16xf32> to vector<16xf32>
          %swap3A_502 = vector.shape_cast %mul3A_497 : vector<16xf32> to vector<1x16xf32>
          tpu.vector_store %arg12[%swap3A_498, %swap3A_499], %swap3A_502 {strides = array<i32>} : memref<128x64xf32, #tpu.memory_space<vmem>>, vector<1x16xf32>,
          %mul3A_503 = arith.constant 16 : i32
          %mul3A_504 = arith.muli %scan3A_49, %mul3A_503 : i32
          %add3A_505 = arith.constant 9 : i32
          %add3A_506 = arith.addi %mul3A_504, %add3A_505 : i32
          %slice3A_507 = vector.extract_strided_slice %get3A_55 {offsets = [9], sizes = [1], strides = [1]} : vector<16xf32> to vector<1xf32>
          %squeeze3A_508 = vector.extract %slice3A_507[0] : f32 from vector<1xf32>
          %get3A_509 = arith.index_cast %add3A_506 : i32 to index
          %get3A_510 = arith.constant 0 : index
          %get3A_511 = tpu.vector_load %arg11[%get3A_509, %get3A_510] {strides = array<i32>} : memref<128x64xf32, #tpu.memory_space<vmem>>, vector<1x16xf32>,
          %get3A_512 = vector.shape_cast %get3A_511 : vector<1x16xf32> to vector<16xf32>
          %mul3A_513 = vector.broadcast %squeeze3A_508 : f32 to vector<16xf32>
          %mul3A_514 = arith.mulf %get3A_512, %mul3A_513 : vector<16xf32>
          %swap3A_515 = arith.index_cast %add3A_506 : i32 to index
          %swap3A_516 = arith.constant 0 : index
          %swap3A_517 = tpu.vector_load %arg12[%swap3A_515, %swap3A_516] {strides = array<i32>} : memref<128x64xf32, #tpu.memory_space<vmem>>, vector<1x16xf32>,
          %swap3A_518 = vector.shape_cast %swap3A_517 : vector<1x16xf32> to vector<16xf32>
          %swap3A_519 = vector.shape_cast %mul3A_514 : vector<16xf32> to vector<1x16xf32>
          tpu.vector_store %arg12[%swap3A_515, %swap3A_516], %swap3A_519 {strides = array<i32>} : memref<128x64xf32, #tpu.memory_space<vmem>>, vector<1x16xf32>,
          %get3A_520 = arith.index_cast %add3A_506 : i32 to index
          %get3A_521 = arith.constant 16 : index
          %get3A_522 = tpu.vector_load %arg11[%get3A_520, %get3A_521] {strides = array<i32>} : memref<128x64xf32, #tpu.memory_space<vmem>>, vector<1x16xf32>,
          %get3A_523 = vector.shape_cast %get3A_522 : vector<1x16xf32> to vector<16xf32>
          %mul3A_524 = vector.broadcast %squeeze3A_508 : f32 to vector<16xf32>
          %mul3A_525 = arith.mulf %get3A_523, %mul3A_524 : vector<16xf32>
          %swap3A_526 = arith.index_cast %add3A_506 : i32 to index
          %swap3A_527 = arith.constant 16 : index
          %swap3A_528 = tpu.vector_load %arg12[%swap3A_526, %swap3A_527] {strides = array<i32>} : memref<128x64xf32, #tpu.memory_space<vmem>>, vector<1x16xf32>,
          %swap3A_529 = vector.shape_cast %swap3A_528 : vector<1x16xf32> to vector<16xf32>
          %swap3A_530 = vector.shape_cast %mul3A_525 : vector<16xf32> to vector<1x16xf32>
          tpu.vector_store %arg12[%swap3A_526, %swap3A_527], %swap3A_530 {strides = array<i32>} : memref<128x64xf32, #tpu.memory_space<vmem>>, vector<1x16xf32>,
          %get3A_531 = arith.index_cast %add3A_506 : i32 to index
          %get3A_532 = arith.constant 32 : index
          %get3A_533 = tpu.vector_load %arg11[%get3A_531, %get3A_532] {strides = array<i32>} : memref<128x64xf32, #tpu.memory_space<vmem>>, vector<1x16xf32>,
          %get3A_534 = vector.shape_cast %get3A_533 : vector<1x16xf32> to vector<16xf32>
          %mul3A_535 = vector.broadcast %squeeze3A_508 : f32 to vector<16xf32>
          %mul3A_536 = arith.mulf %get3A_534, %mul3A_535 : vector<16xf32>
          %swap3A_537 = arith.index_cast %add3A_506 : i32 to index
          %swap3A_538 = arith.constant 32 : index
          %swap3A_539 = tpu.vector_load %arg12[%swap3A_537, %swap3A_538] {strides = array<i32>} : memref<128x64xf32, #tpu.memory_space<vmem>>, vector<1x16xf32>,
          %swap3A_540 = vector.shape_cast %swap3A_539 : vector<1x16xf32> to vector<16xf32>
          %swap3A_541 = vector.shape_cast %mul3A_536 : vector<16xf32> to vector<1x16xf32>
          tpu.vector_store %arg12[%swap3A_537, %swap3A_538], %swap3A_541 {strides = array<i32>} : memref<128x64xf32, #tpu.memory_space<vmem>>, vector<1x16xf32>,
          %get3A_542 = arith.index_cast %add3A_506 : i32 to index
          %get3A_543 = arith.constant 48 : index
          %get3A_544 = tpu.vector_load %arg11[%get3A_542, %get3A_543] {strides = array<i32>} : memref<128x64xf32, #tpu.memory_space<vmem>>, vector<1x16xf32>,
          %get3A_545 = vector.shape_cast %get3A_544 : vector<1x16xf32> to vector<16xf32>
          %mul3A_546 = vector.broadcast %squeeze3A_508 : f32 to vector<16xf32>
          %mul3A_547 = arith.mulf %get3A_545, %mul3A_546 : vector<16xf32>
          %swap3A_548 = arith.index_cast %add3A_506 : i32 to index
          %swap3A_549 = arith.constant 48 : index
          %swap3A_550 = tpu.vector_load %arg12[%swap3A_548, %swap3A_549] {strides = array<i32>} : memref<128x64xf32, #tpu.memory_space<vmem>>, vector<1x16xf32>,
          %swap3A_551 = vector.shape_cast %swap3A_550 : vector<1x16xf32> to vector<16xf32>
          %swap3A_552 = vector.shape_cast %mul3A_547 : vector<16xf32> to vector<1x16xf32>
          tpu.vector_store %arg12[%swap3A_548, %swap3A_549], %swap3A_552 {strides = array<i32>} : memref<128x64xf32, #tpu.memory_space<vmem>>, vector<1x16xf32>,
          %mul3A_553 = arith.constant 16 : i32
          %mul3A_554 = arith.muli %scan3A_49, %mul3A_553 : i32
          %add3A_555 = arith.constant 10 : i32
          %add3A_556 = arith.addi %mul3A_554, %add3A_555 : i32
          %slice3A_557 = vector.extract_strided_slice %get3A_55 {offsets = [10], sizes = [1], strides = [1]} : vector<16xf32> to vector<1xf32>
          %squeeze3A_558 = vector.extract %slice3A_557[0] : f32 from vector<1xf32>
          %get3A_559 = arith.index_cast %add3A_556 : i32 to index
          %get3A_560 = arith.constant 0 : index
          %get3A_561 = tpu.vector_load %arg11[%get3A_559, %get3A_560] {strides = array<i32>} : memref<128x64xf32, #tpu.memory_space<vmem>>, vector<1x16xf32>,
          %get3A_562 = vector.shape_cast %get3A_561 : vector<1x16xf32> to vector<16xf32>
          %mul3A_563 = vector.broadcast %squeeze3A_558 : f32 to vector<16xf32>
          %mul3A_564 = arith.mulf %get3A_562, %mul3A_563 : vector<16xf32>
          %swap3A_565 = arith.index_cast %add3A_556 : i32 to index
          %swap3A_566 = arith.constant 0 : index
          %swap3A_567 = tpu.vector_load %arg12[%swap3A_565, %swap3A_566] {strides = array<i32>} : memref<128x64xf32, #tpu.memory_space<vmem>>, vector<1x16xf32>,
          %swap3A_568 = vector.shape_cast %swap3A_567 : vector<1x16xf32> to vector<16xf32>
          %swap3A_569 = vector.shape_cast %mul3A_564 : vector<16xf32> to vector<1x16xf32>
          tpu.vector_store %arg12[%swap3A_565, %swap3A_566], %swap3A_569 {strides = array<i32>} : memref<128x64xf32, #tpu.memory_space<vmem>>, vector<1x16xf32>,
          %get3A_570 = arith.index_cast %add3A_556 : i32 to index
          %get3A_571 = arith.constant 16 : index
          %get3A_572 = tpu.vector_load %arg11[%get3A_570, %get3A_571] {strides = array<i32>} : memref<128x64xf32, #tpu.memory_space<vmem>>, vector<1x16xf32>,
          %get3A_573 = vector.shape_cast %get3A_572 : vector<1x16xf32> to vector<16xf32>
          %mul3A_574 = vector.broadcast %squeeze3A_558 : f32 to vector<16xf32>
          %mul3A_575 = arith.mulf %get3A_573, %mul3A_574 : vector<16xf32>
          %swap3A_576 = arith.index_cast %add3A_556 : i32 to index
          %swap3A_577 = arith.constant 16 : index
          %swap3A_578 = tpu.vector_load %arg12[%swap3A_576, %swap3A_577] {strides = array<i32>} : memref<128x64xf32, #tpu.memory_space<vmem>>, vector<1x16xf32>,
          %swap3A_579 = vector.shape_cast %swap3A_578 : vector<1x16xf32> to vector<16xf32>
          %swap3A_580 = vector.shape_cast %mul3A_575 : vector<16xf32> to vector<1x16xf32>
          tpu.vector_store %arg12[%swap3A_576, %swap3A_577], %swap3A_580 {strides = array<i32>} : memref<128x64xf32, #tpu.memory_space<vmem>>, vector<1x16xf32>,
          %get3A_581 = arith.index_cast %add3A_556 : i32 to index
          %get3A_582 = arith.constant 32 : index
          %get3A_583 = tpu.vector_load %arg11[%get3A_581, %get3A_582] {strides = array<i32>} : memref<128x64xf32, #tpu.memory_space<vmem>>, vector<1x16xf32>,
          %get3A_584 = vector.shape_cast %get3A_583 : vector<1x16xf32> to vector<16xf32>
          %mul3A_585 = vector.broadcast %squeeze3A_558 : f32 to vector<16xf32>
          %mul3A_586 = arith.mulf %get3A_584, %mul3A_585 : vector<16xf32>
          %swap3A_587 = arith.index_cast %add3A_556 : i32 to index
          %swap3A_588 = arith.constant 32 : index
          %swap3A_589 = tpu.vector_load %arg12[%swap3A_587, %swap3A_588] {strides = array<i32>} : memref<128x64xf32, #tpu.memory_space<vmem>>, vector<1x16xf32>,
          %swap3A_590 = vector.shape_cast %swap3A_589 : vector<1x16xf32> to vector<16xf32>
          %swap3A_591 = vector.shape_cast %mul3A_586 : vector<16xf32> to vector<1x16xf32>
          tpu.vector_store %arg12[%swap3A_587, %swap3A_588], %swap3A_591 {strides = array<i32>} : memref<128x64xf32, #tpu.memory_space<vmem>>, vector<1x16xf32>,
          %get3A_592 = arith.index_cast %add3A_556 : i32 to index
          %get3A_593 = arith.constant 48 : index
          %get3A_594 = tpu.vector_load %arg11[%get3A_592, %get3A_593] {strides = array<i32>} : memref<128x64xf32, #tpu.memory_space<vmem>>, vector<1x16xf32>,
          %get3A_595 = vector.shape_cast %get3A_594 : vector<1x16xf32> to vector<16xf32>
          %mul3A_596 = vector.broadcast %squeeze3A_558 : f32 to vector<16xf32>
          %mul3A_597 = arith.mulf %get3A_595, %mul3A_596 : vector<16xf32>
          %swap3A_598 = arith.index_cast %add3A_556 : i32 to index
          %swap3A_599 = arith.constant 48 : index
          %swap3A_600 = tpu.vector_load %arg12[%swap3A_598, %swap3A_599] {strides = array<i32>} : memref<128x64xf32, #tpu.memory_space<vmem>>, vector<1x16xf32>,
          %swap3A_601 = vector.shape_cast %swap3A_600 : vector<1x16xf32> to vector<16xf32>
          %swap3A_602 = vector.shape_cast %mul3A_597 : vector<16xf32> to vector<1x16xf32>
          tpu.vector_store %arg12[%swap3A_598, %swap3A_599], %swap3A_602 {strides = array<i32>} : memref<128x64xf32, #tpu.memory_space<vmem>>, vector<1x16xf32>,
          %mul3A_603 = arith.constant 16 : i32
          %mul3A_604 = arith.muli %scan3A_49, %mul3A_603 : i32
          %add3A_605 = arith.constant 11 : i32
          %add3A_606 = arith.addi %mul3A_604, %add3A_605 : i32
          %slice3A_607 = vector.extract_strided_slice %get3A_55 {offsets = [11], sizes = [1], strides = [1]} : vector<16xf32> to vector<1xf32>
          %squeeze3A_608 = vector.extract %slice3A_607[0] : f32 from vector<1xf32>
          %get3A_609 = arith.index_cast %add3A_606 : i32 to index
          %get3A_610 = arith.constant 0 : index
          %get3A_611 = tpu.vector_load %arg11[%get3A_609, %get3A_610] {strides = array<i32>} : memref<128x64xf32, #tpu.memory_space<vmem>>, vector<1x16xf32>,
          %get3A_612 = vector.shape_cast %get3A_611 : vector<1x16xf32> to vector<16xf32>
          %mul3A_613 = vector.broadcast %squeeze3A_608 : f32 to vector<16xf32>
          %mul3A_614 = arith.mulf %get3A_612, %mul3A_613 : vector<16xf32>
          %swap3A_615 = arith.index_cast %add3A_606 : i32 to index
          %swap3A_616 = arith.constant 0 : index
          %swap3A_617 = tpu.vector_load %arg12[%swap3A_615, %swap3A_616] {strides = array<i32>} : memref<128x64xf32, #tpu.memory_space<vmem>>, vector<1x16xf32>,
          %swap3A_618 = vector.shape_cast %swap3A_617 : vector<1x16xf32> to vector<16xf32>
          %swap3A_619 = vector.shape_cast %mul3A_614 : vector<16xf32> to vector<1x16xf32>
          tpu.vector_store %arg12[%swap3A_615, %swap3A_616], %swap3A_619 {strides = array<i32>} : memref<128x64xf32, #tpu.memory_space<vmem>>, vector<1x16xf32>,
          %get3A_620 = arith.index_cast %add3A_606 : i32 to index
          %get3A_621 = arith.constant 16 : index
          %get3A_622 = tpu.vector_load %arg11[%get3A_620, %get3A_621] {strides = array<i32>} : memref<128x64xf32, #tpu.memory_space<vmem>>, vector<1x16xf32>,
          %get3A_623 = vector.shape_cast %get3A_622 : vector<1x16xf32> to vector<16xf32>
          %mul3A_624 = vector.broadcast %squeeze3A_608 : f32 to vector<16xf32>
          %mul3A_625 = arith.mulf %get3A_623, %mul3A_624 : vector<16xf32>
          %swap3A_626 = arith.index_cast %add3A_606 : i32 to index
          %swap3A_627 = arith.constant 16 : index
          %swap3A_628 = tpu.vector_load %arg12[%swap3A_626, %swap3A_627] {strides = array<i32>} : memref<128x64xf32, #tpu.memory_space<vmem>>, vector<1x16xf32>,
          %swap3A_629 = vector.shape_cast %swap3A_628 : vector<1x16xf32> to vector<16xf32>
          %swap3A_630 = vector.shape_cast %mul3A_625 : vector<16xf32> to vector<1x16xf32>
          tpu.vector_store %arg12[%swap3A_626, %swap3A_627], %swap3A_630 {strides = array<i32>} : memref<128x64xf32, #tpu.memory_space<vmem>>, vector<1x16xf32>,
          %get3A_631 = arith.index_cast %add3A_606 : i32 to index
          %get3A_632 = arith.constant 32 : index
          %get3A_633 = tpu.vector_load %arg11[%get3A_631, %get3A_632] {strides = array<i32>} : memref<128x64xf32, #tpu.memory_space<vmem>>, vector<1x16xf32>,
          %get3A_634 = vector.shape_cast %get3A_633 : vector<1x16xf32> to vector<16xf32>
          %mul3A_635 = vector.broadcast %squeeze3A_608 : f32 to vector<16xf32>
          %mul3A_636 = arith.mulf %get3A_634, %mul3A_635 : vector<16xf32>
          %swap3A_637 = arith.index_cast %add3A_606 : i32 to index
          %swap3A_638 = arith.constant 32 : index
          %swap3A_639 = tpu.vector_load %arg12[%swap3A_637, %swap3A_638] {strides = array<i32>} : memref<128x64xf32, #tpu.memory_space<vmem>>, vector<1x16xf32>,
          %swap3A_640 = vector.shape_cast %swap3A_639 : vector<1x16xf32> to vector<16xf32>
          %swap3A_641 = vector.shape_cast %mul3A_636 : vector<16xf32> to vector<1x16xf32>
          tpu.vector_store %arg12[%swap3A_637, %swap3A_638], %swap3A_641 {strides = array<i32>} : memref<128x64xf32, #tpu.memory_space<vmem>>, vector<1x16xf32>,
          %get3A_642 = arith.index_cast %add3A_606 : i32 to index
          %get3A_643 = arith.constant 48 : index
          %get3A_644 = tpu.vector_load %arg11[%get3A_642, %get3A_643] {strides = array<i32>} : memref<128x64xf32, #tpu.memory_space<vmem>>, vector<1x16xf32>,
          %get3A_645 = vector.shape_cast %get3A_644 : vector<1x16xf32> to vector<16xf32>
          %mul3A_646 = vector.broadcast %squeeze3A_608 : f32 to vector<16xf32>
          %mul3A_647 = arith.mulf %get3A_645, %mul3A_646 : vector<16xf32>
          %swap3A_648 = arith.index_cast %add3A_606 : i32 to index
          %swap3A_649 = arith.constant 48 : index
          %swap3A_650 = tpu.vector_load %arg12[%swap3A_648, %swap3A_649] {strides = array<i32>} : memref<128x64xf32, #tpu.memory_space<vmem>>, vector<1x16xf32>,
          %swap3A_651 = vector.shape_cast %swap3A_650 : vector<1x16xf32> to vector<16xf32>
          %swap3A_652 = vector.shape_cast %mul3A_647 : vector<16xf32> to vector<1x16xf32>
          tpu.vector_store %arg12[%swap3A_648, %swap3A_649], %swap3A_652 {strides = array<i32>} : memref<128x64xf32, #tpu.memory_space<vmem>>, vector<1x16xf32>,
          %mul3A_653 = arith.constant 16 : i32
          %mul3A_654 = arith.muli %scan3A_49, %mul3A_653 : i32
          %add3A_655 = arith.constant 12 : i32
          %add3A_656 = arith.addi %mul3A_654, %add3A_655 : i32
          %slice3A_657 = vector.extract_strided_slice %get3A_55 {offsets = [12], sizes = [1], strides = [1]} : vector<16xf32> to vector<1xf32>
          %squeeze3A_658 = vector.extract %slice3A_657[0] : f32 from vector<1xf32>
          %get3A_659 = arith.index_cast %add3A_656 : i32 to index
          %get3A_660 = arith.constant 0 : index
          %get3A_661 = tpu.vector_load %arg11[%get3A_659, %get3A_660] {strides = array<i32>} : memref<128x64xf32, #tpu.memory_space<vmem>>, vector<1x16xf32>,
          %get3A_662 = vector.shape_cast %get3A_661 : vector<1x16xf32> to vector<16xf32>
          %mul3A_663 = vector.broadcast %squeeze3A_658 : f32 to vector<16xf32>
          %mul3A_664 = arith.mulf %get3A_662, %mul3A_663 : vector<16xf32>
          %swap3A_665 = arith.index_cast %add3A_656 : i32 to index
          %swap3A_666 = arith.constant 0 : index
          %swap3A_667 = tpu.vector_load %arg12[%swap3A_665, %swap3A_666] {strides = array<i32>} : memref<128x64xf32, #tpu.memory_space<vmem>>, vector<1x16xf32>,
          %swap3A_668 = vector.shape_cast %swap3A_667 : vector<1x16xf32> to vector<16xf32>
          %swap3A_669 = vector.shape_cast %mul3A_664 : vector<16xf32> to vector<1x16xf32>
          tpu.vector_store %arg12[%swap3A_665, %swap3A_666], %swap3A_669 {strides = array<i32>} : memref<128x64xf32, #tpu.memory_space<vmem>>, vector<1x16xf32>,
          %get3A_670 = arith.index_cast %add3A_656 : i32 to index
          %get3A_671 = arith.constant 16 : index
          %get3A_672 = tpu.vector_load %arg11[%get3A_670, %get3A_671] {strides = array<i32>} : memref<128x64xf32, #tpu.memory_space<vmem>>, vector<1x16xf32>,
          %get3A_673 = vector.shape_cast %get3A_672 : vector<1x16xf32> to vector<16xf32>
          %mul3A_674 = vector.broadcast %squeeze3A_658 : f32 to vector<16xf32>
          %mul3A_675 = arith.mulf %get3A_673, %mul3A_674 : vector<16xf32>
          %swap3A_676 = arith.index_cast %add3A_656 : i32 to index
          %swap3A_677 = arith.constant 16 : index
          %swap3A_678 = tpu.vector_load %arg12[%swap3A_676, %swap3A_677] {strides = array<i32>} : memref<128x64xf32, #tpu.memory_space<vmem>>, vector<1x16xf32>,
          %swap3A_679 = vector.shape_cast %swap3A_678 : vector<1x16xf32> to vector<16xf32>
          %swap3A_680 = vector.shape_cast %mul3A_675 : vector<16xf32> to vector<1x16xf32>
          tpu.vector_store %arg12[%swap3A_676, %swap3A_677], %swap3A_680 {strides = array<i32>} : memref<128x64xf32, #tpu.memory_space<vmem>>, vector<1x16xf32>,
          %get3A_681 = arith.index_cast %add3A_656 : i32 to index
          %get3A_682 = arith.constant 32 : index
          %get3A_683 = tpu.vector_load %arg11[%get3A_681, %get3A_682] {strides = array<i32>} : memref<128x64xf32, #tpu.memory_space<vmem>>, vector<1x16xf32>,
          %get3A_684 = vector.shape_cast %get3A_683 : vector<1x16xf32> to vector<16xf32>
          %mul3A_685 = vector.broadcast %squeeze3A_658 : f32 to vector<16xf32>
          %mul3A_686 = arith.mulf %get3A_684, %mul3A_685 : vector<16xf32>
          %swap3A_687 = arith.index_cast %add3A_656 : i32 to index
          %swap3A_688 = arith.constant 32 : index
          %swap3A_689 = tpu.vector_load %arg12[%swap3A_687, %swap3A_688] {strides = array<i32>} : memref<128x64xf32, #tpu.memory_space<vmem>>, vector<1x16xf32>,
          %swap3A_690 = vector.shape_cast %swap3A_689 : vector<1x16xf32> to vector<16xf32>
          %swap3A_691 = vector.shape_cast %mul3A_686 : vector<16xf32> to vector<1x16xf32>
          tpu.vector_store %arg12[%swap3A_687, %swap3A_688], %swap3A_691 {strides = array<i32>} : memref<128x64xf32, #tpu.memory_space<vmem>>, vector<1x16xf32>,
          %get3A_692 = arith.index_cast %add3A_656 : i32 to index
          %get3A_693 = arith.constant 48 : index
          %get3A_694 = tpu.vector_load %arg11[%get3A_692, %get3A_693] {strides = array<i32>} : memref<128x64xf32, #tpu.memory_space<vmem>>, vector<1x16xf32>,
          %get3A_695 = vector.shape_cast %get3A_694 : vector<1x16xf32> to vector<16xf32>
          %mul3A_696 = vector.broadcast %squeeze3A_658 : f32 to vector<16xf32>
          %mul3A_697 = arith.mulf %get3A_695, %mul3A_696 : vector<16xf32>
          %swap3A_698 = arith.index_cast %add3A_656 : i32 to index
          %swap3A_699 = arith.constant 48 : index
          %swap3A_700 = tpu.vector_load %arg12[%swap3A_698, %swap3A_699] {strides = array<i32>} : memref<128x64xf32, #tpu.memory_space<vmem>>, vector<1x16xf32>,
          %swap3A_701 = vector.shape_cast %swap3A_700 : vector<1x16xf32> to vector<16xf32>
          %swap3A_702 = vector.shape_cast %mul3A_697 : vector<16xf32> to vector<1x16xf32>
          tpu.vector_store %arg12[%swap3A_698, %swap3A_699], %swap3A_702 {strides = array<i32>} : memref<128x64xf32, #tpu.memory_space<vmem>>, vector<1x16xf32>,
          %mul3A_703 = arith.constant 16 : i32
          %mul3A_704 = arith.muli %scan3A_49, %mul3A_703 : i32
          %add3A_705 = arith.constant 13 : i32
          %add3A_706 = arith.addi %mul3A_704, %add3A_705 : i32
          %slice3A_707 = vector.extract_strided_slice %get3A_55 {offsets = [13], sizes = [1], strides = [1]} : vector<16xf32> to vector<1xf32>
          %squeeze3A_708 = vector.extract %slice3A_707[0] : f32 from vector<1xf32>
          %get3A_709 = arith.index_cast %add3A_706 : i32 to index
          %get3A_710 = arith.constant 0 : index
          %get3A_711 = tpu.vector_load %arg11[%get3A_709, %get3A_710] {strides = array<i32>} : memref<128x64xf32, #tpu.memory_space<vmem>>, vector<1x16xf32>,
          %get3A_712 = vector.shape_cast %get3A_711 : vector<1x16xf32> to vector<16xf32>
          %mul3A_713 = vector.broadcast %squeeze3A_708 : f32 to vector<16xf32>
          %mul3A_714 = arith.mulf %get3A_712, %mul3A_713 : vector<16xf32>
          %swap3A_715 = arith.index_cast %add3A_706 : i32 to index
          %swap3A_716 = arith.constant 0 : index
          %swap3A_717 = tpu.vector_load %arg12[%swap3A_715, %swap3A_716] {strides = array<i32>} : memref<128x64xf32, #tpu.memory_space<vmem>>, vector<1x16xf32>,
          %swap3A_718 = vector.shape_cast %swap3A_717 : vector<1x16xf32> to vector<16xf32>
          %swap3A_719 = vector.shape_cast %mul3A_714 : vector<16xf32> to vector<1x16xf32>
          tpu.vector_store %arg12[%swap3A_715, %swap3A_716], %swap3A_719 {strides = array<i32>} : memref<128x64xf32, #tpu.memory_space<vmem>>, vector<1x16xf32>,
          %get3A_720 = arith.index_cast %add3A_706 : i32 to index
          %get3A_721 = arith.constant 16 : index
          %get3A_722 = tpu.vector_load %arg11[%get3A_720, %get3A_721] {strides = array<i32>} : memref<128x64xf32, #tpu.memory_space<vmem>>, vector<1x16xf32>,
          %get3A_723 = vector.shape_cast %get3A_722 : vector<1x16xf32> to vector<16xf32>
          %mul3A_724 = vector.broadcast %squeeze3A_708 : f32 to vector<16xf32>
          %mul3A_725 = arith.mulf %get3A_723, %mul3A_724 : vector<16xf32>
          %swap3A_726 = arith.index_cast %add3A_706 : i32 to index
          %swap3A_727 = arith.constant 16 : index
          %swap3A_728 = tpu.vector_load %arg12[%swap3A_726, %swap3A_727] {strides = array<i32>} : memref<128x64xf32, #tpu.memory_space<vmem>>, vector<1x16xf32>,
          %swap3A_729 = vector.shape_cast %swap3A_728 : vector<1x16xf32> to vector<16xf32>
          %swap3A_730 = vector.shape_cast %mul3A_725 : vector<16xf32> to vector<1x16xf32>
          tpu.vector_store %arg12[%swap3A_726, %swap3A_727], %swap3A_730 {strides = array<i32>} : memref<128x64xf32, #tpu.memory_space<vmem>>, vector<1x16xf32>,
          %get3A_731 = arith.index_cast %add3A_706 : i32 to index
          %get3A_732 = arith.constant 32 : index
          %get3A_733 = tpu.vector_load %arg11[%get3A_731, %get3A_732] {strides = array<i32>} : memref<128x64xf32, #tpu.memory_space<vmem>>, vector<1x16xf32>,
          %get3A_734 = vector.shape_cast %get3A_733 : vector<1x16xf32> to vector<16xf32>
          %mul3A_735 = vector.broadcast %squeeze3A_708 : f32 to vector<16xf32>
          %mul3A_736 = arith.mulf %get3A_734, %mul3A_735 : vector<16xf32>
          %swap3A_737 = arith.index_cast %add3A_706 : i32 to index
          %swap3A_738 = arith.constant 32 : index
          %swap3A_739 = tpu.vector_load %arg12[%swap3A_737, %swap3A_738] {strides = array<i32>} : memref<128x64xf32, #tpu.memory_space<vmem>>, vector<1x16xf32>,
          %swap3A_740 = vector.shape_cast %swap3A_739 : vector<1x16xf32> to vector<16xf32>
          %swap3A_741 = vector.shape_cast %mul3A_736 : vector<16xf32> to vector<1x16xf32>
          tpu.vector_store %arg12[%swap3A_737, %swap3A_738], %swap3A_741 {strides = array<i32>} : memref<128x64xf32, #tpu.memory_space<vmem>>, vector<1x16xf32>,
          %get3A_742 = arith.index_cast %add3A_706 : i32 to index
          %get3A_743 = arith.constant 48 : index
          %get3A_744 = tpu.vector_load %arg11[%get3A_742, %get3A_743] {strides = array<i32>} : memref<128x64xf32, #tpu.memory_space<vmem>>, vector<1x16xf32>,
          %get3A_745 = vector.shape_cast %get3A_744 : vector<1x16xf32> to vector<16xf32>
          %mul3A_746 = vector.broadcast %squeeze3A_708 : f32 to vector<16xf32>
          %mul3A_747 = arith.mulf %get3A_745, %mul3A_746 : vector<16xf32>
          %swap3A_748 = arith.index_cast %add3A_706 : i32 to index
          %swap3A_749 = arith.constant 48 : index
          %swap3A_750 = tpu.vector_load %arg12[%swap3A_748, %swap3A_749] {strides = array<i32>} : memref<128x64xf32, #tpu.memory_space<vmem>>, vector<1x16xf32>,
          %swap3A_751 = vector.shape_cast %swap3A_750 : vector<1x16xf32> to vector<16xf32>
          %swap3A_752 = vector.shape_cast %mul3A_747 : vector<16xf32> to vector<1x16xf32>
          tpu.vector_store %arg12[%swap3A_748, %swap3A_749], %swap3A_752 {strides = array<i32>} : memref<128x64xf32, #tpu.memory_space<vmem>>, vector<1x16xf32>,
          %mul3A_753 = arith.constant 16 : i32
          %mul3A_754 = arith.muli %scan3A_49, %mul3A_753 : i32
          %add3A_755 = arith.constant 14 : i32
          %add3A_756 = arith.addi %mul3A_754, %add3A_755 : i32
          %slice3A_757 = vector.extract_strided_slice %get3A_55 {offsets = [14], sizes = [1], strides = [1]} : vector<16xf32> to vector<1xf32>
          %squeeze3A_758 = vector.extract %slice3A_757[0] : f32 from vector<1xf32>
          %get3A_759 = arith.index_cast %add3A_756 : i32 to index
          %get3A_760 = arith.constant 0 : index
          %get3A_761 = tpu.vector_load %arg11[%get3A_759, %get3A_760] {strides = array<i32>} : memref<128x64xf32, #tpu.memory_space<vmem>>, vector<1x16xf32>,
          %get3A_762 = vector.shape_cast %get3A_761 : vector<1x16xf32> to vector<16xf32>
          %mul3A_763 = vector.broadcast %squeeze3A_758 : f32 to vector<16xf32>
          %mul3A_764 = arith.mulf %get3A_762, %mul3A_763 : vector<16xf32>
          %swap3A_765 = arith.index_cast %add3A_756 : i32 to index
          %swap3A_766 = arith.constant 0 : index
          %swap3A_767 = tpu.vector_load %arg12[%swap3A_765, %swap3A_766] {strides = array<i32>} : memref<128x64xf32, #tpu.memory_space<vmem>>, vector<1x16xf32>,
          %swap3A_768 = vector.shape_cast %swap3A_767 : vector<1x16xf32> to vector<16xf32>
          %swap3A_769 = vector.shape_cast %mul3A_764 : vector<16xf32> to vector<1x16xf32>
          tpu.vector_store %arg12[%swap3A_765, %swap3A_766], %swap3A_769 {strides = array<i32>} : memref<128x64xf32, #tpu.memory_space<vmem>>, vector<1x16xf32>,
          %get3A_770 = arith.index_cast %add3A_756 : i32 to index
          %get3A_771 = arith.constant 16 : index
          %get3A_772 = tpu.vector_load %arg11[%get3A_770, %get3A_771] {strides = array<i32>} : memref<128x64xf32, #tpu.memory_space<vmem>>, vector<1x16xf32>,
          %get3A_773 = vector.shape_cast %get3A_772 : vector<1x16xf32> to vector<16xf32>
          %mul3A_774 = vector.broadcast %squeeze3A_758 : f32 to vector<16xf32>
          %mul3A_775 = arith.mulf %get3A_773, %mul3A_774 : vector<16xf32>
          %swap3A_776 = arith.index_cast %add3A_756 : i32 to index
          %swap3A_777 = arith.constant 16 : index
          %swap3A_778 = tpu.vector_load %arg12[%swap3A_776, %swap3A_777] {strides = array<i32>} : memref<128x64xf32, #tpu.memory_space<vmem>>, vector<1x16xf32>,
          %swap3A_779 = vector.shape_cast %swap3A_778 : vector<1x16xf32> to vector<16xf32>
          %swap3A_780 = vector.shape_cast %mul3A_775 : vector<16xf32> to vector<1x16xf32>
          tpu.vector_store %arg12[%swap3A_776, %swap3A_777], %swap3A_780 {strides = array<i32>} : memref<128x64xf32, #tpu.memory_space<vmem>>, vector<1x16xf32>,
          %get3A_781 = arith.index_cast %add3A_756 : i32 to index
          %get3A_782 = arith.constant 32 : index
          %get3A_783 = tpu.vector_load %arg11[%get3A_781, %get3A_782] {strides = array<i32>} : memref<128x64xf32, #tpu.memory_space<vmem>>, vector<1x16xf32>,
          %get3A_784 = vector.shape_cast %get3A_783 : vector<1x16xf32> to vector<16xf32>
          %mul3A_785 = vector.broadcast %squeeze3A_758 : f32 to vector<16xf32>
          %mul3A_786 = arith.mulf %get3A_784, %mul3A_785 : vector<16xf32>
          %swap3A_787 = arith.index_cast %add3A_756 : i32 to index
          %swap3A_788 = arith.constant 32 : index
          %swap3A_789 = tpu.vector_load %arg12[%swap3A_787, %swap3A_788] {strides = array<i32>} : memref<128x64xf32, #tpu.memory_space<vmem>>, vector<1x16xf32>,
          %swap3A_790 = vector.shape_cast %swap3A_789 : vector<1x16xf32> to vector<16xf32>
          %swap3A_791 = vector.shape_cast %mul3A_786 : vector<16xf32> to vector<1x16xf32>
          tpu.vector_store %arg12[%swap3A_787, %swap3A_788], %swap3A_791 {strides = array<i32>} : memref<128x64xf32, #tpu.memory_space<vmem>>, vector<1x16xf32>,
          %get3A_792 = arith.index_cast %add3A_756 : i32 to index
          %get3A_793 = arith.constant 48 : index
          %get3A_794 = tpu.vector_load %arg11[%get3A_792, %get3A_793] {strides = array<i32>} : memref<128x64xf32, #tpu.memory_space<vmem>>, vector<1x16xf32>,
          %get3A_795 = vector.shape_cast %get3A_794 : vector<1x16xf32> to vector<16xf32>
          %mul3A_796 = vector.broadcast %squeeze3A_758 : f32 to vector<16xf32>
          %mul3A_797 = arith.mulf %get3A_795, %mul3A_796 : vector<16xf32>
          %swap3A_798 = arith.index_cast %add3A_756 : i32 to index
          %swap3A_799 = arith.constant 48 : index
          %swap3A_800 = tpu.vector_load %arg12[%swap3A_798, %swap3A_799] {strides = array<i32>} : memref<128x64xf32, #tpu.memory_space<vmem>>, vector<1x16xf32>,
          %swap3A_801 = vector.shape_cast %swap3A_800 : vector<1x16xf32> to vector<16xf32>
          %swap3A_802 = vector.shape_cast %mul3A_797 : vector<16xf32> to vector<1x16xf32>
          tpu.vector_store %arg12[%swap3A_798, %swap3A_799], %swap3A_802 {strides = array<i32>} : memref<128x64xf32, #tpu.memory_space<vmem>>, vector<1x16xf32>,
          %mul3A_803 = arith.constant 16 : i32
          %mul3A_804 = arith.muli %scan3A_49, %mul3A_803 : i32
          %add3A_805 = arith.constant 15 : i32
          %add3A_806 = arith.addi %mul3A_804, %add3A_805 : i32
          %slice3A_807 = vector.extract_strided_slice %get3A_55 {offsets = [15], sizes = [1], strides = [1]} : vector<16xf32> to vector<1xf32>
          %squeeze3A_808 = vector.extract %slice3A_807[0] : f32 from vector<1xf32>
          %get3A_809 = arith.index_cast %add3A_806 : i32 to index
          %get3A_810 = arith.constant 0 : index
          %get3A_811 = tpu.vector_load %arg11[%get3A_809, %get3A_810] {strides = array<i32>} : memref<128x64xf32, #tpu.memory_space<vmem>>, vector<1x16xf32>,
          %get3A_812 = vector.shape_cast %get3A_811 : vector<1x16xf32> to vector<16xf32>
          %mul3A_813 = vector.broadcast %squeeze3A_808 : f32 to vector<16xf32>
          %mul3A_814 = arith.mulf %get3A_812, %mul3A_813 : vector<16xf32>
          %swap3A_815 = arith.index_cast %add3A_806 : i32 to index
          %swap3A_816 = arith.constant 0 : index
          %swap3A_817 = tpu.vector_load %arg12[%swap3A_815, %swap3A_816] {strides = array<i32>} : memref<128x64xf32, #tpu.memory_space<vmem>>, vector<1x16xf32>,
          %swap3A_818 = vector.shape_cast %swap3A_817 : vector<1x16xf32> to vector<16xf32>
          %swap3A_819 = vector.shape_cast %mul3A_814 : vector<16xf32> to vector<1x16xf32>
          tpu.vector_store %arg12[%swap3A_815, %swap3A_816], %swap3A_819 {strides = array<i32>} : memref<128x64xf32, #tpu.memory_space<vmem>>, vector<1x16xf32>,
          %get3A_820 = arith.index_cast %add3A_806 : i32 to index
          %get3A_821 = arith.constant 16 : index
          %get3A_822 = tpu.vector_load %arg11[%get3A_820, %get3A_821] {strides = array<i32>} : memref<128x64xf32, #tpu.memory_space<vmem>>, vector<1x16xf32>,
          %get3A_823 = vector.shape_cast %get3A_822 : vector<1x16xf32> to vector<16xf32>
          %mul3A_824 = vector.broadcast %squeeze3A_808 : f32 to vector<16xf32>
          %mul3A_825 = arith.mulf %get3A_823, %mul3A_824 : vector<16xf32>
          %swap3A_826 = arith.index_cast %add3A_806 : i32 to index
          %swap3A_827 = arith.constant 16 : index
          %swap3A_828 = tpu.vector_load %arg12[%swap3A_826, %swap3A_827] {strides = array<i32>} : memref<128x64xf32, #tpu.memory_space<vmem>>, vector<1x16xf32>,
          %swap3A_829 = vector.shape_cast %swap3A_828 : vector<1x16xf32> to vector<16xf32>
          %swap3A_830 = vector.shape_cast %mul3A_825 : vector<16xf32> to vector<1x16xf32>
          tpu.vector_store %arg12[%swap3A_826, %swap3A_827], %swap3A_830 {strides = array<i32>} : memref<128x64xf32, #tpu.memory_space<vmem>>, vector<1x16xf32>,
          %get3A_831 = arith.index_cast %add3A_806 : i32 to index
          %get3A_832 = arith.constant 32 : index
          %get3A_833 = tpu.vector_load %arg11[%get3A_831, %get3A_832] {strides = array<i32>} : memref<128x64xf32, #tpu.memory_space<vmem>>, vector<1x16xf32>,
          %get3A_834 = vector.shape_cast %get3A_833 : vector<1x16xf32> to vector<16xf32>
          %mul3A_835 = vector.broadcast %squeeze3A_808 : f32 to vector<16xf32>
          %mul3A_836 = arith.mulf %get3A_834, %mul3A_835 : vector<16xf32>
          %swap3A_837 = arith.index_cast %add3A_806 : i32 to index
          %swap3A_838 = arith.constant 32 : index
          %swap3A_839 = tpu.vector_load %arg12[%swap3A_837, %swap3A_838] {strides = array<i32>} : memref<128x64xf32, #tpu.memory_space<vmem>>, vector<1x16xf32>,
          %swap3A_840 = vector.shape_cast %swap3A_839 : vector<1x16xf32> to vector<16xf32>
          %swap3A_841 = vector.shape_cast %mul3A_836 : vector<16xf32> to vector<1x16xf32>
          tpu.vector_store %arg12[%swap3A_837, %swap3A_838], %swap3A_841 {strides = array<i32>} : memref<128x64xf32, #tpu.memory_space<vmem>>, vector<1x16xf32>,
          %get3A_842 = arith.index_cast %add3A_806 : i32 to index
          %get3A_843 = arith.constant 48 : index
          %get3A_844 = tpu.vector_load %arg11[%get3A_842, %get3A_843] {strides = array<i32>} : memref<128x64xf32, #tpu.memory_space<vmem>>, vector<1x16xf32>,
          %get3A_845 = vector.shape_cast %get3A_844 : vector<1x16xf32> to vector<16xf32>
          %mul3A_846 = vector.broadcast %squeeze3A_808 : f32 to vector<16xf32>
          %mul3A_847 = arith.mulf %get3A_845, %mul3A_846 : vector<16xf32>
          %swap3A_848 = arith.index_cast %add3A_806 : i32 to index
          %swap3A_849 = arith.constant 48 : index
          %swap3A_850 = tpu.vector_load %arg12[%swap3A_848, %swap3A_849] {strides = array<i32>} : memref<128x64xf32, #tpu.memory_space<vmem>>, vector<1x16xf32>,
          %swap3A_851 = vector.shape_cast %swap3A_850 : vector<1x16xf32> to vector<16xf32>
          %swap3A_852 = vector.shape_cast %mul3A_847 : vector<16xf32> to vector<1x16xf32>
          tpu.vector_store %arg12[%swap3A_848, %swap3A_849], %swap3A_852 {strides = array<i32>} : memref<128x64xf32, #tpu.memory_space<vmem>>, vector<1x16xf32>,
          %scan3A_853 = arith.constant 0 : i32
          scf.yield %scan3A_853 : i32
        }
        %scan3A_47 = arith.constant 8 : i32
        "tpu.region"() ({
          %run_scoped3A = tpu.sem_alloc : memref<!tpu.dma_semaphore, #tpu.memory_space<semaphore_mem>>
          %dma_start3A_49 = arith.constant 0 : i32
          %dma_start3A_50 = tpu.memref_slice %arg9[%scan3A_29, %dma_start3A_49] : memref<8x128xi32, #tpu.memory_space<vmem>> -> memref<1x128xi32, #tpu.memory_space<vmem>>
          %dma_start3A_51 = tpu.memref_squeeze %dma_start3A_50 : memref<1x128xi32, #tpu.memory_space<vmem>> -> memref<128xi32, #tpu.memory_space<vmem>>
          %dma_start3A_52 = arith.constant 0 : i32
          %dma_start3A_53 = arith.constant 0 : i32
          %dma_start3A_54 = tpu.memref_slice %arg13[%dma_start3A_52, %dma_start3A_53] : memref<16384x64xf32, #tpu.memory_space<vmem_shared>> -> memref<16384x64xf32, #tpu.memory_space<vmem_shared>>
          tpu.enqueue_indirect_dma source(%arg12 : memref<128x64xf32, #tpu.memory_space<vmem>>) target(%dma_start3A_54 : memref<16384x64xf32, #tpu.memory_space<vmem_shared>>) offsets(%dma_start3A_51 : memref<128xi32, #tpu.memory_space<vmem>>) semaphore(%run_scoped3A : memref<!tpu.dma_semaphore, #tpu.memory_space<semaphore_mem>>) {add = true}
          %dma_wait3A_55 = arith.constant 0 : i32
          %dma_wait3A_56 = tpu.memref_slice %arg9[%scan3A_29, %dma_wait3A_55] : memref<8x128xi32, #tpu.memory_space<vmem>> -> memref<1x128xi32, #tpu.memory_space<vmem>>
          %dma_wait3A_57 = tpu.memref_squeeze %dma_wait3A_56 : memref<1x128xi32, #tpu.memory_space<vmem>> -> memref<128xi32, #tpu.memory_space<vmem>>
          %dma_wait3A_58 = arith.constant 0 : i32
          %dma_wait3A_59 = arith.constant 0 : i32
          %dma_wait3A_60 = tpu.memref_slice %arg13[%dma_wait3A_58, %dma_wait3A_59] : memref<16384x64xf32, #tpu.memory_space<vmem_shared>> -> memref<16384x64xf32, #tpu.memory_space<vmem_shared>>
          tpu.wait_indirect_dma semaphore(%run_scoped3A : memref<!tpu.dma_semaphore, #tpu.memory_space<semaphore_mem>>) src(%arg12 : memref<128x64xf32, #tpu.memory_space<vmem>>) dst(%dma_wait3A_60 : memref<16384x64xf32, #tpu.memory_space<vmem_shared>>)
          tpu.yield
        }) : () -> ()
        %scan3A_48 = arith.constant 0 : i32
        scf.yield %scan3A_48 : i32
      }
      %scan3A_27 = arith.constant 8 : i32
      %scan3A_28 = arith.constant 0 : i32
      scf.yield %scan3A_28 : i32
    }
    %scan3A_10 = arith.constant 80 : i32
    %barrier3A_11 = arith.constant 0 : index
    tpu.barrier barrier_id(%barrier3A_11)
    %mul3A_12 = arith.constant 1024 : i32
    %mul3A_13 = arith.muli %arg1, %mul3A_12 : i32
    %mul3A_14 = arith.constant 1024 : i32
    %mul3A_15 = arith.muli %arg1, %mul3A_14 : i32
    "tpu.region"() ({
      %run_scoped3A = tpu.sem_alloc : memref<!tpu.dma_semaphore, #tpu.memory_space<semaphore_mem>>
      %dma_start3A = arith.constant 0 : i32
      %dma_start3A_16 = tpu.memref_slice %arg7[%arg0, %mul3A_15, %dma_start3A] : memref<2x16384x64xf32, #tpu.memory_space<hbm>> -> memref<1x1024x64xf32, #tpu.memory_space<hbm>>
      %dma_start3A_17 = tpu.memref_squeeze %dma_start3A_16 : memref<1x1024x64xf32, #tpu.memory_space<hbm>> -> memref<1024x64xf32, #tpu.memory_space<hbm>>
      %dma_start3A_18 = arith.constant 0 : i32
      %dma_start3A_19 = tpu.memref_slice %arg13[%mul3A_13, %dma_start3A_18] : memref<16384x64xf32, #tpu.memory_space<vmem_shared>> -> memref<1024x64xf32, #tpu.memory_space<vmem_shared>>
      tpu.enqueue_dma source(%dma_start3A_19 : memref<1024x64xf32, #tpu.memory_space<vmem_shared>>) target(%dma_start3A_17 : memref<1024x64xf32, #tpu.memory_space<hbm>>) target_semaphore(%run_scoped3A : memref<!tpu.dma_semaphore, #tpu.memory_space<semaphore_mem>>)
      %dma_wait3A = arith.constant 0 : i32
      %dma_wait3A_20 = tpu.memref_slice %arg7[%arg0, %mul3A_15, %dma_wait3A] : memref<2x16384x64xf32, #tpu.memory_space<hbm>> -> memref<1x1024x64xf32, #tpu.memory_space<hbm>>
      %dma_wait3A_21 = tpu.memref_squeeze %dma_wait3A_20 : memref<1x1024x64xf32, #tpu.memory_space<hbm>> -> memref<1024x64xf32, #tpu.memory_space<hbm>>
      %dma_wait3A_22 = arith.constant 0 : i32
      %dma_wait3A_23 = tpu.memref_slice %arg13[%mul3A_13, %dma_wait3A_22] : memref<16384x64xf32, #tpu.memory_space<vmem_shared>> -> memref<1024x64xf32, #tpu.memory_space<vmem_shared>>
      tpu.wait_dma2 semaphore(%run_scoped3A : memref<!tpu.dma_semaphore, #tpu.memory_space<semaphore_mem>>) src(%dma_wait3A_23 : memref<1024x64xf32, #tpu.memory_space<vmem_shared>>) dst(%dma_wait3A_21 : memref<1024x64xf32, #tpu.memory_space<hbm>>)
      tpu.yield
    }) : () -> ()
    return
  }
}

module attributes {stable_mosaic.version = 14 : i64} {
  func.func @_tc_body(%arg0: i32, %arg1: memref<2048x64xf32, #tpu.memory_space<vmem>>, %arg2: memref<2048x64xf32, #tpu.memory_space<vmem>>, %arg3: memref<2048x64xf32, #tpu.memory_space<vmem>>, %arg4: memref<2048x64xf32, #tpu.memory_space<vmem>>, %arg5: memref<64x64xf32, #tpu.memory_space<vmem>>, %arg6: memref<1x64xf32, #tpu.memory_space<vmem>>, %arg7: memref<64x64xf32, #tpu.memory_space<vmem>>, %arg8: memref<1x64xf32, #tpu.memory_space<vmem>>, %arg9: memref<2048x64xf32, #tpu.memory_space<vmem>>, %arg10: memref<2048x64xf32, #tpu.memory_space<vmem>>) attributes {dimension_semantics = [#tpu.dimension_semantics<arbitrary>], iteration_bounds = array<i64: 8>, scalar_prefetch = 0 : i64, scratch_operands = 0 : i64, tpu.core_type = #tpu.core_type<tc>, window_params = [{transform_indices = @transform_0, window_bounds = array<i64: 2048, 64>}, {transform_indices = @transform_1, window_bounds = array<i64: 2048, 64>}, {transform_indices = @transform_2, window_bounds = array<i64: 2048, 64>}, {transform_indices = @transform_3, window_bounds = array<i64: 2048, 64>}, {pipeline_mode = #tpu.pipeline_mode<synchronous>, transform_indices = @transform_4, window_bounds = array<i64: 64, 64>}, {pipeline_mode = #tpu.pipeline_mode<synchronous>, transform_indices = @transform_5, window_bounds = array<i64: 1, 64>}, {pipeline_mode = #tpu.pipeline_mode<synchronous>, transform_indices = @transform_6, window_bounds = array<i64: 64, 64>}, {pipeline_mode = #tpu.pipeline_mode<synchronous>, transform_indices = @transform_7, window_bounds = array<i64: 1, 64>}, {transform_indices = @transform_8, window_bounds = array<i64: 2048, 64>}, {transform_indices = @transform_9, window_bounds = array<i64: 2048, 64>}]} {
    %get3A = arith.constant 0 : index
    %get3A_0 = arith.constant 0 : index
    %get3A_1 = vector.load %arg1[%get3A, %get3A_0] : memref<2048x64xf32, #tpu.memory_space<vmem>>, vector<2048x64xf32>
    %get3A_2 = arith.constant 0 : index
    %get3A_3 = arith.constant 0 : index
    %get3A_4 = vector.load %arg2[%get3A_2, %get3A_3] : memref<2048x64xf32, #tpu.memory_space<vmem>>, vector<2048x64xf32>
    %add3A = arith.addf %get3A_1, %get3A_4 : vector<2048x64xf32>
    %get3A_5 = arith.constant 0 : index
    %get3A_6 = arith.constant 0 : index
    %get3A_7 = vector.load %arg3[%get3A_5, %get3A_6] : memref<2048x64xf32, #tpu.memory_space<vmem>>, vector<2048x64xf32>
    %get3A_8 = arith.constant 0 : index
    %get3A_9 = arith.constant 0 : index
    %get3A_10 = vector.load %arg5[%get3A_8, %get3A_9] : memref<64x64xf32, #tpu.memory_space<vmem>>, vector<64x64xf32>
    %dot_general3A = arith.constant dense<0.000000e+00> : vector<2048x64xf32>
    %dot_general3A_11 = tpu.matmul %add3A, %get3A_10, %dot_general3A {dimension_numbers = #tpu.dot_dimension_numbers<[1], [1], [0], [0], [0, 0, 1, 0], [], []>, transpose_lhs_hint = false} : vector<2048x64xf32>, vector<64x64xf32>, vector<2048x64xf32> -> vector<2048x64xf32>
    %get3A_12 = arith.constant 0 : index
    %get3A_13 = arith.constant 0 : index
    %get3A_14 = vector.load %arg6[%get3A_12, %get3A_13] : memref<1x64xf32, #tpu.memory_space<vmem>>, vector<1x64xf32>
    %add3A_15 = vector.broadcast %get3A_14 : vector<1x64xf32> to vector<2048x64xf32>
    %add3A_16 = arith.addf %dot_general3A_11, %add3A_15 : vector<2048x64xf32>
    %mul3A = arith.mulf %get3A_7, %add3A : vector<2048x64xf32>
    %get3A_17 = arith.constant 0 : index
    %get3A_18 = arith.constant 0 : index
    %get3A_19 = vector.load %arg7[%get3A_17, %get3A_18] : memref<64x64xf32, #tpu.memory_space<vmem>>, vector<64x64xf32>
    %dot_general3A_20 = arith.constant dense<0.000000e+00> : vector<2048x64xf32>
    %dot_general3A_21 = tpu.matmul %mul3A, %get3A_19, %dot_general3A_20 {dimension_numbers = #tpu.dot_dimension_numbers<[1], [1], [0], [0], [0, 0, 1, 0], [], []>, transpose_lhs_hint = false} : vector<2048x64xf32>, vector<64x64xf32>, vector<2048x64xf32> -> vector<2048x64xf32>
    %get3A_22 = arith.constant 0 : index
    %get3A_23 = arith.constant 0 : index
    %get3A_24 = vector.load %arg8[%get3A_22, %get3A_23] : memref<1x64xf32, #tpu.memory_space<vmem>>, vector<1x64xf32>
    %add3A_25 = vector.broadcast %get3A_24 : vector<1x64xf32> to vector<2048x64xf32>
    %add3A_26 = arith.addf %dot_general3A_21, %add3A_25 : vector<2048x64xf32>
    %add3A_27 = arith.addf %add3A_16, %add3A_26 : vector<2048x64xf32>
    %ge3A = arith.constant 0.000000e+00 : f32
    %ge3A_28 = vector.broadcast %ge3A : f32 to vector<2048x64xf32>
    %ge3A_29 = arith.cmpf oge, %add3A_27, %ge3A_28 : vector<2048x64xf32>
    %mul3A_30 = arith.constant 0.00999999977 : f32
    %mul3A_31 = vector.broadcast %mul3A_30 : f32 to vector<2048x64xf32>
    %mul3A_32 = arith.mulf %mul3A_31, %add3A_27 : vector<2048x64xf32>
    %select_n3A = arith.select %ge3A_29, %add3A_27, %mul3A_32 : vector<2048x64xi1>, vector<2048x64xf32>
    %mul3A_33 = arith.mulf %select_n3A, %select_n3A : vector<2048x64xf32>
    %reduce_sum3A = arith.constant dense<0.000000e+00> : vector<2048xf32>
    %reduce_sum3A_34 = vector.multi_reduction <add>, %mul3A_33, %reduce_sum3A [1] : vector<2048x64xf32> to vector<2048xf32>
    %broadcast_in_dim3A = vector.shape_cast %reduce_sum3A_34 : vector<2048xf32> to vector<2048x1xf32>
    %sqrt3A = math.sqrt %broadcast_in_dim3A : vector<2048x1xf32>
    %max3A = arith.constant 9.99999996E-13 : f32
    %max3A_35 = vector.broadcast %max3A : f32 to vector<2048x1xf32>
    %max3A_36 = arith.maximumf %sqrt3A, %max3A_35 : vector<2048x1xf32>
    %div3A = vector.broadcast %max3A_36 : vector<2048x1xf32> to vector<2048x64xf32>
    %div3A_37 = arith.divf %select_n3A, %div3A : vector<2048x64xf32>
    %swap3A = arith.constant 0 : index
    %swap3A_38 = arith.constant 0 : index
    %swap3A_39 = vector.load %arg9[%swap3A, %swap3A_38] : memref<2048x64xf32, #tpu.memory_space<vmem>>, vector<2048x64xf32>
    tpu.vector_store %arg9[%swap3A, %swap3A_38], %select_n3A {strides = array<i32>} : memref<2048x64xf32, #tpu.memory_space<vmem>>, vector<2048x64xf32>,
    %get3A_40 = arith.constant 0 : index
    %get3A_41 = arith.constant 0 : index
    %get3A_42 = vector.load %arg4[%get3A_40, %get3A_41] : memref<2048x64xf32, #tpu.memory_space<vmem>>, vector<2048x64xf32>
    %add3A_43 = arith.addf %get3A_42, %div3A_37 : vector<2048x64xf32>
    %swap3A_44 = arith.constant 0 : index
    %swap3A_45 = arith.constant 0 : index
    %swap3A_46 = vector.load %arg10[%swap3A_44, %swap3A_45] : memref<2048x64xf32, #tpu.memory_space<vmem>>, vector<2048x64xf32>
    tpu.vector_store %arg10[%swap3A_44, %swap3A_45], %add3A_43 {strides = array<i32>} : memref<2048x64xf32, #tpu.memory_space<vmem>>, vector<2048x64xf32>,
    return
  }
  func.func @transform_0(%arg0: i32) -> (i32, i32) {
    %c0_i32 = arith.constant 0 : i32
    %c0_i32_0 = arith.constant 0 : i32
    return %arg0, %c0_i32 : i32, i32
  }
  func.func @transform_1(%arg0: i32) -> (i32, i32) {
    %c0_i32 = arith.constant 0 : i32
    %c0_i32_0 = arith.constant 0 : i32
    return %arg0, %c0_i32 : i32, i32
  }
  func.func @transform_2(%arg0: i32) -> (i32, i32) {
    %c0_i32 = arith.constant 0 : i32
    %c0_i32_0 = arith.constant 0 : i32
    return %arg0, %c0_i32 : i32, i32
  }
  func.func @transform_3(%arg0: i32) -> (i32, i32) {
    %c0_i32 = arith.constant 0 : i32
    %c0_i32_0 = arith.constant 0 : i32
    return %arg0, %c0_i32 : i32, i32
  }
  func.func @transform_4(%arg0: i32) -> (i32, i32) {
    %c0_i32 = arith.constant 0 : i32
    %c0_i32_0 = arith.constant 0 : i32
    %c0_i32_1 = arith.constant 0 : i32
    return %c0_i32, %c0_i32_0 : i32, i32
  }
  func.func @transform_5(%arg0: i32) -> (i32, i32) {
    %c0_i32 = arith.constant 0 : i32
    %c0_i32_0 = arith.constant 0 : i32
    %c0_i32_1 = arith.constant 0 : i32
    return %c0_i32, %c0_i32_0 : i32, i32
  }
  func.func @transform_6(%arg0: i32) -> (i32, i32) {
    %c0_i32 = arith.constant 0 : i32
    %c0_i32_0 = arith.constant 0 : i32
    %c0_i32_1 = arith.constant 0 : i32
    return %c0_i32, %c0_i32_0 : i32, i32
  }
  func.func @transform_7(%arg0: i32) -> (i32, i32) {
    %c0_i32 = arith.constant 0 : i32
    %c0_i32_0 = arith.constant 0 : i32
    %c0_i32_1 = arith.constant 0 : i32
    return %c0_i32, %c0_i32_0 : i32, i32
  }
  func.func @transform_8(%arg0: i32) -> (i32, i32) {
    %c0_i32 = arith.constant 0 : i32
    %c0_i32_0 = arith.constant 0 : i32
    return %arg0, %c0_i32 : i32, i32
  }
  func.func @transform_9(%arg0: i32) -> (i32, i32) {
    %c0_i32 = arith.constant 0 : i32
    %c0_i32_0 = arith.constant 0 : i32
    return %arg0, %c0_i32 : i32, i32
  }
}

module attributes {stable_mosaic.version = 14 : i64} {
  func.func @_tc_body(%arg0: i32, %arg1: memref<2048x64xf32, #tpu.memory_space<vmem>>, %arg2: memref<2048x64xf32, #tpu.memory_space<vmem>>, %arg3: memref<2048x64xf32, #tpu.memory_space<vmem>>, %arg4: memref<2048x64xf32, #tpu.memory_space<vmem>>, %arg5: memref<64x64xf32, #tpu.memory_space<vmem>>, %arg6: memref<1x64xf32, #tpu.memory_space<vmem>>, %arg7: memref<64x64xf32, #tpu.memory_space<vmem>>, %arg8: memref<1x64xf32, #tpu.memory_space<vmem>>, %arg9: memref<2048x64xf32, #tpu.memory_space<vmem>>, %arg10: memref<2048x64xf32, #tpu.memory_space<vmem>>) attributes {dimension_semantics = [#tpu.dimension_semantics<arbitrary>], iteration_bounds = array<i64: 8>, scalar_prefetch = 0 : i64, scratch_operands = 0 : i64, tpu.core_type = #tpu.core_type<tc>, window_params = [{transform_indices = @transform_0, window_bounds = array<i64: 2048, 64>}, {transform_indices = @transform_1, window_bounds = array<i64: 2048, 64>}, {transform_indices = @transform_2, window_bounds = array<i64: 2048, 64>}, {transform_indices = @transform_3, window_bounds = array<i64: 2048, 64>}, {pipeline_mode = #tpu.pipeline_mode<synchronous>, transform_indices = @transform_4, window_bounds = array<i64: 64, 64>}, {pipeline_mode = #tpu.pipeline_mode<synchronous>, transform_indices = @transform_5, window_bounds = array<i64: 1, 64>}, {pipeline_mode = #tpu.pipeline_mode<synchronous>, transform_indices = @transform_6, window_bounds = array<i64: 64, 64>}, {pipeline_mode = #tpu.pipeline_mode<synchronous>, transform_indices = @transform_7, window_bounds = array<i64: 1, 64>}, {transform_indices = @transform_8, window_bounds = array<i64: 2048, 64>}, {transform_indices = @transform_9, window_bounds = array<i64: 2048, 64>}]} {
    %get3A = arith.constant 0 : index
    %get3A_0 = arith.constant 0 : index
    %get3A_1 = vector.load %arg1[%get3A, %get3A_0] : memref<2048x64xf32, #tpu.memory_space<vmem>>, vector<2048x64xf32>
    %get3A_2 = arith.constant 0 : index
    %get3A_3 = arith.constant 0 : index
    %get3A_4 = vector.load %arg2[%get3A_2, %get3A_3] : memref<2048x64xf32, #tpu.memory_space<vmem>>, vector<2048x64xf32>
    %add3A = arith.addf %get3A_1, %get3A_4 : vector<2048x64xf32>
    %get3A_5 = arith.constant 0 : index
    %get3A_6 = arith.constant 0 : index
    %get3A_7 = vector.load %arg3[%get3A_5, %get3A_6] : memref<2048x64xf32, #tpu.memory_space<vmem>>, vector<2048x64xf32>
    %get3A_8 = arith.constant 0 : index
    %get3A_9 = arith.constant 0 : index
    %get3A_10 = vector.load %arg5[%get3A_8, %get3A_9] : memref<64x64xf32, #tpu.memory_space<vmem>>, vector<64x64xf32>
    %dot_general3A = arith.constant dense<0.000000e+00> : vector<2048x64xf32>
    %dot_general3A_11 = tpu.matmul %add3A, %get3A_10, %dot_general3A {dimension_numbers = #tpu.dot_dimension_numbers<[1], [1], [0], [0], [0, 0, 1, 0], [], []>, transpose_lhs_hint = false} : vector<2048x64xf32>, vector<64x64xf32>, vector<2048x64xf32> -> vector<2048x64xf32>
    %get3A_12 = arith.constant 0 : index
    %get3A_13 = arith.constant 0 : index
    %get3A_14 = vector.load %arg6[%get3A_12, %get3A_13] : memref<1x64xf32, #tpu.memory_space<vmem>>, vector<1x64xf32>
    %add3A_15 = vector.broadcast %get3A_14 : vector<1x64xf32> to vector<2048x64xf32>
    %add3A_16 = arith.addf %dot_general3A_11, %add3A_15 : vector<2048x64xf32>
    %mul3A = arith.mulf %get3A_7, %add3A : vector<2048x64xf32>
    %get3A_17 = arith.constant 0 : index
    %get3A_18 = arith.constant 0 : index
    %get3A_19 = vector.load %arg7[%get3A_17, %get3A_18] : memref<64x64xf32, #tpu.memory_space<vmem>>, vector<64x64xf32>
    %dot_general3A_20 = arith.constant dense<0.000000e+00> : vector<2048x64xf32>
    %dot_general3A_21 = tpu.matmul %mul3A, %get3A_19, %dot_general3A_20 {dimension_numbers = #tpu.dot_dimension_numbers<[1], [1], [0], [0], [0, 0, 1, 0], [], []>, transpose_lhs_hint = false} : vector<2048x64xf32>, vector<64x64xf32>, vector<2048x64xf32> -> vector<2048x64xf32>
    %get3A_22 = arith.constant 0 : index
    %get3A_23 = arith.constant 0 : index
    %get3A_24 = vector.load %arg8[%get3A_22, %get3A_23] : memref<1x64xf32, #tpu.memory_space<vmem>>, vector<1x64xf32>
    %add3A_25 = vector.broadcast %get3A_24 : vector<1x64xf32> to vector<2048x64xf32>
    %add3A_26 = arith.addf %dot_general3A_21, %add3A_25 : vector<2048x64xf32>
    %add3A_27 = arith.addf %add3A_16, %add3A_26 : vector<2048x64xf32>
    %ge3A = arith.constant 0.000000e+00 : f32
    %ge3A_28 = vector.broadcast %ge3A : f32 to vector<2048x64xf32>
    %ge3A_29 = arith.cmpf oge, %add3A_27, %ge3A_28 : vector<2048x64xf32>
    %mul3A_30 = arith.constant 0.00999999977 : f32
    %mul3A_31 = vector.broadcast %mul3A_30 : f32 to vector<2048x64xf32>
    %mul3A_32 = arith.mulf %mul3A_31, %add3A_27 : vector<2048x64xf32>
    %select_n3A = arith.select %ge3A_29, %add3A_27, %mul3A_32 : vector<2048x64xi1>, vector<2048x64xf32>
    %mul3A_33 = arith.mulf %select_n3A, %select_n3A : vector<2048x64xf32>
    %reduce_sum3A = arith.constant dense<0.000000e+00> : vector<2048xf32>
    %reduce_sum3A_34 = vector.multi_reduction <add>, %mul3A_33, %reduce_sum3A [1] : vector<2048x64xf32> to vector<2048xf32>
    %broadcast_in_dim3A = vector.shape_cast %reduce_sum3A_34 : vector<2048xf32> to vector<2048x1xf32>
    %sqrt3A = math.sqrt %broadcast_in_dim3A : vector<2048x1xf32>
    %max3A = arith.constant 9.99999996E-13 : f32
    %max3A_35 = vector.broadcast %max3A : f32 to vector<2048x1xf32>
    %max3A_36 = arith.maximumf %sqrt3A, %max3A_35 : vector<2048x1xf32>
    %div3A = vector.broadcast %max3A_36 : vector<2048x1xf32> to vector<2048x64xf32>
    %div3A_37 = arith.divf %select_n3A, %div3A : vector<2048x64xf32>
    %swap3A = arith.constant 0 : index
    %swap3A_38 = arith.constant 0 : index
    %swap3A_39 = vector.load %arg9[%swap3A, %swap3A_38] : memref<2048x64xf32, #tpu.memory_space<vmem>>, vector<2048x64xf32>
    tpu.vector_store %arg9[%swap3A, %swap3A_38], %select_n3A {strides = array<i32>} : memref<2048x64xf32, #tpu.memory_space<vmem>>, vector<2048x64xf32>,
    %get3A_40 = arith.constant 0 : index
    %get3A_41 = arith.constant 0 : index
    %get3A_42 = vector.load %arg4[%get3A_40, %get3A_41] : memref<2048x64xf32, #tpu.memory_space<vmem>>, vector<2048x64xf32>
    %add3A_43 = arith.addf %get3A_42, %div3A_37 : vector<2048x64xf32>
    %swap3A_44 = arith.constant 0 : index
    %swap3A_45 = arith.constant 0 : index
    %swap3A_46 = vector.load %arg10[%swap3A_44, %swap3A_45] : memref<2048x64xf32, #tpu.memory_space<vmem>>, vector<2048x64xf32>
    tpu.vector_store %arg10[%swap3A_44, %swap3A_45], %add3A_43 {strides = array<i32>} : memref<2048x64xf32, #tpu.memory_space<vmem>>, vector<2048x64xf32>,
    return
  }
  func.func @transform_0(%arg0: i32) -> (i32, i32) {
    %c0_i32 = arith.constant 0 : i32
    %c0_i32_0 = arith.constant 0 : i32
    return %arg0, %c0_i32 : i32, i32
  }
  func.func @transform_1(%arg0: i32) -> (i32, i32) {
    %c0_i32 = arith.constant 0 : i32
    %c0_i32_0 = arith.constant 0 : i32
    return %arg0, %c0_i32 : i32, i32
  }
  func.func @transform_2(%arg0: i32) -> (i32, i32) {
    %c0_i32 = arith.constant 0 : i32
    %c0_i32_0 = arith.constant 0 : i32
    return %arg0, %c0_i32 : i32, i32
  }
  func.func @transform_3(%arg0: i32) -> (i32, i32) {
    %c0_i32 = arith.constant 0 : i32
    %c0_i32_0 = arith.constant 0 : i32
    return %arg0, %c0_i32 : i32, i32
  }
  func.func @transform_4(%arg0: i32) -> (i32, i32) {
    %c0_i32 = arith.constant 0 : i32
    %c0_i32_0 = arith.constant 0 : i32
    %c0_i32_1 = arith.constant 0 : i32
    return %c0_i32, %c0_i32_0 : i32, i32
  }
  func.func @transform_5(%arg0: i32) -> (i32, i32) {
    %c0_i32 = arith.constant 0 : i32
    %c0_i32_0 = arith.constant 0 : i32
    %c0_i32_1 = arith.constant 0 : i32
    return %c0_i32, %c0_i32_0 : i32, i32
  }
  func.func @transform_6(%arg0: i32) -> (i32, i32) {
    %c0_i32 = arith.constant 0 : i32
    %c0_i32_0 = arith.constant 0 : i32
    %c0_i32_1 = arith.constant 0 : i32
    return %c0_i32, %c0_i32_0 : i32, i32
  }
  func.func @transform_7(%arg0: i32) -> (i32, i32) {
    %c0_i32 = arith.constant 0 : i32
    %c0_i32_0 = arith.constant 0 : i32
    %c0_i32_1 = arith.constant 0 : i32
    return %c0_i32, %c0_i32_0 : i32, i32
  }
  func.func @transform_8(%arg0: i32) -> (i32, i32) {
    %c0_i32 = arith.constant 0 : i32
    %c0_i32_0 = arith.constant 0 : i32
    return %arg0, %c0_i32 : i32, i32
  }
  func.func @transform_9(%arg0: i32) -> (i32, i32) {
    %c0_i32 = arith.constant 0 : i32
    %c0_i32_0 = arith.constant 0 : i32
    return %arg0, %c0_i32 : i32, i32
  }
}

</mosaic_0001>

<sc_bundles>
// kernel: gather_offload_async_start
scs
__scs_entry_jumppad:
0x0: {  	(pc) =	sbr.rel $0x88, $3  }
0x1: {  	(tag) =	ssettag $0x0;
	lr =	simm.s32 $0x1  }
0x2: {  	[smem:$0x3F98] =	sst lr;
	_ =	strace $0xD0000000  }
0x3: {  	_ = 	snop  }
0x4: {  	_ = 	snop  }
0x5: {  	_ = 	snop  }
0x6: {  	_ = 	snop  }
0x7: {  	_ = 	snop  }
__scs_overlays_trampoline_lowered:
0x8: {  	[smem:$0x3FA7] =	sst s0  }
0x9: {  	[smem:$0x3FA8] =	sst s1  }
0xa: {  	[smem:$0x3FA9] =	sst s2  }
0xb: {  	[smem:$0x3FAA] =	sst s3  }
0xc: {  	[smem:$0x3FAB] =	sst s4  }
0xd: {  	[smem:$0x3FAC] =	sst s5  }
0xe: {  	[smem:$0x3FAD] =	sst s6  }
0xf: {  	[smem:$0x3FAE] =	sst s7  }
0x10: {  	[smem:$0x3FAF] =	sst s8  }
0x11: {  	[smem:$0x3FB0] =	sst s9;
	s0 =	simm.s32 @!p0 $0x0  }
0x12: {  	s1 =	sld [smem:$0x3F96];
	s0 =	simm.s32 @p0 $0x1  }
0x13: {  	[smem:$0x3FB1] =	sst s0;
	s0 =	simm.s32 @!p1 $0x0  }
0x14: {  	s2 =	sld [smem:$0x3F95];
	s0 =	simm.s32 @p1 $0x1  }
0x15: {  	[smem:$0x3FB2] =	sst s0;
	s0 =	simm.s32 @!p2 $0x0  }
0x16: {  	s3 =	sld [smem:$0x3FDB];
	s0 =	simm.s32 @p2 $0x1  }
0x17: {  	s4 =	simm.s32 $0x1BF5;
	[smem:$0x3FB4] =	sst s0  }
0x18: {  	s0 =	sld [smem:$0x3F97];
	_ =	swait.ge [sflag:s4], $0x0  }
0x19: {  	s7 =	sld [smem:$0x3F98]  }
0x1a: {  	s8 =	sadd.s32 $0xFFFFE003, lr  }
0x1b: {  	s9 =	sadd.s32 $0xFFFFFEF7, lr;
	s5 =	simm.s32 $0xFFFFFFFF;
	p2 =	slt.u32 s8, $0xFFFFF086  }
0x1c: {  	p1 =	slt.u32 s9, $0xF7A;
	s5 =	simm.s32 @!p2 $0x0  }
0x1d: {  	s5 =	simm.s32 @p1 $0x1;
	p0 =	seq.s32 s7, s2  }
0x1e: {  	s7 =	smul.u32 @!p0 $0xF7A, s2;
	p2 =	seq.s32 @!p0 s5, $0x0  }
0x1f: {  	s9 =	smul.u32 $0xF7A, s1;
	s8 =	simm.s32 @!p0 $0x1BF5;
	p2 =	por !p2, p0  }
0x20: {  	[sflag:s8] =	ssyncset.s32 @!p0 $0xFFFFF086;
	s6 =	sadd.s32 @!p0 s3, s7;
	s7 =	simm.s32 @!p0 $0x108  }
0x21: {  	s3 =	sadd.s32 s3, s9;
	s6 =	sadd.s32 @!p0 $0x88, s6;
	s7 =	simm.s32 @p2 $0x1082  }
0x22: {  	[simem:s7], [sflag:s8] =	dma.local @!p0 [hbm:s6], $0xF7A  }
0x23: {  	s9 =	sor.u32 $0xD0000000, s2;
	s6 =	simm.s32 $0x108;
	_ =	swait.ge @!p0 [sflag:s8], $0x0  }
0x24: {  	s3 =	sadd.s32 $0x88, s3;
	s6 =	simm.s32 @!p1 $0x1082;
	[sflag:s4] =	ssyncset.s32 $0xFFFFF086  }
0x25: {  	[simem:s6], [sflag:s4] =	dma.local [hbm:s3], $0xF7A  }
0x26: {  	[smem:$0x3F98] =	sst s1;
	(tag) =	ssettag s2;
	_ =	strace s9  }
0x27: {  	s1 =	sld [smem:$0x3FA8]  }
0x28: {  	s2 =	sld [smem:$0x3FA9]  }
0x29: {  	s4 =	sld [smem:$0x3FAB]  }
0x2a: {  	p0 =	seq.s32 s5, $0x0;
	s5 =	sld [smem:$0x3FAC]  }
0x2b: {  	s6 =	sld [smem:$0x3FAD]  }
0x2c: {  	s7 =	sld [smem:$0x3FAE]  }
0x2d: {  	s3 =	simm.s32 $0x108;
	s8 =	sld [smem:$0x3FAF]  }
0x2e: {  	s3 =	simm.s32 @!p0 $0x1082;
	s9 =	sld [smem:$0x3FB0]  }
0x2f: {  	lr =	sadd.s32 s0, s3;
	s0 =	sld [smem:$0x3FA7]  }
0x30: {  	s3 =	sld [smem:$0x3FAA]  }
0x31: {  	[smem:$0x3FB3] =	sst s10  }
0x32: {  	s10 =	sld [smem:$0x3FB1];
	_ =	sdelay $0x3  }
0x33: {  	p0 =	seq.s32 s10, $0x1;
	s10 =	sld [smem:$0x3FB3];
	_ =	sdelay $0x3  }
0x34: {  	[smem:$0x3FB3] =	sst s10  }
0x35: {  	s10 =	sld [smem:$0x3FB2];
	_ =	sdelay $0x3  }
0x36: {  	p1 =	seq.s32 s10, $0x1;
	s10 =	sld [smem:$0x3FB3];
	_ =	sdelay $0x3  }
0x37: {  	[smem:$0x3FB3] =	sst s10  }
0x38: {  	s10 =	sld [smem:$0x3FB4]  }
0x39: {  	_ = 	snop;
	(pc) =	sbr.ind lr, $3  }
0x3a: {  	_ = 	snop  }
0x3b: {  	_ = 	snop  }
0x3c: {  	p2 =	seq.s32 s10, $0x1;
	s10 =	sld [smem:$0x3FB3]  }
0x3d: {  	_ =	shalt  }
0x3e: {  	_ =	shalt  }
0x3f: {  	_ =	shalt  }
0x40: {  	_ =	shalt  }
0x41: {  	_ =	shalt  }
0x42: {  	_ =	shalt  }
0x43: {  	_ =	shalt  }
0x44: {  	_ =	shalt  }
0x45: {  	_ =	shalt  }
0x46: {  	_ =	shalt  }
0x47: {  	_ =	shalt  }
0x48: {  	_ =	shalt  }
0x49: {  	_ =	shalt  }
0x4a: {  	_ =	shalt  }
0x4b: {  	_ =	shalt  }
0x4c: {  	_ =	shalt  }
0x4d: {  	_ =	shalt  }
0x4e: {  	_ =	shalt  }
0x4f: {  	_ =	shalt  }
0x50: {  	_ =	shalt  }
0x51: {  	_ =	shalt  }
0x52: {  	_ =	shalt  }
0x53: {  	_ =	shalt  }
0x54: {  	_ =	shalt  }
0x55: {  	_ =	shalt  }
0x56: {  	_ =	shalt  }
0x57: {  	_ =	shalt  }
0x58: {  	_ =	shalt  }
0x59: {  	_ =	shalt  }
0x5a: {  	_ =	shalt  }
0x5b: {  	_ =	shalt  }
0x5c: {  	_ =	shalt  }
0x5d: {  	_ =	shalt  }
0x5e: {  	_ =	shalt  }
0x5f: {  	_ =	shalt  }
0x60: {  	_ =	shalt  }
0x61: {  	_ =	shalt  }
0x62: {  	_ =	shalt  }
0x63: {  	_ =	shalt  }
0x64: {  	_ =	shalt  }
0x65: {  	_ =	shalt  }
0x66: {  	_ =	shalt  }
0x67: {  	_ =	shalt  }
0x68: {  	_ =	shalt  }
0x69: {  	_ =	shalt  }
0x6a: {  	_ =	shalt  }
0x6b: {  	_ =	shalt  }
0x6c: {  	_ =	shalt  }
0x6d: {  	_ =	shalt  }
0x6e: {  	_ =	shalt  }
0x6f: {  	_ =	shalt  }
0x70: {  	_ =	shalt  }
0x71: {  	_ =	shalt  }
0x72: {  	_ =	shalt  }
0x73: {  	_ =	shalt  }
0x74: {  	_ =	shalt  }
0x75: {  	_ =	shalt  }
0x76: {  	_ =	shalt  }
0x77: {  	_ =	shalt  }
0x78: {  	_ =	shalt  }
0x79: {  	_ =	shalt  }
0x7a: {  	_ =	shalt  }
0x7b: {  	_ =	shalt  }
0x7c: {  	_ =	shalt  }
0x7d: {  	_ =	shalt  }
0x7e: {  	_ =	shalt  }
0x7f: {  	_ =	shalt  }
0x80: {  	_ =	shalt  }
0x81: {  	_ =	shalt  }
0x82: {  	_ =	shalt  }
0x83: {  	_ =	shalt  }
0x84: {  	_ =	shalt  }
0x85: {  	_ =	shalt  }
0x86: {  	_ =	shalt  }
0x87: {  	_ =	shalt  }
.Lfunc_end0:
.L_simem_size_0:
called_computation_lowered:
.L_overlay_start_0:
0x88: {  	s2 =	sld [smem:$0x3FD9]  }
0x89: {  	s3 =	sld [smem:$0x3FFE];
	_ =	sdelay $0x1  }
0x8a: {  	s1 =	srdreg.scid  }
0x8b: {  	s0 =	sand.u32 $0x1, s1  }
0x8c: {  	s17 =	sshll.u32 s0, $0xA;
	s2 =	sadd.s32 s3, s2  }
0x8d: {  	s2 =	sadd.s32 s2, s17  }
0x8e: {  	[smem:$0x3FBF] =	sst s2  }
0x8f: {  	_ = 	snop  }
0x90: {  	s2 =	sld [smem:$0x3FD0];
	(tm) =	ssettm $0x1  }
0x91: {  	s18 =	sld [smem:$0x3FFB];
	_ =	sdelay $0x3  }
0x92: {  	_ =	strace s18  }
0x93: {  	s3 =	sld [smem:$0x3FFC];
	_ =	sdelay $0x3  }
0x94: {  	_ =	strace s3  }
0x95: {  	s3 =	sld [smem:$0x3FFD];
	_ =	sdelay $0x3  }
0x96: {  	_ =	strace s3  }
0x97: {  	_ =	strace $0x8FFFFFFF  }
0x98: {  	s19 =	sld [smem:$0x3FDB];
	_ =	sdelay $0x1  }
0x99: {  	s4 =	simm.s32 $_scs_section_size  }
0x9a: {  	s5 =	simm.s32 $_size__tile_overlayer_lowered;
	s6 =	simm.s32 $_tile_overlayer_lowered  }
0x9b: {  	s22 =	simm.s32 $0x1BFF;
	s21 =	sshll.u32 s6, $0x1;
	s3 =	sadd.s32 s4, s19  }
0x9c: {  	s7 =	simm.s32 $0x0;
	s20 =	sshll.u32 s5, $0x1;
	s5 =	sadd.s32 s21, s3  }
0x9d: {  	[timem:s7], [sflag:s22] =	dma.local [hbm:s5], s20  }
0x9e: {  	_ =	swait.ge [sflag:s22], s20  }
0x9f: {  	s4 =	ssub.s32 $0x0, s20;
	[sflag:s22] =	ssyncset.done $0x0  }
0xa0: {  	[sflag:s22] =	ssyncadd.s32 s4;
	_ =	sdelay $0x1  }
0xa1: {  	s23 =	simm.s32 $0x1B8B  }
0xa2: {  	_ =	swait.ge [sflag:s23], $0x1  }
0xa3: {  	[sflag:s23] =	ssyncset.done $0x0  }
0xa4: {  	s25 =	simm.s32 $0x1B8E;
	s24 =	sld [smem:$0x3FFE];
	[sflag:s23] =	ssyncadd.s32 $0xFFFFFFFF  }
0xa5: {  	s26 =	simm.s32 $execute0_lowered;
	[smem:$0x3FD2] =	sst s25  }
0xa6: {  	s5 =	sshll.u32 s26, $0x1;
	_ =	strace $0x80000046;
	[dreg:$0x1] =	wrdreg $0xFFFFFFFF  }
0xa7: {  	s28 =	simm.s32 $_size_execute0_lowered;
	s3 =	sadd.s32 s3, s5;
	[dreg:$0x0] =	wrdreg $0x0  }
0xa8: {  	s5 =	sshll.u32 s28, $0x1;
	[dreg:$0x2] =	wrdreg s3  }
0xa9: {  	[dreg:$0x3] =	wrdreg s5  }
0xaa: {  	[dreg:$0x4] =	wrdreg $0xC0  }
0xab: {  	_ =	task [dreg:s7], $0x5FFFF  }
0xac: {  	[dreg:$0x1] =	wrdreg $0xFFFFFFFF  }
0xad: {  	[dreg:$0x0] =	wrdreg $0x60  }
0xae: {  	[dreg:$0x2] =	wrdreg s2  }
0xaf: {  	[dreg:$0x3] =	wrdreg s24  }
0xb0: {  	[dreg:$0x4] =	wrdreg $0x9  }
0xb1: {  	_ =	task.clear_ibuf [dreg:s7], $0x5FFFF;
	_ =	strace $0x90000046  }
0xb2: {  	s29 =	simm.s32 $0x9;
	_ =	strace $0x80000048  }
0xb3: {  	_ =	swait.ge [sflag:s29], $0x1  }
0xb4: {  	[sflag:s29] =	ssyncadd.s32 $0xFFFFFFFF  }
0xb5: {  	_ =	strace $0x90000048  }
0xb6: {  	_ =	sfence  }
0xb7: {  	s30 =	sld [smem:$0x0];
	_ =	sdelay $0x2  }
0xb8: {  	s31 =	sshll.u32 s1, $0xD;
	s1 =	sshrl.u32 s1, $0x2  }
0xb9: {  	s3 =	sand.u32 $0x4000, s31;
	s1 =	sadd.s32 s1, s30  }
0xba: {  	s0 =	sor.u32 s3, s0;
	s1 =	sshll.u32 s1, $0x11  }
0xbb: {  	s0 =	sor.u32 s1, s0  }
0xbc: {  	s0 =	sadd.s32 $0x8F2B, s0  }
0xbd: {  	[sflag:s0] =	ssyncadd.remote.s32 $0x1  }
0xbe: {  	_ =	sfence.sel $0xFFFF  }
0xbf: {  	[dreg:$0x0] =	wrdreg $0xFFFFFFFF;
	(pc) =	sbr.abs _section_cstart, $3  }
0xc0: {  	[dreg:$0x1] =	wrdreg $0xFFFFFFFF  }
0xc1: {  	_ =	task.clear_ibuf [dreg:s7], $0x2FFFF;
	_ =	strace $0x9FFFFFFF  }
0xc2: {  	(tm) =	ssettm $0x7FFFFFFF  }
0xc3: {  	_ =	shalt  }
tec
execute0_lowered:
.L_overlay_start_1:
0x0: {  	(tag) =	ssettag $0x1  }
0x1: {  	s2 =	rddreg [dreg:$0x0]  }
0x2: {  	s7 =	rddreg [dreg:$0x1]  }
0x3: {  	s0 =	rddreg [dreg:$0x2]  }
0x4: {  	s1 =	srdreg.scid;
	_ =	strace $0x80000047;
	s4 =	simm.s32 $0x1  }
0x5: {  	s9 =	simm.s32 $0x3;
	s12 =	simm.s32 $0x0;
	s5 =	sshll.u32 s1, $0x4  }
.Ltmp0:
0x6: {  	s1 =	stileid.u32;
	s5 =	sand.u32 $0x10, s5;
	(pc) =	sbr.rel .LBB2_1-.Ltmp0, $4  }
0x7: {  	s10 =	simm.s32 $0x0;
	s3 =	sadd.s32 $0x5400, s7;
	s6 =	sor.u32 s1, s5  }
0x8: {  	[sflag:s4] =	ssyncpa.u1 $0x0;
	s5 =	simm.s32 $0x2;
	s6 =	sshll.u32 s6, $0x8  }
0x9: {  	s7 =	sadd.s32 $0x5800, s7;
	[sflag:s5] =	ssyncpa.u1 $0x0;
	s8 =	sadd.s32 $0x100, s6  }
0xa: {  	vm0 =	vmmov $0xff;
	vm1 =	vcmask $0x3F20;
	[sflag:s9] =	ssyncpa.u1 $0x0;
	s9 =	simm.s32 $0x100;
	s11 =	smov.u32 s6  }
.LBB2_9:
0xb: {  	p0 =	seq.s32 s10, $0x2  }
.Ltmp1:
0xc: {  	_ = 	snop;
	(pc) =	sbr.rel @p0 .LBB2_11-.Ltmp1, $1  }
0xd: {  	_ =	sdelay $0x3  }
.LBB2_10:
0xe: {  	s12 =	sadd.s32 $0x100, s11  }
0xf: {  	s13 =	smov.u32 s6;
	p0 =	slt.s32 s12, s8  }
0x10: {  	s13 =	smov.u32 @p0 s12  }
0x11: {  	s10 =	sadd.s32 $0x1, s10;
	s12 =	smov.u32 s11;
	s11 =	smov.u32 s13  }
.LBB2_1:
0x12: {  	p0 =	sne.s32 s10, $0x0  }
.Ltmp2:
0x13: {  	_ = 	snop;
	(pc) =	sbr.rel @!p0 .LBB2_2-.Ltmp2, $1  }
0x14: {  	_ =	sdelay $0x3  }
0x15: {  	s13 =	sand.u32 $0x1, s10  }
0x16: {  	p0 =	seq.s32 s13, $0x0  }
.Ltmp3:
0x17: {  	_ = 	snop;
	(pc) =	sbr.rel @p0 .LBB2_9-.Ltmp3, $1  }
0x18: {  	_ =	sdelay $0x3  }
0x19: {  	_ =	swait.ge [sflag:s5], $0x100  }
0x1a: {  	[sflag:s5] =	ssyncset.done $0x0  }
0x1b: {  	s13 =	simm.s32 $0x0;
	[sflag:s5] =	ssyncadd.s32 $0xFFFFFF00  }
0x1c: {  	v0 =	vld.msk [tilespmem:s13+$0x100 ss:$0x1], $0xffff;
	_ =	sdelay $0x4  }
0x1d: {  	vm2 =	vgt.s32 v0, $0x0  }
0x1e: {  	v0 =	vnsel vm2, $0x0, v0  }
0x1f: {  	v0 =	vmin.u32 v0, $0x1FFF  }
0x20: {  	v0 =	vshll.u32 v0, $0x4;
	_ =	sdelay $0x3  }
0x21: {  	s13 =	simm.s32 $0x8200  }
0x22: {  	[tilespmem:s13], [sflag:$0x1] =	stream.indirect_vreg.gather [hbm:s2], $0x80, v0, vm0, $0x38;
	[tilespmem:$0x10200] =	vst v63  }
0x23: {  	s14 =	simm.s32 $0x8600;
	s31 =	simm.s32 $0x10  }
0x24: {  	[tilespmem:s14], [sflag:$0x1] =	stream.indirect_vreg.gather [hbm:s2], $0x80, v0, vm1, $0x38;
	[tilespmem:$0x10200] =	vst v63  }
0x25: {  	s14 =	simm.s32 $0x80;
	v0 =	vld.msk [tilespmem:s31+$0x100 ss:$0x1], $0xffff  }
.LBB2_5:
0x26: {  	p0 =	sne.s32 s14, $0x3C0;
	_ =	sdelay $0x4  }
0x27: {  	vm2 =	vgt.s32 v0, $0x0  }
0x28: {  	v0 =	vnsel vm2, $0x0, v0  }
0x29: {  	v0 =	vmin.u32 v0, $0x1FFF  }
0x2a: {  	v0 =	vshll.u32 v0, $0x4;
	_ =	sdelay $0x3  }
.Ltmp4:
0x2b: {  	s13 =	sadd.s32 $0x800, s13;
	(pc) =	sbr.rel @p0 .LBB2_5-.Ltmp4, $4  }
0x2c: {  	[tilespmem:s13], [sflag:$0x1] =	stream.indirect_vreg.gather [hbm:s2], $0x80, v0, vm0, $0x38;
	[tilespmem:$0x10200] =	vst v63  }
0x2d: {  	s15 =	sshra.s32 s14, $0x2;
	s16 =	sadd.s32 $0x400, s13  }
0x2e: {  	[tilespmem:s16], [sflag:$0x1] =	stream.indirect_vreg.gather [hbm:s2], $0x80, v0, vm1, $0x38;
	[tilespmem:$0x10200] =	vst v63  }
0x2f: {  	s14 =	sadd.s32 $0x40, s14;
	v0 =	vld.msk [tilespmem:s15+$0x100 ss:$0x1], $0xffff  }
0x30: {  	_ =	sdelay $0x3  }
0x31: {  	vm2 =	vgt.s32 v0, $0x0  }
0x32: {  	v0 =	vnsel vm2, $0x0, v0  }
0x33: {  	v0 =	vmin.u32 v0, $0x1FFF  }
0x34: {  	v0 =	vshll.u32 v0, $0x4;
	_ =	sdelay $0x3  }
0x35: {  	s13 =	sadd.s32 $0x800, s13  }
0x36: {  	[tilespmem:s13], [sflag:$0x1] =	stream.indirect_vreg.gather [hbm:s2], $0x80, v0, vm0, $0x38;
	[tilespmem:$0x10200] =	vst v63  }
0x37: {  	s13 =	sadd.s32 $0x400, s13  }
0x38: {  	[tilespmem:s13], [sflag:$0x1] =	stream.indirect_vreg.gather [hbm:s2], $0x80, v0, vm1, $0x38;
	[tilespmem:$0x10200] =	vst v63  }
0x39: {  	s12 =	sshll.u32 s12, $0x4;
	s14 =	simm.s32 $0x80;
	_ =	swait.ge [sflag:s4], $0x8000  }
0x3a: {  	s15 =	simm.s32 $0x8600;
	s12 =	sadd.s32 s12, s7;
	[sflag:s4] =	ssyncset.done $0x0  }
0x3b: {  	s16 =	sadd.s32 $0x0, s12;
	s13 =	simm.s32 $0x8200;
	[sflag:s4] =	ssyncadd.s32 $0xFFFF8000  }
.LBB2_7:
0x3c: {  	[hbm:s16] =	stream.linear.scatter [tilespmem:s13], [sflag:$0x3], $0x400, $0x38;
	[tilespmem:$0x10200] =	vst v63  }
0x3d: {  	s16 =	smov.u32 s14;
	s13 =	smov.u32 s15;
	p0 =	sne.s32 s14, $0xF80  }
.Ltmp5:
0x3e: {  	s14 =	sadd.s32 $0x80, s14;
	(pc) =	sbr.rel @p0 .LBB2_7-.Ltmp5, $2  }
0x3f: {  	_ =	sdelay $0x2  }
0x40: {  	s15 =	sadd.s32 $0x400, s15;
	s16 =	sadd.s32 s16, s12  }
.Ltmp6:
0x41: {  	(pc) =	sbr.rel .LBB2_9-.Ltmp6, $2  }
0x42: {  	_ =	sdelay $0x2  }
0x43: {  	[hbm:s16] =	stream.linear.scatter [tilespmem:s13], [sflag:$0x3], $0x400, $0x38;
	[tilespmem:$0x10200] =	vst v63  }
.LBB2_2:
.Ltmp7:
0x44: {  	(pc) =	sbr.rel .LBB2_10-.Ltmp7, $4  }
0x45: {  	_ = 	snop  }
0x46: {  	s12 =	sshrl.u32 s11, $0x3  }
0x47: {  	s13 =	sand.u32 $0x7, s11;
	s12 =	sadd.s32 s3, s12  }
0x48: {  	[tilespmem:s9], [sflag:$0x2] =	stream.linear.gather [hbm4b:s12+s13], $0x100, $0x38;
	[tilespmem:$0x10200] =	vst v63  }
.LBB2_11:
0x49: {  	s2 =	simm.s32 $0x3  }
0x4a: {  	_ =	swait.ge [sflag:s2], $0x8000  }
0x4b: {  	[sflag:s2] =	ssyncset.done $0x0  }
0x4c: {  	[sflag:s2] =	ssyncadd.s32 $0xFFFF8000  }
0x4d: {  	_ =	sfence.sel $0x180000  }
0x4e: {  	s3 =	simm.s32 $0x2;
	[bflag:$0x0] =	sbarrier.arrive $0xFFFF  }
0x4f: {  	[sflag:s3] =	ssyncpa.u1 $0x1  }
0x50: {  	s31 =	simm.s32 $0x1;
	[sflag:s2] =	ssyncpa.u1 $0x1  }
0x51: {  	[sflag:s31] =	ssyncpa.u1 $0x1  }
0x52: {  	p0 =	sne.s32 s1, $0x0;
	_ =	strace $0x90000047  }
0x53: {  	s0 =	sadd.s32 @!p0 $0x100000, s0;
	[bflag:$0x2] =	sbarrier.arrive $0xFFFF  }
0x54: {  	[sflag:s0] =	ssyncadd.tile.s32 @!p0 $0x1;
	_ =	shalt  }
.Lfunc_end2:
_tile_overlayer_lowered:
.L_overlay_start_2:
0x55: {  	(tag) =	ssettag $0x2  }
0x56: {  	s0 =	rddreg [dreg:$0x0];
	s2 =	stileid.u32  }
0x57: {  	s1 =	rddreg [dreg:$0x1];
	p0 =	sne.s32 s2, $0x0  }
0x58: {  	s3 =	rddreg [dreg:$0x2];
	[bflag:$0x3] =	sbarrier.arrive $0xFFFF;
	s2 =	simm.s32 @!p0 $0x1C01  }
0x59: {  	[timem:s3], [sflag:s2] =	dma.local @!p0 [hbm:s0], s1  }
0x5a: {  	s0 =	simm.s32 @!p0 $0x1  }
0x5b: {  	_ =	swait.ge @!p0 [sflag:s0], s1  }
0x5c: {  	s1 =	ssub.s32 @!p0 $0x0, s1;
	[sflag:s0] =	ssyncset.done @!p0 $0x0  }
0x5d: {  	[sflag:s0] =	ssyncadd.s32 @!p0 s1  }
0x5e: {  	[bflag:$0x3] =	sbarrier.arrive $0xFFFF  }
0x5f: {  	_ =	shalt  }

// kernel: kernel.11.cloned.1.call-start
scs
__scs_entry_jumppad:
0x0: {  	(pc) =	sbr.rel $0x88, $3  }
0x1: {  	(tag) =	ssettag $0x0;
	lr =	simm.s32 $0x1  }
0x2: {  	[smem:$0x3F98] =	sst lr;
	_ =	strace $0xD0000000  }
0x3: {  	_ = 	snop  }
0x4: {  	_ = 	snop  }
0x5: {  	_ = 	snop  }
0x6: {  	_ = 	snop  }
0x7: {  	_ = 	snop  }
__scs_overlays_trampoline_lowered:
0x8: {  	[smem:$0x3FA7] =	sst s0  }
0x9: {  	[smem:$0x3FA8] =	sst s1  }
0xa: {  	[smem:$0x3FA9] =	sst s2  }
0xb: {  	[smem:$0x3FAA] =	sst s3  }
0xc: {  	[smem:$0x3FAB] =	sst s4  }
0xd: {  	[smem:$0x3FAC] =	sst s5  }
0xe: {  	[smem:$0x3FAD] =	sst s6  }
0xf: {  	[smem:$0x3FAE] =	sst s7  }
0x10: {  	[smem:$0x3FAF] =	sst s8  }
0x11: {  	[smem:$0x3FB0] =	sst s9;
	s0 =	simm.s32 @!p0 $0x0  }
0x12: {  	s1 =	sld [smem:$0x3F96];
	s0 =	simm.s32 @p0 $0x1  }
0x13: {  	[smem:$0x3FB1] =	sst s0;
	s0 =	simm.s32 @!p1 $0x0  }
0x14: {  	s2 =	sld [smem:$0x3F95];
	s0 =	simm.s32 @p1 $0x1  }
0x15: {  	[smem:$0x3FB2] =	sst s0;
	s0 =	simm.s32 @!p2 $0x0  }
0x16: {  	s3 =	sld [smem:$0x3FDB];
	s0 =	simm.s32 @p2 $0x1  }
0x17: {  	s4 =	simm.s32 $0x1BF5;
	[smem:$0x3FB4] =	sst s0  }
0x18: {  	s0 =	sld [smem:$0x3F97];
	_ =	swait.ge [sflag:s4], $0x0  }
0x19: {  	s7 =	sld [smem:$0x3F98]  }
0x1a: {  	s8 =	sadd.s32 $0xFFFFE003, lr  }
0x1b: {  	s9 =	sadd.s32 $0xFFFFFEF7, lr;
	s5 =	simm.s32 $0xFFFFFFFF;
	p2 =	slt.u32 s8, $0xFFFFF086  }
0x1c: {  	p1 =	slt.u32 s9, $0xF7A;
	s5 =	simm.s32 @!p2 $0x0  }
0x1d: {  	s5 =	simm.s32 @p1 $0x1;
	p0 =	seq.s32 s7, s2  }
0x1e: {  	s7 =	smul.u32 @!p0 $0xF7A, s2;
	p2 =	seq.s32 @!p0 s5, $0x0  }
0x1f: {  	s9 =	smul.u32 $0xF7A, s1;
	s8 =	simm.s32 @!p0 $0x1BF5;
	p2 =	por !p2, p0  }
0x20: {  	[sflag:s8] =	ssyncset.s32 @!p0 $0xFFFFF086;
	s6 =	sadd.s32 @!p0 s3, s7;
	s7 =	simm.s32 @!p0 $0x108  }
0x21: {  	s3 =	sadd.s32 s3, s9;
	s6 =	sadd.s32 @!p0 $0x88, s6;
	s7 =	simm.s32 @p2 $0x1082  }
0x22: {  	[simem:s7], [sflag:s8] =	dma.local @!p0 [hbm:s6], $0xF7A  }
0x23: {  	s9 =	sor.u32 $0xD0000000, s2;
	s6 =	simm.s32 $0x108;
	_ =	swait.ge @!p0 [sflag:s8], $0x0  }
0x24: {  	s3 =	sadd.s32 $0x88, s3;
	s6 =	simm.s32 @!p1 $0x1082;
	[sflag:s4] =	ssyncset.s32 $0xFFFFF086  }
0x25: {  	[simem:s6], [sflag:s4] =	dma.local [hbm:s3], $0xF7A  }
0x26: {  	[smem:$0x3F98] =	sst s1;
	(tag) =	ssettag s2;
	_ =	strace s9  }
0x27: {  	s1 =	sld [smem:$0x3FA8]  }
0x28: {  	s2 =	sld [smem:$0x3FA9]  }
0x29: {  	s4 =	sld [smem:$0x3FAB]  }
0x2a: {  	p0 =	seq.s32 s5, $0x0;
	s5 =	sld [smem:$0x3FAC]  }
0x2b: {  	s6 =	sld [smem:$0x3FAD]  }
0x2c: {  	s7 =	sld [smem:$0x3FAE]  }
0x2d: {  	s3 =	simm.s32 $0x108;
	s8 =	sld [smem:$0x3FAF]  }
0x2e: {  	s3 =	simm.s32 @!p0 $0x1082;
	s9 =	sld [smem:$0x3FB0]  }
0x2f: {  	lr =	sadd.s32 s0, s3;
	s0 =	sld [smem:$0x3FA7]  }
0x30: {  	s3 =	sld [smem:$0x3FAA]  }
0x31: {  	[smem:$0x3FB3] =	sst s10  }
0x32: {  	s10 =	sld [smem:$0x3FB1];
	_ =	sdelay $0x3  }
0x33: {  	p0 =	seq.s32 s10, $0x1;
	s10 =	sld [smem:$0x3FB3];
	_ =	sdelay $0x3  }
0x34: {  	[smem:$0x3FB3] =	sst s10  }
0x35: {  	s10 =	sld [smem:$0x3FB2];
	_ =	sdelay $0x3  }
0x36: {  	p1 =	seq.s32 s10, $0x1;
	s10 =	sld [smem:$0x3FB3];
	_ =	sdelay $0x3  }
0x37: {  	[smem:$0x3FB3] =	sst s10  }
0x38: {  	s10 =	sld [smem:$0x3FB4]  }
0x39: {  	_ = 	snop;
	(pc) =	sbr.ind lr, $3  }
0x3a: {  	_ = 	snop  }
0x3b: {  	_ = 	snop  }
0x3c: {  	p2 =	seq.s32 s10, $0x1;
	s10 =	sld [smem:$0x3FB3]  }
0x3d: {  	_ =	shalt  }
0x3e: {  	_ =	shalt  }
0x3f: {  	_ =	shalt  }
0x40: {  	_ =	shalt  }
0x41: {  	_ =	shalt  }
0x42: {  	_ =	shalt  }
0x43: {  	_ =	shalt  }
0x44: {  	_ =	shalt  }
0x45: {  	_ =	shalt  }
0x46: {  	_ =	shalt  }
0x47: {  	_ =	shalt  }
0x48: {  	_ =	shalt  }
0x49: {  	_ =	shalt  }
0x4a: {  	_ =	shalt  }
0x4b: {  	_ =	shalt  }
0x4c: {  	_ =	shalt  }
0x4d: {  	_ =	shalt  }
0x4e: {  	_ =	shalt  }
0x4f: {  	_ =	shalt  }
0x50: {  	_ =	shalt  }
0x51: {  	_ =	shalt  }
0x52: {  	_ =	shalt  }
0x53: {  	_ =	shalt  }
0x54: {  	_ =	shalt  }
0x55: {  	_ =	shalt  }
0x56: {  	_ =	shalt  }
0x57: {  	_ =	shalt  }
0x58: {  	_ =	shalt  }
0x59: {  	_ =	shalt  }
0x5a: {  	_ =	shalt  }
0x5b: {  	_ =	shalt  }
0x5c: {  	_ =	shalt  }
0x5d: {  	_ =	shalt  }
0x5e: {  	_ =	shalt  }
0x5f: {  	_ =	shalt  }
0x60: {  	_ =	shalt  }
0x61: {  	_ =	shalt  }
0x62: {  	_ =	shalt  }
0x63: {  	_ =	shalt  }
0x64: {  	_ =	shalt  }
0x65: {  	_ =	shalt  }
0x66: {  	_ =	shalt  }
0x67: {  	_ =	shalt  }
0x68: {  	_ =	shalt  }
0x69: {  	_ =	shalt  }
0x6a: {  	_ =	shalt  }
0x6b: {  	_ =	shalt  }
0x6c: {  	_ =	shalt  }
0x6d: {  	_ =	shalt  }
0x6e: {  	_ =	shalt  }
0x6f: {  	_ =	shalt  }
0x70: {  	_ =	shalt  }
0x71: {  	_ =	shalt  }
0x72: {  	_ =	shalt  }
0x73: {  	_ =	shalt  }
0x74: {  	_ =	shalt  }
0x75: {  	_ =	shalt  }
0x76: {  	_ =	shalt  }
0x77: {  	_ =	shalt  }
0x78: {  	_ =	shalt  }
0x79: {  	_ =	shalt  }
0x7a: {  	_ =	shalt  }
0x7b: {  	_ =	shalt  }
0x7c: {  	_ =	shalt  }
0x7d: {  	_ =	shalt  }
0x7e: {  	_ =	shalt  }
0x7f: {  	_ =	shalt  }
0x80: {  	_ =	shalt  }
0x81: {  	_ =	shalt  }
0x82: {  	_ =	shalt  }
0x83: {  	_ =	shalt  }
0x84: {  	_ =	shalt  }
0x85: {  	_ =	shalt  }
0x86: {  	_ =	shalt  }
0x87: {  	_ =	shalt  }
.Lfunc_end0:
.L_simem_size_0:
called_computation.2_lowered:
.L_overlay_start_0:
0x88: {  	s2 =	sld [smem:$0x3FD9]  }
0x89: {  	s3 =	sld [smem:$0x3FFE];
	_ =	sdelay $0x1  }
0x8a: {  	s1 =	srdreg.scid  }
0x8b: {  	s0 =	sand.u32 $0x1, s1  }
0x8c: {  	s17 =	sshll.u32 s0, $0xA;
	s2 =	sadd.s32 s3, s2  }
0x8d: {  	s2 =	sadd.s32 s2, s17  }
0x8e: {  	[smem:$0x3FBF] =	sst s2  }
0x8f: {  	_ = 	snop  }
0x90: {  	s2 =	sld [smem:$0x3FC8]  }
0x91: {  	s18 =	sld [smem:$0x3FD0];
	(tm) =	ssettm $0x1  }
0x92: {  	s4 =	sld [smem:$0x3FFB];
	_ =	sdelay $0x3  }
0x93: {  	_ =	strace s4  }
0x94: {  	s4 =	sld [smem:$0x3FFC];
	_ =	sdelay $0x3  }
0x95: {  	_ =	strace s4  }
0x96: {  	s4 =	sld [smem:$0x3FFD];
	_ =	sdelay $0x3  }
0x97: {  	_ =	strace s4  }
0x98: {  	_ =	strace $0x8FFFFFFF  }
0x99: {  	s19 =	sld [smem:$0x3FDB];
	_ =	sdelay $0x1  }
0x9a: {  	s5 =	simm.s32 $_scs_section_size  }
0x9b: {  	s6 =	simm.s32 $_size__tile_overlayer_lowered;
	s7 =	simm.s32 $_tile_overlayer_lowered  }
0x9c: {  	s22 =	simm.s32 $0x1BFF;
	s21 =	sshll.u32 s7, $0x1;
	s4 =	sadd.s32 s5, s19  }
0x9d: {  	s8 =	simm.s32 $0x0;
	s20 =	sshll.u32 s6, $0x1;
	s6 =	sadd.s32 s21, s4  }
0x9e: {  	[timem:s8], [sflag:s22] =	dma.local [hbm:s6], s20  }
0x9f: {  	_ =	swait.ge [sflag:s22], s20  }
0xa0: {  	s5 =	ssub.s32 $0x0, s20;
	[sflag:s22] =	ssyncset.done $0x0  }
0xa1: {  	[sflag:s22] =	ssyncadd.s32 s5;
	_ =	sdelay $0x1  }
0xa2: {  	s23 =	simm.s32 $0x1B8B  }
0xa3: {  	_ =	swait.ge [sflag:s23], $0x1  }
0xa4: {  	[sflag:s23] =	ssyncset.done $0x0  }
0xa5: {  	s25 =	simm.s32 $0x1B8E;
	s24 =	sld [smem:$0x3FFE];
	[sflag:s23] =	ssyncadd.s32 $0xFFFFFFFF  }
0xa6: {  	s26 =	simm.s32 $execute0_lowered;
	[smem:$0x3FD2] =	sst s25  }
0xa7: {  	s6 =	sshll.u32 s26, $0x1;
	_ =	strace $0x8000004C;
	[dreg:$0x1] =	wrdreg $0xFFFFFFFF  }
0xa8: {  	s28 =	simm.s32 $_size_execute0_lowered;
	s4 =	sadd.s32 s4, s6;
	[dreg:$0x0] =	wrdreg $0x0  }
0xa9: {  	s6 =	sshll.u32 s28, $0x1;
	[dreg:$0x2] =	wrdreg s4  }
0xaa: {  	[dreg:$0x3] =	wrdreg s6  }
0xab: {  	[dreg:$0x4] =	wrdreg $0xC0  }
0xac: {  	_ =	task [dreg:s8], $0x5FFFF  }
0xad: {  	[dreg:$0x1] =	wrdreg $0xFFFFFFFF  }
0xae: {  	[dreg:$0x0] =	wrdreg $0x60  }
0xaf: {  	[dreg:$0x2] =	wrdreg s18  }
0xb0: {  	[dreg:$0x3] =	wrdreg s24  }
0xb1: {  	[dreg:$0x4] =	wrdreg s2  }
0xb2: {  	[dreg:$0x5] =	wrdreg $0x4C000  }
0xb3: {  	[dreg:$0x6] =	wrdreg $0x9  }
0xb4: {  	_ =	task.clear_ibuf [dreg:s8], $0x7FFFF;
	_ =	strace $0x9000004C  }
0xb5: {  	s29 =	simm.s32 $0x9;
	_ =	strace $0x8000004E  }
0xb6: {  	_ =	swait.ge [sflag:s29], $0x1  }
0xb7: {  	[sflag:s29] =	ssyncadd.s32 $0xFFFFFFFF  }
0xb8: {  	_ =	strace $0x9000004E  }
0xb9: {  	_ =	sfence  }
0xba: {  	s30 =	sld [smem:$0x0];
	_ =	sdelay $0x2  }
0xbb: {  	s31 =	sshll.u32 s1, $0xD;
	s1 =	sshrl.u32 s1, $0x2  }
0xbc: {  	s3 =	sand.u32 $0x4000, s31;
	s1 =	sadd.s32 s1, s30  }
0xbd: {  	s0 =	sor.u32 s3, s0;
	s1 =	sshll.u32 s1, $0x11  }
0xbe: {  	s0 =	sor.u32 s1, s0  }
0xbf: {  	s0 =	sadd.s32 $0x8F2B, s0  }
0xc0: {  	[sflag:s0] =	ssyncadd.remote.s32 $0x1  }
0xc1: {  	_ =	sfence.sel $0xFFFF  }
0xc2: {  	[dreg:$0x0] =	wrdreg $0xFFFFFFFF;
	(pc) =	sbr.abs _section_cstart, $3  }
0xc3: {  	[dreg:$0x1] =	wrdreg $0xFFFFFFFF  }
0xc4: {  	_ =	task.clear_ibuf [dreg:s8], $0x2FFFF;
	_ =	strace $0x9FFFFFFF  }
0xc5: {  	(tm) =	ssettm $0x7FFFFFFF  }
tec
execute0_lowered:
.L_overlay_start_1:
0x0: {  	(tag) =	ssettag $0x1  }
0x1: {  	s1 =	rddreg [dreg:$0x0]  }
0x2: {  	s9 =	rddreg [dreg:$0x1]  }
0x3: {  	s2 =	rddreg [dreg:$0x2]  }
0x4: {  	s3 =	rddreg [dreg:$0x3]  }
0x5: {  	s0 =	rddreg [dreg:$0x4];
	s5 =	simm.s32 $0x0;
	s6 =	srdreg.scid  }
0x6: {  	s4 =	stileid.u32;
	s15 =	simm.s32 $0x400;
	s16 =	simm.s32 $0x80  }
0x7: {  	s17 =	simm.s32 $0xC00;
	s18 =	simm.s32 $0x1;
	s19 =	simm.s32 $0x2C00  }
0x8: {  	[smem:$0x7FF] =	sst s5;
	s10 =	sand.u32 $0x1, s6;
	s11 =	sshll.u32 s4, $0x10  }
0x9: {  	s6 =	sadd.s32 $0x75800, s9;
	s7 =	sadd.s32 $0x25800, s9;
	s31 =	sshll.u32 s4, $0x6  }
0xa: {  	_ =	strace $0x8000004D;
	s8 =	sshll.u32 s10, $0x14;
	s13 =	ssub.s32 $0x2, s10  }
0xb: {  	s10 =	sshll.u32 s10, $0x4;
	s14 =	sadd.s32 s11, s3;
	s12 =	sor.u32 s11, s8  }
0xc: {  	s8 =	sadd.s32 $0x5400, s9;
	s30 =	sshrl.u32 s13, $0x1;
	s12 =	sshrl.u32 s12, $0x3  }
0xd: {  	s10 =	sor.u32 s4, s10;
	s13 =	ssub.s32 s13, s30;
	s12 =	sadd.s32 s12, s9  }
0xe: {  	s10 =	smul.u32 $0x14000, s10;
	s9 =	sor.u32 $0x1C02, s31;
	s11 =	sadd.s32 $0x145800, s12  }
0xf: {  	s12 =	smax.u32 s13, $0x1;
	s13 =	sshrl.u32 s14, $0x3;
	s14 =	simm.s32 $0x2  }
.LBB2_1:
0x10: {  	[spmem:s13], [sflag:s9] =	dma.local [hbm:s8], $0x2000  }
0x11: {  	_ =	swait.ge [sflag:s14], $0x2000  }
0x12: {  	[sflag:s14] =	ssyncset.done $0x0  }
0x13: {  	[sflag:s14] =	ssyncadd.s32 $0xFFFFE000  }
0x14: {  	s20 =	simm.s32 $0x0;
	[bflag:$0x0] =	sbarrier.arrive $0xFFFF  }
.LBB2_2:
0x15: {  	s21 =	sshll.u32 s20, $0xA  }
0x16: {  	s21 =	sadd.s32 s10, s21  }
0x17: {  	s22 =	sshrl.u32 s21, $0x3  }
0x18: {  	s21 =	simm.s32 $0x0;
	s23 =	sadd.s32 s6, s22  }
0x19: {  	[tilespmem:s21], [sflag:$0x2] =	stream.linear.gather [hbm4b:s23+s21], $0x400, $0x38;
	[tilespmem:$0x14C00] =	vst v63  }
0x1a: {  	_ =	swait.ge [sflag:s14], $0x400  }
0x1b: {  	[sflag:s14] =	ssyncset.done $0x0  }
0x1c: {  	s30 =	sadd.s32 s7, s22;
	[sflag:s14] =	ssyncadd.s32 $0xFFFFFC00  }
0x1d: {  	[tilespmem:s15], [sflag:$0x2] =	stream.linear.gather [hbm4b:s30+s21], $0x400, $0x38;
	[tilespmem:$0x14C00] =	vst v63  }
0x1e: {  	_ =	swait.ge [sflag:s14], $0x400  }
0x1f: {  	[sflag:s14] =	ssyncset.done $0x0  }
0x20: {  	s31 =	sadd.s32 s2, s22;
	s22 =	simm.s32 $0x800;
	[sflag:s14] =	ssyncadd.s32 $0xFFFFFC00  }
0x21: {  	[tilespmem:s22], [sflag:$0x2] =	stream.linear.gather [hbm4b:s31+s21], $0x400, $0x38;
	[tilespmem:$0x14C00] =	vst v63  }
0x22: {  	_ =	swait.ge [sflag:s14], $0x400  }
0x23: {  	[sflag:s14] =	ssyncset.done $0x0  }
0x24: {  	[sflag:s14] =	ssyncadd.s32 $0xFFFFFC00  }
.LBB2_3:
0x25: {  	s23 =	sshll.u32 s21, $0x7  }
0x26: {  	[tilespmem:s17], [sflag:$0x1] =	stream.indirect.gather [hbm4b:s1+s16], $0x40, s23, s16, $0xb8;
	[tilespmem:$0x14C00] =	vst v63  }
0x27: {  	_ =	swait.ge [sflag:s18], $0x2000  }
0x28: {  	[sflag:s18] =	ssyncset.done $0x0  }
0x29: {  	s24 =	simm.s32 $0x0;
	[sflag:s18] =	ssyncadd.s32 $0xFFFFE000  }
0x2a: {  	v24 =	vld [tilespmem:s24+$0xC00]  }
0x2b: {  	v25 =	vld [tilespmem:s24+$0xC10]  }
0x2c: {  	v23 =	vld [tilespmem:s24+$0xC20]  }
0x2d: {  	v22 =	vld [tilespmem:s24+$0xC30]  }
0x2e: {  	v20 =	vld [tilespmem:s24+$0xC40]  }
0x2f: {  	v21 =	vld [tilespmem:s24+$0xC50]  }
0x30: {  	v19 =	vld [tilespmem:s24+$0xC60]  }
0x31: {  	v18 =	vld [tilespmem:s24+$0xC70]  }
0x32: {  	v16 =	vld [tilespmem:s24+$0xC80]  }
0x33: {  	v17 =	vld [tilespmem:s24+$0xC90]  }
0x34: {  	v15 =	vld [tilespmem:s24+$0xCA0]  }
0x35: {  	v14 =	vld [tilespmem:s24+$0xCB0]  }
0x36: {  	v12 =	vld [tilespmem:s24+$0xCC0]  }
0x37: {  	v13 =	vld [tilespmem:s24+$0xCD0]  }
0x38: {  	v10 =	vld [tilespmem:s24+$0xCE0]  }
0x39: {  	v11 =	vld [tilespmem:s24+$0xCF0]  }
0x3a: {  	v8 =	vld [tilespmem:s24+$0xD00]  }
0x3b: {  	v9 =	vld [tilespmem:s24+$0xD10]  }
0x3c: {  	v7 =	vld [tilespmem:s24+$0xD20]  }
0x3d: {  	v6 =	vld [tilespmem:s24+$0xD30]  }
0x3e: {  	v4 =	vld [tilespmem:s24+$0xD40]  }
0x3f: {  	v5 =	vld [tilespmem:s24+$0xD50]  }
0x40: {  	v3 =	vld [tilespmem:s24+$0xD60]  }
0x41: {  	v2 =	vld [tilespmem:s24+$0xD70]  }
0x42: {  	v1 =	vld [tilespmem:s24+$0xD80]  }
0x43: {  	s25 =	simm.s32 $0x1000;
	s26 =	smov.u32 s22;
	v0 =	vld [tilespmem:s22+$0x0]  }
.LBB2_4:
0x44: {  	p0 =	sne.s32 s25, $0x7000;
	v26 =	vld [tilespmem:s24+$0xD90]  }
0x45: {  	v27 =	vld [tilespmem:s24+$0xDA0]  }
0x46: {  	v28 =	vld [tilespmem:s24+$0xDB0]  }
0x47: {  	v29 =	vld [tilespmem:s24+$0xDC0]  }
0x48: {  	v30 =	vbroadcast v0, $0x0;
	v31 =	vbroadcast v0, $0x1;
	v32 =	vld [tilespmem:s24+$0xDD0]  }
0x49: {  	v33 =	vbroadcast v0, $0x2;
	v34 =	vbroadcast v0, $0x3;
	v35 =	vld [tilespmem:s24+$0xDE0]  }
0x4a: {  	v24 =	vmul.f32 v30, v24;
	v25 =	vmul.f32 v25, v30;
	v36 =	vld [tilespmem:s24+$0xDF0]  }
0x4b: {  	v23 =	vmul.f32 v23, v30;
	v22 =	vmul.f32 v22, v30;
	v30 =	vld [tilespmem:s24+$0xE00]  }
0x4c: {  	v20 =	vmul.f32 v20, v31;
	v21 =	vmul.f32 v21, v31;
	[tilespmem:s24+$0x2C00] =	vst v24;
	v24 =	vld [tilespmem:s24+$0xE10]  }
0x4d: {  	v19 =	vmul.f32 v19, v31;
	v18 =	vmul.f32 v18, v31;
	[tilespmem:s24+$0x2C10] =	vst v25;
	v25 =	vld [tilespmem:s24+$0xE20]  }
0x4e: {  	v16 =	vmul.f32 v16, v33;
	v17 =	vmul.f32 v17, v33;
	[tilespmem:s24+$0x2C20] =	vst v23;
	v23 =	vld [tilespmem:s24+$0xE30]  }
0x4f: {  	v15 =	vmul.f32 v15, v33;
	v14 =	vmul.f32 v14, v33;
	[tilespmem:s24+$0x2C30] =	vst v22;
	v22 =	vld [tilespmem:s24+$0xE40]  }
0x50: {  	v12 =	vmul.f32 v12, v34;
	v13 =	vmul.f32 v13, v34;
	[tilespmem:s24+$0x2C40] =	vst v20;
	v20 =	vld [tilespmem:s24+$0xE50]  }
0x51: {  	v10 =	vmul.f32 v10, v34;
	v11 =	vmul.f32 v11, v34;
	[tilespmem:s24+$0x2C50] =	vst v21;
	v21 =	vld [tilespmem:s24+$0xE60]  }
0x52: {  	v31 =	vbroadcast v0, $0x5;
	[tilespmem:s24+$0x2C60] =	vst v19;
	v19 =	vbroadcast v0, $0x4;
	v33 =	vld [tilespmem:s24+$0xE70]  }
0x53: {  	v34 =	vbroadcast v0, $0x7;
	[tilespmem:s24+$0x2C70] =	vst v18;
	v18 =	vbroadcast v0, $0x6;
	v37 =	vld [tilespmem:s24+$0xE80]  }
0x54: {  	[tilespmem:s24+$0x2C80] =	vst v16;
	v8 =	vmul.f32 v8, v19;
	v9 =	vmul.f32 v9, v19;
	v16 =	vld [tilespmem:s24+$0xE90]  }
0x55: {  	v7 =	vmul.f32 v7, v19;
	v6 =	vmul.f32 v6, v19;
	[tilespmem:s24+$0x2C90] =	vst v17;
	v17 =	vld [tilespmem:s24+$0xEA0]  }
0x56: {  	v4 =	vmul.f32 v4, v31;
	v5 =	vmul.f32 v5, v31;
	[tilespmem:s24+$0x2CA0] =	vst v15;
	v15 =	vld [tilespmem:s24+$0xEB0]  }
0x57: {  	v3 =	vmul.f32 v3, v31;
	v2 =	vmul.f32 v2, v31;
	[tilespmem:s24+$0x2CB0] =	vst v14;
	v14 =	vld [tilespmem:s24+$0xEC0]  }
0x58: {  	v1 =	vmul.f32 v1, v18;
	[tilespmem:s24+$0x2CC0] =	vst v12;
	v12 =	vmul.f32 v26, v18;
	v19 =	vld [tilespmem:s24+$0xED0]  }
0x59: {  	[tilespmem:s24+$0x2CD0] =	vst v13;
	v13 =	vmul.f32 v27, v18;
	v18 =	vmul.f32 v28, v18;
	v26 =	vld [tilespmem:s24+$0xEE0]  }
0x5a: {  	v27 =	vmul.f32 v32, v34;
	[tilespmem:s24+$0x2CE0] =	vst v10;
	v10 =	vmul.f32 v29, v34;
	v28 =	vld [tilespmem:s24+$0xEF0]  }
0x5b: {  	v29 =	vmul.f32 v36, v34;
	[tilespmem:s24+$0x2CF0] =	vst v11;
	v11 =	vmul.f32 v35, v34;
	v31 =	vld [tilespmem:s24+$0xF00]  }
0x5c: {  	v32 =	vbroadcast v0, $0x9;
	[tilespmem:s24+$0x2D00] =	vst v8;
	v8 =	vbroadcast v0, $0x8;
	v34 =	vld [tilespmem:s24+$0xF10]  }
0x5d: {  	v35 =	vbroadcast v0, $0xB;
	[tilespmem:s24+$0x2D10] =	vst v9;
	v9 =	vbroadcast v0, $0xA;
	v36 =	vld [tilespmem:s24+$0xF20]  }
0x5e: {  	[tilespmem:s24+$0x2D20] =	vst v7;
	v7 =	vmul.f32 v30, v8;
	v24 =	vmul.f32 v24, v8;
	v30 =	vld [tilespmem:s24+$0xF30]  }
0x5f: {  	[tilespmem:s24+$0x2D30] =	vst v6;
	v6 =	vmul.f32 v25, v8;
	v8 =	vmul.f32 v23, v8;
	v23 =	vld [tilespmem:s24+$0xF40]  }
0x60: {  	v20 =	vmul.f32 v20, v32;
	[tilespmem:s24+$0x2D40] =	vst v4;
	v4 =	vmul.f32 v22, v32;
	v22 =	vld [tilespmem:s24+$0xF50]  }
0x61: {  	[tilespmem:s24+$0x2D50] =	vst v5;
	v5 =	vmul.f32 v21, v32;
	v21 =	vmul.f32 v33, v32;
	v25 =	vld [tilespmem:s24+$0xF60]  }
0x62: {  	v16 =	vmul.f32 v16, v9;
	[tilespmem:s24+$0x2D60] =	vst v3;
	v3 =	vmul.f32 v37, v9;
	v32 =	vld [tilespmem:s24+$0xF70]  }
0x63: {  	[tilespmem:s24+$0x2D70] =	vst v2;
	v2 =	vmul.f32 v17, v9;
	v9 =	vmul.f32 v15, v9;
	v15 =	vld [tilespmem:s24+$0xF80]  }
0x64: {  	[tilespmem:s24+$0x2D80] =	vst v1;
	v1 =	vmul.f32 v14, v35;
	v14 =	vmul.f32 v19, v35;
	v17 =	vld [tilespmem:s24+$0xF90]  }
0x65: {  	[tilespmem:s24+$0x2D90] =	vst v12;
	v12 =	vmul.f32 v26, v35;
	v26 =	vmul.f32 v28, v35;
	v19 =	vld [tilespmem:s24+$0xFA0]  }
0x66: {  	v28 =	vbroadcast v0, $0xD;
	[tilespmem:s24+$0x2DA0] =	vst v13;
	v13 =	vbroadcast v0, $0xC;
	v33 =	vld [tilespmem:s24+$0xFB0]  }
0x67: {  	[tilespmem:s24+$0x2DB0] =	vst v18;
	v18 =	vbroadcast v0, $0xE;
	v35 =	vld [tilespmem:s24+$0xFC0];
	v0 =	vbroadcast v0, $0xF  }
0x68: {  	[tilespmem:s24+$0x2DC0] =	vst v10;
	v10 =	vmul.f32 v31, v13;
	v31 =	vmul.f32 v34, v13;
	v34 =	vld [tilespmem:s24+$0xFD0]  }
0x69: {  	[tilespmem:s24+$0x2DD0] =	vst v27;
	v27 =	vmul.f32 v36, v13;
	v13 =	vmul.f32 v30, v13;
	v30 =	vld [tilespmem:s24+$0xFE0]  }
0x6a: {  	v36 =	vmul.f32 v22, v28;
	[tilespmem:s24+$0x2DE0] =	vst v11;
	v11 =	vmul.f32 v23, v28;
	v22 =	vld [tilespmem:s24+$0xFF0]  }
0x6b: {  	[tilespmem:s24+$0x2DF0] =	vst v29;
	v29 =	vmul.f32 v25, v28;
	v28 =	vmul.f32 v32, v28  }
0x6c: {  	v32 =	vmul.f32 v17, v18;
	[tilespmem:s24+$0x2E00] =	vst v7;
	v7 =	vmul.f32 v15, v18  }
0x6d: {  	v37 =	vmul.f32 v19, v18;
	v33 =	vmul.f32 v33, v18;
	[tilespmem:s24+$0x2E10] =	vst v24  }
0x6e: {  	v35 =	vmul.f32 v35, v0;
	v34 =	vmul.f32 v34, v0;
	[tilespmem:s24+$0x2E20] =	vst v6  }
0x6f: {  	v30 =	vmul.f32 v30, v0;
	[tilespmem:s24+$0x2E30] =	vst v8;
	v0 =	vmul.f32 v22, v0  }
0x70: {  	[tilespmem:s24+$0x2E40] =	vst v4  }
0x71: {  	[tilespmem:s24+$0x2E50] =	vst v20  }
0x72: {  	s28 =	sshra.s32 s25, $0x2;
	[tilespmem:s24+$0x2E60] =	vst v5  }
0x73: {  	v24 =	vld [tilespmem:s28+$0xC00];
	[tilespmem:s24+$0x2E70] =	vst v21  }
0x74: {  	v25 =	vld [tilespmem:s28+$0xC10];
	[tilespmem:s24+$0x2E80] =	vst v3  }
0x75: {  	v23 =	vld [tilespmem:s28+$0xC20];
	[tilespmem:s24+$0x2E90] =	vst v16  }
0x76: {  	v22 =	vld [tilespmem:s28+$0xC30];
	[tilespmem:s24+$0x2EA0] =	vst v2  }
0x77: {  	v20 =	vld [tilespmem:s28+$0xC40];
	[tilespmem:s24+$0x2EB0] =	vst v9  }
0x78: {  	v21 =	vld [tilespmem:s28+$0xC50];
	[tilespmem:s24+$0x2EC0] =	vst v1  }
0x79: {  	v19 =	vld [tilespmem:s28+$0xC60];
	[tilespmem:s24+$0x2ED0] =	vst v14  }
0x7a: {  	v18 =	vld [tilespmem:s28+$0xC70];
	[tilespmem:s24+$0x2EE0] =	vst v12  }
0x7b: {  	v16 =	vld [tilespmem:s28+$0xC80];
	[tilespmem:s24+$0x2EF0] =	vst v26  }
0x7c: {  	v17 =	vld [tilespmem:s28+$0xC90];
	[tilespmem:s24+$0x2F00] =	vst v10  }
0x7d: {  	v15 =	vld [tilespmem:s28+$0xCA0];
	[tilespmem:s24+$0x2F10] =	vst v31  }
0x7e: {  	v14 =	vld [tilespmem:s28+$0xCB0];
	[tilespmem:s24+$0x2F20] =	vst v27  }
0x7f: {  	v12 =	vld [tilespmem:s28+$0xCC0];
	[tilespmem:s24+$0x2F30] =	vst v13  }
0x80: {  	v13 =	vld [tilespmem:s28+$0xCD0];
	[tilespmem:s24+$0x2F40] =	vst v11  }
0x81: {  	v10 =	vld [tilespmem:s28+$0xCE0];
	[tilespmem:s24+$0x2F50] =	vst v36  }
0x82: {  	v11 =	vld [tilespmem:s28+$0xCF0];
	[tilespmem:s24+$0x2F60] =	vst v29  }
0x83: {  	v8 =	vld [tilespmem:s28+$0xD00];
	[tilespmem:s24+$0x2F70] =	vst v28  }
0x84: {  	v9 =	vld [tilespmem:s28+$0xD10];
	[tilespmem:s24+$0x2F80] =	vst v7  }
0x85: {  	v7 =	vld [tilespmem:s28+$0xD20];
	[tilespmem:s24+$0x2F90] =	vst v32  }
0x86: {  	v6 =	vld [tilespmem:s28+$0xD30];
	[tilespmem:s24+$0x2FA0] =	vst v37  }
0x87: {  	v4 =	vld [tilespmem:s28+$0xD40];
	[tilespmem:s24+$0x2FB0] =	vst v33  }
.Ltmp0:
0x88: {  	v5 =	vld [tilespmem:s28+$0xD50];
	[tilespmem:s24+$0x2FC0] =	vst v35;
	(pc) =	sbr.rel @p0 .LBB2_4-.Ltmp0, $4  }
0x89: {  	v3 =	vld [tilespmem:s28+$0xD60];
	[tilespmem:s24+$0x2FD0] =	vst v34  }
0x8a: {  	v2 =	vld [tilespmem:s28+$0xD70];
	[tilespmem:s24+$0x2FE0] =	vst v30  }
0x8b: {  	s26 =	sadd.s32 $0x10, s26;
	v1 =	vld [tilespmem:s28+$0xD80];
	[tilespmem:s24+$0x2FF0] =	vst v0;
	s24 =	smov.u32 s28  }
0x8c: {  	s25 =	sadd.s32 $0x1000, s25;
	v0 =	vld [tilespmem:s26+$0x0]  }
0x8d: {  	_ =	sdelay $0x3  }
0x8e: {  	v30 =	vbroadcast v0, $0x0;
	_ =	sdelay $0x1  }
0x8f: {  	v24 =	vmul.f32 v30, v24  }
0x90: {  	v25 =	vmul.f32 v25, v30  }
0x91: {  	v35 =	vbroadcast v0, $0x1;
	v23 =	vmul.f32 v23, v30;
	[tilespmem:s24+$0x2C00] =	vst v24  }
0x92: {  	v22 =	vmul.f32 v22, v30;
	[tilespmem:s24+$0x2C10] =	vst v25  }
0x93: {  	v20 =	vmul.f32 v20, v35;
	[tilespmem:s24+$0x2C20] =	vst v23  }
0x94: {  	v21 =	vmul.f32 v21, v35;
	[tilespmem:s24+$0x2C30] =	vst v22  }
0x95: {  	v53 =	vbroadcast v0, $0x2;
	v19 =	vmul.f32 v19, v35;
	[tilespmem:s24+$0x2C40] =	vst v20  }
0x96: {  	v18 =	vmul.f32 v18, v35;
	[tilespmem:s24+$0x2C50] =	vst v21  }
0x97: {  	v16 =	vmul.f32 v16, v53;
	[tilespmem:s24+$0x2C60] =	vst v19  }
0x98: {  	v17 =	vmul.f32 v17, v53;
	[tilespmem:s24+$0x2C70] =	vst v18  }
0x99: {  	v54 =	vbroadcast v0, $0x3;
	v15 =	vmul.f32 v15, v53;
	[tilespmem:s24+$0x2C80] =	vst v16  }
0x9a: {  	v14 =	vmul.f32 v14, v53;
	[tilespmem:s24+$0x2C90] =	vst v17  }
0x9b: {  	v12 =	vmul.f32 v12, v54;
	[tilespmem:s24+$0x2CA0] =	vst v15  }
0x9c: {  	v13 =	vmul.f32 v13, v54;
	[tilespmem:s24+$0x2CB0] =	vst v14  }
0x9d: {  	v55 =	vbroadcast v0, $0x4;
	v10 =	vmul.f32 v10, v54;
	[tilespmem:s24+$0x2CC0] =	vst v12  }
0x9e: {  	v11 =	vmul.f32 v11, v54;
	[tilespmem:s24+$0x2CD0] =	vst v13  }
0x9f: {  	v8 =	vmul.f32 v8, v55;
	[tilespmem:s24+$0x2CE0] =	vst v10  }
0xa0: {  	v9 =	vmul.f32 v9, v55;
	[tilespmem:s24+$0x2CF0] =	vst v11  }
0xa1: {  	v60 =	vbroadcast v0, $0x5;
	v7 =	vmul.f32 v7, v55;
	[tilespmem:s24+$0x2D00] =	vst v8  }
0xa2: {  	v6 =	vmul.f32 v6, v55;
	[tilespmem:s24+$0x2D10] =	vst v9  }
0xa3: {  	v26 =	vld [tilespmem:s24+$0xD90];
	v4 =	vmul.f32 v4, v60;
	[tilespmem:s24+$0x2D20] =	vst v7  }
0xa4: {  	v27 =	vld [tilespmem:s24+$0xDA0];
	v5 =	vmul.f32 v5, v60;
	[tilespmem:s24+$0x2D30] =	vst v6  }
0xa5: {  	v28 =	vld [tilespmem:s24+$0xDB0];
	v37 =	vbroadcast v0, $0x6;
	v3 =	vmul.f32 v3, v60;
	[tilespmem:s24+$0x2D40] =	vst v4  }
0xa6: {  	v29 =	vld [tilespmem:s24+$0xDC0];
	v2 =	vmul.f32 v2, v60;
	[tilespmem:s24+$0x2D50] =	vst v5  }
0xa7: {  	v31 =	vld [tilespmem:s24+$0xDD0];
	v1 =	vmul.f32 v1, v37;
	[tilespmem:s24+$0x2D60] =	vst v3  }
0xa8: {  	v32 =	vld [tilespmem:s24+$0xDE0];
	v26 =	vmul.f32 v26, v37;
	[tilespmem:s24+$0x2D70] =	vst v2  }
0xa9: {  	v33 =	vld [tilespmem:s24+$0xDF0];
	v42 =	vbroadcast v0, $0x7;
	v27 =	vmul.f32 v27, v37;
	[tilespmem:s24+$0x2D80] =	vst v1  }
0xaa: {  	v34 =	vld [tilespmem:s24+$0xE00];
	v28 =	vmul.f32 v28, v37;
	[tilespmem:s24+$0x2D90] =	vst v26  }
0xab: {  	v52 =	vld [tilespmem:s24+$0xE10];
	v29 =	vmul.f32 v29, v42;
	[tilespmem:s24+$0x2DA0] =	vst v27  }
0xac: {  	v56 =	vld [tilespmem:s24+$0xEF0];
	v45 =	vmul.f32 v31, v42;
	[tilespmem:s24+$0x2DB0] =	vst v28  }
0xad: {  	v57 =	vld [tilespmem:s24+$0xF00];
	v48 =	vbroadcast v0, $0x8;
	v47 =	vmul.f32 v32, v42;
	[tilespmem:s24+$0x2DC0] =	vst v29  }
0xae: {  	v58 =	vld [tilespmem:s24+$0xF10];
	v33 =	vmul.f32 v33, v42;
	[tilespmem:s24+$0x2DD0] =	vst v45  }
0xaf: {  	v59 =	vld [tilespmem:s24+$0xF20];
	v50 =	vmul.f32 v34, v48;
	v54 =	vbroadcast v0, $0xB;
	[tilespmem:s24+$0x2DE0] =	vst v47  }
0xb0: {  	v61 =	vld [tilespmem:s24+$0xF30];
	v55 =	vbroadcast v0, $0xC;
	v24 =	vmul.f32 v52, v48;
	[tilespmem:s24+$0x2DF0] =	vst v33  }
0xb1: {  	v62 =	vld [tilespmem:s24+$0xF40];
	[tilespmem:s24+$0x2E00] =	vst v50;
	v10 =	vmul.f32 v56, v54  }
0xb2: {  	v63 =	vld [tilespmem:s24+$0xF50];
	v11 =	vmul.f32 v57, v55;
	[tilespmem:s24+$0x2E10] =	vst v24  }
0xb3: {  	v36 =	vld [tilespmem:s24+$0xF60];
	v8 =	vmul.f32 v58, v55;
	[tilespmem:s24+$0x2EF0] =	vst v10  }
0xb4: {  	v38 =	vld [tilespmem:s24+$0xF70];
	v56 =	vbroadcast v0, $0xD;
	v9 =	vmul.f32 v59, v55;
	[tilespmem:s24+$0x2F00] =	vst v11  }
0xb5: {  	v39 =	vld [tilespmem:s24+$0xF80];
	v7 =	vmul.f32 v61, v55;
	[tilespmem:s24+$0x2F10] =	vst v8  }
0xb6: {  	v40 =	vld [tilespmem:s24+$0xF90];
	v6 =	vmul.f32 v62, v56;
	[tilespmem:s24+$0x2F20] =	vst v9  }
0xb7: {  	v41 =	vld [tilespmem:s24+$0xFA0];
	v4 =	vmul.f32 v63, v56;
	[tilespmem:s24+$0x2F30] =	vst v7  }
0xb8: {  	v43 =	vld [tilespmem:s24+$0xFB0];
	v57 =	vbroadcast v0, $0xE;
	v5 =	vmul.f32 v36, v56;
	[tilespmem:s24+$0x2F40] =	vst v6  }
0xb9: {  	v44 =	vld [tilespmem:s24+$0xFC0];
	v3 =	vmul.f32 v38, v56;
	[tilespmem:s24+$0x2F50] =	vst v4  }
0xba: {  	v46 =	vld [tilespmem:s24+$0xFD0];
	v2 =	vmul.f32 v39, v57;
	[tilespmem:s24+$0x2F60] =	vst v5  }
0xbb: {  	v49 =	vld [tilespmem:s24+$0xFE0];
	v1 =	vmul.f32 v40, v57;
	[tilespmem:s24+$0x2F70] =	vst v3  }
0xbc: {  	v51 =	vld [tilespmem:s24+$0xFF0];
	v58 =	vbroadcast v0, $0xF;
	v59 =	vmul.f32 v41, v57;
	[tilespmem:s24+$0x2F80] =	vst v2  }
0xbd: {  	v25 =	vld [tilespmem:s24+$0xE20];
	v60 =	vmul.f32 v43, v57;
	[tilespmem:s24+$0x2F90] =	vst v1  }
0xbe: {  	v23 =	vld [tilespmem:s24+$0xE30];
	v61 =	vmul.f32 v44, v58;
	[tilespmem:s24+$0x2FA0] =	vst v59  }
0xbf: {  	v22 =	vld [tilespmem:s24+$0xE40];
	v62 =	vmul.f32 v46, v58;
	[tilespmem:s24+$0x2FB0] =	vst v60  }
0xc0: {  	v53 =	vbroadcast v0, $0xA;
	v20 =	vld [tilespmem:s24+$0xE50];
	v63 =	vmul.f32 v49, v58;
	[tilespmem:s24+$0x2FC0] =	vst v61  }
0xc1: {  	v21 =	vld [tilespmem:s24+$0xE60];
	v52 =	vbroadcast v0, $0x9;
	v0 =	vmul.f32 v51, v58;
	[tilespmem:s24+$0x2FD0] =	vst v62  }
0xc2: {  	v19 =	vld [tilespmem:s24+$0xE70];
	[tilespmem:s24+$0x2FE0] =	vst v63;
	v25 =	vmul.f32 v25, v48  }
0xc3: {  	v18 =	vld [tilespmem:s24+$0xE80];
	[tilespmem:s24+$0x2FF0] =	vst v0;
	v23 =	vmul.f32 v23, v48  }
0xc4: {  	v16 =	vld [tilespmem:s24+$0xE90];
	v22 =	vmul.f32 v22, v52;
	[tilespmem:s24+$0x2E20] =	vst v25  }
0xc5: {  	v17 =	vld [tilespmem:s24+$0xEA0];
	v20 =	vmul.f32 v20, v52;
	[tilespmem:s24+$0x2E30] =	vst v23  }
0xc6: {  	v15 =	vld [tilespmem:s24+$0xEB0];
	v21 =	vmul.f32 v21, v52;
	[tilespmem:s24+$0x2E40] =	vst v22  }
0xc7: {  	v14 =	vld [tilespmem:s24+$0xEC0];
	v19 =	vmul.f32 v19, v52;
	[tilespmem:s24+$0x2E50] =	vst v20  }
0xc8: {  	v12 =	vld [tilespmem:s24+$0xED0];
	v18 =	vmul.f32 v18, v53;
	[tilespmem:s24+$0x2E60] =	vst v21  }
0xc9: {  	v13 =	vld [tilespmem:s24+$0xEE0];
	v16 =	vmul.f32 v16, v53;
	[tilespmem:s24+$0x2E70] =	vst v19  }
0xca: {  	v17 =	vmul.f32 v17, v53;
	[tilespmem:s24+$0x2E80] =	vst v18  }
0xcb: {  	v15 =	vmul.f32 v15, v53;
	[tilespmem:s24+$0x2E90] =	vst v16  }
0xcc: {  	v14 =	vmul.f32 v14, v54;
	[tilespmem:s24+$0x2EA0] =	vst v17  }
0xcd: {  	v12 =	vmul.f32 v12, v54;
	[tilespmem:s24+$0x2EB0] =	vst v15  }
0xce: {  	s21 =	sadd.s32 $0x1, s21;
	v13 =	vmul.f32 v13, v54;
	[tilespmem:s24+$0x2EC0] =	vst v14  }
0xcf: {  	p0 =	sne.s32 s21, $0x8;
	[tilespmem:s24+$0x2ED0] =	vst v12  }
.Ltmp1:
0xd0: {  	s23 =	sadd.s32 $0x400, s23;
	[tilespmem:s24+$0x2EE0] =	vst v13;
	(pc) =	sbr.rel @p0 .LBB2_3-.Ltmp1, $4  }
0xd1: {  	[spmem:s3] =	stream.indirect.scatter.add.f32 [tilespmem:s19], [sflag:$0x2], $0x40, s23, s16, $0xb8;
	[tilespmem:$0x14C00] =	vst v63  }
0xd2: {  	_ =	swait.ge [sflag:s14], $0x2000  }
0xd3: {  	[sflag:s14] =	ssyncset.done $0x0  }
0xd4: {  	s22 =	sadd.s32 $0x80, s22;
	[sflag:s14] =	ssyncadd.s32 $0xFFFFE000  }
0xd5: {  	s20 =	sadd.s32 $0x1, s20  }
0xd6: {  	p0 =	sne.s32 s20, $0x50  }
.Ltmp2:
0xd7: {  	_ = 	snop;
	(pc) =	sbr.rel @p0 .LBB2_2-.Ltmp2, $1  }
0xd8: {  	_ =	sdelay $0x3  }
0xd9: {  	s5 =	sadd.s32 $0x1, s5  }
0xda: {  	p0 =	sne.s32 s5, s12  }
.Ltmp3:
0xdb: {  	[bflag:$0x0] =	sbarrier.arrive $0xFFFF;
	(pc) =	sbr.rel @p0 .LBB2_1-.Ltmp3, $4  }
0xdc: {  	[hbm:s11], [sflag:s9] =	dma.local [spmem:s13], $0x2000  }
0xdd: {  	_ =	swait.ge [sflag:s14], $0x2000  }
0xde: {  	[sflag:s14] =	ssyncset.done $0x0  }
0xdf: {  	[sflag:s14] =	ssyncadd.s32 $0xFFFFE000  }
0xe0: {  	_ =	sfence.sel $0x180000  }
0xe1: {  	[bflag:$0x0] =	sbarrier.arrive $0xFFFF  }
0xe2: {  	p0 =	sne.s32 s4, $0x0;
	_ =	strace $0x9000004D  }
0xe3: {  	s0 =	sadd.s32 @!p0 $0x100000, s0;
	[bflag:$0x2] =	sbarrier.arrive $0xFFFF  }
0xe4: {  	[sflag:s0] =	ssyncadd.tile.s32 @!p0 $0x1;
	_ =	shalt  }
.Lfunc_end2:
_tile_overlayer_lowered:
.L_overlay_start_2:
0xe5: {  	(tag) =	ssettag $0x2  }
0xe6: {  	s0 =	rddreg [dreg:$0x0];
	s2 =	stileid.u32  }
0xe7: {  	s1 =	rddreg [dreg:$0x1];
	p0 =	sne.s32 s2, $0x0  }
0xe8: {  	s3 =	rddreg [dreg:$0x2];
	[bflag:$0x3] =	sbarrier.arrive $0xFFFF;
	s2 =	simm.s32 @!p0 $0x1C02  }
0xe9: {  	[timem:s3], [sflag:s2] =	dma.local @!p0 [hbm:s0], s1  }
0xea: {  	s0 =	simm.s32 @!p0 $0x2  }
0xeb: {  	_ =	swait.ge @!p0 [sflag:s0], s1  }
0xec: {  	s1 =	ssub.s32 @!p0 $0x0, s1;
	[sflag:s0] =	ssyncset.done @!p0 $0x0  }
0xed: {  	[sflag:s0] =	ssyncadd.s32 @!p0 s1  }
0xee: {  	[bflag:$0x3] =	sbarrier.arrive $0xFFFF  }
0xef: {  	_ =	shalt  }

// kernel: kernel.14.cloned.1.call-start
scs
__scs_entry_jumppad:
0x0: {  	(pc) =	sbr.rel $0x88, $3  }
0x1: {  	(tag) =	ssettag $0x0;
	lr =	simm.s32 $0x1  }
0x2: {  	[smem:$0x3F98] =	sst lr;
	_ =	strace $0xD0000000  }
0x3: {  	_ = 	snop  }
0x4: {  	_ = 	snop  }
0x5: {  	_ = 	snop  }
0x6: {  	_ = 	snop  }
0x7: {  	_ = 	snop  }
__scs_overlays_trampoline_lowered:
0x8: {  	[smem:$0x3FA7] =	sst s0  }
0x9: {  	[smem:$0x3FA8] =	sst s1  }
0xa: {  	[smem:$0x3FA9] =	sst s2  }
0xb: {  	[smem:$0x3FAA] =	sst s3  }
0xc: {  	[smem:$0x3FAB] =	sst s4  }
0xd: {  	[smem:$0x3FAC] =	sst s5  }
0xe: {  	[smem:$0x3FAD] =	sst s6  }
0xf: {  	[smem:$0x3FAE] =	sst s7  }
0x10: {  	[smem:$0x3FAF] =	sst s8  }
0x11: {  	[smem:$0x3FB0] =	sst s9;
	s0 =	simm.s32 @!p0 $0x0  }
0x12: {  	s1 =	sld [smem:$0x3F96];
	s0 =	simm.s32 @p0 $0x1  }
0x13: {  	[smem:$0x3FB1] =	sst s0;
	s0 =	simm.s32 @!p1 $0x0  }
0x14: {  	s2 =	sld [smem:$0x3F95];
	s0 =	simm.s32 @p1 $0x1  }
0x15: {  	[smem:$0x3FB2] =	sst s0;
	s0 =	simm.s32 @!p2 $0x0  }
0x16: {  	s3 =	sld [smem:$0x3FDB];
	s0 =	simm.s32 @p2 $0x1  }
0x17: {  	s4 =	simm.s32 $0x1BF5;
	[smem:$0x3FB4] =	sst s0  }
0x18: {  	s0 =	sld [smem:$0x3F97];
	_ =	swait.ge [sflag:s4], $0x0  }
0x19: {  	s7 =	sld [smem:$0x3F98]  }
0x1a: {  	s8 =	sadd.s32 $0xFFFFE003, lr  }
0x1b: {  	s9 =	sadd.s32 $0xFFFFFEF7, lr;
	s5 =	simm.s32 $0xFFFFFFFF;
	p2 =	slt.u32 s8, $0xFFFFF086  }
0x1c: {  	p1 =	slt.u32 s9, $0xF7A;
	s5 =	simm.s32 @!p2 $0x0  }
0x1d: {  	s5 =	simm.s32 @p1 $0x1;
	p0 =	seq.s32 s7, s2  }
0x1e: {  	s7 =	smul.u32 @!p0 $0xF7A, s2;
	p2 =	seq.s32 @!p0 s5, $0x0  }
0x1f: {  	s9 =	smul.u32 $0xF7A, s1;
	s8 =	simm.s32 @!p0 $0x1BF5;
	p2 =	por !p2, p0  }
0x20: {  	[sflag:s8] =	ssyncset.s32 @!p0 $0xFFFFF086;
	s6 =	sadd.s32 @!p0 s3, s7;
	s7 =	simm.s32 @!p0 $0x108  }
0x21: {  	s3 =	sadd.s32 s3, s9;
	s6 =	sadd.s32 @!p0 $0x88, s6;
	s7 =	simm.s32 @p2 $0x1082  }
0x22: {  	[simem:s7], [sflag:s8] =	dma.local @!p0 [hbm:s6], $0xF7A  }
0x23: {  	s9 =	sor.u32 $0xD0000000, s2;
	s6 =	simm.s32 $0x108;
	_ =	swait.ge @!p0 [sflag:s8], $0x0  }
0x24: {  	s3 =	sadd.s32 $0x88, s3;
	s6 =	simm.s32 @!p1 $0x1082;
	[sflag:s4] =	ssyncset.s32 $0xFFFFF086  }
0x25: {  	[simem:s6], [sflag:s4] =	dma.local [hbm:s3], $0xF7A  }
0x26: {  	[smem:$0x3F98] =	sst s1;
	(tag) =	ssettag s2;
	_ =	strace s9  }
0x27: {  	s1 =	sld [smem:$0x3FA8]  }
0x28: {  	s2 =	sld [smem:$0x3FA9]  }
0x29: {  	s4 =	sld [smem:$0x3FAB]  }
0x2a: {  	p0 =	seq.s32 s5, $0x0;
	s5 =	sld [smem:$0x3FAC]  }
0x2b: {  	s6 =	sld [smem:$0x3FAD]  }
0x2c: {  	s7 =	sld [smem:$0x3FAE]  }
0x2d: {  	s3 =	simm.s32 $0x108;
	s8 =	sld [smem:$0x3FAF]  }
0x2e: {  	s3 =	simm.s32 @!p0 $0x1082;
	s9 =	sld [smem:$0x3FB0]  }
0x2f: {  	lr =	sadd.s32 s0, s3;
	s0 =	sld [smem:$0x3FA7]  }
0x30: {  	s3 =	sld [smem:$0x3FAA]  }
0x31: {  	[smem:$0x3FB3] =	sst s10  }
0x32: {  	s10 =	sld [smem:$0x3FB1];
	_ =	sdelay $0x3  }
0x33: {  	p0 =	seq.s32 s10, $0x1;
	s10 =	sld [smem:$0x3FB3];
	_ =	sdelay $0x3  }
0x34: {  	[smem:$0x3FB3] =	sst s10  }
0x35: {  	s10 =	sld [smem:$0x3FB2];
	_ =	sdelay $0x3  }
0x36: {  	p1 =	seq.s32 s10, $0x1;
	s10 =	sld [smem:$0x3FB3];
	_ =	sdelay $0x3  }
0x37: {  	[smem:$0x3FB3] =	sst s10  }
0x38: {  	s10 =	sld [smem:$0x3FB4]  }
0x39: {  	_ = 	snop;
	(pc) =	sbr.ind lr, $3  }
0x3a: {  	_ = 	snop  }
0x3b: {  	_ = 	snop  }
0x3c: {  	p2 =	seq.s32 s10, $0x1;
	s10 =	sld [smem:$0x3FB3]  }
0x3d: {  	_ =	shalt  }
0x3e: {  	_ =	shalt  }
0x3f: {  	_ =	shalt  }
0x40: {  	_ =	shalt  }
0x41: {  	_ =	shalt  }
0x42: {  	_ =	shalt  }
0x43: {  	_ =	shalt  }
0x44: {  	_ =	shalt  }
0x45: {  	_ =	shalt  }
0x46: {  	_ =	shalt  }
0x47: {  	_ =	shalt  }
0x48: {  	_ =	shalt  }
0x49: {  	_ =	shalt  }
0x4a: {  	_ =	shalt  }
0x4b: {  	_ =	shalt  }
0x4c: {  	_ =	shalt  }
0x4d: {  	_ =	shalt  }
0x4e: {  	_ =	shalt  }
0x4f: {  	_ =	shalt  }
0x50: {  	_ =	shalt  }
0x51: {  	_ =	shalt  }
0x52: {  	_ =	shalt  }
0x53: {  	_ =	shalt  }
0x54: {  	_ =	shalt  }
0x55: {  	_ =	shalt  }
0x56: {  	_ =	shalt  }
0x57: {  	_ =	shalt  }
0x58: {  	_ =	shalt  }
0x59: {  	_ =	shalt  }
0x5a: {  	_ =	shalt  }
0x5b: {  	_ =	shalt  }
0x5c: {  	_ =	shalt  }
0x5d: {  	_ =	shalt  }
0x5e: {  	_ =	shalt  }
0x5f: {  	_ =	shalt  }
0x60: {  	_ =	shalt  }
0x61: {  	_ =	shalt  }
0x62: {  	_ =	shalt  }
0x63: {  	_ =	shalt  }
0x64: {  	_ =	shalt  }
0x65: {  	_ =	shalt  }
0x66: {  	_ =	shalt  }
0x67: {  	_ =	shalt  }
0x68: {  	_ =	shalt  }
0x69: {  	_ =	shalt  }
0x6a: {  	_ =	shalt  }
0x6b: {  	_ =	shalt  }
0x6c: {  	_ =	shalt  }
0x6d: {  	_ =	shalt  }
0x6e: {  	_ =	shalt  }
0x6f: {  	_ =	shalt  }
0x70: {  	_ =	shalt  }
0x71: {  	_ =	shalt  }
0x72: {  	_ =	shalt  }
0x73: {  	_ =	shalt  }
0x74: {  	_ =	shalt  }
0x75: {  	_ =	shalt  }
0x76: {  	_ =	shalt  }
0x77: {  	_ =	shalt  }
0x78: {  	_ =	shalt  }
0x79: {  	_ =	shalt  }
0x7a: {  	_ =	shalt  }
0x7b: {  	_ =	shalt  }
0x7c: {  	_ =	shalt  }
0x7d: {  	_ =	shalt  }
0x7e: {  	_ =	shalt  }
0x7f: {  	_ =	shalt  }
0x80: {  	_ =	shalt  }
0x81: {  	_ =	shalt  }
0x82: {  	_ =	shalt  }
0x83: {  	_ =	shalt  }
0x84: {  	_ =	shalt  }
0x85: {  	_ =	shalt  }
0x86: {  	_ =	shalt  }
0x87: {  	_ =	shalt  }
.Lfunc_end0:
.L_simem_size_0:
called_computation.3_lowered:
.L_overlay_start_0:
0x88: {  	s2 =	sld [smem:$0x3FD9]  }
0x89: {  	s3 =	sld [smem:$0x3FFE];
	_ =	sdelay $0x1  }
0x8a: {  	s1 =	srdreg.scid  }
0x8b: {  	s0 =	sand.u32 $0x1, s1  }
0x8c: {  	s17 =	sshll.u32 s0, $0xA;
	s2 =	sadd.s32 s3, s2  }
0x8d: {  	s2 =	sadd.s32 s2, s17  }
0x8e: {  	[smem:$0x3FBF] =	sst s2  }
0x8f: {  	_ = 	snop  }
0x90: {  	s2 =	sld [smem:$0x3FC8]  }
0x91: {  	s18 =	sld [smem:$0x3FD0];
	(tm) =	ssettm $0x1  }
0x92: {  	s4 =	sld [smem:$0x3FFB];
	_ =	sdelay $0x3  }
0x93: {  	_ =	strace s4  }
0x94: {  	s4 =	sld [smem:$0x3FFC];
	_ =	sdelay $0x3  }
0x95: {  	_ =	strace s4  }
0x96: {  	s4 =	sld [smem:$0x3FFD];
	_ =	sdelay $0x3  }
0x97: {  	_ =	strace s4  }
0x98: {  	_ =	strace $0x8FFFFFFF  }
0x99: {  	s19 =	sld [smem:$0x3FDB];
	_ =	sdelay $0x1  }
0x9a: {  	s5 =	simm.s32 $_scs_section_size  }
0x9b: {  	s6 =	simm.s32 $_size__tile_overlayer_lowered;
	s7 =	simm.s32 $_tile_overlayer_lowered  }
0x9c: {  	s22 =	simm.s32 $0x1BFF;
	s21 =	sshll.u32 s7, $0x1;
	s4 =	sadd.s32 s5, s19  }
0x9d: {  	s8 =	simm.s32 $0x0;
	s20 =	sshll.u32 s6, $0x1;
	s6 =	sadd.s32 s21, s4  }
0x9e: {  	[timem:s8], [sflag:s22] =	dma.local [hbm:s6], s20  }
0x9f: {  	_ =	swait.ge [sflag:s22], s20  }
0xa0: {  	s5 =	ssub.s32 $0x0, s20;
	[sflag:s22] =	ssyncset.done $0x0  }
0xa1: {  	[sflag:s22] =	ssyncadd.s32 s5;
	_ =	sdelay $0x1  }
0xa2: {  	s23 =	simm.s32 $0x1B8B  }
0xa3: {  	_ =	swait.ge [sflag:s23], $0x1  }
0xa4: {  	[sflag:s23] =	ssyncset.done $0x0  }
0xa5: {  	s25 =	simm.s32 $0x1B8E;
	s24 =	sld [smem:$0x3FFE];
	[sflag:s23] =	ssyncadd.s32 $0xFFFFFFFF  }
0xa6: {  	s26 =	simm.s32 $execute0_lowered;
	[smem:$0x3FD2] =	sst s25  }
0xa7: {  	s6 =	sshll.u32 s26, $0x1;
	_ =	strace $0x8000004F;
	[dreg:$0x1] =	wrdreg $0xFFFFFFFF  }
0xa8: {  	s28 =	simm.s32 $_size_execute0_lowered;
	s4 =	sadd.s32 s4, s6;
	[dreg:$0x0] =	wrdreg $0x0  }
0xa9: {  	s6 =	sshll.u32 s28, $0x1;
	[dreg:$0x2] =	wrdreg s4  }
0xaa: {  	[dreg:$0x3] =	wrdreg s6  }
0xab: {  	[dreg:$0x4] =	wrdreg $0xC0  }
0xac: {  	_ =	task [dreg:s8], $0x5FFFF  }
0xad: {  	[dreg:$0x1] =	wrdreg $0xFFFFFFFF  }
0xae: {  	[dreg:$0x0] =	wrdreg $0x60  }
0xaf: {  	[dreg:$0x2] =	wrdreg s18  }
0xb0: {  	[dreg:$0x3] =	wrdreg s24  }
0xb1: {  	[dreg:$0x4] =	wrdreg s2  }
0xb2: {  	[dreg:$0x5] =	wrdreg $0x4C000  }
0xb3: {  	[dreg:$0x6] =	wrdreg $0x9  }
0xb4: {  	_ =	task.clear_ibuf [dreg:s8], $0x7FFFF;
	_ =	strace $0x9000004F  }
0xb5: {  	s29 =	simm.s32 $0x9;
	_ =	strace $0x80000051  }
0xb6: {  	_ =	swait.ge [sflag:s29], $0x1  }
0xb7: {  	[sflag:s29] =	ssyncadd.s32 $0xFFFFFFFF  }
0xb8: {  	_ =	strace $0x90000051  }
0xb9: {  	_ =	sfence  }
0xba: {  	s30 =	sld [smem:$0x0];
	_ =	sdelay $0x2  }
0xbb: {  	s31 =	sshll.u32 s1, $0xD;
	s1 =	sshrl.u32 s1, $0x2  }
0xbc: {  	s3 =	sand.u32 $0x4000, s31;
	s1 =	sadd.s32 s1, s30  }
0xbd: {  	s0 =	sor.u32 s3, s0;
	s1 =	sshll.u32 s1, $0x11  }
0xbe: {  	s0 =	sor.u32 s1, s0  }
0xbf: {  	s0 =	sadd.s32 $0x8F2B, s0  }
0xc0: {  	[sflag:s0] =	ssyncadd.remote.s32 $0x1  }
0xc1: {  	_ =	sfence.sel $0xFFFF  }
0xc2: {  	[dreg:$0x0] =	wrdreg $0xFFFFFFFF;
	(pc) =	sbr.abs _section_cstart, $3  }
0xc3: {  	[dreg:$0x1] =	wrdreg $0xFFFFFFFF  }
0xc4: {  	_ =	task.clear_ibuf [dreg:s8], $0x2FFFF;
	_ =	strace $0x9FFFFFFF  }
0xc5: {  	(tm) =	ssettm $0x7FFFFFFF  }
tec
execute0_lowered:
.L_overlay_start_1:
0x0: {  	(tag) =	ssettag $0x1  }
0x1: {  	s1 =	rddreg [dreg:$0x0]  }
0x2: {  	s9 =	rddreg [dreg:$0x1]  }
0x3: {  	s2 =	rddreg [dreg:$0x2]  }
0x4: {  	s3 =	rddreg [dreg:$0x3]  }
0x5: {  	s0 =	rddreg [dreg:$0x4];
	s5 =	simm.s32 $0x0;
	s6 =	srdreg.scid  }
0x6: {  	s4 =	stileid.u32;
	s15 =	simm.s32 $0x400;
	s16 =	simm.s32 $0x80  }
0x7: {  	s17 =	simm.s32 $0xC00;
	s18 =	simm.s32 $0x1;
	s19 =	simm.s32 $0x2C00  }
0x8: {  	[smem:$0x7FF] =	sst s5;
	s10 =	sand.u32 $0x1, s6;
	s11 =	sshll.u32 s4, $0x10  }
0x9: {  	s6 =	sadd.s32 $0x75800, s9;
	s7 =	sadd.s32 $0x25800, s9;
	s31 =	sshll.u32 s4, $0x6  }
0xa: {  	_ =	strace $0x80000050;
	s8 =	sshll.u32 s10, $0x14;
	s13 =	ssub.s32 $0x2, s10  }
0xb: {  	s10 =	sshll.u32 s10, $0x4;
	s14 =	sadd.s32 s11, s3;
	s12 =	sor.u32 s11, s8  }
0xc: {  	s8 =	sadd.s32 $0x5400, s9;
	s30 =	sshrl.u32 s13, $0x1;
	s12 =	sshrl.u32 s12, $0x3  }
0xd: {  	s10 =	sor.u32 s4, s10;
	s13 =	ssub.s32 s13, s30;
	s12 =	sadd.s32 s12, s9  }
0xe: {  	s10 =	smul.u32 $0x14000, s10;
	s9 =	sor.u32 $0x1C02, s31;
	s11 =	sadd.s32 $0x145800, s12  }
0xf: {  	s12 =	smax.u32 s13, $0x1;
	s13 =	sshrl.u32 s14, $0x3;
	s14 =	simm.s32 $0x2  }
.LBB2_1:
0x10: {  	[spmem:s13], [sflag:s9] =	dma.local [hbm:s8], $0x2000  }
0x11: {  	_ =	swait.ge [sflag:s14], $0x2000  }
0x12: {  	[sflag:s14] =	ssyncset.done $0x0  }
0x13: {  	[sflag:s14] =	ssyncadd.s32 $0xFFFFE000  }
0x14: {  	s20 =	simm.s32 $0x0;
	[bflag:$0x0] =	sbarrier.arrive $0xFFFF  }
.LBB2_2:
0x15: {  	s21 =	sshll.u32 s20, $0xA  }
0x16: {  	s21 =	sadd.s32 s10, s21  }
0x17: {  	s22 =	sshrl.u32 s21, $0x3  }
0x18: {  	s21 =	simm.s32 $0x0;
	s23 =	sadd.s32 s6, s22  }
0x19: {  	[tilespmem:s21], [sflag:$0x2] =	stream.linear.gather [hbm4b:s23+s21], $0x400, $0x38;
	[tilespmem:$0x14C00] =	vst v63  }
0x1a: {  	_ =	swait.ge [sflag:s14], $0x400  }
0x1b: {  	[sflag:s14] =	ssyncset.done $0x0  }
0x1c: {  	s30 =	sadd.s32 s7, s22;
	[sflag:s14] =	ssyncadd.s32 $0xFFFFFC00  }
0x1d: {  	[tilespmem:s15], [sflag:$0x2] =	stream.linear.gather [hbm4b:s30+s21], $0x400, $0x38;
	[tilespmem:$0x14C00] =	vst v63  }
0x1e: {  	_ =	swait.ge [sflag:s14], $0x400  }
0x1f: {  	[sflag:s14] =	ssyncset.done $0x0  }
0x20: {  	s31 =	sadd.s32 s2, s22;
	s22 =	simm.s32 $0x800;
	[sflag:s14] =	ssyncadd.s32 $0xFFFFFC00  }
0x21: {  	[tilespmem:s22], [sflag:$0x2] =	stream.linear.gather [hbm4b:s31+s21], $0x400, $0x38;
	[tilespmem:$0x14C00] =	vst v63  }
0x22: {  	_ =	swait.ge [sflag:s14], $0x400  }
0x23: {  	[sflag:s14] =	ssyncset.done $0x0  }
0x24: {  	[sflag:s14] =	ssyncadd.s32 $0xFFFFFC00  }
.LBB2_3:
0x25: {  	s23 =	sshll.u32 s21, $0x7  }
0x26: {  	[tilespmem:s17], [sflag:$0x1] =	stream.indirect.gather [hbm4b:s1+s16], $0x40, s23, s16, $0xb8;
	[tilespmem:$0x14C00] =	vst v63  }
0x27: {  	_ =	swait.ge [sflag:s18], $0x2000  }
0x28: {  	[sflag:s18] =	ssyncset.done $0x0  }
0x29: {  	s24 =	simm.s32 $0x0;
	[sflag:s18] =	ssyncadd.s32 $0xFFFFE000  }
0x2a: {  	v24 =	vld [tilespmem:s24+$0xC00]  }
0x2b: {  	v25 =	vld [tilespmem:s24+$0xC10]  }
0x2c: {  	v23 =	vld [tilespmem:s24+$0xC20]  }
0x2d: {  	v22 =	vld [tilespmem:s24+$0xC30]  }
0x2e: {  	v20 =	vld [tilespmem:s24+$0xC40]  }
0x2f: {  	v21 =	vld [tilespmem:s24+$0xC50]  }
0x30: {  	v19 =	vld [tilespmem:s24+$0xC60]  }
0x31: {  	v18 =	vld [tilespmem:s24+$0xC70]  }
0x32: {  	v16 =	vld [tilespmem:s24+$0xC80]  }
0x33: {  	v17 =	vld [tilespmem:s24+$0xC90]  }
0x34: {  	v15 =	vld [tilespmem:s24+$0xCA0]  }
0x35: {  	v14 =	vld [tilespmem:s24+$0xCB0]  }
0x36: {  	v12 =	vld [tilespmem:s24+$0xCC0]  }
0x37: {  	v13 =	vld [tilespmem:s24+$0xCD0]  }
0x38: {  	v10 =	vld [tilespmem:s24+$0xCE0]  }
0x39: {  	v11 =	vld [tilespmem:s24+$0xCF0]  }
0x3a: {  	v8 =	vld [tilespmem:s24+$0xD00]  }
0x3b: {  	v9 =	vld [tilespmem:s24+$0xD10]  }
0x3c: {  	v7 =	vld [tilespmem:s24+$0xD20]  }
0x3d: {  	v6 =	vld [tilespmem:s24+$0xD30]  }
0x3e: {  	v4 =	vld [tilespmem:s24+$0xD40]  }
0x3f: {  	v5 =	vld [tilespmem:s24+$0xD50]  }
0x40: {  	v3 =	vld [tilespmem:s24+$0xD60]  }
0x41: {  	v2 =	vld [tilespmem:s24+$0xD70]  }
0x42: {  	v1 =	vld [tilespmem:s24+$0xD80]  }
0x43: {  	s25 =	simm.s32 $0x1000;
	s26 =	smov.u32 s22;
	v0 =	vld [tilespmem:s22+$0x0]  }
.LBB2_4:
0x44: {  	p0 =	sne.s32 s25, $0x7000;
	v26 =	vld [tilespmem:s24+$0xD90]  }
0x45: {  	v27 =	vld [tilespmem:s24+$0xDA0]  }
0x46: {  	v28 =	vld [tilespmem:s24+$0xDB0]  }
0x47: {  	v29 =	vld [tilespmem:s24+$0xDC0]  }
0x48: {  	v30 =	vbroadcast v0, $0x0;
	v31 =	vbroadcast v0, $0x1;
	v32 =	vld [tilespmem:s24+$0xDD0]  }
0x49: {  	v33 =	vbroadcast v0, $0x2;
	v34 =	vbroadcast v0, $0x3;
	v35 =	vld [tilespmem:s24+$0xDE0]  }
0x4a: {  	v24 =	vmul.f32 v30, v24;
	v25 =	vmul.f32 v25, v30;
	v36 =	vld [tilespmem:s24+$0xDF0]  }
0x4b: {  	v23 =	vmul.f32 v23, v30;
	v22 =	vmul.f32 v22, v30;
	v30 =	vld [tilespmem:s24+$0xE00]  }
0x4c: {  	v20 =	vmul.f32 v20, v31;
	v21 =	vmul.f32 v21, v31;
	[tilespmem:s24+$0x2C00] =	vst v24;
	v24 =	vld [tilespmem:s24+$0xE10]  }
0x4d: {  	v19 =	vmul.f32 v19, v31;
	v18 =	vmul.f32 v18, v31;
	[tilespmem:s24+$0x2C10] =	vst v25;
	v25 =	vld [tilespmem:s24+$0xE20]  }
0x4e: {  	v16 =	vmul.f32 v16, v33;
	v17 =	vmul.f32 v17, v33;
	[tilespmem:s24+$0x2C20] =	vst v23;
	v23 =	vld [tilespmem:s24+$0xE30]  }
0x4f: {  	v15 =	vmul.f32 v15, v33;
	v14 =	vmul.f32 v14, v33;
	[tilespmem:s24+$0x2C30] =	vst v22;
	v22 =	vld [tilespmem:s24+$0xE40]  }
0x50: {  	v12 =	vmul.f32 v12, v34;
	v13 =	vmul.f32 v13, v34;
	[tilespmem:s24+$0x2C40] =	vst v20;
	v20 =	vld [tilespmem:s24+$0xE50]  }
0x51: {  	v10 =	vmul.f32 v10, v34;
	v11 =	vmul.f32 v11, v34;
	[tilespmem:s24+$0x2C50] =	vst v21;
	v21 =	vld [tilespmem:s24+$0xE60]  }
0x52: {  	v31 =	vbroadcast v0, $0x5;
	[tilespmem:s24+$0x2C60] =	vst v19;
	v19 =	vbroadcast v0, $0x4;
	v33 =	vld [tilespmem:s24+$0xE70]  }
0x53: {  	v34 =	vbroadcast v0, $0x7;
	[tilespmem:s24+$0x2C70] =	vst v18;
	v18 =	vbroadcast v0, $0x6;
	v37 =	vld [tilespmem:s24+$0xE80]  }
0x54: {  	[tilespmem:s24+$0x2C80] =	vst v16;
	v8 =	vmul.f32 v8, v19;
	v9 =	vmul.f32 v9, v19;
	v16 =	vld [tilespmem:s24+$0xE90]  }
0x55: {  	v7 =	vmul.f32 v7, v19;
	v6 =	vmul.f32 v6, v19;
	[tilespmem:s24+$0x2C90] =	vst v17;
	v17 =	vld [tilespmem:s24+$0xEA0]  }
0x56: {  	v4 =	vmul.f32 v4, v31;
	v5 =	vmul.f32 v5, v31;
	[tilespmem:s24+$0x2CA0] =	vst v15;
	v15 =	vld [tilespmem:s24+$0xEB0]  }
0x57: {  	v3 =	vmul.f32 v3, v31;
	v2 =	vmul.f32 v2, v31;
	[tilespmem:s24+$0x2CB0] =	vst v14;
	v14 =	vld [tilespmem:s24+$0xEC0]  }
0x58: {  	v1 =	vmul.f32 v1, v18;
	[tilespmem:s24+$0x2CC0] =	vst v12;
	v12 =	vmul.f32 v26, v18;
	v19 =	vld [tilespmem:s24+$0xED0]  }
0x59: {  	[tilespmem:s24+$0x2CD0] =	vst v13;
	v13 =	vmul.f32 v27, v18;
	v18 =	vmul.f32 v28, v18;
	v26 =	vld [tilespmem:s24+$0xEE0]  }
0x5a: {  	v27 =	vmul.f32 v32, v34;
	[tilespmem:s24+$0x2CE0] =	vst v10;
	v10 =	vmul.f32 v29, v34;
	v28 =	vld [tilespmem:s24+$0xEF0]  }
0x5b: {  	v29 =	vmul.f32 v36, v34;
	[tilespmem:s24+$0x2CF0] =	vst v11;
	v11 =	vmul.f32 v35, v34;
	v31 =	vld [tilespmem:s24+$0xF00]  }
0x5c: {  	v32 =	vbroadcast v0, $0x9;
	[tilespmem:s24+$0x2D00] =	vst v8;
	v8 =	vbroadcast v0, $0x8;
	v34 =	vld [tilespmem:s24+$0xF10]  }
0x5d: {  	v35 =	vbroadcast v0, $0xB;
	[tilespmem:s24+$0x2D10] =	vst v9;
	v9 =	vbroadcast v0, $0xA;
	v36 =	vld [tilespmem:s24+$0xF20]  }
0x5e: {  	[tilespmem:s24+$0x2D20] =	vst v7;
	v7 =	vmul.f32 v30, v8;
	v24 =	vmul.f32 v24, v8;
	v30 =	vld [tilespmem:s24+$0xF30]  }
0x5f: {  	[tilespmem:s24+$0x2D30] =	vst v6;
	v6 =	vmul.f32 v25, v8;
	v8 =	vmul.f32 v23, v8;
	v23 =	vld [tilespmem:s24+$0xF40]  }
0x60: {  	v20 =	vmul.f32 v20, v32;
	[tilespmem:s24+$0x2D40] =	vst v4;
	v4 =	vmul.f32 v22, v32;
	v22 =	vld [tilespmem:s24+$0xF50]  }
0x61: {  	[tilespmem:s24+$0x2D50] =	vst v5;
	v5 =	vmul.f32 v21, v32;
	v21 =	vmul.f32 v33, v32;
	v25 =	vld [tilespmem:s24+$0xF60]  }
0x62: {  	v16 =	vmul.f32 v16, v9;
	[tilespmem:s24+$0x2D60] =	vst v3;
	v3 =	vmul.f32 v37, v9;
	v32 =	vld [tilespmem:s24+$0xF70]  }
0x63: {  	[tilespmem:s24+$0x2D70] =	vst v2;
	v2 =	vmul.f32 v17, v9;
	v9 =	vmul.f32 v15, v9;
	v15 =	vld [tilespmem:s24+$0xF80]  }
0x64: {  	[tilespmem:s24+$0x2D80] =	vst v1;
	v1 =	vmul.f32 v14, v35;
	v14 =	vmul.f32 v19, v35;
	v17 =	vld [tilespmem:s24+$0xF90]  }
0x65: {  	[tilespmem:s24+$0x2D90] =	vst v12;
	v12 =	vmul.f32 v26, v35;
	v26 =	vmul.f32 v28, v35;
	v19 =	vld [tilespmem:s24+$0xFA0]  }
0x66: {  	v28 =	vbroadcast v0, $0xD;
	[tilespmem:s24+$0x2DA0] =	vst v13;
	v13 =	vbroadcast v0, $0xC;
	v33 =	vld [tilespmem:s24+$0xFB0]  }
0x67: {  	[tilespmem:s24+$0x2DB0] =	vst v18;
	v18 =	vbroadcast v0, $0xE;
	v35 =	vld [tilespmem:s24+$0xFC0];
	v0 =	vbroadcast v0, $0xF  }
0x68: {  	[tilespmem:s24+$0x2DC0] =	vst v10;
	v10 =	vmul.f32 v31, v13;
	v31 =	vmul.f32 v34, v13;
	v34 =	vld [tilespmem:s24+$0xFD0]  }
0x69: {  	[tilespmem:s24+$0x2DD0] =	vst v27;
	v27 =	vmul.f32 v36, v13;
	v13 =	vmul.f32 v30, v13;
	v30 =	vld [tilespmem:s24+$0xFE0]  }
0x6a: {  	v36 =	vmul.f32 v22, v28;
	[tilespmem:s24+$0x2DE0] =	vst v11;
	v11 =	vmul.f32 v23, v28;
	v22 =	vld [tilespmem:s24+$0xFF0]  }
0x6b: {  	[tilespmem:s24+$0x2DF0] =	vst v29;
	v29 =	vmul.f32 v25, v28;
	v28 =	vmul.f32 v32, v28  }
0x6c: {  	v32 =	vmul.f32 v17, v18;
	[tilespmem:s24+$0x2E00] =	vst v7;
	v7 =	vmul.f32 v15, v18  }
0x6d: {  	v37 =	vmul.f32 v19, v18;
	v33 =	vmul.f32 v33, v18;
	[tilespmem:s24+$0x2E10] =	vst v24  }
0x6e: {  	v35 =	vmul.f32 v35, v0;
	v34 =	vmul.f32 v34, v0;
	[tilespmem:s24+$0x2E20] =	vst v6  }
0x6f: {  	v30 =	vmul.f32 v30, v0;
	[tilespmem:s24+$0x2E30] =	vst v8;
	v0 =	vmul.f32 v22, v0  }
0x70: {  	[tilespmem:s24+$0x2E40] =	vst v4  }
0x71: {  	[tilespmem:s24+$0x2E50] =	vst v20  }
0x72: {  	s28 =	sshra.s32 s25, $0x2;
	[tilespmem:s24+$0x2E60] =	vst v5  }
0x73: {  	v24 =	vld [tilespmem:s28+$0xC00];
	[tilespmem:s24+$0x2E70] =	vst v21  }
0x74: {  	v25 =	vld [tilespmem:s28+$0xC10];
	[tilespmem:s24+$0x2E80] =	vst v3  }
0x75: {  	v23 =	vld [tilespmem:s28+$0xC20];
	[tilespmem:s24+$0x2E90] =	vst v16  }
0x76: {  	v22 =	vld [tilespmem:s28+$0xC30];
	[tilespmem:s24+$0x2EA0] =	vst v2  }
0x77: {  	v20 =	vld [tilespmem:s28+$0xC40];
	[tilespmem:s24+$0x2EB0] =	vst v9  }
0x78: {  	v21 =	vld [tilespmem:s28+$0xC50];
	[tilespmem:s24+$0x2EC0] =	vst v1  }
0x79: {  	v19 =	vld [tilespmem:s28+$0xC60];
	[tilespmem:s24+$0x2ED0] =	vst v14  }
0x7a: {  	v18 =	vld [tilespmem:s28+$0xC70];
	[tilespmem:s24+$0x2EE0] =	vst v12  }
0x7b: {  	v16 =	vld [tilespmem:s28+$0xC80];
	[tilespmem:s24+$0x2EF0] =	vst v26  }
0x7c: {  	v17 =	vld [tilespmem:s28+$0xC90];
	[tilespmem:s24+$0x2F00] =	vst v10  }
0x7d: {  	v15 =	vld [tilespmem:s28+$0xCA0];
	[tilespmem:s24+$0x2F10] =	vst v31  }
0x7e: {  	v14 =	vld [tilespmem:s28+$0xCB0];
	[tilespmem:s24+$0x2F20] =	vst v27  }
0x7f: {  	v12 =	vld [tilespmem:s28+$0xCC0];
	[tilespmem:s24+$0x2F30] =	vst v13  }
0x80: {  	v13 =	vld [tilespmem:s28+$0xCD0];
	[tilespmem:s24+$0x2F40] =	vst v11  }
0x81: {  	v10 =	vld [tilespmem:s28+$0xCE0];
	[tilespmem:s24+$0x2F50] =	vst v36  }
0x82: {  	v11 =	vld [tilespmem:s28+$0xCF0];
	[tilespmem:s24+$0x2F60] =	vst v29  }
0x83: {  	v8 =	vld [tilespmem:s28+$0xD00];
	[tilespmem:s24+$0x2F70] =	vst v28  }
0x84: {  	v9 =	vld [tilespmem:s28+$0xD10];
	[tilespmem:s24+$0x2F80] =	vst v7  }
0x85: {  	v7 =	vld [tilespmem:s28+$0xD20];
	[tilespmem:s24+$0x2F90] =	vst v32  }
0x86: {  	v6 =	vld [tilespmem:s28+$0xD30];
	[tilespmem:s24+$0x2FA0] =	vst v37  }
0x87: {  	v4 =	vld [tilespmem:s28+$0xD40];
	[tilespmem:s24+$0x2FB0] =	vst v33  }
.Ltmp0:
0x88: {  	v5 =	vld [tilespmem:s28+$0xD50];
	[tilespmem:s24+$0x2FC0] =	vst v35;
	(pc) =	sbr.rel @p0 .LBB2_4-.Ltmp0, $4  }
0x89: {  	v3 =	vld [tilespmem:s28+$0xD60];
	[tilespmem:s24+$0x2FD0] =	vst v34  }
0x8a: {  	v2 =	vld [tilespmem:s28+$0xD70];
	[tilespmem:s24+$0x2FE0] =	vst v30  }
0x8b: {  	s26 =	sadd.s32 $0x10, s26;
	v1 =	vld [tilespmem:s28+$0xD80];
	[tilespmem:s24+$0x2FF0] =	vst v0;
	s24 =	smov.u32 s28  }
0x8c: {  	s25 =	sadd.s32 $0x1000, s25;
	v0 =	vld [tilespmem:s26+$0x0]  }
0x8d: {  	_ =	sdelay $0x3  }
0x8e: {  	v30 =	vbroadcast v0, $0x0;
	_ =	sdelay $0x1  }
0x8f: {  	v24 =	vmul.f32 v30, v24  }
0x90: {  	v25 =	vmul.f32 v25, v30  }
0x91: {  	v35 =	vbroadcast v0, $0x1;
	v23 =	vmul.f32 v23, v30;
	[tilespmem:s24+$0x2C00] =	vst v24  }
0x92: {  	v22 =	vmul.f32 v22, v30;
	[tilespmem:s24+$0x2C10] =	vst v25  }
0x93: {  	v20 =	vmul.f32 v20, v35;
	[tilespmem:s24+$0x2C20] =	vst v23  }
0x94: {  	v21 =	vmul.f32 v21, v35;
	[tilespmem:s24+$0x2C30] =	vst v22  }
0x95: {  	v53 =	vbroadcast v0, $0x2;
	v19 =	vmul.f32 v19, v35;
	[tilespmem:s24+$0x2C40] =	vst v20  }
0x96: {  	v18 =	vmul.f32 v18, v35;
	[tilespmem:s24+$0x2C50] =	vst v21  }
0x97: {  	v16 =	vmul.f32 v16, v53;
	[tilespmem:s24+$0x2C60] =	vst v19  }
0x98: {  	v17 =	vmul.f32 v17, v53;
	[tilespmem:s24+$0x2C70] =	vst v18  }
0x99: {  	v54 =	vbroadcast v0, $0x3;
	v15 =	vmul.f32 v15, v53;
	[tilespmem:s24+$0x2C80] =	vst v16  }
0x9a: {  	v14 =	vmul.f32 v14, v53;
	[tilespmem:s24+$0x2C90] =	vst v17  }
0x9b: {  	v12 =	vmul.f32 v12, v54;
	[tilespmem:s24+$0x2CA0] =	vst v15  }
0x9c: {  	v13 =	vmul.f32 v13, v54;
	[tilespmem:s24+$0x2CB0] =	vst v14  }
0x9d: {  	v55 =	vbroadcast v0, $0x4;
	v10 =	vmul.f32 v10, v54;
	[tilespmem:s24+$0x2CC0] =	vst v12  }
0x9e: {  	v11 =	vmul.f32 v11, v54;
	[tilespmem:s24+$0x2CD0] =	vst v13  }
0x9f: {  	v8 =	vmul.f32 v8, v55;
	[tilespmem:s24+$0x2CE0] =	vst v10  }
0xa0: {  	v9 =	vmul.f32 v9, v55;
	[tilespmem:s24+$0x2CF0] =	vst v11  }
0xa1: {  	v60 =	vbroadcast v0, $0x5;
	v7 =	vmul.f32 v7, v55;
	[tilespmem:s24+$0x2D00] =	vst v8  }
0xa2: {  	v6 =	vmul.f32 v6, v55;
	[tilespmem:s24+$0x2D10] =	vst v9  }
0xa3: {  	v26 =	vld [tilespmem:s24+$0xD90];
	v4 =	vmul.f32 v4, v60;
	[tilespmem:s24+$0x2D20] =	vst v7  }
0xa4: {  	v27 =	vld [tilespmem:s24+$0xDA0];
	v5 =	vmul.f32 v5, v60;
	[tilespmem:s24+$0x2D30] =	vst v6  }
0xa5: {  	v28 =	vld [tilespmem:s24+$0xDB0];
	v37 =	vbroadcast v0, $0x6;
	v3 =	vmul.f32 v3, v60;
	[tilespmem:s24+$0x2D40] =	vst v4  }
0xa6: {  	v29 =	vld [tilespmem:s24+$0xDC0];
	v2 =	vmul.f32 v2, v60;
	[tilespmem:s24+$0x2D50] =	vst v5  }
0xa7: {  	v31 =	vld [tilespmem:s24+$0xDD0];
	v1 =	vmul.f32 v1, v37;
	[tilespmem:s24+$0x2D60] =	vst v3  }
0xa8: {  	v32 =	vld [tilespmem:s24+$0xDE0];
	v26 =	vmul.f32 v26, v37;
	[tilespmem:s24+$0x2D70] =	vst v2  }
0xa9: {  	v33 =	vld [tilespmem:s24+$0xDF0];
	v42 =	vbroadcast v0, $0x7;
	v27 =	vmul.f32 v27, v37;
	[tilespmem:s24+$0x2D80] =	vst v1  }
0xaa: {  	v34 =	vld [tilespmem:s24+$0xE00];
	v28 =	vmul.f32 v28, v37;
	[tilespmem:s24+$0x2D90] =	vst v26  }
0xab: {  	v52 =	vld [tilespmem:s24+$0xE10];
	v29 =	vmul.f32 v29, v42;
	[tilespmem:s24+$0x2DA0] =	vst v27  }
0xac: {  	v56 =	vld [tilespmem:s24+$0xEF0];
	v45 =	vmul.f32 v31, v42;
	[tilespmem:s24+$0x2DB0] =	vst v28  }
0xad: {  	v57 =	vld [tilespmem:s24+$0xF00];
	v48 =	vbroadcast v0, $0x8;
	v47 =	vmul.f32 v32, v42;
	[tilespmem:s24+$0x2DC0] =	vst v29  }
0xae: {  	v58 =	vld [tilespmem:s24+$0xF10];
	v33 =	vmul.f32 v33, v42;
	[tilespmem:s24+$0x2DD0] =	vst v45  }
0xaf: {  	v59 =	vld [tilespmem:s24+$0xF20];
	v50 =	vmul.f32 v34, v48;
	v54 =	vbroadcast v0, $0xB;
	[tilespmem:s24+$0x2DE0] =	vst v47  }
0xb0: {  	v61 =	vld [tilespmem:s24+$0xF30];
	v55 =	vbroadcast v0, $0xC;
	v24 =	vmul.f32 v52, v48;
	[tilespmem:s24+$0x2DF0] =	vst v33  }
0xb1: {  	v62 =	vld [tilespmem:s24+$0xF40];
	[tilespmem:s24+$0x2E00] =	vst v50;
	v10 =	vmul.f32 v56, v54  }
0xb2: {  	v63 =	vld [tilespmem:s24+$0xF50];
	v11 =	vmul.f32 v57, v55;
	[tilespmem:s24+$0x2E10] =	vst v24  }
0xb3: {  	v36 =	vld [tilespmem:s24+$0xF60];
	v8 =	vmul.f32 v58, v55;
	[tilespmem:s24+$0x2EF0] =	vst v10  }
0xb4: {  	v38 =	vld [tilespmem:s24+$0xF70];
	v56 =	vbroadcast v0, $0xD;
	v9 =	vmul.f32 v59, v55;
	[tilespmem:s24+$0x2F00] =	vst v11  }
0xb5: {  	v39 =	vld [tilespmem:s24+$0xF80];
	v7 =	vmul.f32 v61, v55;
	[tilespmem:s24+$0x2F10] =	vst v8  }
0xb6: {  	v40 =	vld [tilespmem:s24+$0xF90];
	v6 =	vmul.f32 v62, v56;
	[tilespmem:s24+$0x2F20] =	vst v9  }
0xb7: {  	v41 =	vld [tilespmem:s24+$0xFA0];
	v4 =	vmul.f32 v63, v56;
	[tilespmem:s24+$0x2F30] =	vst v7  }
0xb8: {  	v43 =	vld [tilespmem:s24+$0xFB0];
	v57 =	vbroadcast v0, $0xE;
	v5 =	vmul.f32 v36, v56;
	[tilespmem:s24+$0x2F40] =	vst v6  }
0xb9: {  	v44 =	vld [tilespmem:s24+$0xFC0];
	v3 =	vmul.f32 v38, v56;
	[tilespmem:s24+$0x2F50] =	vst v4  }
0xba: {  	v46 =	vld [tilespmem:s24+$0xFD0];
	v2 =	vmul.f32 v39, v57;
	[tilespmem:s24+$0x2F60] =	vst v5  }
0xbb: {  	v49 =	vld [tilespmem:s24+$0xFE0];
	v1 =	vmul.f32 v40, v57;
	[tilespmem:s24+$0x2F70] =	vst v3  }
0xbc: {  	v51 =	vld [tilespmem:s24+$0xFF0];
	v58 =	vbroadcast v0, $0xF;
	v59 =	vmul.f32 v41, v57;
	[tilespmem:s24+$0x2F80] =	vst v2  }
0xbd: {  	v25 =	vld [tilespmem:s24+$0xE20];
	v60 =	vmul.f32 v43, v57;
	[tilespmem:s24+$0x2F90] =	vst v1  }
0xbe: {  	v23 =	vld [tilespmem:s24+$0xE30];
	v61 =	vmul.f32 v44, v58;
	[tilespmem:s24+$0x2FA0] =	vst v59  }
0xbf: {  	v22 =	vld [tilespmem:s24+$0xE40];
	v62 =	vmul.f32 v46, v58;
	[tilespmem:s24+$0x2FB0] =	vst v60  }
0xc0: {  	v53 =	vbroadcast v0, $0xA;
	v20 =	vld [tilespmem:s24+$0xE50];
	v63 =	vmul.f32 v49, v58;
	[tilespmem:s24+$0x2FC0] =	vst v61  }
0xc1: {  	v21 =	vld [tilespmem:s24+$0xE60];
	v52 =	vbroadcast v0, $0x9;
	v0 =	vmul.f32 v51, v58;
	[tilespmem:s24+$0x2FD0] =	vst v62  }
0xc2: {  	v19 =	vld [tilespmem:s24+$0xE70];
	[tilespmem:s24+$0x2FE0] =	vst v63;
	v25 =	vmul.f32 v25, v48  }
0xc3: {  	v18 =	vld [tilespmem:s24+$0xE80];
	[tilespmem:s24+$0x2FF0] =	vst v0;
	v23 =	vmul.f32 v23, v48  }
0xc4: {  	v16 =	vld [tilespmem:s24+$0xE90];
	v22 =	vmul.f32 v22, v52;
	[tilespmem:s24+$0x2E20] =	vst v25  }
0xc5: {  	v17 =	vld [tilespmem:s24+$0xEA0];
	v20 =	vmul.f32 v20, v52;
	[tilespmem:s24+$0x2E30] =	vst v23  }
0xc6: {  	v15 =	vld [tilespmem:s24+$0xEB0];
	v21 =	vmul.f32 v21, v52;
	[tilespmem:s24+$0x2E40] =	vst v22  }
0xc7: {  	v14 =	vld [tilespmem:s24+$0xEC0];
	v19 =	vmul.f32 v19, v52;
	[tilespmem:s24+$0x2E50] =	vst v20  }
0xc8: {  	v12 =	vld [tilespmem:s24+$0xED0];
	v18 =	vmul.f32 v18, v53;
	[tilespmem:s24+$0x2E60] =	vst v21  }
0xc9: {  	v13 =	vld [tilespmem:s24+$0xEE0];
	v16 =	vmul.f32 v16, v53;
	[tilespmem:s24+$0x2E70] =	vst v19  }
0xca: {  	v17 =	vmul.f32 v17, v53;
	[tilespmem:s24+$0x2E80] =	vst v18  }
0xcb: {  	v15 =	vmul.f32 v15, v53;
	[tilespmem:s24+$0x2E90] =	vst v16  }
0xcc: {  	v14 =	vmul.f32 v14, v54;
	[tilespmem:s24+$0x2EA0] =	vst v17  }
0xcd: {  	v12 =	vmul.f32 v12, v54;
	[tilespmem:s24+$0x2EB0] =	vst v15  }
0xce: {  	s21 =	sadd.s32 $0x1, s21;
	v13 =	vmul.f32 v13, v54;
	[tilespmem:s24+$0x2EC0] =	vst v14  }
0xcf: {  	p0 =	sne.s32 s21, $0x8;
	[tilespmem:s24+$0x2ED0] =	vst v12  }
.Ltmp1:
0xd0: {  	s23 =	sadd.s32 $0x400, s23;
	[tilespmem:s24+$0x2EE0] =	vst v13;
	(pc) =	sbr.rel @p0 .LBB2_3-.Ltmp1, $4  }
0xd1: {  	[spmem:s3] =	stream.indirect.scatter.add.f32 [tilespmem:s19], [sflag:$0x2], $0x40, s23, s16, $0xb8;
	[tilespmem:$0x14C00] =	vst v63  }
0xd2: {  	_ =	swait.ge [sflag:s14], $0x2000  }
0xd3: {  	[sflag:s14] =	ssyncset.done $0x0  }
0xd4: {  	s22 =	sadd.s32 $0x80, s22;
	[sflag:s14] =	ssyncadd.s32 $0xFFFFE000  }
0xd5: {  	s20 =	sadd.s32 $0x1, s20  }
0xd6: {  	p0 =	sne.s32 s20, $0x50  }
.Ltmp2:
0xd7: {  	_ = 	snop;
	(pc) =	sbr.rel @p0 .LBB2_2-.Ltmp2, $1  }
0xd8: {  	_ =	sdelay $0x3  }
0xd9: {  	s5 =	sadd.s32 $0x1, s5  }
0xda: {  	p0 =	sne.s32 s5, s12  }
.Ltmp3:
0xdb: {  	[bflag:$0x0] =	sbarrier.arrive $0xFFFF;
	(pc) =	sbr.rel @p0 .LBB2_1-.Ltmp3, $4  }
0xdc: {  	[hbm:s11], [sflag:s9] =	dma.local [spmem:s13], $0x2000  }
0xdd: {  	_ =	swait.ge [sflag:s14], $0x2000  }
0xde: {  	[sflag:s14] =	ssyncset.done $0x0  }
0xdf: {  	[sflag:s14] =	ssyncadd.s32 $0xFFFFE000  }
0xe0: {  	_ =	sfence.sel $0x180000  }
0xe1: {  	[bflag:$0x0] =	sbarrier.arrive $0xFFFF  }
0xe2: {  	p0 =	sne.s32 s4, $0x0;
	_ =	strace $0x90000050  }
0xe3: {  	s0 =	sadd.s32 @!p0 $0x100000, s0;
	[bflag:$0x2] =	sbarrier.arrive $0xFFFF  }
0xe4: {  	[sflag:s0] =	ssyncadd.tile.s32 @!p0 $0x1;
	_ =	shalt  }
.Lfunc_end2:
_tile_overlayer_lowered:
.L_overlay_start_2:
0xe5: {  	(tag) =	ssettag $0x2  }
0xe6: {  	s0 =	rddreg [dreg:$0x0];
	s2 =	stileid.u32  }
0xe7: {  	s1 =	rddreg [dreg:$0x1];
	p0 =	sne.s32 s2, $0x0  }
0xe8: {  	s3 =	rddreg [dreg:$0x2];
	[bflag:$0x3] =	sbarrier.arrive $0xFFFF;
	s2 =	simm.s32 @!p0 $0x1C02  }
0xe9: {  	[timem:s3], [sflag:s2] =	dma.local @!p0 [hbm:s0], s1  }
0xea: {  	s0 =	simm.s32 @!p0 $0x2  }
0xeb: {  	_ =	swait.ge @!p0 [sflag:s0], s1  }
0xec: {  	s1 =	ssub.s32 @!p0 $0x0, s1;
	[sflag:s0] =	ssyncset.done @!p0 $0x0  }
0xed: {  	[sflag:s0] =	ssyncadd.s32 @!p0 s1  }
0xee: {  	[bflag:$0x3] =	sbarrier.arrive $0xFFFF  }
0xef: {  	_ =	shalt  }

// kernel: kernel.8.cloned.1.call-start
scs
__scs_entry_jumppad:
0x0: {  	(pc) =	sbr.rel $0x88, $3  }
0x1: {  	(tag) =	ssettag $0x0;
	lr =	simm.s32 $0x1  }
0x2: {  	[smem:$0x3F98] =	sst lr;
	_ =	strace $0xD0000000  }
0x3: {  	_ = 	snop  }
0x4: {  	_ = 	snop  }
0x5: {  	_ = 	snop  }
0x6: {  	_ = 	snop  }
0x7: {  	_ = 	snop  }
__scs_overlays_trampoline_lowered:
0x8: {  	[smem:$0x3FA7] =	sst s0  }
0x9: {  	[smem:$0x3FA8] =	sst s1  }
0xa: {  	[smem:$0x3FA9] =	sst s2  }
0xb: {  	[smem:$0x3FAA] =	sst s3  }
0xc: {  	[smem:$0x3FAB] =	sst s4  }
0xd: {  	[smem:$0x3FAC] =	sst s5  }
0xe: {  	[smem:$0x3FAD] =	sst s6  }
0xf: {  	[smem:$0x3FAE] =	sst s7  }
0x10: {  	[smem:$0x3FAF] =	sst s8  }
0x11: {  	[smem:$0x3FB0] =	sst s9;
	s0 =	simm.s32 @!p0 $0x0  }
0x12: {  	s1 =	sld [smem:$0x3F96];
	s0 =	simm.s32 @p0 $0x1  }
0x13: {  	[smem:$0x3FB1] =	sst s0;
	s0 =	simm.s32 @!p1 $0x0  }
0x14: {  	s2 =	sld [smem:$0x3F95];
	s0 =	simm.s32 @p1 $0x1  }
0x15: {  	[smem:$0x3FB2] =	sst s0;
	s0 =	simm.s32 @!p2 $0x0  }
0x16: {  	s3 =	sld [smem:$0x3FDB];
	s0 =	simm.s32 @p2 $0x1  }
0x17: {  	s4 =	simm.s32 $0x1BF5;
	[smem:$0x3FB4] =	sst s0  }
0x18: {  	s0 =	sld [smem:$0x3F97];
	_ =	swait.ge [sflag:s4], $0x0  }
0x19: {  	s7 =	sld [smem:$0x3F98]  }
0x1a: {  	s8 =	sadd.s32 $0xFFFFE003, lr  }
0x1b: {  	s9 =	sadd.s32 $0xFFFFFEF7, lr;
	s5 =	simm.s32 $0xFFFFFFFF;
	p2 =	slt.u32 s8, $0xFFFFF086  }
0x1c: {  	p1 =	slt.u32 s9, $0xF7A;
	s5 =	simm.s32 @!p2 $0x0  }
0x1d: {  	s5 =	simm.s32 @p1 $0x1;
	p0 =	seq.s32 s7, s2  }
0x1e: {  	s7 =	smul.u32 @!p0 $0xF7A, s2;
	p2 =	seq.s32 @!p0 s5, $0x0  }
0x1f: {  	s9 =	smul.u32 $0xF7A, s1;
	s8 =	simm.s32 @!p0 $0x1BF5;
	p2 =	por !p2, p0  }
0x20: {  	[sflag:s8] =	ssyncset.s32 @!p0 $0xFFFFF086;
	s6 =	sadd.s32 @!p0 s3, s7;
	s7 =	simm.s32 @!p0 $0x108  }
0x21: {  	s3 =	sadd.s32 s3, s9;
	s6 =	sadd.s32 @!p0 $0x88, s6;
	s7 =	simm.s32 @p2 $0x1082  }
0x22: {  	[simem:s7], [sflag:s8] =	dma.local @!p0 [hbm:s6], $0xF7A  }
0x23: {  	s9 =	sor.u32 $0xD0000000, s2;
	s6 =	simm.s32 $0x108;
	_ =	swait.ge @!p0 [sflag:s8], $0x0  }
0x24: {  	s3 =	sadd.s32 $0x88, s3;
	s6 =	simm.s32 @!p1 $0x1082;
	[sflag:s4] =	ssyncset.s32 $0xFFFFF086  }
0x25: {  	[simem:s6], [sflag:s4] =	dma.local [hbm:s3], $0xF7A  }
0x26: {  	[smem:$0x3F98] =	sst s1;
	(tag) =	ssettag s2;
	_ =	strace s9  }
0x27: {  	s1 =	sld [smem:$0x3FA8]  }
0x28: {  	s2 =	sld [smem:$0x3FA9]  }
0x29: {  	s4 =	sld [smem:$0x3FAB]  }
0x2a: {  	p0 =	seq.s32 s5, $0x0;
	s5 =	sld [smem:$0x3FAC]  }
0x2b: {  	s6 =	sld [smem:$0x3FAD]  }
0x2c: {  	s7 =	sld [smem:$0x3FAE]  }
0x2d: {  	s3 =	simm.s32 $0x108;
	s8 =	sld [smem:$0x3FAF]  }
0x2e: {  	s3 =	simm.s32 @!p0 $0x1082;
	s9 =	sld [smem:$0x3FB0]  }
0x2f: {  	lr =	sadd.s32 s0, s3;
	s0 =	sld [smem:$0x3FA7]  }
0x30: {  	s3 =	sld [smem:$0x3FAA]  }
0x31: {  	[smem:$0x3FB3] =	sst s10  }
0x32: {  	s10 =	sld [smem:$0x3FB1];
	_ =	sdelay $0x3  }
0x33: {  	p0 =	seq.s32 s10, $0x1;
	s10 =	sld [smem:$0x3FB3];
	_ =	sdelay $0x3  }
0x34: {  	[smem:$0x3FB3] =	sst s10  }
0x35: {  	s10 =	sld [smem:$0x3FB2];
	_ =	sdelay $0x3  }
0x36: {  	p1 =	seq.s32 s10, $0x1;
	s10 =	sld [smem:$0x3FB3];
	_ =	sdelay $0x3  }
0x37: {  	[smem:$0x3FB3] =	sst s10  }
0x38: {  	s10 =	sld [smem:$0x3FB4]  }
0x39: {  	_ = 	snop;
	(pc) =	sbr.ind lr, $3  }
0x3a: {  	_ = 	snop  }
0x3b: {  	_ = 	snop  }
0x3c: {  	p2 =	seq.s32 s10, $0x1;
	s10 =	sld [smem:$0x3FB3]  }
0x3d: {  	_ =	shalt  }
0x3e: {  	_ =	shalt  }
0x3f: {  	_ =	shalt  }
0x40: {  	_ =	shalt  }
0x41: {  	_ =	shalt  }
0x42: {  	_ =	shalt  }
0x43: {  	_ =	shalt  }
0x44: {  	_ =	shalt  }
0x45: {  	_ =	shalt  }
0x46: {  	_ =	shalt  }
0x47: {  	_ =	shalt  }
0x48: {  	_ =	shalt  }
0x49: {  	_ =	shalt  }
0x4a: {  	_ =	shalt  }
0x4b: {  	_ =	shalt  }
0x4c: {  	_ =	shalt  }
0x4d: {  	_ =	shalt  }
0x4e: {  	_ =	shalt  }
0x4f: {  	_ =	shalt  }
0x50: {  	_ =	shalt  }
0x51: {  	_ =	shalt  }
0x52: {  	_ =	shalt  }
0x53: {  	_ =	shalt  }
0x54: {  	_ =	shalt  }
0x55: {  	_ =	shalt  }
0x56: {  	_ =	shalt  }
0x57: {  	_ =	shalt  }
0x58: {  	_ =	shalt  }
0x59: {  	_ =	shalt  }
0x5a: {  	_ =	shalt  }
0x5b: {  	_ =	shalt  }
0x5c: {  	_ =	shalt  }
0x5d: {  	_ =	shalt  }
0x5e: {  	_ =	shalt  }
0x5f: {  	_ =	shalt  }
0x60: {  	_ =	shalt  }
0x61: {  	_ =	shalt  }
0x62: {  	_ =	shalt  }
0x63: {  	_ =	shalt  }
0x64: {  	_ =	shalt  }
0x65: {  	_ =	shalt  }
0x66: {  	_ =	shalt  }
0x67: {  	_ =	shalt  }
0x68: {  	_ =	shalt  }
0x69: {  	_ =	shalt  }
0x6a: {  	_ =	shalt  }
0x6b: {  	_ =	shalt  }
0x6c: {  	_ =	shalt  }
0x6d: {  	_ =	shalt  }
0x6e: {  	_ =	shalt  }
0x6f: {  	_ =	shalt  }
0x70: {  	_ =	shalt  }
0x71: {  	_ =	shalt  }
0x72: {  	_ =	shalt  }
0x73: {  	_ =	shalt  }
0x74: {  	_ =	shalt  }
0x75: {  	_ =	shalt  }
0x76: {  	_ =	shalt  }
0x77: {  	_ =	shalt  }
0x78: {  	_ =	shalt  }
0x79: {  	_ =	shalt  }
0x7a: {  	_ =	shalt  }
0x7b: {  	_ =	shalt  }
0x7c: {  	_ =	shalt  }
0x7d: {  	_ =	shalt  }
0x7e: {  	_ =	shalt  }
0x7f: {  	_ =	shalt  }
0x80: {  	_ =	shalt  }
0x81: {  	_ =	shalt  }
0x82: {  	_ =	shalt  }
0x83: {  	_ =	shalt  }
0x84: {  	_ =	shalt  }
0x85: {  	_ =	shalt  }
0x86: {  	_ =	shalt  }
0x87: {  	_ =	shalt  }
.Lfunc_end0:
.L_simem_size_0:
called_computation.1_lowered:
.L_overlay_start_0:
0x88: {  	s2 =	sld [smem:$0x3FD9]  }
0x89: {  	s3 =	sld [smem:$0x3FFE];
	_ =	sdelay $0x1  }
0x8a: {  	s1 =	srdreg.scid  }
0x8b: {  	s0 =	sand.u32 $0x1, s1  }
0x8c: {  	s17 =	sshll.u32 s0, $0xA;
	s2 =	sadd.s32 s3, s2  }
0x8d: {  	s2 =	sadd.s32 s2, s17  }
0x8e: {  	[smem:$0x3FBF] =	sst s2  }
0x8f: {  	_ = 	snop  }
0x90: {  	s2 =	sld [smem:$0x3FC8]  }
0x91: {  	s18 =	sld [smem:$0x3FD0];
	(tm) =	ssettm $0x1  }
0x92: {  	s4 =	sld [smem:$0x3FFB];
	_ =	sdelay $0x3  }
0x93: {  	_ =	strace s4  }
0x94: {  	s4 =	sld [smem:$0x3FFC];
	_ =	sdelay $0x3  }
0x95: {  	_ =	strace s4  }
0x96: {  	s4 =	sld [smem:$0x3FFD];
	_ =	sdelay $0x3  }
0x97: {  	_ =	strace s4  }
0x98: {  	_ =	strace $0x8FFFFFFF  }
0x99: {  	s19 =	sld [smem:$0x3FDB];
	_ =	sdelay $0x1  }
0x9a: {  	s5 =	simm.s32 $_scs_section_size  }
0x9b: {  	s6 =	simm.s32 $_size__tile_overlayer_lowered;
	s7 =	simm.s32 $_tile_overlayer_lowered  }
0x9c: {  	s22 =	simm.s32 $0x1BFF;
	s21 =	sshll.u32 s7, $0x1;
	s4 =	sadd.s32 s5, s19  }
0x9d: {  	s8 =	simm.s32 $0x0;
	s20 =	sshll.u32 s6, $0x1;
	s6 =	sadd.s32 s21, s4  }
0x9e: {  	[timem:s8], [sflag:s22] =	dma.local [hbm:s6], s20  }
0x9f: {  	_ =	swait.ge [sflag:s22], s20  }
0xa0: {  	s5 =	ssub.s32 $0x0, s20;
	[sflag:s22] =	ssyncset.done $0x0  }
0xa1: {  	[sflag:s22] =	ssyncadd.s32 s5;
	_ =	sdelay $0x1  }
0xa2: {  	s23 =	simm.s32 $0x1B8B  }
0xa3: {  	_ =	swait.ge [sflag:s23], $0x1  }
0xa4: {  	[sflag:s23] =	ssyncset.done $0x0  }
0xa5: {  	s25 =	simm.s32 $0x1B8E;
	s24 =	sld [smem:$0x3FFE];
	[sflag:s23] =	ssyncadd.s32 $0xFFFFFFFF  }
0xa6: {  	s26 =	simm.s32 $execute0_lowered;
	[smem:$0x3FD2] =	sst s25  }
0xa7: {  	s6 =	sshll.u32 s26, $0x1;
	_ =	strace $0x80000049;
	[dreg:$0x1] =	wrdreg $0xFFFFFFFF  }
0xa8: {  	s28 =	simm.s32 $_size_execute0_lowered;
	s4 =	sadd.s32 s4, s6;
	[dreg:$0x0] =	wrdreg $0x0  }
0xa9: {  	s6 =	sshll.u32 s28, $0x1;
	[dreg:$0x2] =	wrdreg s4  }
0xaa: {  	[dreg:$0x3] =	wrdreg s6  }
0xab: {  	[dreg:$0x4] =	wrdreg $0xC0  }
0xac: {  	_ =	task [dreg:s8], $0x5FFFF  }
0xad: {  	[dreg:$0x1] =	wrdreg $0xFFFFFFFF  }
0xae: {  	[dreg:$0x0] =	wrdreg $0x60  }
0xaf: {  	[dreg:$0x2] =	wrdreg s18  }
0xb0: {  	[dreg:$0x3] =	wrdreg s24  }
0xb1: {  	[dreg:$0x4] =	wrdreg s2  }
0xb2: {  	[dreg:$0x5] =	wrdreg $0x4C000  }
0xb3: {  	[dreg:$0x6] =	wrdreg $0x9  }
0xb4: {  	_ =	task.clear_ibuf [dreg:s8], $0x7FFFF;
	_ =	strace $0x90000049  }
0xb5: {  	s29 =	simm.s32 $0x9;
	_ =	strace $0x8000004B  }
0xb6: {  	_ =	swait.ge [sflag:s29], $0x1  }
0xb7: {  	[sflag:s29] =	ssyncadd.s32 $0xFFFFFFFF  }
0xb8: {  	_ =	strace $0x9000004B  }
0xb9: {  	_ =	sfence  }
0xba: {  	s30 =	sld [smem:$0x0];
	_ =	sdelay $0x2  }
0xbb: {  	s31 =	sshll.u32 s1, $0xD;
	s1 =	sshrl.u32 s1, $0x2  }
0xbc: {  	s3 =	sand.u32 $0x4000, s31;
	s1 =	sadd.s32 s1, s30  }
0xbd: {  	s0 =	sor.u32 s3, s0;
	s1 =	sshll.u32 s1, $0x11  }
0xbe: {  	s0 =	sor.u32 s1, s0  }
0xbf: {  	s0 =	sadd.s32 $0x8F2B, s0  }
0xc0: {  	[sflag:s0] =	ssyncadd.remote.s32 $0x1  }
0xc1: {  	_ =	sfence.sel $0xFFFF  }
0xc2: {  	[dreg:$0x0] =	wrdreg $0xFFFFFFFF;
	(pc) =	sbr.abs _section_cstart, $3  }
0xc3: {  	[dreg:$0x1] =	wrdreg $0xFFFFFFFF  }
0xc4: {  	_ =	task.clear_ibuf [dreg:s8], $0x2FFFF;
	_ =	strace $0x9FFFFFFF  }
0xc5: {  	(tm) =	ssettm $0x7FFFFFFF  }
tec
execute0_lowered:
.L_overlay_start_1:
0x0: {  	(tag) =	ssettag $0x1  }
0x1: {  	s1 =	rddreg [dreg:$0x0]  }
0x2: {  	s9 =	rddreg [dreg:$0x1]  }
0x3: {  	s2 =	rddreg [dreg:$0x2]  }
0x4: {  	s3 =	rddreg [dreg:$0x3]  }
0x5: {  	s0 =	rddreg [dreg:$0x4];
	s5 =	simm.s32 $0x0;
	s6 =	srdreg.scid  }
0x6: {  	s4 =	stileid.u32;
	s15 =	simm.s32 $0x400;
	s16 =	simm.s32 $0x80  }
0x7: {  	s17 =	simm.s32 $0xC00;
	s18 =	simm.s32 $0x1;
	s19 =	simm.s32 $0x2C00  }
0x8: {  	[smem:$0x7FF] =	sst s5;
	s10 =	sand.u32 $0x1, s6;
	s11 =	sshll.u32 s4, $0x10  }
0x9: {  	s6 =	sadd.s32 $0x75800, s9;
	s7 =	sadd.s32 $0x25800, s9;
	s31 =	sshll.u32 s4, $0x6  }
0xa: {  	_ =	strace $0x8000004A;
	s8 =	sshll.u32 s10, $0x14;
	s13 =	ssub.s32 $0x2, s10  }
0xb: {  	s10 =	sshll.u32 s10, $0x4;
	s14 =	sadd.s32 s11, s3;
	s12 =	sor.u32 s11, s8  }
0xc: {  	s8 =	sadd.s32 $0x5400, s9;
	s30 =	sshrl.u32 s13, $0x1;
	s12 =	sshrl.u32 s12, $0x3  }
0xd: {  	s10 =	sor.u32 s4, s10;
	s13 =	ssub.s32 s13, s30;
	s12 =	sadd.s32 s12, s9  }
0xe: {  	s10 =	smul.u32 $0x14000, s10;
	s9 =	sor.u32 $0x1C02, s31;
	s11 =	sadd.s32 $0x105800, s12  }
0xf: {  	s12 =	smax.u32 s13, $0x1;
	s13 =	sshrl.u32 s14, $0x3;
	s14 =	simm.s32 $0x2  }
.LBB2_1:
0x10: {  	[spmem:s13], [sflag:s9] =	dma.local [hbm:s8], $0x2000  }
0x11: {  	_ =	swait.ge [sflag:s14], $0x2000  }
0x12: {  	[sflag:s14] =	ssyncset.done $0x0  }
0x13: {  	[sflag:s14] =	ssyncadd.s32 $0xFFFFE000  }
0x14: {  	s20 =	simm.s32 $0x0;
	[bflag:$0x0] =	sbarrier.arrive $0xFFFF  }
.LBB2_2:
0x15: {  	s21 =	sshll.u32 s20, $0xA  }
0x16: {  	s21 =	sadd.s32 s10, s21  }
0x17: {  	s22 =	sshrl.u32 s21, $0x3  }
0x18: {  	s21 =	simm.s32 $0x0;
	s23 =	sadd.s32 s6, s22  }
0x19: {  	[tilespmem:s21], [sflag:$0x2] =	stream.linear.gather [hbm4b:s23+s21], $0x400, $0x38;
	[tilespmem:$0x14C00] =	vst v63  }
0x1a: {  	_ =	swait.ge [sflag:s14], $0x400  }
0x1b: {  	[sflag:s14] =	ssyncset.done $0x0  }
0x1c: {  	s30 =	sadd.s32 s7, s22;
	[sflag:s14] =	ssyncadd.s32 $0xFFFFFC00  }
0x1d: {  	[tilespmem:s15], [sflag:$0x2] =	stream.linear.gather [hbm4b:s30+s21], $0x400, $0x38;
	[tilespmem:$0x14C00] =	vst v63  }
0x1e: {  	_ =	swait.ge [sflag:s14], $0x400  }
0x1f: {  	[sflag:s14] =	ssyncset.done $0x0  }
0x20: {  	s31 =	sadd.s32 s2, s22;
	s22 =	simm.s32 $0x800;
	[sflag:s14] =	ssyncadd.s32 $0xFFFFFC00  }
0x21: {  	[tilespmem:s22], [sflag:$0x2] =	stream.linear.gather [hbm4b:s31+s21], $0x400, $0x38;
	[tilespmem:$0x14C00] =	vst v63  }
0x22: {  	_ =	swait.ge [sflag:s14], $0x400  }
0x23: {  	[sflag:s14] =	ssyncset.done $0x0  }
0x24: {  	[sflag:s14] =	ssyncadd.s32 $0xFFFFFC00  }
.LBB2_3:
0x25: {  	s23 =	sshll.u32 s21, $0x7  }
0x26: {  	[tilespmem:s17], [sflag:$0x1] =	stream.indirect.gather [hbm4b:s1+s16], $0x40, s23, s16, $0xb8;
	[tilespmem:$0x14C00] =	vst v63  }
0x27: {  	_ =	swait.ge [sflag:s18], $0x2000  }
0x28: {  	[sflag:s18] =	ssyncset.done $0x0  }
0x29: {  	s24 =	simm.s32 $0x0;
	[sflag:s18] =	ssyncadd.s32 $0xFFFFE000  }
0x2a: {  	v24 =	vld [tilespmem:s24+$0xC00]  }
0x2b: {  	v25 =	vld [tilespmem:s24+$0xC10]  }
0x2c: {  	v23 =	vld [tilespmem:s24+$0xC20]  }
0x2d: {  	v22 =	vld [tilespmem:s24+$0xC30]  }
0x2e: {  	v20 =	vld [tilespmem:s24+$0xC40]  }
0x2f: {  	v21 =	vld [tilespmem:s24+$0xC50]  }
0x30: {  	v19 =	vld [tilespmem:s24+$0xC60]  }
0x31: {  	v18 =	vld [tilespmem:s24+$0xC70]  }
0x32: {  	v16 =	vld [tilespmem:s24+$0xC80]  }
0x33: {  	v17 =	vld [tilespmem:s24+$0xC90]  }
0x34: {  	v15 =	vld [tilespmem:s24+$0xCA0]  }
0x35: {  	v14 =	vld [tilespmem:s24+$0xCB0]  }
0x36: {  	v12 =	vld [tilespmem:s24+$0xCC0]  }
0x37: {  	v13 =	vld [tilespmem:s24+$0xCD0]  }
0x38: {  	v10 =	vld [tilespmem:s24+$0xCE0]  }
0x39: {  	v11 =	vld [tilespmem:s24+$0xCF0]  }
0x3a: {  	v8 =	vld [tilespmem:s24+$0xD00]  }
0x3b: {  	v9 =	vld [tilespmem:s24+$0xD10]  }
0x3c: {  	v7 =	vld [tilespmem:s24+$0xD20]  }
0x3d: {  	v6 =	vld [tilespmem:s24+$0xD30]  }
0x3e: {  	v4 =	vld [tilespmem:s24+$0xD40]  }
0x3f: {  	v5 =	vld [tilespmem:s24+$0xD50]  }
0x40: {  	v3 =	vld [tilespmem:s24+$0xD60]  }
0x41: {  	v2 =	vld [tilespmem:s24+$0xD70]  }
0x42: {  	v1 =	vld [tilespmem:s24+$0xD80]  }
0x43: {  	s25 =	simm.s32 $0x1000;
	s26 =	smov.u32 s22;
	v0 =	vld [tilespmem:s22+$0x0]  }
.LBB2_4:
0x44: {  	p0 =	sne.s32 s25, $0x7000;
	v26 =	vld [tilespmem:s24+$0xD90]  }
0x45: {  	v27 =	vld [tilespmem:s24+$0xDA0]  }
0x46: {  	v28 =	vld [tilespmem:s24+$0xDB0]  }
0x47: {  	v29 =	vld [tilespmem:s24+$0xDC0]  }
0x48: {  	v30 =	vbroadcast v0, $0x0;
	v31 =	vbroadcast v0, $0x1;
	v32 =	vld [tilespmem:s24+$0xDD0]  }
0x49: {  	v33 =	vbroadcast v0, $0x2;
	v34 =	vbroadcast v0, $0x3;
	v35 =	vld [tilespmem:s24+$0xDE0]  }
0x4a: {  	v24 =	vmul.f32 v30, v24;
	v25 =	vmul.f32 v25, v30;
	v36 =	vld [tilespmem:s24+$0xDF0]  }
0x4b: {  	v23 =	vmul.f32 v23, v30;
	v22 =	vmul.f32 v22, v30;
	v30 =	vld [tilespmem:s24+$0xE00]  }
0x4c: {  	v20 =	vmul.f32 v20, v31;
	v21 =	vmul.f32 v21, v31;
	[tilespmem:s24+$0x2C00] =	vst v24;
	v24 =	vld [tilespmem:s24+$0xE10]  }
0x4d: {  	v19 =	vmul.f32 v19, v31;
	v18 =	vmul.f32 v18, v31;
	[tilespmem:s24+$0x2C10] =	vst v25;
	v25 =	vld [tilespmem:s24+$0xE20]  }
0x4e: {  	v16 =	vmul.f32 v16, v33;
	v17 =	vmul.f32 v17, v33;
	[tilespmem:s24+$0x2C20] =	vst v23;
	v23 =	vld [tilespmem:s24+$0xE30]  }
0x4f: {  	v15 =	vmul.f32 v15, v33;
	v14 =	vmul.f32 v14, v33;
	[tilespmem:s24+$0x2C30] =	vst v22;
	v22 =	vld [tilespmem:s24+$0xE40]  }
0x50: {  	v12 =	vmul.f32 v12, v34;
	v13 =	vmul.f32 v13, v34;
	[tilespmem:s24+$0x2C40] =	vst v20;
	v20 =	vld [tilespmem:s24+$0xE50]  }
0x51: {  	v10 =	vmul.f32 v10, v34;
	v11 =	vmul.f32 v11, v34;
	[tilespmem:s24+$0x2C50] =	vst v21;
	v21 =	vld [tilespmem:s24+$0xE60]  }
0x52: {  	v31 =	vbroadcast v0, $0x5;
	[tilespmem:s24+$0x2C60] =	vst v19;
	v19 =	vbroadcast v0, $0x4;
	v33 =	vld [tilespmem:s24+$0xE70]  }
0x53: {  	v34 =	vbroadcast v0, $0x7;
	[tilespmem:s24+$0x2C70] =	vst v18;
	v18 =	vbroadcast v0, $0x6;
	v37 =	vld [tilespmem:s24+$0xE80]  }
0x54: {  	[tilespmem:s24+$0x2C80] =	vst v16;
	v8 =	vmul.f32 v8, v19;
	v9 =	vmul.f32 v9, v19;
	v16 =	vld [tilespmem:s24+$0xE90]  }
0x55: {  	v7 =	vmul.f32 v7, v19;
	v6 =	vmul.f32 v6, v19;
	[tilespmem:s24+$0x2C90] =	vst v17;
	v17 =	vld [tilespmem:s24+$0xEA0]  }
0x56: {  	v4 =	vmul.f32 v4, v31;
	v5 =	vmul.f32 v5, v31;
	[tilespmem:s24+$0x2CA0] =	vst v15;
	v15 =	vld [tilespmem:s24+$0xEB0]  }
0x57: {  	v3 =	vmul.f32 v3, v31;
	v2 =	vmul.f32 v2, v31;
	[tilespmem:s24+$0x2CB0] =	vst v14;
	v14 =	vld [tilespmem:s24+$0xEC0]  }
0x58: {  	v1 =	vmul.f32 v1, v18;
	[tilespmem:s24+$0x2CC0] =	vst v12;
	v12 =	vmul.f32 v26, v18;
	v19 =	vld [tilespmem:s24+$0xED0]  }
0x59: {  	[tilespmem:s24+$0x2CD0] =	vst v13;
	v13 =	vmul.f32 v27, v18;
	v18 =	vmul.f32 v28, v18;
	v26 =	vld [tilespmem:s24+$0xEE0]  }
0x5a: {  	v27 =	vmul.f32 v32, v34;
	[tilespmem:s24+$0x2CE0] =	vst v10;
	v10 =	vmul.f32 v29, v34;
	v28 =	vld [tilespmem:s24+$0xEF0]  }
0x5b: {  	v29 =	vmul.f32 v36, v34;
	[tilespmem:s24+$0x2CF0] =	vst v11;
	v11 =	vmul.f32 v35, v34;
	v31 =	vld [tilespmem:s24+$0xF00]  }
0x5c: {  	v32 =	vbroadcast v0, $0x9;
	[tilespmem:s24+$0x2D00] =	vst v8;
	v8 =	vbroadcast v0, $0x8;
	v34 =	vld [tilespmem:s24+$0xF10]  }
0x5d: {  	v35 =	vbroadcast v0, $0xB;
	[tilespmem:s24+$0x2D10] =	vst v9;
	v9 =	vbroadcast v0, $0xA;
	v36 =	vld [tilespmem:s24+$0xF20]  }
0x5e: {  	[tilespmem:s24+$0x2D20] =	vst v7;
	v7 =	vmul.f32 v30, v8;
	v24 =	vmul.f32 v24, v8;
	v30 =	vld [tilespmem:s24+$0xF30]  }
0x5f: {  	[tilespmem:s24+$0x2D30] =	vst v6;
	v6 =	vmul.f32 v25, v8;
	v8 =	vmul.f32 v23, v8;
	v23 =	vld [tilespmem:s24+$0xF40]  }
0x60: {  	v20 =	vmul.f32 v20, v32;
	[tilespmem:s24+$0x2D40] =	vst v4;
	v4 =	vmul.f32 v22, v32;
	v22 =	vld [tilespmem:s24+$0xF50]  }
0x61: {  	[tilespmem:s24+$0x2D50] =	vst v5;
	v5 =	vmul.f32 v21, v32;
	v21 =	vmul.f32 v33, v32;
	v25 =	vld [tilespmem:s24+$0xF60]  }
0x62: {  	v16 =	vmul.f32 v16, v9;
	[tilespmem:s24+$0x2D60] =	vst v3;
	v3 =	vmul.f32 v37, v9;
	v32 =	vld [tilespmem:s24+$0xF70]  }
0x63: {  	[tilespmem:s24+$0x2D70] =	vst v2;
	v2 =	vmul.f32 v17, v9;
	v9 =	vmul.f32 v15, v9;
	v15 =	vld [tilespmem:s24+$0xF80]  }
0x64: {  	[tilespmem:s24+$0x2D80] =	vst v1;
	v1 =	vmul.f32 v14, v35;
	v14 =	vmul.f32 v19, v35;
	v17 =	vld [tilespmem:s24+$0xF90]  }
0x65: {  	[tilespmem:s24+$0x2D90] =	vst v12;
	v12 =	vmul.f32 v26, v35;
	v26 =	vmul.f32 v28, v35;
	v19 =	vld [tilespmem:s24+$0xFA0]  }
0x66: {  	v28 =	vbroadcast v0, $0xD;
	[tilespmem:s24+$0x2DA0] =	vst v13;
	v13 =	vbroadcast v0, $0xC;
	v33 =	vld [tilespmem:s24+$0xFB0]  }
0x67: {  	[tilespmem:s24+$0x2DB0] =	vst v18;
	v18 =	vbroadcast v0, $0xE;
	v35 =	vld [tilespmem:s24+$0xFC0];
	v0 =	vbroadcast v0, $0xF  }
0x68: {  	[tilespmem:s24+$0x2DC0] =	vst v10;
	v10 =	vmul.f32 v31, v13;
	v31 =	vmul.f32 v34, v13;
	v34 =	vld [tilespmem:s24+$0xFD0]  }
0x69: {  	[tilespmem:s24+$0x2DD0] =	vst v27;
	v27 =	vmul.f32 v36, v13;
	v13 =	vmul.f32 v30, v13;
	v30 =	vld [tilespmem:s24+$0xFE0]  }
0x6a: {  	v36 =	vmul.f32 v22, v28;
	[tilespmem:s24+$0x2DE0] =	vst v11;
	v11 =	vmul.f32 v23, v28;
	v22 =	vld [tilespmem:s24+$0xFF0]  }
0x6b: {  	[tilespmem:s24+$0x2DF0] =	vst v29;
	v29 =	vmul.f32 v25, v28;
	v28 =	vmul.f32 v32, v28  }
0x6c: {  	v32 =	vmul.f32 v17, v18;
	[tilespmem:s24+$0x2E00] =	vst v7;
	v7 =	vmul.f32 v15, v18  }
0x6d: {  	v37 =	vmul.f32 v19, v18;
	v33 =	vmul.f32 v33, v18;
	[tilespmem:s24+$0x2E10] =	vst v24  }
0x6e: {  	v35 =	vmul.f32 v35, v0;
	v34 =	vmul.f32 v34, v0;
	[tilespmem:s24+$0x2E20] =	vst v6  }
0x6f: {  	v30 =	vmul.f32 v30, v0;
	[tilespmem:s24+$0x2E30] =	vst v8;
	v0 =	vmul.f32 v22, v0  }
0x70: {  	[tilespmem:s24+$0x2E40] =	vst v4  }
0x71: {  	[tilespmem:s24+$0x2E50] =	vst v20  }
0x72: {  	s28 =	sshra.s32 s25, $0x2;
	[tilespmem:s24+$0x2E60] =	vst v5  }
0x73: {  	v24 =	vld [tilespmem:s28+$0xC00];
	[tilespmem:s24+$0x2E70] =	vst v21  }
0x74: {  	v25 =	vld [tilespmem:s28+$0xC10];
	[tilespmem:s24+$0x2E80] =	vst v3  }
0x75: {  	v23 =	vld [tilespmem:s28+$0xC20];
	[tilespmem:s24+$0x2E90] =	vst v16  }
0x76: {  	v22 =	vld [tilespmem:s28+$0xC30];
	[tilespmem:s24+$0x2EA0] =	vst v2  }
0x77: {  	v20 =	vld [tilespmem:s28+$0xC40];
	[tilespmem:s24+$0x2EB0] =	vst v9  }
0x78: {  	v21 =	vld [tilespmem:s28+$0xC50];
	[tilespmem:s24+$0x2EC0] =	vst v1  }
0x79: {  	v19 =	vld [tilespmem:s28+$0xC60];
	[tilespmem:s24+$0x2ED0] =	vst v14  }
0x7a: {  	v18 =	vld [tilespmem:s28+$0xC70];
	[tilespmem:s24+$0x2EE0] =	vst v12  }
0x7b: {  	v16 =	vld [tilespmem:s28+$0xC80];
	[tilespmem:s24+$0x2EF0] =	vst v26  }
0x7c: {  	v17 =	vld [tilespmem:s28+$0xC90];
	[tilespmem:s24+$0x2F00] =	vst v10  }
0x7d: {  	v15 =	vld [tilespmem:s28+$0xCA0];
	[tilespmem:s24+$0x2F10] =	vst v31  }
0x7e: {  	v14 =	vld [tilespmem:s28+$0xCB0];
	[tilespmem:s24+$0x2F20] =	vst v27  }
0x7f: {  	v12 =	vld [tilespmem:s28+$0xCC0];
	[tilespmem:s24+$0x2F30] =	vst v13  }
0x80: {  	v13 =	vld [tilespmem:s28+$0xCD0];
	[tilespmem:s24+$0x2F40] =	vst v11  }
0x81: {  	v10 =	vld [tilespmem:s28+$0xCE0];
	[tilespmem:s24+$0x2F50] =	vst v36  }
0x82: {  	v11 =	vld [tilespmem:s28+$0xCF0];
	[tilespmem:s24+$0x2F60] =	vst v29  }
0x83: {  	v8 =	vld [tilespmem:s28+$0xD00];
	[tilespmem:s24+$0x2F70] =	vst v28  }
0x84: {  	v9 =	vld [tilespmem:s28+$0xD10];
	[tilespmem:s24+$0x2F80] =	vst v7  }
0x85: {  	v7 =	vld [tilespmem:s28+$0xD20];
	[tilespmem:s24+$0x2F90] =	vst v32  }
0x86: {  	v6 =	vld [tilespmem:s28+$0xD30];
	[tilespmem:s24+$0x2FA0] =	vst v37  }
0x87: {  	v4 =	vld [tilespmem:s28+$0xD40];
	[tilespmem:s24+$0x2FB0] =	vst v33  }
.Ltmp0:
0x88: {  	v5 =	vld [tilespmem:s28+$0xD50];
	[tilespmem:s24+$0x2FC0] =	vst v35;
	(pc) =	sbr.rel @p0 .LBB2_4-.Ltmp0, $4  }
0x89: {  	v3 =	vld [tilespmem:s28+$0xD60];
	[tilespmem:s24+$0x2FD0] =	vst v34  }
0x8a: {  	v2 =	vld [tilespmem:s28+$0xD70];
	[tilespmem:s24+$0x2FE0] =	vst v30  }
0x8b: {  	s26 =	sadd.s32 $0x10, s26;
	v1 =	vld [tilespmem:s28+$0xD80];
	[tilespmem:s24+$0x2FF0] =	vst v0;
	s24 =	smov.u32 s28  }
0x8c: {  	s25 =	sadd.s32 $0x1000, s25;
	v0 =	vld [tilespmem:s26+$0x0]  }
0x8d: {  	_ =	sdelay $0x3  }
0x8e: {  	v30 =	vbroadcast v0, $0x0;
	_ =	sdelay $0x1  }
0x8f: {  	v24 =	vmul.f32 v30, v24  }
0x90: {  	v25 =	vmul.f32 v25, v30  }
0x91: {  	v35 =	vbroadcast v0, $0x1;
	v23 =	vmul.f32 v23, v30;
	[tilespmem:s24+$0x2C00] =	vst v24  }
0x92: {  	v22 =	vmul.f32 v22, v30;
	[tilespmem:s24+$0x2C10] =	vst v25  }
0x93: {  	v20 =	vmul.f32 v20, v35;
	[tilespmem:s24+$0x2C20] =	vst v23  }
0x94: {  	v21 =	vmul.f32 v21, v35;
	[tilespmem:s24+$0x2C30] =	vst v22  }
0x95: {  	v53 =	vbroadcast v0, $0x2;
	v19 =	vmul.f32 v19, v35;
	[tilespmem:s24+$0x2C40] =	vst v20  }
0x96: {  	v18 =	vmul.f32 v18, v35;
	[tilespmem:s24+$0x2C50] =	vst v21  }
0x97: {  	v16 =	vmul.f32 v16, v53;
	[tilespmem:s24+$0x2C60] =	vst v19  }
0x98: {  	v17 =	vmul.f32 v17, v53;
	[tilespmem:s24+$0x2C70] =	vst v18  }
0x99: {  	v54 =	vbroadcast v0, $0x3;
	v15 =	vmul.f32 v15, v53;
	[tilespmem:s24+$0x2C80] =	vst v16  }
0x9a: {  	v14 =	vmul.f32 v14, v53;
	[tilespmem:s24+$0x2C90] =	vst v17  }
0x9b: {  	v12 =	vmul.f32 v12, v54;
	[tilespmem:s24+$0x2CA0] =	vst v15  }
0x9c: {  	v13 =	vmul.f32 v13, v54;
	[tilespmem:s24+$0x2CB0] =	vst v14  }
0x9d: {  	v55 =	vbroadcast v0, $0x4;
	v10 =	vmul.f32 v10, v54;
	[tilespmem:s24+$0x2CC0] =	vst v12  }
0x9e: {  	v11 =	vmul.f32 v11, v54;
	[tilespmem:s24+$0x2CD0] =	vst v13  }
0x9f: {  	v8 =	vmul.f32 v8, v55;
	[tilespmem:s24+$0x2CE0] =	vst v10  }
0xa0: {  	v9 =	vmul.f32 v9, v55;
	[tilespmem:s24+$0x2CF0] =	vst v11  }
0xa1: {  	v60 =	vbroadcast v0, $0x5;
	v7 =	vmul.f32 v7, v55;
	[tilespmem:s24+$0x2D00] =	vst v8  }
0xa2: {  	v6 =	vmul.f32 v6, v55;
	[tilespmem:s24+$0x2D10] =	vst v9  }
0xa3: {  	v26 =	vld [tilespmem:s24+$0xD90];
	v4 =	vmul.f32 v4, v60;
	[tilespmem:s24+$0x2D20] =	vst v7  }
0xa4: {  	v27 =	vld [tilespmem:s24+$0xDA0];
	v5 =	vmul.f32 v5, v60;
	[tilespmem:s24+$0x2D30] =	vst v6  }
0xa5: {  	v28 =	vld [tilespmem:s24+$0xDB0];
	v37 =	vbroadcast v0, $0x6;
	v3 =	vmul.f32 v3, v60;
	[tilespmem:s24+$0x2D40] =	vst v4  }
0xa6: {  	v29 =	vld [tilespmem:s24+$0xDC0];
	v2 =	vmul.f32 v2, v60;
	[tilespmem:s24+$0x2D50] =	vst v5  }
0xa7: {  	v31 =	vld [tilespmem:s24+$0xDD0];
	v1 =	vmul.f32 v1, v37;
	[tilespmem:s24+$0x2D60] =	vst v3  }
0xa8: {  	v32 =	vld [tilespmem:s24+$0xDE0];
	v26 =	vmul.f32 v26, v37;
	[tilespmem:s24+$0x2D70] =	vst v2  }
0xa9: {  	v33 =	vld [tilespmem:s24+$0xDF0];
	v42 =	vbroadcast v0, $0x7;
	v27 =	vmul.f32 v27, v37;
	[tilespmem:s24+$0x2D80] =	vst v1  }
0xaa: {  	v34 =	vld [tilespmem:s24+$0xE00];
	v28 =	vmul.f32 v28, v37;
	[tilespmem:s24+$0x2D90] =	vst v26  }
0xab: {  	v52 =	vld [tilespmem:s24+$0xE10];
	v29 =	vmul.f32 v29, v42;
	[tilespmem:s24+$0x2DA0] =	vst v27  }
0xac: {  	v56 =	vld [tilespmem:s24+$0xEF0];
	v45 =	vmul.f32 v31, v42;
	[tilespmem:s24+$0x2DB0] =	vst v28  }
0xad: {  	v57 =	vld [tilespmem:s24+$0xF00];
	v48 =	vbroadcast v0, $0x8;
	v47 =	vmul.f32 v32, v42;
	[tilespmem:s24+$0x2DC0] =	vst v29  }
0xae: {  	v58 =	vld [tilespmem:s24+$0xF10];
	v33 =	vmul.f32 v33, v42;
	[tilespmem:s24+$0x2DD0] =	vst v45  }
0xaf: {  	v59 =	vld [tilespmem:s24+$0xF20];
	v50 =	vmul.f32 v34, v48;
	v54 =	vbroadcast v0, $0xB;
	[tilespmem:s24+$0x2DE0] =	vst v47  }
0xb0: {  	v61 =	vld [tilespmem:s24+$0xF30];
	v55 =	vbroadcast v0, $0xC;
	v24 =	vmul.f32 v52, v48;
	[tilespmem:s24+$0x2DF0] =	vst v33  }
0xb1: {  	v62 =	vld [tilespmem:s24+$0xF40];
	[tilespmem:s24+$0x2E00] =	vst v50;
	v10 =	vmul.f32 v56, v54  }
0xb2: {  	v63 =	vld [tilespmem:s24+$0xF50];
	v11 =	vmul.f32 v57, v55;
	[tilespmem:s24+$0x2E10] =	vst v24  }
0xb3: {  	v36 =	vld [tilespmem:s24+$0xF60];
	v8 =	vmul.f32 v58, v55;
	[tilespmem:s24+$0x2EF0] =	vst v10  }
0xb4: {  	v38 =	vld [tilespmem:s24+$0xF70];
	v56 =	vbroadcast v0, $0xD;
	v9 =	vmul.f32 v59, v55;
	[tilespmem:s24+$0x2F00] =	vst v11  }
0xb5: {  	v39 =	vld [tilespmem:s24+$0xF80];
	v7 =	vmul.f32 v61, v55;
	[tilespmem:s24+$0x2F10] =	vst v8  }
0xb6: {  	v40 =	vld [tilespmem:s24+$0xF90];
	v6 =	vmul.f32 v62, v56;
	[tilespmem:s24+$0x2F20] =	vst v9  }
0xb7: {  	v41 =	vld [tilespmem:s24+$0xFA0];
	v4 =	vmul.f32 v63, v56;
	[tilespmem:s24+$0x2F30] =	vst v7  }
0xb8: {  	v43 =	vld [tilespmem:s24+$0xFB0];
	v57 =	vbroadcast v0, $0xE;
	v5 =	vmul.f32 v36, v56;
	[tilespmem:s24+$0x2F40] =	vst v6  }
0xb9: {  	v44 =	vld [tilespmem:s24+$0xFC0];
	v3 =	vmul.f32 v38, v56;
	[tilespmem:s24+$0x2F50] =	vst v4  }
0xba: {  	v46 =	vld [tilespmem:s24+$0xFD0];
	v2 =	vmul.f32 v39, v57;
	[tilespmem:s24+$0x2F60] =	vst v5  }
0xbb: {  	v49 =	vld [tilespmem:s24+$0xFE0];
	v1 =	vmul.f32 v40, v57;
	[tilespmem:s24+$0x2F70] =	vst v3  }
0xbc: {  	v51 =	vld [tilespmem:s24+$0xFF0];
	v58 =	vbroadcast v0, $0xF;
	v59 =	vmul.f32 v41, v57;
	[tilespmem:s24+$0x2F80] =	vst v2  }
0xbd: {  	v25 =	vld [tilespmem:s24+$0xE20];
	v60 =	vmul.f32 v43, v57;
	[tilespmem:s24+$0x2F90] =	vst v1  }
0xbe: {  	v23 =	vld [tilespmem:s24+$0xE30];
	v61 =	vmul.f32 v44, v58;
	[tilespmem:s24+$0x2FA0] =	vst v59  }
0xbf: {  	v22 =	vld [tilespmem:s24+$0xE40];
	v62 =	vmul.f32 v46, v58;
	[tilespmem:s24+$0x2FB0] =	vst v60  }
0xc0: {  	v53 =	vbroadcast v0, $0xA;
	v20 =	vld [tilespmem:s24+$0xE50];
	v63 =	vmul.f32 v49, v58;
	[tilespmem:s24+$0x2FC0] =	vst v61  }
0xc1: {  	v21 =	vld [tilespmem:s24+$0xE60];
	v52 =	vbroadcast v0, $0x9;
	v0 =	vmul.f32 v51, v58;
	[tilespmem:s24+$0x2FD0] =	vst v62  }
0xc2: {  	v19 =	vld [tilespmem:s24+$0xE70];
	[tilespmem:s24+$0x2FE0] =	vst v63;
	v25 =	vmul.f32 v25, v48  }
0xc3: {  	v18 =	vld [tilespmem:s24+$0xE80];
	[tilespmem:s24+$0x2FF0] =	vst v0;
	v23 =	vmul.f32 v23, v48  }
0xc4: {  	v16 =	vld [tilespmem:s24+$0xE90];
	v22 =	vmul.f32 v22, v52;
	[tilespmem:s24+$0x2E20] =	vst v25  }
0xc5: {  	v17 =	vld [tilespmem:s24+$0xEA0];
	v20 =	vmul.f32 v20, v52;
	[tilespmem:s24+$0x2E30] =	vst v23  }
0xc6: {  	v15 =	vld [tilespmem:s24+$0xEB0];
	v21 =	vmul.f32 v21, v52;
	[tilespmem:s24+$0x2E40] =	vst v22  }
0xc7: {  	v14 =	vld [tilespmem:s24+$0xEC0];
	v19 =	vmul.f32 v19, v52;
	[tilespmem:s24+$0x2E50] =	vst v20  }
0xc8: {  	v12 =	vld [tilespmem:s24+$0xED0];
	v18 =	vmul.f32 v18, v53;
	[tilespmem:s24+$0x2E60] =	vst v21  }
0xc9: {  	v13 =	vld [tilespmem:s24+$0xEE0];
	v16 =	vmul.f32 v16, v53;
	[tilespmem:s24+$0x2E70] =	vst v19  }
0xca: {  	v17 =	vmul.f32 v17, v53;
	[tilespmem:s24+$0x2E80] =	vst v18  }
0xcb: {  	v15 =	vmul.f32 v15, v53;
	[tilespmem:s24+$0x2E90] =	vst v16  }
0xcc: {  	v14 =	vmul.f32 v14, v54;
	[tilespmem:s24+$0x2EA0] =	vst v17  }
0xcd: {  	v12 =	vmul.f32 v12, v54;
	[tilespmem:s24+$0x2EB0] =	vst v15  }
0xce: {  	s21 =	sadd.s32 $0x1, s21;
	v13 =	vmul.f32 v13, v54;
	[tilespmem:s24+$0x2EC0] =	vst v14  }
0xcf: {  	p0 =	sne.s32 s21, $0x8;
	[tilespmem:s24+$0x2ED0] =	vst v12  }
.Ltmp1:
0xd0: {  	s23 =	sadd.s32 $0x400, s23;
	[tilespmem:s24+$0x2EE0] =	vst v13;
	(pc) =	sbr.rel @p0 .LBB2_3-.Ltmp1, $4  }
0xd1: {  	[spmem:s3] =	stream.indirect.scatter.add.f32 [tilespmem:s19], [sflag:$0x2], $0x40, s23, s16, $0xb8;
	[tilespmem:$0x14C00] =	vst v63  }
0xd2: {  	_ =	swait.ge [sflag:s14], $0x2000  }
0xd3: {  	[sflag:s14] =	ssyncset.done $0x0  }
0xd4: {  	s22 =	sadd.s32 $0x80, s22;
	[sflag:s14] =	ssyncadd.s32 $0xFFFFE000  }
0xd5: {  	s20 =	sadd.s32 $0x1, s20  }
0xd6: {  	p0 =	sne.s32 s20, $0x50  }
.Ltmp2:
0xd7: {  	_ = 	snop;
	(pc) =	sbr.rel @p0 .LBB2_2-.Ltmp2, $1  }
0xd8: {  	_ =	sdelay $0x3  }
0xd9: {  	s5 =	sadd.s32 $0x1, s5  }
0xda: {  	p0 =	sne.s32 s5, s12  }
.Ltmp3:
0xdb: {  	[bflag:$0x0] =	sbarrier.arrive $0xFFFF;
	(pc) =	sbr.rel @p0 .LBB2_1-.Ltmp3, $4  }
0xdc: {  	[hbm:s11], [sflag:s9] =	dma.local [spmem:s13], $0x2000  }
0xdd: {  	_ =	swait.ge [sflag:s14], $0x2000  }
0xde: {  	[sflag:s14] =	ssyncset.done $0x0  }
0xdf: {  	[sflag:s14] =	ssyncadd.s32 $0xFFFFE000  }
0xe0: {  	_ =	sfence.sel $0x180000  }
0xe1: {  	[bflag:$0x0] =	sbarrier.arrive $0xFFFF  }
0xe2: {  	p0 =	sne.s32 s4, $0x0;
	_ =	strace $0x9000004A  }
0xe3: {  	s0 =	sadd.s32 @!p0 $0x100000, s0;
	[bflag:$0x2] =	sbarrier.arrive $0xFFFF  }
0xe4: {  	[sflag:s0] =	ssyncadd.tile.s32 @!p0 $0x1;
	_ =	shalt  }
.Lfunc_end2:
_tile_overlayer_lowered:
.L_overlay_start_2:
0xe5: {  	(tag) =	ssettag $0x2  }
0xe6: {  	s0 =	rddreg [dreg:$0x0];
	s2 =	stileid.u32  }
0xe7: {  	s1 =	rddreg [dreg:$0x1];
	p0 =	sne.s32 s2, $0x0  }
0xe8: {  	s3 =	rddreg [dreg:$0x2];
	[bflag:$0x3] =	sbarrier.arrive $0xFFFF;
	s2 =	simm.s32 @!p0 $0x1C02  }
0xe9: {  	[timem:s3], [sflag:s2] =	dma.local @!p0 [hbm:s0], s1  }
0xea: {  	s0 =	simm.s32 @!p0 $0x2  }
0xeb: {  	_ =	swait.ge @!p0 [sflag:s0], s1  }
0xec: {  	s1 =	ssub.s32 @!p0 $0x0, s1;
	[sflag:s0] =	ssyncset.done @!p0 $0x0  }
0xed: {  	[sflag:s0] =	ssyncadd.s32 @!p0 s1  }
0xee: {  	[bflag:$0x3] =	sbarrier.arrive $0xFFFF  }
0xef: {  	_ =	shalt  }

</sc_bundles>
